<compile_context>
chip_gen: v7x
topology: tpu7x:2x2x1
jax: 0.10.2.dev20260603
libtpu: 0.0.44.dev20260713+nightly
codegen_flags: <defaults>
</compile_context>

<pallas_src>
import jax
import jax.numpy as jnp
from jax import lax
from jax.experimental import pallas as pl
from jax.experimental.pallas import tpu as pltpu
from jax.experimental.pallas import tpu_sc as plsc

N_NODES = 10000
N_EDGES = 160000
D_FEAT = 256
D_EMB = 256
D_VG = 128
K = 16
N_TRAIN = 4096
V = 1.0
ALPHA = 0.2

_NPAD = 10240


def _proj_body(x_ref, W_ref, asrc_ref, adst_ref, hh_ref, a2_ref, m2_ref):
    i = pl.program_id(0)
    h = jnp.dot(x_ref[...], W_ref[...], preferred_element_type=jnp.float32)
    hh_ref[0] = h[:, :128]
    hh_ref[1] = h[:, 128:]
    a2 = jnp.concatenate(
        [h @ asrc_ref[...].reshape(D_EMB, 1), h @ adst_ref[...].reshape(D_EMB, 1)],
        axis=1,
    )
    a2_ref[...] = a2
    rows = i * 1024 + lax.broadcasted_iota(jnp.int32, (1024, 2), 0)
    a2m = jnp.where(rows < N_NODES, a2, -1e30)
    bmax = jnp.max(a2m, axis=0, keepdims=True)

    @pl.when(i == 0)
    def _():
        m2_ref[...] = bmax

    @pl.when(i > 0)
    def _():
        m2_ref[...] = jnp.maximum(m2_ref[...], bmax)


def _project(x, W, att_src, att_dst):
    xp = jnp.zeros((_NPAD, D_FEAT), jnp.float32).at[:N_NODES].set(x)
    grid = _NPAD // 1024
    hh, a2, m2 = pl.pallas_call(
        _proj_body,
        grid=(grid,),
        in_specs=[
            pl.BlockSpec((1024, D_FEAT), lambda i: (i, 0)),
            pl.BlockSpec((D_FEAT, D_EMB), lambda i: (0, 0)),
            pl.BlockSpec((D_EMB,), lambda i: (0,)),
            pl.BlockSpec((D_EMB,), lambda i: (0,)),
        ],
        out_specs=[
            pl.BlockSpec((2, 1024, 128), lambda i: (0, i, 0)),
            pl.BlockSpec((1024, 2), lambda i: (i, 0)),
            pl.BlockSpec((1, 2), lambda i: (0, 0)),
        ],
        out_shape=[
            jax.ShapeDtypeStruct((2, _NPAD, 128), jnp.float32),
            jax.ShapeDtypeStruct((_NPAD, 2), jnp.float32),
            jax.ShapeDtypeStruct((1, 2), jnp.float32),
        ],
    )(xp, W, att_src, att_dst)
    return hh, a2[:, 0], a2[:, 1], m2


_NTILES = 32
_EPT = N_EDGES // _NTILES
_EPT_PAD = ((_EPT + 15) // 16) * 16
_FULL_CHUNKS = _EPT // 16
_TAIL = _EPT - _FULL_CHUNKS * 16

_SC_MESH = plsc.VectorSubcoreMesh(core_axis_name="c", subcore_axis_name="s")
_SC_PARAMS = pltpu.CompilerParams(needs_layout_passes=False)


def _edge_logits_body(asrc_hbm, adst_hbm, src_hbm, dst_hbm, m_hbm,
                      ex_hbm, part_hbm,
                      asrc_v, adst_v, srcv, dstv, exv, denv, m_v):
    cid = lax.axis_index("c")
    sid = lax.axis_index("s")
    wid = sid * 2 + cid
    ebase = wid * _EPT

    pltpu.sync_copy(asrc_hbm, asrc_v)
    pltpu.sync_copy(adst_hbm, adst_v)
    pltpu.sync_copy(src_hbm.at[pl.ds(ebase, _EPT)], srcv.at[pl.ds(0, _EPT)])
    pltpu.sync_copy(dst_hbm.at[pl.ds(ebase, _EPT)], dstv.at[pl.ds(0, _EPT)])
    pltpu.sync_copy(m_hbm, m_v)
    m = m_v[...]

    zero16 = jnp.zeros((16,), jnp.float32)

    def _zero_body(i, carry):
        denv[pl.ds(i * 16, 16)] = zero16
        return carry

    lax.fori_loop(0, N_NODES // 16, _zero_body, 0)

    lanes = lax.iota(jnp.int32, 16)

    def _chunk(i, mask):
        off = i * 16
        sv = srcv[pl.ds(off, 16)]
        dv = dstv[pl.ds(off, 16)]
        if mask is not None:
            sv = jnp.where(mask, sv, 0)
            dv = jnp.where(mask, dv, 0)
        sa = plsc.load_gather(asrc_v, [sv])
        da = plsc.load_gather(adst_v, [dv])
        e = sa + da
        e = jnp.where(e >= 0.0, e, ALPHA * e)
        ex = jnp.exp(e - m)
        exv[pl.ds(off, 16)] = ex
        if mask is None:
            plsc.addupdate_scatter(denv, [dv], ex)
        else:
            plsc.addupdate_scatter(denv, [dv], ex, mask=mask)

    def _loop_body(i, carry):
        _chunk(i, None)
        return carry

    lax.fori_loop(0, _FULL_CHUNKS, _loop_body, 0)
    _chunk(_FULL_CHUNKS, lanes < _TAIL)

    pltpu.sync_copy(exv.at[pl.ds(0, _EPT)], ex_hbm.at[pl.ds(ebase, _EPT)])
    pltpu.sync_copy(denv, part_hbm.at[wid])


_edge_logits = pl.kernel(
    _edge_logits_body,
    out_type=[
        jax.ShapeDtypeStruct((N_EDGES,), jnp.float32),
        jax.ShapeDtypeStruct((_NTILES, N_NODES), jnp.float32),
    ],
    mesh=_SC_MESH,
    compiler_params=_SC_PARAMS,
    scratch_types=[
        pltpu.VMEM((N_NODES,), jnp.float32),
        pltpu.VMEM((N_NODES,), jnp.float32),
        pltpu.VMEM((_EPT_PAD,), jnp.int32),
        pltpu.VMEM((_EPT_PAD,), jnp.int32),
        pltpu.VMEM((_EPT_PAD,), jnp.float32),
        pltpu.VMEM((N_NODES,), jnp.float32),
        pltpu.VMEM((16,), jnp.float32),
    ],
)


_G = 80
_EPS = N_EDGES // 16
_NCH = _EPS // _G
_ROWS_T = N_NODES // 16


_STRIPE = 632
_STRIPE_L = N_NODES - 15 * _STRIPE


def _agg_body(me_hbm, dst2_hbm, rden_hbm, hh_hbm,
              out_hbm,
              rden_v, dst2_v, mbA, attn_v, gb0, acc_sh, gsem0):
    cid = lax.axis_index("c")
    sid = lax.axis_index("s")

    pltpu.sync_copy(rden_hbm, rden_v)
    pltpu.sync_copy(dst2_hbm.at[sid], dst2_v)

    zero16 = jnp.zeros((16,), jnp.float32)

    def _zrow(i, carry):
        for r in range(8):
            gb0[i, pl.ds(r * 16, 16)] = zero16
        return carry

    lax.fori_loop(0, _G, _zrow, 0)
    base = sid * _STRIPE

    @pl.when(sid < 15)
    def _():
        for k in range(7):
            pltpu.sync_copy(gb0, acc_sh.at[pl.ds(base + k * _G, _G)])
        pltpu.sync_copy(gb0.at[pl.ds(0, _STRIPE - 7 * _G)],
                        acc_sh.at[pl.ds(base + 7 * _G, _STRIPE - 7 * _G)])

    @pl.when(sid == 15)
    def _():
        for k in range(6):
            pltpu.sync_copy(gb0, acc_sh.at[pl.ds(base + k * _G, _G)])
        pltpu.sync_copy(gb0.at[pl.ds(0, _STRIPE_L - 6 * _G)],
                        acc_sh.at[pl.ds(base + 6 * _G, _STRIPE_L - 6 * _G)])

    plsc.subcore_barrier()

    def _chunk(ci, carry):
        pltpu.sync_copy(me_hbm.at[sid, ci], mbA)
        pltpu.async_copy(hh_hbm.at[cid].at[mbA.at[0]], gb0, gsem0).wait()
        for g in range(_G // 16):
            dv = dst2_v[ci, pl.ds(g * 16, 16)]
            rv = plsc.load_gather(rden_v, [dv])
            exv = plsc.bitcast(mbA[1, pl.ds(g * 16, 16)], jnp.float32)
            attn_v[pl.ds(g * 16, 16)] = exv * rv

        def _egroup(g, c2):
            avec = attn_v[pl.ds(g * 16, 16)]
            e0 = g * 16
            for j in range(16):
                av = jnp.broadcast_to(avec[j], (16,))
                for r in range(8):
                    gb0[e0 + j, pl.ds(r * 16, 16)] = (
                        gb0[e0 + j, pl.ds(r * 16, 16)] * av)
            return c2

        lax.fori_loop(0, _G // 16, _egroup, 0)
        pltpu.sync_copy(gb0, acc_sh.at[dst2_v.at[ci]], add=True)
        return carry

    lax.fori_loop(0, _NCH, _chunk, 0)
    plsc.subcore_barrier()

    @pl.when(sid < 15)
    def _():
        pltpu.sync_copy(acc_sh.at[pl.ds(base, _STRIPE)],
                        out_hbm.at[cid, pl.ds(base, _STRIPE)])

    @pl.when(sid == 15)
    def _():
        pltpu.sync_copy(acc_sh.at[pl.ds(base, _STRIPE_L)],
                        out_hbm.at[cid, pl.ds(base, _STRIPE_L)])


_aggregate = pl.kernel(
    _agg_body,
    out_type=[
        jax.ShapeDtypeStruct((2, N_NODES, 128), jnp.float32),
    ],
    mesh=_SC_MESH,
    compiler_params=_SC_PARAMS,
    scratch_types=[
        pltpu.VMEM((N_NODES,), jnp.float32),
        pltpu.VMEM((_NCH, _G), jnp.int32),
        pltpu.VMEM((2, _G), jnp.int32),
        pltpu.VMEM((_G,), jnp.float32),
        pltpu.VMEM((_G, 128), jnp.float32),
        pltpu.VMEM_SHARED((N_NODES, 128), jnp.float32),
        pltpu.SemaphoreType.DMA,
    ],
)


def _rden_body(part_ref, out_ref):
    s = jnp.sum(part_ref[...], axis=0, keepdims=True)
    out_ref[...] = 1.0 / (s + 1e-16)


_PPT = N_TRAIN // _NTILES


def _pair_gather_body(wc_hbm, emb_hbm, ew_hbm, ewec_hbm,
                      wc_v, ew_v, ec_v, sem):
    cid = lax.axis_index("c")
    sid = lax.axis_index("s")
    wid = sid * 2 + cid
    base = wid * _PPT

    pltpu.sync_copy(wc_hbm.at[wid], wc_v)
    pltpu.async_copy(emb_hbm.at[wc_v.at[0]], ew_v, sem).wait()
    pltpu.async_copy(emb_hbm.at[wc_v.at[1]], ec_v, sem).wait()

    def _mul(i, carry):
        for r in range(8):
            ec_v[i, pl.ds(r * 16, 16)] = (
                ec_v[i, pl.ds(r * 16, 16)] * ew_v[i, pl.ds(r * 16, 16)])
        return carry

    lax.fori_loop(0, _PPT, _mul, 0)
    pltpu.sync_copy(ew_v, ew_hbm.at[pl.ds(base, _PPT)])
    pltpu.sync_copy(ec_v, ewec_hbm.at[pl.ds(base, _PPT)])


_pair_gather = pl.kernel(
    _pair_gather_body,
    out_type=[
        jax.ShapeDtypeStruct((N_TRAIN, D_VG), jnp.float32),
        jax.ShapeDtypeStruct((N_TRAIN, D_VG), jnp.float32),
    ],
    mesh=_SC_MESH,
    compiler_params=_SC_PARAMS,
    scratch_types=[
        pltpu.VMEM((2, _PPT), jnp.int32),
        pltpu.VMEM((_PPT, D_VG), jnp.float32),
        pltpu.VMEM((_PPT, D_VG), jnp.float32),
        pltpu.SemaphoreType.DMA,
    ],
)


_RPT = N_TRAIN // 16


def _res_body(wc_hbm, qv_hbm, res_hbm,
              wc_v, qv_v, zbuf, acc_sh):
    cid = lax.axis_index("c")
    sid = lax.axis_index("s")

    pltpu.sync_copy(wc_hbm.at[sid], wc_v)

    zero16 = jnp.zeros((16,), jnp.float32)

    def _z(i, carry):
        for r in range(8):
            zbuf[i, pl.ds(r * 16, 16)] = zero16
        return carry

    lax.fori_loop(0, 104, _z, 0)
    base = sid * _STRIPE

    @pl.when(sid < 15)
    def _():
        for k in range(6):
            pltpu.sync_copy(zbuf, acc_sh.at[pl.ds(base + k * 104, 104)])
        pltpu.sync_copy(zbuf.at[pl.ds(0, 8)],
                        acc_sh.at[pl.ds(base + 624, 8)])

    @pl.when(sid == 15)
    def _():
        for k in range(5):
            pltpu.sync_copy(zbuf, acc_sh.at[pl.ds(base + k * 104, 104)])

    plsc.subcore_barrier()
    for k in range(_RPT // 128):
        pltpu.sync_copy(qv_hbm.at[sid, pl.ds(k * 128, 128)], qv_v)
        pltpu.sync_copy(qv_v,
                        acc_sh.at[wc_v.at[cid * (_RPT // 128) + k]],
                        add=True)
    plsc.subcore_barrier()

    @pl.when(sid < 15)
    def _():
        pltpu.sync_copy(acc_sh.at[pl.ds(base, _STRIPE)],
                        res_hbm.at[cid, pl.ds(base, _STRIPE)])

    @pl.when(sid == 15)
    def _():
        pltpu.sync_copy(acc_sh.at[pl.ds(base, _STRIPE_L)],
                        res_hbm.at[cid, pl.ds(base, _STRIPE_L)])


_res_scatter = pl.kernel(
    _res_body,
    out_type=[jax.ShapeDtypeStruct((2, N_NODES, 128), jnp.float32)],
    mesh=_SC_MESH,
    compiler_params=_SC_PARAMS,
    scratch_types=[
        pltpu.VMEM((4, 128), jnp.int32),
        pltpu.VMEM((128, 128), jnp.float32),
        pltpu.VMEM((104, 128), jnp.float32),
        pltpu.VMEM_SHARED((N_NODES, 128), jnp.float32),
    ],
)


def _vg_dense_body(ew_ref, ewec_ref, cw_ref, gum_ref, tmp_ref,
                   prior_ref, qvg_ref, nz_ref):
    cw = cw_ref[...]
    dn = (((1,), (1,)), ((), ()))
    pl_ = jax.lax.dot_general(ew_ref[...], cw, dn,
                              preferred_element_type=jnp.float32)
    ql = jax.lax.dot_general(ewec_ref[...], cw, dn,
                             preferred_element_type=jnp.float32)

    def _softmax(x):
        mx = jnp.max(x, axis=1, keepdims=True)
        e = jnp.exp(x - mx)
        return e / jnp.sum(e, axis=1, keepdims=True)

    prior_ref[...] = _softmax(pl_)
    qvg_ref[...] = _softmax(ql)
    zg = _softmax((ql + gum_ref[...]) / tmp_ref[0, 0])
    nz_ref[...] = jnp.dot(zg, cw, preferred_element_type=jnp.float32)


def _vg_dense(ew, ewec, comm_w, gumbel, temp):
    return pl.pallas_call(
        _vg_dense_body,
        grid=(4,),
        in_specs=[
            pl.BlockSpec((1024, D_VG), lambda i: (i, 0)),
            pl.BlockSpec((1024, D_VG), lambda i: (i, 0)),
            pl.BlockSpec((K, D_VG), lambda i: (0, 0)),
            pl.BlockSpec((1024, K), lambda i: (i, 0)),
            pl.BlockSpec((1, 1), lambda i: (0, 0)),
        ],
        out_specs=[
            pl.BlockSpec((1024, K), lambda i: (i, 0)),
            pl.BlockSpec((1024, K), lambda i: (i, 0)),
            pl.BlockSpec((1024, D_VG), lambda i: (i, 0)),
        ],
        out_shape=[
            jax.ShapeDtypeStruct((N_TRAIN, K), jnp.float32),
            jax.ShapeDtypeStruct((N_TRAIN, K), jnp.float32),
            jax.ShapeDtypeStruct((N_TRAIN, D_VG), jnp.float32),
        ],
    )(ew, ewec, comm_w, gumbel, temp.reshape(1, 1))


def _recon_body(nz_ref, ctx_ref, out_ref):
    out_ref[...] = jax.lax.dot_general(
        nz_ref[...], ctx_ref[...], (((1,), (1,)), ((), ())),
        preferred_element_type=jnp.float32)


def _recon(new_z, ctx_emb):
    return pl.pallas_call(
        _recon_body,
        grid=(4, 8),
        in_specs=[
            pl.BlockSpec((1024, D_VG), lambda i, j: (i, 0)),
            pl.BlockSpec((1280, D_VG), lambda i, j: (j, 0)),
        ],
        out_specs=pl.BlockSpec((1024, 1280), lambda i, j: (i, j)),
        out_shape=jax.ShapeDtypeStruct((N_TRAIN, N_NODES), jnp.float32),
    )(new_z, ctx_emb)


def _zq_body(out2_ref, cl_ref, res2_ref, z_ref, q_ref, qto_ref):
    o = jnp.concatenate([out2_ref[0], out2_ref[1]], axis=1)
    z = jnp.where(o > 0.0, o, jnp.exp(jnp.minimum(o, 0.0)) - 1.0)
    z_ref[...] = z
    cl = cl_ref[...]
    zc = jax.lax.dot_general(z, cl, (((1,), (1,)), ((), ())),
                             preferred_element_type=jnp.float32)
    z2 = jnp.sum(z * z, axis=1, keepdims=True)
    c2 = jnp.sum(cl * cl, axis=1)[None, :]
    d2 = z2 - 2.0 * zc + c2
    q = 1.0 / (1.0 + d2 / V)
    q = q / jnp.sum(q, axis=1, keepdims=True)
    q_ref[...] = q
    qto = q + 0.5 * (res2_ref[0, :, :K] + res2_ref[1, :, :K])
    qto_ref[...] = qto / jnp.sum(jnp.abs(qto), axis=1, keepdims=True)


def _zq(out2, cluster_layer, res2):
    return pl.pallas_call(
        _zq_body,
        grid=(10,),
        in_specs=[
            pl.BlockSpec((2, 1000, 128), lambda i: (0, i, 0)),
            pl.BlockSpec((K, D_EMB), lambda i: (0, 0)),
            pl.BlockSpec((2, 1000, 128), lambda i: (0, i, 0)),
        ],
        out_specs=[
            pl.BlockSpec((1000, D_EMB), lambda i: (i, 0)),
            pl.BlockSpec((1000, K), lambda i: (i, 0)),
            pl.BlockSpec((1000, K), lambda i: (i, 0)),
        ],
        out_shape=[
            jax.ShapeDtypeStruct((N_NODES, D_EMB), jnp.float32),
            jax.ShapeDtypeStruct((N_NODES, K), jnp.float32),
            jax.ShapeDtypeStruct((N_NODES, K), jnp.float32),
        ],
    )(out2, cluster_layer, res2)


def _reduce_rden(parts):
    return pl.pallas_call(
        _rden_body,
        grid=(5,),
        in_specs=[pl.BlockSpec((_NTILES, 2048), lambda i: (0, i))],
        out_specs=pl.BlockSpec((1, 2048), lambda i: (0, i)),
        out_shape=jax.ShapeDtypeStruct((1, N_NODES), jnp.float32),
    )(parts)[0]


def kernel(x, edge_index, w, c, temp, gumbel, W, att_src, att_dst,
           cluster_layer, node_emb, ctx_emb, comm_w):
    hh, a_src_p, a_dst_p, m2 = _project(x, W, att_src, att_dst)
    a_src = a_src_p[:N_NODES]
    a_dst = a_dst_p[:N_NODES]
    m = jax.nn.leaky_relu(m2[0, 0] + m2[0, 1], negative_slope=ALPHA)
    m16 = jnp.full((16,), m, jnp.float32)

    src = edge_index[0]
    dst = edge_index[1]
    ex, parts = _edge_logits(a_src, a_dst, src, dst, m16)
    rden = _reduce_rden(parts)
    me = jnp.stack(
        [src.reshape(16, _NCH, _G),
         lax.bitcast_convert_type(ex, jnp.int32).reshape(16, _NCH, _G)],
        axis=2,
    )
    (out2,) = _aggregate(me, dst.reshape(16, _NCH, _G), rden, hh)

    wc32 = jnp.stack([w.reshape(_NTILES, _PPT), c.reshape(_NTILES, _PPT)],
                     axis=1)
    ew, ewec = _pair_gather(wc32, node_emb)
    prior, q_vg, new_z = _vg_dense(ew, ewec, comm_w, gumbel, temp)
    recon_c = _recon(new_z, ctx_emb)

    wc16 = jnp.concatenate(
        [w.reshape(16, 2, 128), c.reshape(16, 2, 128)], axis=1)
    qvp = jnp.pad(q_vg, ((0, 0), (0, 128 - K)))
    (res2,) = _res_scatter(wc16, qvp.reshape(16, _RPT, 128))

    z, q, Q_to = _zq(out2, cluster_layer, res2)
    return (z, q, Q_to, prior, recon_c, q_vg, node_emb, comm_w)

# --- scband reference (transcript-rebuilt; emitter-appended) ---
"""Pipeline reference for scband-daegc-22591527977421 (READ-ONLY COPY).

The authoritative reference and input builder live on the scoring server;
editing this copy changes nothing except your own understanding.
"""

import jax, jax.numpy as jnp
import numpy as np

N_NODES = 10000
N_EDGES = 160000
D_FEAT = 256
D_EMB = 256
D_VG = 128
K = 16
N_TRAIN = 4096
V = 1.0
ALPHA = 0.2


def _gat(x, edge_index, W, att_src, att_dst):
    h = x @ W
    src = edge_index[0]
    dst = edge_index[1]
    a_src = h @ att_src
    a_dst = h @ att_dst
    e = jax.nn.leaky_relu(a_src[src] + a_dst[dst], negative_slope=ALPHA)
    e_max = jax.ops.segment_max(e, dst, num_segments=N_NODES)
    e_max = jnp.where(jnp.isfinite(e_max), e_max, 0.0)
    ex = jnp.exp(e - e_max[dst])
    denom = jax.ops.segment_sum(ex, dst, num_segments=N_NODES)
    attn = ex / (denom[dst] + 1e-16)
    out = jax.ops.segment_sum(attn[:, None] * h[src], dst, num_segments=N_NODES)
    return jax.nn.elu(out)


def _get_Q(z, cluster_layer):
    d2 = jnp.sum(jnp.square(z[:, None, :] - cluster_layer[None, :, :]), axis=2)
    q = 1.0 / (1.0 + d2 / V)
    q = jnp.power(q, (V + 1.0) / 2.0)
    return q / jnp.sum(q, axis=1, keepdims=True)


def _vgraph(w_idx, c_idx, temp, gumbel, node_emb, ctx_emb, comm_w):
    ew = jnp.take(node_emb, w_idx, axis=0)
    ec = jnp.take(node_emb, c_idx, axis=0)
    q_logits = (ew * ec) @ comm_w.T
    prior = jax.nn.softmax(ew @ comm_w.T, axis=-1)
    z_g = jax.nn.softmax((q_logits + gumbel) / temp, axis=-1)
    new_z = z_g @ comm_w
    recon_c = new_z @ ctx_emb.T
    q_vg = jax.nn.softmax(q_logits, axis=-1)
    return recon_c, q_vg, prior


def setup_inputs(seed: int = 0):
    key = jax.random.key(seed)
    ks = jax.random.split(key, 12)
    x = jax.random.normal(ks[0], (N_NODES, D_FEAT), dtype=jnp.float32)
    edge_index = jax.random.randint(ks[1], (2, N_EDGES), 0, N_NODES, dtype=jnp.int32)
    w = jax.random.randint(ks[2], (N_TRAIN,), 0, N_NODES, dtype=jnp.int32)
    c = jax.random.randint(ks[3], (N_TRAIN,), 0, N_NODES, dtype=jnp.int32)
    temp = jnp.float32(0.5)
    u = jax.random.uniform(ks[4], (N_TRAIN, K), minval=1e-6, maxval=1.0 - 1e-6)
    gumbel = -jnp.log(-jnp.log(u))
    W = jax.random.normal(ks[5], (D_FEAT, D_EMB), dtype=jnp.float32) * (1.0 / np.sqrt(D_FEAT))
    att_src = jax.random.normal(ks[6], (D_EMB,), dtype=jnp.float32) * (1.0 / np.sqrt(D_EMB))
    att_dst = jax.random.normal(ks[7], (D_EMB,), dtype=jnp.float32) * (1.0 / np.sqrt(D_EMB))
    cluster_layer = jax.random.normal(ks[8], (K, D_EMB), dtype=jnp.float32)
    node_emb = jax.random.normal(ks[9], (N_NODES, D_VG), dtype=jnp.float32) * 0.1
    ctx_emb = jax.random.normal(ks[10], (N_NODES, D_VG), dtype=jnp.float32) * 0.1
    comm_w = jax.random.normal(ks[11], (K, D_VG), dtype=jnp.float32) * 0.1
    return {"x": x, "edge_index": edge_index, "w": w, "c": c, "temp": temp, "gumbel": gumbel, "W": W, "att_src": att_src, "att_dst": att_dst, "cluster_layer": cluster_layer, "node_emb": node_emb, "ctx_emb": ctx_emb, "comm_w": comm_w}


def reference(x, edge_index, w, c, temp, gumbel, W, att_src, att_dst, cluster_layer, node_emb, ctx_emb, comm_w):
    z = _gat(x, edge_index, W, att_src, att_dst)
    q = _get_Q(z, cluster_layer)
    recon_c, q_vg, prior = _vgraph(w, c, temp, gumbel, node_emb, ctx_emb, comm_w)
    res = jnp.zeros((N_NODES, K), dtype=jnp.float32)
    res = res.at[w].add(q_vg)
    res = res.at[c].add(q_vg)
    Q_to = q + 0.5 * res
    Q_to = Q_to / jnp.sum(jnp.abs(Q_to), axis=1, keepdims=True)
    return (z, q, Q_to, prior, recon_c, q_vg, node_emb, comm_w)

if __name__ == "__main__":
    import jax
    _d = setup_inputs()
    print(jax.jit(kernel)(*tuple(_d.values())))

</pallas_src>

<mosaic_0001>
#map = affine_map<(d0, d1) -> (0, 0, 0)>
module attributes {stable_mosaic.version = 14 : i64} {
  func.func @_res_body(%arg0: i32, %arg1: i32, %arg2: memref<16x4x128xi32, #tpu.memory_space<hbm>>, %arg3: memref<16x256x128xf32, #tpu.memory_space<hbm>>, %arg4: memref<2x10000x128xf32, #tpu.memory_space<hbm>>, %arg5: memref<4x128xi32, #tpu.memory_space<vmem>>, %arg6: memref<128x128xf32, #tpu.memory_space<vmem>>, %arg7: memref<104x128xf32, #tpu.memory_space<vmem>>, %arg8: memref<10000x128xf32, #tpu.memory_space<vmem_shared>>) attributes {dimension_semantics = [#tpu.dimension_semantics<core_parallel>, #tpu.dimension_semantics<subcore_parallel>], iteration_bounds = array<i64: 2, 16>, scalar_prefetch = 0 : i64, scratch_operands = 4 : i64, tpu.core_type = #tpu.core_type<sc_vector_subcore>, window_params = [{transform_indices = #map}, {transform_indices = #map}, {transform_indices = #map}]} {
    "tpu.region"() ({
      %run_scoped3A = tpu.sem_alloc : memref<!tpu.dma_semaphore, #tpu.memory_space<semaphore_mem>>
      %dma_start3A = arith.constant 0 : i32
      %dma_start3A_31 = arith.constant 0 : i32
      %dma_start3A_32 = tpu.memref_slice %arg2[%arg1, %dma_start3A, %dma_start3A_31] : memref<16x4x128xi32, #tpu.memory_space<hbm>> -> memref<1x4x128xi32, #tpu.memory_space<hbm>>
      %dma_start3A_33 = tpu.memref_squeeze %dma_start3A_32 : memref<1x4x128xi32, #tpu.memory_space<hbm>> -> memref<4x128xi32, #tpu.memory_space<hbm>>
      %dma_start3A_34 = arith.constant 0 : i32
      %dma_start3A_35 = arith.constant 0 : i32
      %dma_start3A_36 = tpu.memref_slice %arg2[%arg1, %dma_start3A_34, %dma_start3A_35] : memref<16x4x128xi32, #tpu.memory_space<hbm>> -> memref<1x4x128xi32, #tpu.memory_space<hbm>>
      %dma_start3A_37 = tpu.memref_squeeze %dma_start3A_36 : memref<1x4x128xi32, #tpu.memory_space<hbm>> -> memref<4x128xi32, #tpu.memory_space<hbm>>
      tpu.enqueue_dma source(%dma_start3A_37 : memref<4x128xi32, #tpu.memory_space<hbm>>) target(%arg5 : memref<4x128xi32, #tpu.memory_space<vmem>>) target_semaphore(%run_scoped3A : memref<!tpu.dma_semaphore, #tpu.memory_space<semaphore_mem>>)
      %dma_wait3A = arith.constant 0 : i32
      %dma_wait3A_38 = arith.constant 0 : i32
      %dma_wait3A_39 = tpu.memref_slice %arg2[%arg1, %dma_wait3A, %dma_wait3A_38] : memref<16x4x128xi32, #tpu.memory_space<hbm>> -> memref<1x4x128xi32, #tpu.memory_space<hbm>>
      %dma_wait3A_40 = tpu.memref_squeeze %dma_wait3A_39 : memref<1x4x128xi32, #tpu.memory_space<hbm>> -> memref<4x128xi32, #tpu.memory_space<hbm>>
      %dma_wait3A_41 = arith.constant 0 : i32
      %dma_wait3A_42 = arith.constant 0 : i32
      %dma_wait3A_43 = tpu.memref_slice %arg2[%arg1, %dma_wait3A_41, %dma_wait3A_42] : memref<16x4x128xi32, #tpu.memory_space<hbm>> -> memref<1x4x128xi32, #tpu.memory_space<hbm>>
      %dma_wait3A_44 = tpu.memref_squeeze %dma_wait3A_43 : memref<1x4x128xi32, #tpu.memory_space<hbm>> -> memref<4x128xi32, #tpu.memory_space<hbm>>
      tpu.wait_dma2 semaphore(%run_scoped3A : memref<!tpu.dma_semaphore, #tpu.memory_space<semaphore_mem>>) src(%dma_wait3A_44 : memref<4x128xi32, #tpu.memory_space<hbm>>) dst(%arg5 : memref<4x128xi32, #tpu.memory_space<vmem>>)
      tpu.yield
    }) : () -> ()
    %broadcast_in_dim3A = arith.constant 0.000000e+00 : f32
    %broadcast_in_dim3A_0 = vector.broadcast %broadcast_in_dim3A : f32 to vector<16xf32>
    %scan3A = arith.constant 0 : i32
    %scan3A_1 = arith.constant 0 : i32
    %scan3A_2 = arith.constant 104 : i32
    %scan3A_3 = arith.addi %scan3A_1, %scan3A_2 : i32
    %scan3A_4 = arith.constant 1 : i32
    scf.for %scan3A_31 = %scan3A_1 to %scan3A_3 step %scan3A_4  : i32 {
      %swap3A = arith.index_cast %scan3A_31 : i32 to index
      %swap3A_32 = arith.constant 0 : index
      %swap3A_33 = tpu.vector_load %arg7[%swap3A, %swap3A_32] {strides = array<i32>} : memref<104x128xf32, #tpu.memory_space<vmem>>, vector<16xf32>,
      tpu.vector_store %arg7[%swap3A, %swap3A_32], %broadcast_in_dim3A_0 {strides = array<i32>} : memref<104x128xf32, #tpu.memory_space<vmem>>, vector<16xf32>,
      %swap3A_34 = arith.index_cast %scan3A_31 : i32 to index
      %swap3A_35 = arith.constant 16 : index
      %swap3A_36 = tpu.vector_load %arg7[%swap3A_34, %swap3A_35] {strides = array<i32>} : memref<104x128xf32, #tpu.memory_space<vmem>>, vector<16xf32>,
      tpu.vector_store %arg7[%swap3A_34, %swap3A_35], %broadcast_in_dim3A_0 {strides = array<i32>} : memref<104x128xf32, #tpu.memory_space<vmem>>, vector<16xf32>,
      %swap3A_37 = arith.index_cast %scan3A_31 : i32 to index
      %swap3A_38 = arith.constant 32 : index
      %swap3A_39 = tpu.vector_load %arg7[%swap3A_37, %swap3A_38] {strides = array<i32>} : memref<104x128xf32, #tpu.memory_space<vmem>>, vector<16xf32>,
      tpu.vector_store %arg7[%swap3A_37, %swap3A_38], %broadcast_in_dim3A_0 {strides = array<i32>} : memref<104x128xf32, #tpu.memory_space<vmem>>, vector<16xf32>,
      %swap3A_40 = arith.index_cast %scan3A_31 : i32 to index
      %swap3A_41 = arith.constant 48 : index
      %swap3A_42 = tpu.vector_load %arg7[%swap3A_40, %swap3A_41] {strides = array<i32>} : memref<104x128xf32, #tpu.memory_space<vmem>>, vector<16xf32>,
      tpu.vector_store %arg7[%swap3A_40, %swap3A_41], %broadcast_in_dim3A_0 {strides = array<i32>} : memref<104x128xf32, #tpu.memory_space<vmem>>, vector<16xf32>,
      %swap3A_43 = arith.index_cast %scan3A_31 : i32 to index
      %swap3A_44 = arith.constant 64 : index
      %swap3A_45 = tpu.vector_load %arg7[%swap3A_43, %swap3A_44] {strides = array<i32>} : memref<104x128xf32, #tpu.memory_space<vmem>>, vector<16xf32>,
      tpu.vector_store %arg7[%swap3A_43, %swap3A_44], %broadcast_in_dim3A_0 {strides = array<i32>} : memref<104x128xf32, #tpu.memory_space<vmem>>, vector<16xf32>,
      %swap3A_46 = arith.index_cast %scan3A_31 : i32 to index
      %swap3A_47 = arith.constant 80 : index
      %swap3A_48 = tpu.vector_load %arg7[%swap3A_46, %swap3A_47] {strides = array<i32>} : memref<104x128xf32, #tpu.memory_space<vmem>>, vector<16xf32>,
      tpu.vector_store %arg7[%swap3A_46, %swap3A_47], %broadcast_in_dim3A_0 {strides = array<i32>} : memref<104x128xf32, #tpu.memory_space<vmem>>, vector<16xf32>,
      %swap3A_49 = arith.index_cast %scan3A_31 : i32 to index
      %swap3A_50 = arith.constant 96 : index
      %swap3A_51 = tpu.vector_load %arg7[%swap3A_49, %swap3A_50] {strides = array<i32>} : memref<104x128xf32, #tpu.memory_space<vmem>>, vector<16xf32>,
      tpu.vector_store %arg7[%swap3A_49, %swap3A_50], %broadcast_in_dim3A_0 {strides = array<i32>} : memref<104x128xf32, #tpu.memory_space<vmem>>, vector<16xf32>,
      %swap3A_52 = arith.index_cast %scan3A_31 : i32 to index
      %swap3A_53 = arith.constant 112 : index
      %swap3A_54 = tpu.vector_load %arg7[%swap3A_52, %swap3A_53] {strides = array<i32>} : memref<104x128xf32, #tpu.memory_space<vmem>>, vector<16xf32>,
      tpu.vector_store %arg7[%swap3A_52, %swap3A_53], %broadcast_in_dim3A_0 {strides = array<i32>} : memref<104x128xf32, #tpu.memory_space<vmem>>, vector<16xf32>,
    }
    %scan3A_5 = arith.constant 104 : i32
    %mul3A = arith.constant 632 : i32
    %mul3A_6 = arith.muli %arg1, %mul3A : i32
    %lt3A = arith.constant 15 : i32
    %lt3A_7 = arith.cmpi slt, %arg1, %lt3A : i32
    %convert_element_type3A = arith.extui %lt3A_7 : i1 to i32
    %cond3A = arith.constant 0 : i32
    %cond3A_8 = arith.cmpi ne, %convert_element_type3A, %cond3A : i32
    scf.if %cond3A_8 {
      %add3A_31 = arith.constant 0 : i32
      %add3A_32 = arith.addi %mul3A_6, %add3A_31 : i32
      "tpu.region"() ({
        %run_scoped3A = tpu.sem_alloc : memref<!tpu.dma_semaphore, #tpu.memory_space<semaphore_mem>>
        %dma_start3A = arith.constant 0 : i32
        %dma_start3A_45 = tpu.memref_slice %arg8[%add3A_32, %dma_start3A] : memref<10000x128xf32, #tpu.memory_space<vmem_shared>> -> memref<104x128xf32, #tpu.memory_space<vmem_shared>>
        %dma_start3A_46 = arith.constant 0 : i32
        %dma_start3A_47 = tpu.memref_slice %arg8[%add3A_32, %dma_start3A_46] : memref<10000x128xf32, #tpu.memory_space<vmem_shared>> -> memref<104x128xf32, #tpu.memory_space<vmem_shared>>
        tpu.enqueue_dma source(%arg7 : memref<104x128xf32, #tpu.memory_space<vmem>>) target(%dma_start3A_47 : memref<104x128xf32, #tpu.memory_space<vmem_shared>>) target_semaphore(%run_scoped3A : memref<!tpu.dma_semaphore, #tpu.memory_space<semaphore_mem>>)
        %dma_wait3A = arith.constant 0 : i32
        %dma_wait3A_48 = tpu.memref_slice %arg8[%add3A_32, %dma_wait3A] : memref<10000x128xf32, #tpu.memory_space<vmem_shared>> -> memref<104x128xf32, #tpu.memory_space<vmem_shared>>
        %dma_wait3A_49 = arith.constant 0 : i32
        %dma_wait3A_50 = tpu.memref_slice %arg8[%add3A_32, %dma_wait3A_49] : memref<10000x128xf32, #tpu.memory_space<vmem_shared>> -> memref<104x128xf32, #tpu.memory_space<vmem_shared>>
        tpu.wait_dma2 semaphore(%run_scoped3A : memref<!tpu.dma_semaphore, #tpu.memory_space<semaphore_mem>>) src(%arg7 : memref<104x128xf32, #tpu.memory_space<vmem>>) dst(%dma_wait3A_50 : memref<104x128xf32, #tpu.memory_space<vmem_shared>>)
        tpu.yield
      }) : () -> ()
      %add3A_33 = arith.constant 104 : i32
      %add3A_34 = arith.addi %mul3A_6, %add3A_33 : i32
      "tpu.region"() ({
        %run_scoped3A = tpu.sem_alloc : memref<!tpu.dma_semaphore, #tpu.memory_space<semaphore_mem>>
        %dma_start3A = arith.constant 0 : i32
        %dma_start3A_45 = tpu.memref_slice %arg8[%add3A_34, %dma_start3A] : memref<10000x128xf32, #tpu.memory_space<vmem_shared>> -> memref<104x128xf32, #tpu.memory_space<vmem_shared>>
        %dma_start3A_46 = arith.constant 0 : i32
        %dma_start3A_47 = tpu.memref_slice %arg8[%add3A_34, %dma_start3A_46] : memref<10000x128xf32, #tpu.memory_space<vmem_shared>> -> memref<104x128xf32, #tpu.memory_space<vmem_shared>>
        tpu.enqueue_dma source(%arg7 : memref<104x128xf32, #tpu.memory_space<vmem>>) target(%dma_start3A_47 : memref<104x128xf32, #tpu.memory_space<vmem_shared>>) target_semaphore(%run_scoped3A : memref<!tpu.dma_semaphore, #tpu.memory_space<semaphore_mem>>)
        %dma_wait3A = arith.constant 0 : i32
        %dma_wait3A_48 = tpu.memref_slice %arg8[%add3A_34, %dma_wait3A] : memref<10000x128xf32, #tpu.memory_space<vmem_shared>> -> memref<104x128xf32, #tpu.memory_space<vmem_shared>>
        %dma_wait3A_49 = arith.constant 0 : i32
        %dma_wait3A_50 = tpu.memref_slice %arg8[%add3A_34, %dma_wait3A_49] : memref<10000x128xf32, #tpu.memory_space<vmem_shared>> -> memref<104x128xf32, #tpu.memory_space<vmem_shared>>
        tpu.wait_dma2 semaphore(%run_scoped3A : memref<!tpu.dma_semaphore, #tpu.memory_space<semaphore_mem>>) src(%arg7 : memref<104x128xf32, #tpu.memory_space<vmem>>) dst(%dma_wait3A_50 : memref<104x128xf32, #tpu.memory_space<vmem_shared>>)
        tpu.yield
      }) : () -> ()
      %add3A_35 = arith.constant 208 : i32
      %add3A_36 = arith.addi %mul3A_6, %add3A_35 : i32
      "tpu.region"() ({
        %run_scoped3A = tpu.sem_alloc : memref<!tpu.dma_semaphore, #tpu.memory_space<semaphore_mem>>
        %dma_start3A = arith.constant 0 : i32
        %dma_start3A_45 = tpu.memref_slice %arg8[%add3A_36, %dma_start3A] : memref<10000x128xf32, #tpu.memory_space<vmem_shared>> -> memref<104x128xf32, #tpu.memory_space<vmem_shared>>
        %dma_start3A_46 = arith.constant 0 : i32
        %dma_start3A_47 = tpu.memref_slice %arg8[%add3A_36, %dma_start3A_46] : memref<10000x128xf32, #tpu.memory_space<vmem_shared>> -> memref<104x128xf32, #tpu.memory_space<vmem_shared>>
        tpu.enqueue_dma source(%arg7 : memref<104x128xf32, #tpu.memory_space<vmem>>) target(%dma_start3A_47 : memref<104x128xf32, #tpu.memory_space<vmem_shared>>) target_semaphore(%run_scoped3A : memref<!tpu.dma_semaphore, #tpu.memory_space<semaphore_mem>>)
        %dma_wait3A = arith.constant 0 : i32
        %dma_wait3A_48 = tpu.memref_slice %arg8[%add3A_36, %dma_wait3A] : memref<10000x128xf32, #tpu.memory_space<vmem_shared>> -> memref<104x128xf32, #tpu.memory_space<vmem_shared>>
        %dma_wait3A_49 = arith.constant 0 : i32
        %dma_wait3A_50 = tpu.memref_slice %arg8[%add3A_36, %dma_wait3A_49] : memref<10000x128xf32, #tpu.memory_space<vmem_shared>> -> memref<104x128xf32, #tpu.memory_space<vmem_shared>>
        tpu.wait_dma2 semaphore(%run_scoped3A : memref<!tpu.dma_semaphore, #tpu.memory_space<semaphore_mem>>) src(%arg7 : memref<104x128xf32, #tpu.memory_space<vmem>>) dst(%dma_wait3A_50 : memref<104x128xf32, #tpu.memory_space<vmem_shared>>)
        tpu.yield
      }) : () -> ()
      %add3A_37 = arith.constant 312 : i32
      %add3A_38 = arith.addi %mul3A_6, %add3A_37 : i32
      "tpu.region"() ({
        %run_scoped3A = tpu.sem_alloc : memref<!tpu.dma_semaphore, #tpu.memory_space<semaphore_mem>>
        %dma_start3A = arith.constant 0 : i32
        %dma_start3A_45 = tpu.memref_slice %arg8[%add3A_38, %dma_start3A] : memref<10000x128xf32, #tpu.memory_space<vmem_shared>> -> memref<104x128xf32, #tpu.memory_space<vmem_shared>>
        %dma_start3A_46 = arith.constant 0 : i32
        %dma_start3A_47 = tpu.memref_slice %arg8[%add3A_38, %dma_start3A_46] : memref<10000x128xf32, #tpu.memory_space<vmem_shared>> -> memref<104x128xf32, #tpu.memory_space<vmem_shared>>
        tpu.enqueue_dma source(%arg7 : memref<104x128xf32, #tpu.memory_space<vmem>>) target(%dma_start3A_47 : memref<104x128xf32, #tpu.memory_space<vmem_shared>>) target_semaphore(%run_scoped3A : memref<!tpu.dma_semaphore, #tpu.memory_space<semaphore_mem>>)
        %dma_wait3A = arith.constant 0 : i32
        %dma_wait3A_48 = tpu.memref_slice %arg8[%add3A_38, %dma_wait3A] : memref<10000x128xf32, #tpu.memory_space<vmem_shared>> -> memref<104x128xf32, #tpu.memory_space<vmem_shared>>
        %dma_wait3A_49 = arith.constant 0 : i32
        %dma_wait3A_50 = tpu.memref_slice %arg8[%add3A_38, %dma_wait3A_49] : memref<10000x128xf32, #tpu.memory_space<vmem_shared>> -> memref<104x128xf32, #tpu.memory_space<vmem_shared>>
        tpu.wait_dma2 semaphore(%run_scoped3A : memref<!tpu.dma_semaphore, #tpu.memory_space<semaphore_mem>>) src(%arg7 : memref<104x128xf32, #tpu.memory_space<vmem>>) dst(%dma_wait3A_50 : memref<104x128xf32, #tpu.memory_space<vmem_shared>>)
        tpu.yield
      }) : () -> ()
      %add3A_39 = arith.constant 416 : i32
      %add3A_40 = arith.addi %mul3A_6, %add3A_39 : i32
      "tpu.region"() ({
        %run_scoped3A = tpu.sem_alloc : memref<!tpu.dma_semaphore, #tpu.memory_space<semaphore_mem>>
        %dma_start3A = arith.constant 0 : i32
        %dma_start3A_45 = tpu.memref_slice %arg8[%add3A_40, %dma_start3A] : memref<10000x128xf32, #tpu.memory_space<vmem_shared>> -> memref<104x128xf32, #tpu.memory_space<vmem_shared>>
        %dma_start3A_46 = arith.constant 0 : i32
        %dma_start3A_47 = tpu.memref_slice %arg8[%add3A_40, %dma_start3A_46] : memref<10000x128xf32, #tpu.memory_space<vmem_shared>> -> memref<104x128xf32, #tpu.memory_space<vmem_shared>>
        tpu.enqueue_dma source(%arg7 : memref<104x128xf32, #tpu.memory_space<vmem>>) target(%dma_start3A_47 : memref<104x128xf32, #tpu.memory_space<vmem_shared>>) target_semaphore(%run_scoped3A : memref<!tpu.dma_semaphore, #tpu.memory_space<semaphore_mem>>)
        %dma_wait3A = arith.constant 0 : i32
        %dma_wait3A_48 = tpu.memref_slice %arg8[%add3A_40, %dma_wait3A] : memref<10000x128xf32, #tpu.memory_space<vmem_shared>> -> memref<104x128xf32, #tpu.memory_space<vmem_shared>>
        %dma_wait3A_49 = arith.constant 0 : i32
        %dma_wait3A_50 = tpu.memref_slice %arg8[%add3A_40, %dma_wait3A_49] : memref<10000x128xf32, #tpu.memory_space<vmem_shared>> -> memref<104x128xf32, #tpu.memory_space<vmem_shared>>
        tpu.wait_dma2 semaphore(%run_scoped3A : memref<!tpu.dma_semaphore, #tpu.memory_space<semaphore_mem>>) src(%arg7 : memref<104x128xf32, #tpu.memory_space<vmem>>) dst(%dma_wait3A_50 : memref<104x128xf32, #tpu.memory_space<vmem_shared>>)
        tpu.yield
      }) : () -> ()
      %add3A_41 = arith.constant 520 : i32
      %add3A_42 = arith.addi %mul3A_6, %add3A_41 : i32
      "tpu.region"() ({
        %run_scoped3A = tpu.sem_alloc : memref<!tpu.dma_semaphore, #tpu.memory_space<semaphore_mem>>
        %dma_start3A = arith.constant 0 : i32
        %dma_start3A_45 = tpu.memref_slice %arg8[%add3A_42, %dma_start3A] : memref<10000x128xf32, #tpu.memory_space<vmem_shared>> -> memref<104x128xf32, #tpu.memory_space<vmem_shared>>
        %dma_start3A_46 = arith.constant 0 : i32
        %dma_start3A_47 = tpu.memref_slice %arg8[%add3A_42, %dma_start3A_46] : memref<10000x128xf32, #tpu.memory_space<vmem_shared>> -> memref<104x128xf32, #tpu.memory_space<vmem_shared>>
        tpu.enqueue_dma source(%arg7 : memref<104x128xf32, #tpu.memory_space<vmem>>) target(%dma_start3A_47 : memref<104x128xf32, #tpu.memory_space<vmem_shared>>) target_semaphore(%run_scoped3A : memref<!tpu.dma_semaphore, #tpu.memory_space<semaphore_mem>>)
        %dma_wait3A = arith.constant 0 : i32
        %dma_wait3A_48 = tpu.memref_slice %arg8[%add3A_42, %dma_wait3A] : memref<10000x128xf32, #tpu.memory_space<vmem_shared>> -> memref<104x128xf32, #tpu.memory_space<vmem_shared>>
        %dma_wait3A_49 = arith.constant 0 : i32
        %dma_wait3A_50 = tpu.memref_slice %arg8[%add3A_42, %dma_wait3A_49] : memref<10000x128xf32, #tpu.memory_space<vmem_shared>> -> memref<104x128xf32, #tpu.memory_space<vmem_shared>>
        tpu.wait_dma2 semaphore(%run_scoped3A : memref<!tpu.dma_semaphore, #tpu.memory_space<semaphore_mem>>) src(%arg7 : memref<104x128xf32, #tpu.memory_space<vmem>>) dst(%dma_wait3A_50 : memref<104x128xf32, #tpu.memory_space<vmem_shared>>)
        tpu.yield
      }) : () -> ()
      %add3A_43 = arith.constant 624 : i32
      %add3A_44 = arith.addi %mul3A_6, %add3A_43 : i32
      "tpu.region"() ({
        %run_scoped3A = tpu.sem_alloc : memref<!tpu.dma_semaphore, #tpu.memory_space<semaphore_mem>>
        %dma_start3A = arith.constant 0 : i32
        %dma_start3A_45 = arith.constant 0 : i32
        %dma_start3A_46 = tpu.memref_slice %arg7[%dma_start3A, %dma_start3A_45] : memref<104x128xf32, #tpu.memory_space<vmem>> -> memref<8x128xf32, #tpu.memory_space<vmem>>
        %dma_start3A_47 = arith.constant 0 : i32
        %dma_start3A_48 = tpu.memref_slice %arg8[%add3A_44, %dma_start3A_47] : memref<10000x128xf32, #tpu.memory_space<vmem_shared>> -> memref<8x128xf32, #tpu.memory_space<vmem_shared>>
        %dma_start3A_49 = arith.constant 0 : i32
        %dma_start3A_50 = tpu.memref_slice %arg8[%add3A_44, %dma_start3A_49] : memref<10000x128xf32, #tpu.memory_space<vmem_shared>> -> memref<8x128xf32, #tpu.memory_space<vmem_shared>>
        %dma_start3A_51 = arith.constant 0 : i32
        %dma_start3A_52 = arith.constant 0 : i32
        %dma_start3A_53 = tpu.memref_slice %arg7[%dma_start3A_51, %dma_start3A_52] : memref<104x128xf32, #tpu.memory_space<vmem>> -> memref<8x128xf32, #tpu.memory_space<vmem>>
        tpu.enqueue_dma source(%dma_start3A_53 : memref<8x128xf32, #tpu.memory_space<vmem>>) target(%dma_start3A_50 : memref<8x128xf32, #tpu.memory_space<vmem_shared>>) target_semaphore(%run_scoped3A : memref<!tpu.dma_semaphore, #tpu.memory_space<semaphore_mem>>)
        %dma_wait3A = arith.constant 0 : i32
        %dma_wait3A_54 = arith.constant 0 : i32
        %dma_wait3A_55 = tpu.memref_slice %arg7[%dma_wait3A, %dma_wait3A_54] : memref<104x128xf32, #tpu.memory_space<vmem>> -> memref<8x128xf32, #tpu.memory_space<vmem>>
        %dma_wait3A_56 = arith.constant 0 : i32
        %dma_wait3A_57 = tpu.memref_slice %arg8[%add3A_44, %dma_wait3A_56] : memref<10000x128xf32, #tpu.memory_space<vmem_shared>> -> memref<8x128xf32, #tpu.memory_space<vmem_shared>>
        %dma_wait3A_58 = arith.constant 0 : i32
        %dma_wait3A_59 = tpu.memref_slice %arg8[%add3A_44, %dma_wait3A_58] : memref<10000x128xf32, #tpu.memory_space<vmem_shared>> -> memref<8x128xf32, #tpu.memory_space<vmem_shared>>
        %dma_wait3A_60 = arith.constant 0 : i32
        %dma_wait3A_61 = arith.constant 0 : i32
        %dma_wait3A_62 = tpu.memref_slice %arg7[%dma_wait3A_60, %dma_wait3A_61] : memref<104x128xf32, #tpu.memory_space<vmem>> -> memref<8x128xf32, #tpu.memory_space<vmem>>
        tpu.wait_dma2 semaphore(%run_scoped3A : memref<!tpu.dma_semaphore, #tpu.memory_space<semaphore_mem>>) src(%dma_wait3A_62 : memref<8x128xf32, #tpu.memory_space<vmem>>) dst(%dma_wait3A_59 : memref<8x128xf32, #tpu.memory_space<vmem_shared>>)
        tpu.yield
      }) : () -> ()
    } else {
    }
    %eq3A = arith.constant 15 : i32
    %eq3A_9 = arith.cmpi eq, %arg1, %eq3A : i32
    %convert_element_type3A_10 = arith.extui %eq3A_9 : i1 to i32
    %cond3A_11 = arith.constant 0 : i32
    %cond3A_12 = arith.cmpi ne, %convert_element_type3A_10, %cond3A_11 : i32
    scf.if %cond3A_12 {
      %add3A_31 = arith.constant 0 : i32
      %add3A_32 = arith.addi %mul3A_6, %add3A_31 : i32
      "tpu.region"() ({
        %run_scoped3A = tpu.sem_alloc : memref<!tpu.dma_semaphore, #tpu.memory_space<semaphore_mem>>
        %dma_start3A = arith.constant 0 : i32
        %dma_start3A_41 = tpu.memref_slice %arg8[%add3A_32, %dma_start3A] : memref<10000x128xf32, #tpu.memory_space<vmem_shared>> -> memref<104x128xf32, #tpu.memory_space<vmem_shared>>
        %dma_start3A_42 = arith.constant 0 : i32
        %dma_start3A_43 = tpu.memref_slice %arg8[%add3A_32, %dma_start3A_42] : memref<10000x128xf32, #tpu.memory_space<vmem_shared>> -> memref<104x128xf32, #tpu.memory_space<vmem_shared>>
        tpu.enqueue_dma source(%arg7 : memref<104x128xf32, #tpu.memory_space<vmem>>) target(%dma_start3A_43 : memref<104x128xf32, #tpu.memory_space<vmem_shared>>) target_semaphore(%run_scoped3A : memref<!tpu.dma_semaphore, #tpu.memory_space<semaphore_mem>>)
        %dma_wait3A = arith.constant 0 : i32
        %dma_wait3A_44 = tpu.memref_slice %arg8[%add3A_32, %dma_wait3A] : memref<10000x128xf32, #tpu.memory_space<vmem_shared>> -> memref<104x128xf32, #tpu.memory_space<vmem_shared>>
        %dma_wait3A_45 = arith.constant 0 : i32
        %dma_wait3A_46 = tpu.memref_slice %arg8[%add3A_32, %dma_wait3A_45] : memref<10000x128xf32, #tpu.memory_space<vmem_shared>> -> memref<104x128xf32, #tpu.memory_space<vmem_shared>>
        tpu.wait_dma2 semaphore(%run_scoped3A : memref<!tpu.dma_semaphore, #tpu.memory_space<semaphore_mem>>) src(%arg7 : memref<104x128xf32, #tpu.memory_space<vmem>>) dst(%dma_wait3A_46 : memref<104x128xf32, #tpu.memory_space<vmem_shared>>)
        tpu.yield
      }) : () -> ()
      %add3A_33 = arith.constant 104 : i32
      %add3A_34 = arith.addi %mul3A_6, %add3A_33 : i32
      "tpu.region"() ({
        %run_scoped3A = tpu.sem_alloc : memref<!tpu.dma_semaphore, #tpu.memory_space<semaphore_mem>>
        %dma_start3A = arith.constant 0 : i32
        %dma_start3A_41 = tpu.memref_slice %arg8[%add3A_34, %dma_start3A] : memref<10000x128xf32, #tpu.memory_space<vmem_shared>> -> memref<104x128xf32, #tpu.memory_space<vmem_shared>>
        %dma_start3A_42 = arith.constant 0 : i32
        %dma_start3A_43 = tpu.memref_slice %arg8[%add3A_34, %dma_start3A_42] : memref<10000x128xf32, #tpu.memory_space<vmem_shared>> -> memref<104x128xf32, #tpu.memory_space<vmem_shared>>
        tpu.enqueue_dma source(%arg7 : memref<104x128xf32, #tpu.memory_space<vmem>>) target(%dma_start3A_43 : memref<104x128xf32, #tpu.memory_space<vmem_shared>>) target_semaphore(%run_scoped3A : memref<!tpu.dma_semaphore, #tpu.memory_space<semaphore_mem>>)
        %dma_wait3A = arith.constant 0 : i32
        %dma_wait3A_44 = tpu.memref_slice %arg8[%add3A_34, %dma_wait3A] : memref<10000x128xf32, #tpu.memory_space<vmem_shared>> -> memref<104x128xf32, #tpu.memory_space<vmem_shared>>
        %dma_wait3A_45 = arith.constant 0 : i32
        %dma_wait3A_46 = tpu.memref_slice %arg8[%add3A_34, %dma_wait3A_45] : memref<10000x128xf32, #tpu.memory_space<vmem_shared>> -> memref<104x128xf32, #tpu.memory_space<vmem_shared>>
        tpu.wait_dma2 semaphore(%run_scoped3A : memref<!tpu.dma_semaphore, #tpu.memory_space<semaphore_mem>>) src(%arg7 : memref<104x128xf32, #tpu.memory_space<vmem>>) dst(%dma_wait3A_46 : memref<104x128xf32, #tpu.memory_space<vmem_shared>>)
        tpu.yield
      }) : () -> ()
      %add3A_35 = arith.constant 208 : i32
      %add3A_36 = arith.addi %mul3A_6, %add3A_35 : i32
      "tpu.region"() ({
        %run_scoped3A = tpu.sem_alloc : memref<!tpu.dma_semaphore, #tpu.memory_space<semaphore_mem>>
        %dma_start3A = arith.constant 0 : i32
        %dma_start3A_41 = tpu.memref_slice %arg8[%add3A_36, %dma_start3A] : memref<10000x128xf32, #tpu.memory_space<vmem_shared>> -> memref<104x128xf32, #tpu.memory_space<vmem_shared>>
        %dma_start3A_42 = arith.constant 0 : i32
        %dma_start3A_43 = tpu.memref_slice %arg8[%add3A_36, %dma_start3A_42] : memref<10000x128xf32, #tpu.memory_space<vmem_shared>> -> memref<104x128xf32, #tpu.memory_space<vmem_shared>>
        tpu.enqueue_dma source(%arg7 : memref<104x128xf32, #tpu.memory_space<vmem>>) target(%dma_start3A_43 : memref<104x128xf32, #tpu.memory_space<vmem_shared>>) target_semaphore(%run_scoped3A : memref<!tpu.dma_semaphore, #tpu.memory_space<semaphore_mem>>)
        %dma_wait3A = arith.constant 0 : i32
        %dma_wait3A_44 = tpu.memref_slice %arg8[%add3A_36, %dma_wait3A] : memref<10000x128xf32, #tpu.memory_space<vmem_shared>> -> memref<104x128xf32, #tpu.memory_space<vmem_shared>>
        %dma_wait3A_45 = arith.constant 0 : i32
        %dma_wait3A_46 = tpu.memref_slice %arg8[%add3A_36, %dma_wait3A_45] : memref<10000x128xf32, #tpu.memory_space<vmem_shared>> -> memref<104x128xf32, #tpu.memory_space<vmem_shared>>
        tpu.wait_dma2 semaphore(%run_scoped3A : memref<!tpu.dma_semaphore, #tpu.memory_space<semaphore_mem>>) src(%arg7 : memref<104x128xf32, #tpu.memory_space<vmem>>) dst(%dma_wait3A_46 : memref<104x128xf32, #tpu.memory_space<vmem_shared>>)
        tpu.yield
      }) : () -> ()
      %add3A_37 = arith.constant 312 : i32
      %add3A_38 = arith.addi %mul3A_6, %add3A_37 : i32
      "tpu.region"() ({
        %run_scoped3A = tpu.sem_alloc : memref<!tpu.dma_semaphore, #tpu.memory_space<semaphore_mem>>
        %dma_start3A = arith.constant 0 : i32
        %dma_start3A_41 = tpu.memref_slice %arg8[%add3A_38, %dma_start3A] : memref<10000x128xf32, #tpu.memory_space<vmem_shared>> -> memref<104x128xf32, #tpu.memory_space<vmem_shared>>
        %dma_start3A_42 = arith.constant 0 : i32
        %dma_start3A_43 = tpu.memref_slice %arg8[%add3A_38, %dma_start3A_42] : memref<10000x128xf32, #tpu.memory_space<vmem_shared>> -> memref<104x128xf32, #tpu.memory_space<vmem_shared>>
        tpu.enqueue_dma source(%arg7 : memref<104x128xf32, #tpu.memory_space<vmem>>) target(%dma_start3A_43 : memref<104x128xf32, #tpu.memory_space<vmem_shared>>) target_semaphore(%run_scoped3A : memref<!tpu.dma_semaphore, #tpu.memory_space<semaphore_mem>>)
        %dma_wait3A = arith.constant 0 : i32
        %dma_wait3A_44 = tpu.memref_slice %arg8[%add3A_38, %dma_wait3A] : memref<10000x128xf32, #tpu.memory_space<vmem_shared>> -> memref<104x128xf32, #tpu.memory_space<vmem_shared>>
        %dma_wait3A_45 = arith.constant 0 : i32
        %dma_wait3A_46 = tpu.memref_slice %arg8[%add3A_38, %dma_wait3A_45] : memref<10000x128xf32, #tpu.memory_space<vmem_shared>> -> memref<104x128xf32, #tpu.memory_space<vmem_shared>>
        tpu.wait_dma2 semaphore(%run_scoped3A : memref<!tpu.dma_semaphore, #tpu.memory_space<semaphore_mem>>) src(%arg7 : memref<104x128xf32, #tpu.memory_space<vmem>>) dst(%dma_wait3A_46 : memref<104x128xf32, #tpu.memory_space<vmem_shared>>)
        tpu.yield
      }) : () -> ()
      %add3A_39 = arith.constant 416 : i32
      %add3A_40 = arith.addi %mul3A_6, %add3A_39 : i32
      "tpu.region"() ({
        %run_scoped3A = tpu.sem_alloc : memref<!tpu.dma_semaphore, #tpu.memory_space<semaphore_mem>>
        %dma_start3A = arith.constant 0 : i32
        %dma_start3A_41 = tpu.memref_slice %arg8[%add3A_40, %dma_start3A] : memref<10000x128xf32, #tpu.memory_space<vmem_shared>> -> memref<104x128xf32, #tpu.memory_space<vmem_shared>>
        %dma_start3A_42 = arith.constant 0 : i32
        %dma_start3A_43 = tpu.memref_slice %arg8[%add3A_40, %dma_start3A_42] : memref<10000x128xf32, #tpu.memory_space<vmem_shared>> -> memref<104x128xf32, #tpu.memory_space<vmem_shared>>
        tpu.enqueue_dma source(%arg7 : memref<104x128xf32, #tpu.memory_space<vmem>>) target(%dma_start3A_43 : memref<104x128xf32, #tpu.memory_space<vmem_shared>>) target_semaphore(%run_scoped3A : memref<!tpu.dma_semaphore, #tpu.memory_space<semaphore_mem>>)
        %dma_wait3A = arith.constant 0 : i32
        %dma_wait3A_44 = tpu.memref_slice %arg8[%add3A_40, %dma_wait3A] : memref<10000x128xf32, #tpu.memory_space<vmem_shared>> -> memref<104x128xf32, #tpu.memory_space<vmem_shared>>
        %dma_wait3A_45 = arith.constant 0 : i32
        %dma_wait3A_46 = tpu.memref_slice %arg8[%add3A_40, %dma_wait3A_45] : memref<10000x128xf32, #tpu.memory_space<vmem_shared>> -> memref<104x128xf32, #tpu.memory_space<vmem_shared>>
        tpu.wait_dma2 semaphore(%run_scoped3A : memref<!tpu.dma_semaphore, #tpu.memory_space<semaphore_mem>>) src(%arg7 : memref<104x128xf32, #tpu.memory_space<vmem>>) dst(%dma_wait3A_46 : memref<104x128xf32, #tpu.memory_space<vmem_shared>>)
        tpu.yield
      }) : () -> ()
    } else {
    }
    %barrier3A = arith.constant 0 : index
    tpu.barrier barrier_id(%barrier3A)
    "tpu.region"() ({
      %run_scoped3A = tpu.sem_alloc : memref<!tpu.dma_semaphore, #tpu.memory_space<semaphore_mem>>
      %dma_start3A = arith.constant 0 : i32
      %dma_start3A_31 = arith.constant 0 : i32
      %dma_start3A_32 = tpu.memref_slice %arg3[%arg1, %dma_start3A, %dma_start3A_31] : memref<16x256x128xf32, #tpu.memory_space<hbm>> -> memref<1x128x128xf32, #tpu.memory_space<hbm>>
      %dma_start3A_33 = tpu.memref_squeeze %dma_start3A_32 : memref<1x128x128xf32, #tpu.memory_space<hbm>> -> memref<128x128xf32, #tpu.memory_space<hbm>>
      %dma_start3A_34 = arith.constant 0 : i32
      %dma_start3A_35 = arith.constant 0 : i32
      %dma_start3A_36 = tpu.memref_slice %arg3[%arg1, %dma_start3A_34, %dma_start3A_35] : memref<16x256x128xf32, #tpu.memory_space<hbm>> -> memref<1x128x128xf32, #tpu.memory_space<hbm>>
      %dma_start3A_37 = tpu.memref_squeeze %dma_start3A_36 : memref<1x128x128xf32, #tpu.memory_space<hbm>> -> memref<128x128xf32, #tpu.memory_space<hbm>>
      tpu.enqueue_dma source(%dma_start3A_37 : memref<128x128xf32, #tpu.memory_space<hbm>>) target(%arg6 : memref<128x128xf32, #tpu.memory_space<vmem>>) target_semaphore(%run_scoped3A : memref<!tpu.dma_semaphore, #tpu.memory_space<semaphore_mem>>)
      %dma_wait3A = arith.constant 0 : i32
      %dma_wait3A_38 = arith.constant 0 : i32
      %dma_wait3A_39 = tpu.memref_slice %arg3[%arg1, %dma_wait3A, %dma_wait3A_38] : memref<16x256x128xf32, #tpu.memory_space<hbm>> -> memref<1x128x128xf32, #tpu.memory_space<hbm>>
      %dma_wait3A_40 = tpu.memref_squeeze %dma_wait3A_39 : memref<1x128x128xf32, #tpu.memory_space<hbm>> -> memref<128x128xf32, #tpu.memory_space<hbm>>
      %dma_wait3A_41 = arith.constant 0 : i32
      %dma_wait3A_42 = arith.constant 0 : i32
      %dma_wait3A_43 = tpu.memref_slice %arg3[%arg1, %dma_wait3A_41, %dma_wait3A_42] : memref<16x256x128xf32, #tpu.memory_space<hbm>> -> memref<1x128x128xf32, #tpu.memory_space<hbm>>
      %dma_wait3A_44 = tpu.memref_squeeze %dma_wait3A_43 : memref<1x128x128xf32, #tpu.memory_space<hbm>> -> memref<128x128xf32, #tpu.memory_space<hbm>>
      tpu.wait_dma2 semaphore(%run_scoped3A : memref<!tpu.dma_semaphore, #tpu.memory_space<semaphore_mem>>) src(%dma_wait3A_44 : memref<128x128xf32, #tpu.memory_space<hbm>>) dst(%arg6 : memref<128x128xf32, #tpu.memory_space<vmem>>)
      tpu.yield
    }) : () -> ()
    %mul3A_13 = arith.constant 2 : i32
    %mul3A_14 = arith.muli %arg0, %mul3A_13 : i32
    %add3A = arith.constant 0 : i32
    %add3A_15 = arith.addi %mul3A_14, %add3A : i32
    "tpu.region"() ({
      %run_scoped3A = tpu.sem_alloc : memref<!tpu.dma_semaphore, #tpu.memory_space<semaphore_mem>>
      %dma_start3A = arith.constant 0 : i32
      %dma_start3A_31 = tpu.memref_slice %arg5[%add3A_15, %dma_start3A] : memref<4x128xi32, #tpu.memory_space<vmem>> -> memref<1x128xi32, #tpu.memory_space<vmem>>
      %dma_start3A_32 = tpu.memref_squeeze %dma_start3A_31 : memref<1x128xi32, #tpu.memory_space<vmem>> -> memref<128xi32, #tpu.memory_space<vmem>>
      %dma_start3A_33 = arith.constant 0 : i32
      %dma_start3A_34 = arith.constant 0 : i32
      %dma_start3A_35 = tpu.memref_slice %arg8[%dma_start3A_33, %dma_start3A_34] : memref<10000x128xf32, #tpu.memory_space<vmem_shared>> -> memref<10000x128xf32, #tpu.memory_space<vmem_shared>>
      tpu.enqueue_indirect_dma source(%arg6 : memref<128x128xf32, #tpu.memory_space<vmem>>) target(%dma_start3A_35 : memref<10000x128xf32, #tpu.memory_space<vmem_shared>>) offsets(%dma_start3A_32 : memref<128xi32, #tpu.memory_space<vmem>>) semaphore(%run_scoped3A : memref<!tpu.dma_semaphore, #tpu.memory_space<semaphore_mem>>) {add = true}
      %dma_wait3A = arith.constant 0 : i32
      %dma_wait3A_36 = tpu.memref_slice %arg5[%add3A_15, %dma_wait3A] : memref<4x128xi32, #tpu.memory_space<vmem>> -> memref<1x128xi32, #tpu.memory_space<vmem>>
      %dma_wait3A_37 = tpu.memref_squeeze %dma_wait3A_36 : memref<1x128xi32, #tpu.memory_space<vmem>> -> memref<128xi32, #tpu.memory_space<vmem>>
      %dma_wait3A_38 = arith.constant 0 : i32
      %dma_wait3A_39 = arith.constant 0 : i32
      %dma_wait3A_40 = tpu.memref_slice %arg8[%dma_wait3A_38, %dma_wait3A_39] : memref<10000x128xf32, #tpu.memory_space<vmem_shared>> -> memref<10000x128xf32, #tpu.memory_space<vmem_shared>>
      tpu.wait_indirect_dma semaphore(%run_scoped3A : memref<!tpu.dma_semaphore, #tpu.memory_space<semaphore_mem>>) src(%arg6 : memref<128x128xf32, #tpu.memory_space<vmem>>) dst(%dma_wait3A_40 : memref<10000x128xf32, #tpu.memory_space<vmem_shared>>)
      tpu.yield
    }) : () -> ()
    "tpu.region"() ({
      %run_scoped3A = tpu.sem_alloc : memref<!tpu.dma_semaphore, #tpu.memory_space<semaphore_mem>>
      %dma_start3A = arith.constant 128 : i32
      %dma_start3A_31 = arith.constant 0 : i32
      %dma_start3A_32 = tpu.memref_slice %arg3[%arg1, %dma_start3A, %dma_start3A_31] : memref<16x256x128xf32, #tpu.memory_space<hbm>> -> memref<1x128x128xf32, #tpu.memory_space<hbm>>
      %dma_start3A_33 = tpu.memref_squeeze %dma_start3A_32 : memref<1x128x128xf32, #tpu.memory_space<hbm>> -> memref<128x128xf32, #tpu.memory_space<hbm>>
      %dma_start3A_34 = arith.constant 128 : i32
      %dma_start3A_35 = arith.constant 0 : i32
      %dma_start3A_36 = tpu.memref_slice %arg3[%arg1, %dma_start3A_34, %dma_start3A_35] : memref<16x256x128xf32, #tpu.memory_space<hbm>> -> memref<1x128x128xf32, #tpu.memory_space<hbm>>
      %dma_start3A_37 = tpu.memref_squeeze %dma_start3A_36 : memref<1x128x128xf32, #tpu.memory_space<hbm>> -> memref<128x128xf32, #tpu.memory_space<hbm>>
      tpu.enqueue_dma source(%dma_start3A_37 : memref<128x128xf32, #tpu.memory_space<hbm>>) target(%arg6 : memref<128x128xf32, #tpu.memory_space<vmem>>) target_semaphore(%run_scoped3A : memref<!tpu.dma_semaphore, #tpu.memory_space<semaphore_mem>>)
      %dma_wait3A = arith.constant 128 : i32
      %dma_wait3A_38 = arith.constant 0 : i32
      %dma_wait3A_39 = tpu.memref_slice %arg3[%arg1, %dma_wait3A, %dma_wait3A_38] : memref<16x256x128xf32, #tpu.memory_space<hbm>> -> memref<1x128x128xf32, #tpu.memory_space<hbm>>
      %dma_wait3A_40 = tpu.memref_squeeze %dma_wait3A_39 : memref<1x128x128xf32, #tpu.memory_space<hbm>> -> memref<128x128xf32, #tpu.memory_space<hbm>>
      %dma_wait3A_41 = arith.constant 128 : i32
      %dma_wait3A_42 = arith.constant 0 : i32
      %dma_wait3A_43 = tpu.memref_slice %arg3[%arg1, %dma_wait3A_41, %dma_wait3A_42] : memref<16x256x128xf32, #tpu.memory_space<hbm>> -> memref<1x128x128xf32, #tpu.memory_space<hbm>>
      %dma_wait3A_44 = tpu.memref_squeeze %dma_wait3A_43 : memref<1x128x128xf32, #tpu.memory_space<hbm>> -> memref<128x128xf32, #tpu.memory_space<hbm>>
      tpu.wait_dma2 semaphore(%run_scoped3A : memref<!tpu.dma_semaphore, #tpu.memory_space<semaphore_mem>>) src(%dma_wait3A_44 : memref<128x128xf32, #tpu.memory_space<hbm>>) dst(%arg6 : memref<128x128xf32, #tpu.memory_space<vmem>>)
      tpu.yield
    }) : () -> ()
    %mul3A_16 = arith.constant 2 : i32
    %mul3A_17 = arith.muli %arg0, %mul3A_16 : i32
    %add3A_18 = arith.constant 1 : i32
    %add3A_19 = arith.addi %mul3A_17, %add3A_18 : i32
    "tpu.region"() ({
      %run_scoped3A = tpu.sem_alloc : memref<!tpu.dma_semaphore, #tpu.memory_space<semaphore_mem>>
      %dma_start3A = arith.constant 0 : i32
      %dma_start3A_31 = tpu.memref_slice %arg5[%add3A_19, %dma_start3A] : memref<4x128xi32, #tpu.memory_space<vmem>> -> memref<1x128xi32, #tpu.memory_space<vmem>>
      %dma_start3A_32 = tpu.memref_squeeze %dma_start3A_31 : memref<1x128xi32, #tpu.memory_space<vmem>> -> memref<128xi32, #tpu.memory_space<vmem>>
      %dma_start3A_33 = arith.constant 0 : i32
      %dma_start3A_34 = arith.constant 0 : i32
      %dma_start3A_35 = tpu.memref_slice %arg8[%dma_start3A_33, %dma_start3A_34] : memref<10000x128xf32, #tpu.memory_space<vmem_shared>> -> memref<10000x128xf32, #tpu.memory_space<vmem_shared>>
      tpu.enqueue_indirect_dma source(%arg6 : memref<128x128xf32, #tpu.memory_space<vmem>>) target(%dma_start3A_35 : memref<10000x128xf32, #tpu.memory_space<vmem_shared>>) offsets(%dma_start3A_32 : memref<128xi32, #tpu.memory_space<vmem>>) semaphore(%run_scoped3A : memref<!tpu.dma_semaphore, #tpu.memory_space<semaphore_mem>>) {add = true}
      %dma_wait3A = arith.constant 0 : i32
      %dma_wait3A_36 = tpu.memref_slice %arg5[%add3A_19, %dma_wait3A] : memref<4x128xi32, #tpu.memory_space<vmem>> -> memref<1x128xi32, #tpu.memory_space<vmem>>
      %dma_wait3A_37 = tpu.memref_squeeze %dma_wait3A_36 : memref<1x128xi32, #tpu.memory_space<vmem>> -> memref<128xi32, #tpu.memory_space<vmem>>
      %dma_wait3A_38 = arith.constant 0 : i32
      %dma_wait3A_39 = arith.constant 0 : i32
      %dma_wait3A_40 = tpu.memref_slice %arg8[%dma_wait3A_38, %dma_wait3A_39] : memref<10000x128xf32, #tpu.memory_space<vmem_shared>> -> memref<10000x128xf32, #tpu.memory_space<vmem_shared>>
      tpu.wait_indirect_dma semaphore(%run_scoped3A : memref<!tpu.dma_semaphore, #tpu.memory_space<semaphore_mem>>) src(%arg6 : memref<128x128xf32, #tpu.memory_space<vmem>>) dst(%dma_wait3A_40 : memref<10000x128xf32, #tpu.memory_space<vmem_shared>>)
      tpu.yield
    }) : () -> ()
    %barrier3A_20 = arith.constant 0 : index
    tpu.barrier barrier_id(%barrier3A_20)
    %lt3A_21 = arith.constant 15 : i32
    %lt3A_22 = arith.cmpi slt, %arg1, %lt3A_21 : i32
    %convert_element_type3A_23 = arith.extui %lt3A_22 : i1 to i32
    %cond3A_24 = arith.constant 0 : i32
    %cond3A_25 = arith.cmpi ne, %convert_element_type3A_23, %cond3A_24 : i32
    scf.if %cond3A_25 {
      "tpu.region"() ({
        %run_scoped3A = tpu.sem_alloc : memref<!tpu.dma_semaphore, #tpu.memory_space<semaphore_mem>>
        %dma_start3A = arith.constant 0 : i32
        %dma_start3A_31 = tpu.memref_slice %arg4[%arg0, %mul3A_6, %dma_start3A] : memref<2x10000x128xf32, #tpu.memory_space<hbm>> -> memref<1x632x128xf32, #tpu.memory_space<hbm>>
        %dma_start3A_32 = tpu.memref_squeeze %dma_start3A_31 : memref<1x632x128xf32, #tpu.memory_space<hbm>> -> memref<632x128xf32, #tpu.memory_space<hbm>>
        %dma_start3A_33 = arith.constant 0 : i32
        %dma_start3A_34 = tpu.memref_slice %arg8[%mul3A_6, %dma_start3A_33] : memref<10000x128xf32, #tpu.memory_space<vmem_shared>> -> memref<632x128xf32, #tpu.memory_space<vmem_shared>>
        tpu.enqueue_dma source(%dma_start3A_34 : memref<632x128xf32, #tpu.memory_space<vmem_shared>>) target(%dma_start3A_32 : memref<632x128xf32, #tpu.memory_space<hbm>>) target_semaphore(%run_scoped3A : memref<!tpu.dma_semaphore, #tpu.memory_space<semaphore_mem>>)
        %dma_wait3A = arith.constant 0 : i32
        %dma_wait3A_35 = tpu.memref_slice %arg4[%arg0, %mul3A_6, %dma_wait3A] : memref<2x10000x128xf32, #tpu.memory_space<hbm>> -> memref<1x632x128xf32, #tpu.memory_space<hbm>>
        %dma_wait3A_36 = tpu.memref_squeeze %dma_wait3A_35 : memref<1x632x128xf32, #tpu.memory_space<hbm>> -> memref<632x128xf32, #tpu.memory_space<hbm>>
        %dma_wait3A_37 = arith.constant 0 : i32
        %dma_wait3A_38 = tpu.memref_slice %arg8[%mul3A_6, %dma_wait3A_37] : memref<10000x128xf32, #tpu.memory_space<vmem_shared>> -> memref<632x128xf32, #tpu.memory_space<vmem_shared>>
        tpu.wait_dma2 semaphore(%run_scoped3A : memref<!tpu.dma_semaphore, #tpu.memory_space<semaphore_mem>>) src(%dma_wait3A_38 : memref<632x128xf32, #tpu.memory_space<vmem_shared>>) dst(%dma_wait3A_36 : memref<632x128xf32, #tpu.memory_space<hbm>>)
        tpu.yield
      }) : () -> ()
    } else {
    }
    %eq3A_26 = arith.constant 15 : i32
    %eq3A_27 = arith.cmpi eq, %arg1, %eq3A_26 : i32
    %convert_element_type3A_28 = arith.extui %eq3A_27 : i1 to i32
    %cond3A_29 = arith.constant 0 : i32
    %cond3A_30 = arith.cmpi ne, %convert_element_type3A_28, %cond3A_29 : i32
    scf.if %cond3A_30 {
      "tpu.region"() ({
        %run_scoped3A = tpu.sem_alloc : memref<!tpu.dma_semaphore, #tpu.memory_space<semaphore_mem>>
        %dma_start3A = arith.constant 0 : i32
        %dma_start3A_31 = tpu.memref_slice %arg4[%arg0, %mul3A_6, %dma_start3A] : memref<2x10000x128xf32, #tpu.memory_space<hbm>> -> memref<1x520x128xf32, #tpu.memory_space<hbm>>
        %dma_start3A_32 = tpu.memref_squeeze %dma_start3A_31 : memref<1x520x128xf32, #tpu.memory_space<hbm>> -> memref<520x128xf32, #tpu.memory_space<hbm>>
        %dma_start3A_33 = arith.constant 0 : i32
        %dma_start3A_34 = tpu.memref_slice %arg8[%mul3A_6, %dma_start3A_33] : memref<10000x128xf32, #tpu.memory_space<vmem_shared>> -> memref<520x128xf32, #tpu.memory_space<vmem_shared>>
        tpu.enqueue_dma source(%dma_start3A_34 : memref<520x128xf32, #tpu.memory_space<vmem_shared>>) target(%dma_start3A_32 : memref<520x128xf32, #tpu.memory_space<hbm>>) target_semaphore(%run_scoped3A : memref<!tpu.dma_semaphore, #tpu.memory_space<semaphore_mem>>)
        %dma_wait3A = arith.constant 0 : i32
        %dma_wait3A_35 = tpu.memref_slice %arg4[%arg0, %mul3A_6, %dma_wait3A] : memref<2x10000x128xf32, #tpu.memory_space<hbm>> -> memref<1x520x128xf32, #tpu.memory_space<hbm>>
        %dma_wait3A_36 = tpu.memref_squeeze %dma_wait3A_35 : memref<1x520x128xf32, #tpu.memory_space<hbm>> -> memref<520x128xf32, #tpu.memory_space<hbm>>
        %dma_wait3A_37 = arith.constant 0 : i32
        %dma_wait3A_38 = tpu.memref_slice %arg8[%mul3A_6, %dma_wait3A_37] : memref<10000x128xf32, #tpu.memory_space<vmem_shared>> -> memref<520x128xf32, #tpu.memory_space<vmem_shared>>
        tpu.wait_dma2 semaphore(%run_scoped3A : memref<!tpu.dma_semaphore, #tpu.memory_space<semaphore_mem>>) src(%dma_wait3A_38 : memref<520x128xf32, #tpu.memory_space<vmem_shared>>) dst(%dma_wait3A_36 : memref<520x128xf32, #tpu.memory_space<hbm>>)
        tpu.yield
      }) : () -> ()
    } else {
    }
    return
  }
}

#map = affine_map<(d0, d1) -> (0)>
#map1 = affine_map<(d0, d1) -> (0, 0)>
module attributes {stable_mosaic.version = 14 : i64} {
  func.func @_edge_logits_body(%arg0: i32, %arg1: i32, %arg2: memref<10000xf32, #tpu.memory_space<hbm>>, %arg3: memref<10000xf32, #tpu.memory_space<hbm>>, %arg4: memref<160000xi32, #tpu.memory_space<hbm>>, %arg5: memref<160000xi32, #tpu.memory_space<hbm>>, %arg6: memref<16xf32, #tpu.memory_space<hbm>>, %arg7: memref<160000xf32, #tpu.memory_space<hbm>>, %arg8: memref<32x10000xf32, #tpu.memory_space<hbm>>, %arg9: memref<10000xf32, #tpu.memory_space<vmem>>, %arg10: memref<10000xf32, #tpu.memory_space<vmem>>, %arg11: memref<5008xi32, #tpu.memory_space<vmem>>, %arg12: memref<5008xi32, #tpu.memory_space<vmem>>, %arg13: memref<5008xf32, #tpu.memory_space<vmem>>, %arg14: memref<10000xf32, #tpu.memory_space<vmem>>, %arg15: memref<16xf32, #tpu.memory_space<vmem>>) attributes {dimension_semantics = [#tpu.dimension_semantics<core_parallel>, #tpu.dimension_semantics<subcore_parallel>], iteration_bounds = array<i64: 2, 16>, scalar_prefetch = 0 : i64, scratch_operands = 7 : i64, tpu.core_type = #tpu.core_type<sc_vector_subcore>, window_params = [{transform_indices = #map}, {transform_indices = #map}, {transform_indices = #map}, {transform_indices = #map}, {transform_indices = #map}, {transform_indices = #map}, {transform_indices = #map1}]} {
    %mul3A = arith.constant 2 : i32
    %mul3A_0 = arith.muli %arg1, %mul3A : i32
    %add3A = arith.addi %mul3A_0, %arg0 : i32
    %mul3A_1 = arith.constant 5000 : i32
    %mul3A_2 = arith.muli %add3A, %mul3A_1 : i32
    "tpu.region"() ({
      %run_scoped3A = tpu.sem_alloc : memref<!tpu.dma_semaphore, #tpu.memory_space<semaphore_mem>>
      tpu.enqueue_dma source(%arg2 : memref<10000xf32, #tpu.memory_space<hbm>>) target(%arg9 : memref<10000xf32, #tpu.memory_space<vmem>>) target_semaphore(%run_scoped3A : memref<!tpu.dma_semaphore, #tpu.memory_space<semaphore_mem>>)
      tpu.wait_dma2 semaphore(%run_scoped3A : memref<!tpu.dma_semaphore, #tpu.memory_space<semaphore_mem>>) src(%arg2 : memref<10000xf32, #tpu.memory_space<hbm>>) dst(%arg9 : memref<10000xf32, #tpu.memory_space<vmem>>)
      tpu.yield
    }) : () -> ()
    "tpu.region"() ({
      %run_scoped3A = tpu.sem_alloc : memref<!tpu.dma_semaphore, #tpu.memory_space<semaphore_mem>>
      tpu.enqueue_dma source(%arg3 : memref<10000xf32, #tpu.memory_space<hbm>>) target(%arg10 : memref<10000xf32, #tpu.memory_space<vmem>>) target_semaphore(%run_scoped3A : memref<!tpu.dma_semaphore, #tpu.memory_space<semaphore_mem>>)
      tpu.wait_dma2 semaphore(%run_scoped3A : memref<!tpu.dma_semaphore, #tpu.memory_space<semaphore_mem>>) src(%arg3 : memref<10000xf32, #tpu.memory_space<hbm>>) dst(%arg10 : memref<10000xf32, #tpu.memory_space<vmem>>)
      tpu.yield
    }) : () -> ()
    "tpu.region"() ({
      %run_scoped3A = tpu.sem_alloc : memref<!tpu.dma_semaphore, #tpu.memory_space<semaphore_mem>>
      %dma_start3A = arith.constant 0 : i32
      %dma_start3A_35 = tpu.memref_slice %arg11[%dma_start3A] : memref<5008xi32, #tpu.memory_space<vmem>> -> memref<5000xi32, #tpu.memory_space<vmem>>
      %dma_start3A_36 = tpu.memref_slice %arg4[%mul3A_2] : memref<160000xi32, #tpu.memory_space<hbm>> -> memref<5000xi32, #tpu.memory_space<hbm>>
      %dma_start3A_37 = arith.constant 0 : i32
      %dma_start3A_38 = tpu.memref_slice %arg11[%dma_start3A_37] : memref<5008xi32, #tpu.memory_space<vmem>> -> memref<5000xi32, #tpu.memory_space<vmem>>
      %dma_start3A_39 = tpu.memref_slice %arg4[%mul3A_2] : memref<160000xi32, #tpu.memory_space<hbm>> -> memref<5000xi32, #tpu.memory_space<hbm>>
      tpu.enqueue_dma source(%dma_start3A_39 : memref<5000xi32, #tpu.memory_space<hbm>>) target(%dma_start3A_38 : memref<5000xi32, #tpu.memory_space<vmem>>) target_semaphore(%run_scoped3A : memref<!tpu.dma_semaphore, #tpu.memory_space<semaphore_mem>>)
      %dma_wait3A = arith.constant 0 : i32
      %dma_wait3A_40 = tpu.memref_slice %arg11[%dma_wait3A] : memref<5008xi32, #tpu.memory_space<vmem>> -> memref<5000xi32, #tpu.memory_space<vmem>>
      %dma_wait3A_41 = tpu.memref_slice %arg4[%mul3A_2] : memref<160000xi32, #tpu.memory_space<hbm>> -> memref<5000xi32, #tpu.memory_space<hbm>>
      %dma_wait3A_42 = arith.constant 0 : i32
      %dma_wait3A_43 = tpu.memref_slice %arg11[%dma_wait3A_42] : memref<5008xi32, #tpu.memory_space<vmem>> -> memref<5000xi32, #tpu.memory_space<vmem>>
      %dma_wait3A_44 = tpu.memref_slice %arg4[%mul3A_2] : memref<160000xi32, #tpu.memory_space<hbm>> -> memref<5000xi32, #tpu.memory_space<hbm>>
      tpu.wait_dma2 semaphore(%run_scoped3A : memref<!tpu.dma_semaphore, #tpu.memory_space<semaphore_mem>>) src(%dma_wait3A_44 : memref<5000xi32, #tpu.memory_space<hbm>>) dst(%dma_wait3A_43 : memref<5000xi32, #tpu.memory_space<vmem>>)
      tpu.yield
    }) : () -> ()
    "tpu.region"() ({
      %run_scoped3A = tpu.sem_alloc : memref<!tpu.dma_semaphore, #tpu.memory_space<semaphore_mem>>
      %dma_start3A = arith.constant 0 : i32
      %dma_start3A_35 = tpu.memref_slice %arg12[%dma_start3A] : memref<5008xi32, #tpu.memory_space<vmem>> -> memref<5000xi32, #tpu.memory_space<vmem>>
      %dma_start3A_36 = tpu.memref_slice %arg5[%mul3A_2] : memref<160000xi32, #tpu.memory_space<hbm>> -> memref<5000xi32, #tpu.memory_space<hbm>>
      %dma_start3A_37 = arith.constant 0 : i32
      %dma_start3A_38 = tpu.memref_slice %arg12[%dma_start3A_37] : memref<5008xi32, #tpu.memory_space<vmem>> -> memref<5000xi32, #tpu.memory_space<vmem>>
      %dma_start3A_39 = tpu.memref_slice %arg5[%mul3A_2] : memref<160000xi32, #tpu.memory_space<hbm>> -> memref<5000xi32, #tpu.memory_space<hbm>>
      tpu.enqueue_dma source(%dma_start3A_39 : memref<5000xi32, #tpu.memory_space<hbm>>) target(%dma_start3A_38 : memref<5000xi32, #tpu.memory_space<vmem>>) target_semaphore(%run_scoped3A : memref<!tpu.dma_semaphore, #tpu.memory_space<semaphore_mem>>)
      %dma_wait3A = arith.constant 0 : i32
      %dma_wait3A_40 = tpu.memref_slice %arg12[%dma_wait3A] : memref<5008xi32, #tpu.memory_space<vmem>> -> memref<5000xi32, #tpu.memory_space<vmem>>
      %dma_wait3A_41 = tpu.memref_slice %arg5[%mul3A_2] : memref<160000xi32, #tpu.memory_space<hbm>> -> memref<5000xi32, #tpu.memory_space<hbm>>
      %dma_wait3A_42 = arith.constant 0 : i32
      %dma_wait3A_43 = tpu.memref_slice %arg12[%dma_wait3A_42] : memref<5008xi32, #tpu.memory_space<vmem>> -> memref<5000xi32, #tpu.memory_space<vmem>>
      %dma_wait3A_44 = tpu.memref_slice %arg5[%mul3A_2] : memref<160000xi32, #tpu.memory_space<hbm>> -> memref<5000xi32, #tpu.memory_space<hbm>>
      tpu.wait_dma2 semaphore(%run_scoped3A : memref<!tpu.dma_semaphore, #tpu.memory_space<semaphore_mem>>) src(%dma_wait3A_44 : memref<5000xi32, #tpu.memory_space<hbm>>) dst(%dma_wait3A_43 : memref<5000xi32, #tpu.memory_space<vmem>>)
      tpu.yield
    }) : () -> ()
    "tpu.region"() ({
      %run_scoped3A = tpu.sem_alloc : memref<!tpu.dma_semaphore, #tpu.memory_space<semaphore_mem>>
      tpu.enqueue_dma source(%arg6 : memref<16xf32, #tpu.memory_space<hbm>>) target(%arg15 : memref<16xf32, #tpu.memory_space<vmem>>) target_semaphore(%run_scoped3A : memref<!tpu.dma_semaphore, #tpu.memory_space<semaphore_mem>>)
      tpu.wait_dma2 semaphore(%run_scoped3A : memref<!tpu.dma_semaphore, #tpu.memory_space<semaphore_mem>>) src(%arg6 : memref<16xf32, #tpu.memory_space<hbm>>) dst(%arg15 : memref<16xf32, #tpu.memory_space<vmem>>)
      tpu.yield
    }) : () -> ()
    %get3A = arith.constant 0 : index
    %get3A_3 = tpu.vector_load %arg15[%get3A] {strides = array<i32>} : memref<16xf32, #tpu.memory_space<vmem>>, vector<16xf32>,
    %broadcast_in_dim3A = arith.constant 0.000000e+00 : f32
    %broadcast_in_dim3A_4 = vector.broadcast %broadcast_in_dim3A : f32 to vector<16xf32>
    %scan3A = arith.constant 0 : i32
    %scan3A_5 = arith.constant 0 : i32
    %scan3A_6 = arith.constant 625 : i32
    %scan3A_7 = arith.addi %scan3A_5, %scan3A_6 : i32
    %scan3A_8 = arith.constant 1 : i32
    scf.for %scan3A_35 = %scan3A_5 to %scan3A_7 step %scan3A_8  : i32 {
      %mul3A_36 = arith.constant 16 : i32
      %mul3A_37 = arith.muli %scan3A_35, %mul3A_36 : i32
      %swap3A_38 = arith.index_cast %mul3A_37 : i32 to index
      %swap3A_39 = tpu.vector_load %arg14[%swap3A_38] {strides = array<i32>} : memref<10000xf32, #tpu.memory_space<vmem>>, vector<16xf32>,
      tpu.vector_store %arg14[%swap3A_38], %broadcast_in_dim3A_4 {strides = array<i32>} : memref<10000xf32, #tpu.memory_space<vmem>>, vector<16xf32>,
    }
    %scan3A_9 = arith.constant 625 : i32
    %iota3A = tpu.iota {dimensions = array<i32: 0>} : vector<16xi32>
    %scan3A_10 = arith.constant 0 : i32
    %scan3A_11 = arith.constant 0 : i32
    %scan3A_12 = arith.constant 312 : i32
    %scan3A_13 = arith.addi %scan3A_11, %scan3A_12 : i32
    %scan3A_14 = arith.constant 1 : i32
    scf.for %scan3A_35 = %scan3A_11 to %scan3A_13 step %scan3A_14  : i32 {
      %mul3A_36 = arith.constant 16 : i32
      %mul3A_37 = arith.muli %scan3A_35, %mul3A_36 : i32
      %get3A_38 = arith.index_cast %mul3A_37 : i32 to index
      %get3A_39 = tpu.vector_load %arg11[%get3A_38] {strides = array<i32>} : memref<5008xi32, #tpu.memory_space<vmem>>, vector<16xi32>,
      %get3A_40 = arith.index_cast %mul3A_37 : i32 to index
      %get3A_41 = tpu.vector_load %arg12[%get3A_40] {strides = array<i32>} : memref<5008xi32, #tpu.memory_space<vmem>>, vector<16xi32>,
      %gather3A_42 = tpu.vector_load_idx %arg9[%get3A_39] : memref<10000xf32, #tpu.memory_space<vmem>>[vector<16xi32>], vector<16xf32>,
      %gather3A_43 = tpu.vector_load_idx %arg10[%get3A_41] : memref<10000xf32, #tpu.memory_space<vmem>>[vector<16xi32>], vector<16xf32>,
      %add3A_44 = arith.addf %gather3A_42, %gather3A_43 : vector<16xf32>
      %ge3A_45 = arith.constant 0.000000e+00 : f32
      %ge3A_46 = vector.broadcast %ge3A_45 : f32 to vector<16xf32>
      %ge3A_47 = arith.cmpf oge, %add3A_44, %ge3A_46 : vector<16xf32>
      %mul3A_48 = arith.constant 2.000000e-01 : f32
      %mul3A_49 = vector.broadcast %mul3A_48 : f32 to vector<16xf32>
      %mul3A_50 = arith.mulf %mul3A_49, %add3A_44 : vector<16xf32>
      %select_n3A_51 = arith.select %ge3A_47, %add3A_44, %mul3A_50 : vector<16xi1>, vector<16xf32>
      %sub3A_52 = arith.subf %select_n3A_51, %get3A_3 : vector<16xf32>
      %exp3A_53 = math.exp %sub3A_52 : vector<16xf32>
      %swap3A_54 = arith.index_cast %mul3A_37 : i32 to index
      %swap3A_55 = tpu.vector_load %arg13[%swap3A_54] {strides = array<i32>} : memref<5008xf32, #tpu.memory_space<vmem>>, vector<16xf32>,
      tpu.vector_store %arg13[%swap3A_54], %exp3A_53 {strides = array<i32>} : memref<5008xf32, #tpu.memory_space<vmem>>, vector<16xf32>,
      tpu.vector_store_idx %arg14[%get3A_41], %exp3A_53 {add = true} : memref<10000xf32, #tpu.memory_space<vmem>>[vector<16xi32>], vector<16xf32>,
    }
    %scan3A_15 = arith.constant 312 : i32
    %lt3A = arith.constant 8 : i32
    %lt3A_16 = vector.broadcast %lt3A : i32 to vector<16xi32>
    %lt3A_17 = arith.cmpi slt, %iota3A, %lt3A_16 : vector<16xi32>
    %get3A_18 = arith.constant 4992 : index
    %get3A_19 = tpu.vector_load %arg11[%get3A_18] {strides = array<i32>} : memref<5008xi32, #tpu.memory_space<vmem>>, vector<16xi32>,
    %get3A_20 = arith.constant 4992 : index
    %get3A_21 = tpu.vector_load %arg12[%get3A_20] {strides = array<i32>} : memref<5008xi32, #tpu.memory_space<vmem>>, vector<16xi32>,
    %jit3A = arith.constant 0 : i32
    %broadcast_in_dim3A_22 = vector.broadcast %jit3A : i32 to vector<16xi32>
    %select_n3A = arith.select %lt3A_17, %get3A_19, %broadcast_in_dim3A_22 : vector<16xi1>, vector<16xi32>
    %jit3A_23 = arith.constant 0 : i32
    %broadcast_in_dim3A_24 = vector.broadcast %jit3A_23 : i32 to vector<16xi32>
    %select_n3A_25 = arith.select %lt3A_17, %get3A_21, %broadcast_in_dim3A_24 : vector<16xi1>, vector<16xi32>
    %gather3A = tpu.vector_load_idx %arg9[%select_n3A] : memref<10000xf32, #tpu.memory_space<vmem>>[vector<16xi32>], vector<16xf32>,
    %gather3A_26 = tpu.vector_load_idx %arg10[%select_n3A_25] : memref<10000xf32, #tpu.memory_space<vmem>>[vector<16xi32>], vector<16xf32>,
    %add3A_27 = arith.addf %gather3A, %gather3A_26 : vector<16xf32>
    %ge3A = arith.constant 0.000000e+00 : f32
    %ge3A_28 = vector.broadcast %ge3A : f32 to vector<16xf32>
    %ge3A_29 = arith.cmpf oge, %add3A_27, %ge3A_28 : vector<16xf32>
    %mul3A_30 = arith.constant 2.000000e-01 : f32
    %mul3A_31 = vector.broadcast %mul3A_30 : f32 to vector<16xf32>
    %mul3A_32 = arith.mulf %mul3A_31, %add3A_27 : vector<16xf32>
    %select_n3A_33 = arith.select %ge3A_29, %add3A_27, %mul3A_32 : vector<16xi1>, vector<16xf32>
    %sub3A = arith.subf %select_n3A_33, %get3A_3 : vector<16xf32>
    %exp3A = math.exp %sub3A : vector<16xf32>
    %swap3A = arith.constant 4992 : index
    %swap3A_34 = tpu.vector_load %arg13[%swap3A] {strides = array<i32>} : memref<5008xf32, #tpu.memory_space<vmem>>, vector<16xf32>,
    tpu.vector_store %arg13[%swap3A], %exp3A {strides = array<i32>} : memref<5008xf32, #tpu.memory_space<vmem>>, vector<16xf32>,
    tpu.vector_store_idx %arg14[%select_n3A_25], %exp3A masked %lt3A_17 {add = true} : memref<10000xf32, #tpu.memory_space<vmem>>[vector<16xi32>], vector<16xf32>, vector<16xi1>
    "tpu.region"() ({
      %run_scoped3A = tpu.sem_alloc : memref<!tpu.dma_semaphore, #tpu.memory_space<semaphore_mem>>
      %dma_start3A = arith.constant 0 : i32
      %dma_start3A_35 = tpu.memref_slice %arg13[%dma_start3A] : memref<5008xf32, #tpu.memory_space<vmem>> -> memref<5000xf32, #tpu.memory_space<vmem>>
      %dma_start3A_36 = tpu.memref_slice %arg7[%mul3A_2] : memref<160000xf32, #tpu.memory_space<hbm>> -> memref<5000xf32, #tpu.memory_space<hbm>>
      %dma_start3A_37 = tpu.memref_slice %arg7[%mul3A_2] : memref<160000xf32, #tpu.memory_space<hbm>> -> memref<5000xf32, #tpu.memory_space<hbm>>
      %dma_start3A_38 = arith.constant 0 : i32
      %dma_start3A_39 = tpu.memref_slice %arg13[%dma_start3A_38] : memref<5008xf32, #tpu.memory_space<vmem>> -> memref<5000xf32, #tpu.memory_space<vmem>>
      tpu.enqueue_dma source(%dma_start3A_39 : memref<5000xf32, #tpu.memory_space<vmem>>) target(%dma_start3A_37 : memref<5000xf32, #tpu.memory_space<hbm>>) target_semaphore(%run_scoped3A : memref<!tpu.dma_semaphore, #tpu.memory_space<semaphore_mem>>)
      %dma_wait3A = arith.constant 0 : i32
      %dma_wait3A_40 = tpu.memref_slice %arg13[%dma_wait3A] : memref<5008xf32, #tpu.memory_space<vmem>> -> memref<5000xf32, #tpu.memory_space<vmem>>
      %dma_wait3A_41 = tpu.memref_slice %arg7[%mul3A_2] : memref<160000xf32, #tpu.memory_space<hbm>> -> memref<5000xf32, #tpu.memory_space<hbm>>
      %dma_wait3A_42 = tpu.memref_slice %arg7[%mul3A_2] : memref<160000xf32, #tpu.memory_space<hbm>> -> memref<5000xf32, #tpu.memory_space<hbm>>
      %dma_wait3A_43 = arith.constant 0 : i32
      %dma_wait3A_44 = tpu.memref_slice %arg13[%dma_wait3A_43] : memref<5008xf32, #tpu.memory_space<vmem>> -> memref<5000xf32, #tpu.memory_space<vmem>>
      tpu.wait_dma2 semaphore(%run_scoped3A : memref<!tpu.dma_semaphore, #tpu.memory_space<semaphore_mem>>) src(%dma_wait3A_44 : memref<5000xf32, #tpu.memory_space<vmem>>) dst(%dma_wait3A_42 : memref<5000xf32, #tpu.memory_space<hbm>>)
      tpu.yield
    }) : () -> ()
    "tpu.region"() ({
      %run_scoped3A = tpu.sem_alloc : memref<!tpu.dma_semaphore, #tpu.memory_space<semaphore_mem>>
      %dma_start3A = arith.constant 0 : i32
      %dma_start3A_35 = tpu.memref_slice %arg8[%add3A, %dma_start3A] : memref<32x10000xf32, #tpu.memory_space<hbm>> -> memref<1x10000xf32, #tpu.memory_space<hbm>>
      %dma_start3A_36 = tpu.memref_squeeze %dma_start3A_35 : memref<1x10000xf32, #tpu.memory_space<hbm>> -> memref<10000xf32, #tpu.memory_space<hbm>>
      %dma_start3A_37 = arith.constant 0 : i32
      %dma_start3A_38 = tpu.memref_slice %arg8[%add3A, %dma_start3A_37] : memref<32x10000xf32, #tpu.memory_space<hbm>> -> memref<1x10000xf32, #tpu.memory_space<hbm>>
      %dma_start3A_39 = tpu.memref_squeeze %dma_start3A_38 : memref<1x10000xf32, #tpu.memory_space<hbm>> -> memref<10000xf32, #tpu.memory_space<hbm>>
      tpu.enqueue_dma source(%arg14 : memref<10000xf32, #tpu.memory_space<vmem>>) target(%dma_start3A_39 : memref<10000xf32, #tpu.memory_space<hbm>>) target_semaphore(%run_scoped3A : memref<!tpu.dma_semaphore, #tpu.memory_space<semaphore_mem>>)
      %dma_wait3A = arith.constant 0 : i32
      %dma_wait3A_40 = tpu.memref_slice %arg8[%add3A, %dma_wait3A] : memref<32x10000xf32, #tpu.memory_space<hbm>> -> memref<1x10000xf32, #tpu.memory_space<hbm>>
      %dma_wait3A_41 = tpu.memref_squeeze %dma_wait3A_40 : memref<1x10000xf32, #tpu.memory_space<hbm>> -> memref<10000xf32, #tpu.memory_space<hbm>>
      %dma_wait3A_42 = arith.constant 0 : i32
      %dma_wait3A_43 = tpu.memref_slice %arg8[%add3A, %dma_wait3A_42] : memref<32x10000xf32, #tpu.memory_space<hbm>> -> memref<1x10000xf32, #tpu.memory_space<hbm>>
      %dma_wait3A_44 = tpu.memref_squeeze %dma_wait3A_43 : memref<1x10000xf32, #tpu.memory_space<hbm>> -> memref<10000xf32, #tpu.memory_space<hbm>>
      tpu.wait_dma2 semaphore(%run_scoped3A : memref<!tpu.dma_semaphore, #tpu.memory_space<semaphore_mem>>) src(%arg14 : memref<10000xf32, #tpu.memory_space<vmem>>) dst(%dma_wait3A_44 : memref<10000xf32, #tpu.memory_space<hbm>>)
      tpu.yield
    }) : () -> ()
    return
  }
}

#map = affine_map<(d0, d1) -> (0, 0, 0, 0)>
#map1 = affine_map<(d0, d1) -> (0, 0, 0)>
#map2 = affine_map<(d0, d1) -> (0)>
module attributes {stable_mosaic.version = 14 : i64} {
  func.func @_agg_body(%arg0: i32, %arg1: i32, %arg2: memref<16x125x2x80xi32, #tpu.memory_space<hbm>>, %arg3: memref<16x125x80xi32, #tpu.memory_space<hbm>>, %arg4: memref<10000xf32, #tpu.memory_space<hbm>>, %arg5: memref<2x10240x128xf32, #tpu.memory_space<hbm>>, %arg6: memref<2x10000x128xf32, #tpu.memory_space<hbm>>, %arg7: memref<10000xf32, #tpu.memory_space<vmem>>, %arg8: memref<125x80xi32, #tpu.memory_space<vmem>>, %arg9: memref<2x80xi32, #tpu.memory_space<vmem>>, %arg10: memref<80xf32, #tpu.memory_space<vmem>>, %arg11: memref<80x128xf32, #tpu.memory_space<vmem>>, %arg12: memref<10000x128xf32, #tpu.memory_space<vmem_shared>>, %arg13: memref<!tpu.dma_semaphore, #tpu.memory_space<semaphore_mem>>) attributes {dimension_semantics = [#tpu.dimension_semantics<core_parallel>, #tpu.dimension_semantics<subcore_parallel>], iteration_bounds = array<i64: 2, 16>, scalar_prefetch = 0 : i64, scratch_operands = 7 : i64, tpu.core_type = #tpu.core_type<sc_vector_subcore>, window_params = [{transform_indices = #map}, {transform_indices = #map1}, {transform_indices = #map2}, {transform_indices = #map1}, {transform_indices = #map1}]} {
    "tpu.region"() ({
      %run_scoped3A = tpu.sem_alloc : memref<!tpu.dma_semaphore, #tpu.memory_space<semaphore_mem>>
      tpu.enqueue_dma source(%arg4 : memref<10000xf32, #tpu.memory_space<hbm>>) target(%arg7 : memref<10000xf32, #tpu.memory_space<vmem>>) target_semaphore(%run_scoped3A : memref<!tpu.dma_semaphore, #tpu.memory_space<semaphore_mem>>)
      tpu.wait_dma2 semaphore(%run_scoped3A : memref<!tpu.dma_semaphore, #tpu.memory_space<semaphore_mem>>) src(%arg4 : memref<10000xf32, #tpu.memory_space<hbm>>) dst(%arg7 : memref<10000xf32, #tpu.memory_space<vmem>>)
      tpu.yield
    }) : () -> ()
    "tpu.region"() ({
      %run_scoped3A = tpu.sem_alloc : memref<!tpu.dma_semaphore, #tpu.memory_space<semaphore_mem>>
      %dma_start3A = arith.constant 0 : i32
      %dma_start3A_30 = arith.constant 0 : i32
      %dma_start3A_31 = tpu.memref_slice %arg3[%arg1, %dma_start3A, %dma_start3A_30] : memref<16x125x80xi32, #tpu.memory_space<hbm>> -> memref<1x125x80xi32, #tpu.memory_space<hbm>>
      %dma_start3A_32 = tpu.memref_squeeze %dma_start3A_31 : memref<1x125x80xi32, #tpu.memory_space<hbm>> -> memref<125x80xi32, #tpu.memory_space<hbm>>
      %dma_start3A_33 = arith.constant 0 : i32
      %dma_start3A_34 = arith.constant 0 : i32
      %dma_start3A_35 = tpu.memref_slice %arg3[%arg1, %dma_start3A_33, %dma_start3A_34] : memref<16x125x80xi32, #tpu.memory_space<hbm>> -> memref<1x125x80xi32, #tpu.memory_space<hbm>>
      %dma_start3A_36 = tpu.memref_squeeze %dma_start3A_35 : memref<1x125x80xi32, #tpu.memory_space<hbm>> -> memref<125x80xi32, #tpu.memory_space<hbm>>
      tpu.enqueue_dma source(%dma_start3A_36 : memref<125x80xi32, #tpu.memory_space<hbm>>) target(%arg8 : memref<125x80xi32, #tpu.memory_space<vmem>>) target_semaphore(%run_scoped3A : memref<!tpu.dma_semaphore, #tpu.memory_space<semaphore_mem>>)
      %dma_wait3A = arith.constant 0 : i32
      %dma_wait3A_37 = arith.constant 0 : i32
      %dma_wait3A_38 = tpu.memref_slice %arg3[%arg1, %dma_wait3A, %dma_wait3A_37] : memref<16x125x80xi32, #tpu.memory_space<hbm>> -> memref<1x125x80xi32, #tpu.memory_space<hbm>>
      %dma_wait3A_39 = tpu.memref_squeeze %dma_wait3A_38 : memref<1x125x80xi32, #tpu.memory_space<hbm>> -> memref<125x80xi32, #tpu.memory_space<hbm>>
      %dma_wait3A_40 = arith.constant 0 : i32
      %dma_wait3A_41 = arith.constant 0 : i32
      %dma_wait3A_42 = tpu.memref_slice %arg3[%arg1, %dma_wait3A_40, %dma_wait3A_41] : memref<16x125x80xi32, #tpu.memory_space<hbm>> -> memref<1x125x80xi32, #tpu.memory_space<hbm>>
      %dma_wait3A_43 = tpu.memref_squeeze %dma_wait3A_42 : memref<1x125x80xi32, #tpu.memory_space<hbm>> -> memref<125x80xi32, #tpu.memory_space<hbm>>
      tpu.wait_dma2 semaphore(%run_scoped3A : memref<!tpu.dma_semaphore, #tpu.memory_space<semaphore_mem>>) src(%dma_wait3A_43 : memref<125x80xi32, #tpu.memory_space<hbm>>) dst(%arg8 : memref<125x80xi32, #tpu.memory_space<vmem>>)
      tpu.yield
    }) : () -> ()
    %broadcast_in_dim3A = arith.constant 0.000000e+00 : f32
    %broadcast_in_dim3A_0 = vector.broadcast %broadcast_in_dim3A : f32 to vector<16xf32>
    %scan3A = arith.constant 0 : i32
    %scan3A_1 = arith.constant 0 : i32
    %scan3A_2 = arith.constant 80 : i32
    %scan3A_3 = arith.addi %scan3A_1, %scan3A_2 : i32
    %scan3A_4 = arith.constant 1 : i32
    scf.for %scan3A_30 = %scan3A_1 to %scan3A_3 step %scan3A_4  : i32 {
      %swap3A = arith.index_cast %scan3A_30 : i32 to index
      %swap3A_31 = arith.constant 0 : index
      %swap3A_32 = tpu.vector_load %arg11[%swap3A, %swap3A_31] {strides = array<i32>} : memref<80x128xf32, #tpu.memory_space<vmem>>, vector<16xf32>,
      tpu.vector_store %arg11[%swap3A, %swap3A_31], %broadcast_in_dim3A_0 {strides = array<i32>} : memref<80x128xf32, #tpu.memory_space<vmem>>, vector<16xf32>,
      %swap3A_33 = arith.index_cast %scan3A_30 : i32 to index
      %swap3A_34 = arith.constant 16 : index
      %swap3A_35 = tpu.vector_load %arg11[%swap3A_33, %swap3A_34] {strides = array<i32>} : memref<80x128xf32, #tpu.memory_space<vmem>>, vector<16xf32>,
      tpu.vector_store %arg11[%swap3A_33, %swap3A_34], %broadcast_in_dim3A_0 {strides = array<i32>} : memref<80x128xf32, #tpu.memory_space<vmem>>, vector<16xf32>,
      %swap3A_36 = arith.index_cast %scan3A_30 : i32 to index
      %swap3A_37 = arith.constant 32 : index
      %swap3A_38 = tpu.vector_load %arg11[%swap3A_36, %swap3A_37] {strides = array<i32>} : memref<80x128xf32, #tpu.memory_space<vmem>>, vector<16xf32>,
      tpu.vector_store %arg11[%swap3A_36, %swap3A_37], %broadcast_in_dim3A_0 {strides = array<i32>} : memref<80x128xf32, #tpu.memory_space<vmem>>, vector<16xf32>,
      %swap3A_39 = arith.index_cast %scan3A_30 : i32 to index
      %swap3A_40 = arith.constant 48 : index
      %swap3A_41 = tpu.vector_load %arg11[%swap3A_39, %swap3A_40] {strides = array<i32>} : memref<80x128xf32, #tpu.memory_space<vmem>>, vector<16xf32>,
      tpu.vector_store %arg11[%swap3A_39, %swap3A_40], %broadcast_in_dim3A_0 {strides = array<i32>} : memref<80x128xf32, #tpu.memory_space<vmem>>, vector<16xf32>,
      %swap3A_42 = arith.index_cast %scan3A_30 : i32 to index
      %swap3A_43 = arith.constant 64 : index
      %swap3A_44 = tpu.vector_load %arg11[%swap3A_42, %swap3A_43] {strides = array<i32>} : memref<80x128xf32, #tpu.memory_space<vmem>>, vector<16xf32>,
      tpu.vector_store %arg11[%swap3A_42, %swap3A_43], %broadcast_in_dim3A_0 {strides = array<i32>} : memref<80x128xf32, #tpu.memory_space<vmem>>, vector<16xf32>,
      %swap3A_45 = arith.index_cast %scan3A_30 : i32 to index
      %swap3A_46 = arith.constant 80 : index
      %swap3A_47 = tpu.vector_load %arg11[%swap3A_45, %swap3A_46] {strides = array<i32>} : memref<80x128xf32, #tpu.memory_space<vmem>>, vector<16xf32>,
      tpu.vector_store %arg11[%swap3A_45, %swap3A_46], %broadcast_in_dim3A_0 {strides = array<i32>} : memref<80x128xf32, #tpu.memory_space<vmem>>, vector<16xf32>,
      %swap3A_48 = arith.index_cast %scan3A_30 : i32 to index
      %swap3A_49 = arith.constant 96 : index
      %swap3A_50 = tpu.vector_load %arg11[%swap3A_48, %swap3A_49] {strides = array<i32>} : memref<80x128xf32, #tpu.memory_space<vmem>>, vector<16xf32>,
      tpu.vector_store %arg11[%swap3A_48, %swap3A_49], %broadcast_in_dim3A_0 {strides = array<i32>} : memref<80x128xf32, #tpu.memory_space<vmem>>, vector<16xf32>,
      %swap3A_51 = arith.index_cast %scan3A_30 : i32 to index
      %swap3A_52 = arith.constant 112 : index
      %swap3A_53 = tpu.vector_load %arg11[%swap3A_51, %swap3A_52] {strides = array<i32>} : memref<80x128xf32, #tpu.memory_space<vmem>>, vector<16xf32>,
      tpu.vector_store %arg11[%swap3A_51, %swap3A_52], %broadcast_in_dim3A_0 {strides = array<i32>} : memref<80x128xf32, #tpu.memory_space<vmem>>, vector<16xf32>,
    }
    %scan3A_5 = arith.constant 80 : i32
    %mul3A = arith.constant 632 : i32
    %mul3A_6 = arith.muli %arg1, %mul3A : i32
    %lt3A = arith.constant 15 : i32
    %lt3A_7 = arith.cmpi slt, %arg1, %lt3A : i32
    %convert_element_type3A = arith.extui %lt3A_7 : i1 to i32
    %cond3A = arith.constant 0 : i32
    %cond3A_8 = arith.cmpi ne, %convert_element_type3A, %cond3A : i32
    scf.if %cond3A_8 {
      %add3A = arith.constant 0 : i32
      %add3A_30 = arith.addi %mul3A_6, %add3A : i32
      "tpu.region"() ({
        %run_scoped3A = tpu.sem_alloc : memref<!tpu.dma_semaphore, #tpu.memory_space<semaphore_mem>>
        %dma_start3A = arith.constant 0 : i32
        %dma_start3A_45 = tpu.memref_slice %arg12[%add3A_30, %dma_start3A] : memref<10000x128xf32, #tpu.memory_space<vmem_shared>> -> memref<80x128xf32, #tpu.memory_space<vmem_shared>>
        %dma_start3A_46 = arith.constant 0 : i32
        %dma_start3A_47 = tpu.memref_slice %arg12[%add3A_30, %dma_start3A_46] : memref<10000x128xf32, #tpu.memory_space<vmem_shared>> -> memref<80x128xf32, #tpu.memory_space<vmem_shared>>
        tpu.enqueue_dma source(%arg11 : memref<80x128xf32, #tpu.memory_space<vmem>>) target(%dma_start3A_47 : memref<80x128xf32, #tpu.memory_space<vmem_shared>>) target_semaphore(%run_scoped3A : memref<!tpu.dma_semaphore, #tpu.memory_space<semaphore_mem>>)
        %dma_wait3A = arith.constant 0 : i32
        %dma_wait3A_48 = tpu.memref_slice %arg12[%add3A_30, %dma_wait3A] : memref<10000x128xf32, #tpu.memory_space<vmem_shared>> -> memref<80x128xf32, #tpu.memory_space<vmem_shared>>
        %dma_wait3A_49 = arith.constant 0 : i32
        %dma_wait3A_50 = tpu.memref_slice %arg12[%add3A_30, %dma_wait3A_49] : memref<10000x128xf32, #tpu.memory_space<vmem_shared>> -> memref<80x128xf32, #tpu.memory_space<vmem_shared>>
        tpu.wait_dma2 semaphore(%run_scoped3A : memref<!tpu.dma_semaphore, #tpu.memory_space<semaphore_mem>>) src(%arg11 : memref<80x128xf32, #tpu.memory_space<vmem>>) dst(%dma_wait3A_50 : memref<80x128xf32, #tpu.memory_space<vmem_shared>>)
        tpu.yield
      }) : () -> ()
      %add3A_31 = arith.constant 80 : i32
      %add3A_32 = arith.addi %mul3A_6, %add3A_31 : i32
      "tpu.region"() ({
        %run_scoped3A = tpu.sem_alloc : memref<!tpu.dma_semaphore, #tpu.memory_space<semaphore_mem>>
        %dma_start3A = arith.constant 0 : i32
        %dma_start3A_45 = tpu.memref_slice %arg12[%add3A_32, %dma_start3A] : memref<10000x128xf32, #tpu.memory_space<vmem_shared>> -> memref<80x128xf32, #tpu.memory_space<vmem_shared>>
        %dma_start3A_46 = arith.constant 0 : i32
        %dma_start3A_47 = tpu.memref_slice %arg12[%add3A_32, %dma_start3A_46] : memref<10000x128xf32, #tpu.memory_space<vmem_shared>> -> memref<80x128xf32, #tpu.memory_space<vmem_shared>>
        tpu.enqueue_dma source(%arg11 : memref<80x128xf32, #tpu.memory_space<vmem>>) target(%dma_start3A_47 : memref<80x128xf32, #tpu.memory_space<vmem_shared>>) target_semaphore(%run_scoped3A : memref<!tpu.dma_semaphore, #tpu.memory_space<semaphore_mem>>)
        %dma_wait3A = arith.constant 0 : i32
        %dma_wait3A_48 = tpu.memref_slice %arg12[%add3A_32, %dma_wait3A] : memref<10000x128xf32, #tpu.memory_space<vmem_shared>> -> memref<80x128xf32, #tpu.memory_space<vmem_shared>>
        %dma_wait3A_49 = arith.constant 0 : i32
        %dma_wait3A_50 = tpu.memref_slice %arg12[%add3A_32, %dma_wait3A_49] : memref<10000x128xf32, #tpu.memory_space<vmem_shared>> -> memref<80x128xf32, #tpu.memory_space<vmem_shared>>
        tpu.wait_dma2 semaphore(%run_scoped3A : memref<!tpu.dma_semaphore, #tpu.memory_space<semaphore_mem>>) src(%arg11 : memref<80x128xf32, #tpu.memory_space<vmem>>) dst(%dma_wait3A_50 : memref<80x128xf32, #tpu.memory_space<vmem_shared>>)
        tpu.yield
      }) : () -> ()
      %add3A_33 = arith.constant 160 : i32
      %add3A_34 = arith.addi %mul3A_6, %add3A_33 : i32
      "tpu.region"() ({
        %run_scoped3A = tpu.sem_alloc : memref<!tpu.dma_semaphore, #tpu.memory_space<semaphore_mem>>
        %dma_start3A = arith.constant 0 : i32
        %dma_start3A_45 = tpu.memref_slice %arg12[%add3A_34, %dma_start3A] : memref<10000x128xf32, #tpu.memory_space<vmem_shared>> -> memref<80x128xf32, #tpu.memory_space<vmem_shared>>
        %dma_start3A_46 = arith.constant 0 : i32
        %dma_start3A_47 = tpu.memref_slice %arg12[%add3A_34, %dma_start3A_46] : memref<10000x128xf32, #tpu.memory_space<vmem_shared>> -> memref<80x128xf32, #tpu.memory_space<vmem_shared>>
        tpu.enqueue_dma source(%arg11 : memref<80x128xf32, #tpu.memory_space<vmem>>) target(%dma_start3A_47 : memref<80x128xf32, #tpu.memory_space<vmem_shared>>) target_semaphore(%run_scoped3A : memref<!tpu.dma_semaphore, #tpu.memory_space<semaphore_mem>>)
        %dma_wait3A = arith.constant 0 : i32
        %dma_wait3A_48 = tpu.memref_slice %arg12[%add3A_34, %dma_wait3A] : memref<10000x128xf32, #tpu.memory_space<vmem_shared>> -> memref<80x128xf32, #tpu.memory_space<vmem_shared>>
        %dma_wait3A_49 = arith.constant 0 : i32
        %dma_wait3A_50 = tpu.memref_slice %arg12[%add3A_34, %dma_wait3A_49] : memref<10000x128xf32, #tpu.memory_space<vmem_shared>> -> memref<80x128xf32, #tpu.memory_space<vmem_shared>>
        tpu.wait_dma2 semaphore(%run_scoped3A : memref<!tpu.dma_semaphore, #tpu.memory_space<semaphore_mem>>) src(%arg11 : memref<80x128xf32, #tpu.memory_space<vmem>>) dst(%dma_wait3A_50 : memref<80x128xf32, #tpu.memory_space<vmem_shared>>)
        tpu.yield
      }) : () -> ()
      %add3A_35 = arith.constant 240 : i32
      %add3A_36 = arith.addi %mul3A_6, %add3A_35 : i32
      "tpu.region"() ({
        %run_scoped3A = tpu.sem_alloc : memref<!tpu.dma_semaphore, #tpu.memory_space<semaphore_mem>>
        %dma_start3A = arith.constant 0 : i32
        %dma_start3A_45 = tpu.memref_slice %arg12[%add3A_36, %dma_start3A] : memref<10000x128xf32, #tpu.memory_space<vmem_shared>> -> memref<80x128xf32, #tpu.memory_space<vmem_shared>>
        %dma_start3A_46 = arith.constant 0 : i32
        %dma_start3A_47 = tpu.memref_slice %arg12[%add3A_36, %dma_start3A_46] : memref<10000x128xf32, #tpu.memory_space<vmem_shared>> -> memref<80x128xf32, #tpu.memory_space<vmem_shared>>
        tpu.enqueue_dma source(%arg11 : memref<80x128xf32, #tpu.memory_space<vmem>>) target(%dma_start3A_47 : memref<80x128xf32, #tpu.memory_space<vmem_shared>>) target_semaphore(%run_scoped3A : memref<!tpu.dma_semaphore, #tpu.memory_space<semaphore_mem>>)
        %dma_wait3A = arith.constant 0 : i32
        %dma_wait3A_48 = tpu.memref_slice %arg12[%add3A_36, %dma_wait3A] : memref<10000x128xf32, #tpu.memory_space<vmem_shared>> -> memref<80x128xf32, #tpu.memory_space<vmem_shared>>
        %dma_wait3A_49 = arith.constant 0 : i32
        %dma_wait3A_50 = tpu.memref_slice %arg12[%add3A_36, %dma_wait3A_49] : memref<10000x128xf32, #tpu.memory_space<vmem_shared>> -> memref<80x128xf32, #tpu.memory_space<vmem_shared>>
        tpu.wait_dma2 semaphore(%run_scoped3A : memref<!tpu.dma_semaphore, #tpu.memory_space<semaphore_mem>>) src(%arg11 : memref<80x128xf32, #tpu.memory_space<vmem>>) dst(%dma_wait3A_50 : memref<80x128xf32, #tpu.memory_space<vmem_shared>>)
        tpu.yield
      }) : () -> ()
      %add3A_37 = arith.constant 320 : i32
      %add3A_38 = arith.addi %mul3A_6, %add3A_37 : i32
      "tpu.region"() ({
        %run_scoped3A = tpu.sem_alloc : memref<!tpu.dma_semaphore, #tpu.memory_space<semaphore_mem>>
        %dma_start3A = arith.constant 0 : i32
        %dma_start3A_45 = tpu.memref_slice %arg12[%add3A_38, %dma_start3A] : memref<10000x128xf32, #tpu.memory_space<vmem_shared>> -> memref<80x128xf32, #tpu.memory_space<vmem_shared>>
        %dma_start3A_46 = arith.constant 0 : i32
        %dma_start3A_47 = tpu.memref_slice %arg12[%add3A_38, %dma_start3A_46] : memref<10000x128xf32, #tpu.memory_space<vmem_shared>> -> memref<80x128xf32, #tpu.memory_space<vmem_shared>>
        tpu.enqueue_dma source(%arg11 : memref<80x128xf32, #tpu.memory_space<vmem>>) target(%dma_start3A_47 : memref<80x128xf32, #tpu.memory_space<vmem_shared>>) target_semaphore(%run_scoped3A : memref<!tpu.dma_semaphore, #tpu.memory_space<semaphore_mem>>)
        %dma_wait3A = arith.constant 0 : i32
        %dma_wait3A_48 = tpu.memref_slice %arg12[%add3A_38, %dma_wait3A] : memref<10000x128xf32, #tpu.memory_space<vmem_shared>> -> memref<80x128xf32, #tpu.memory_space<vmem_shared>>
        %dma_wait3A_49 = arith.constant 0 : i32
        %dma_wait3A_50 = tpu.memref_slice %arg12[%add3A_38, %dma_wait3A_49] : memref<10000x128xf32, #tpu.memory_space<vmem_shared>> -> memref<80x128xf32, #tpu.memory_space<vmem_shared>>
        tpu.wait_dma2 semaphore(%run_scoped3A : memref<!tpu.dma_semaphore, #tpu.memory_space<semaphore_mem>>) src(%arg11 : memref<80x128xf32, #tpu.memory_space<vmem>>) dst(%dma_wait3A_50 : memref<80x128xf32, #tpu.memory_space<vmem_shared>>)
        tpu.yield
      }) : () -> ()
      %add3A_39 = arith.constant 400 : i32
      %add3A_40 = arith.addi %mul3A_6, %add3A_39 : i32
      "tpu.region"() ({
        %run_scoped3A = tpu.sem_alloc : memref<!tpu.dma_semaphore, #tpu.memory_space<semaphore_mem>>
        %dma_start3A = arith.constant 0 : i32
        %dma_start3A_45 = tpu.memref_slice %arg12[%add3A_40, %dma_start3A] : memref<10000x128xf32, #tpu.memory_space<vmem_shared>> -> memref<80x128xf32, #tpu.memory_space<vmem_shared>>
        %dma_start3A_46 = arith.constant 0 : i32
        %dma_start3A_47 = tpu.memref_slice %arg12[%add3A_40, %dma_start3A_46] : memref<10000x128xf32, #tpu.memory_space<vmem_shared>> -> memref<80x128xf32, #tpu.memory_space<vmem_shared>>
        tpu.enqueue_dma source(%arg11 : memref<80x128xf32, #tpu.memory_space<vmem>>) target(%dma_start3A_47 : memref<80x128xf32, #tpu.memory_space<vmem_shared>>) target_semaphore(%run_scoped3A : memref<!tpu.dma_semaphore, #tpu.memory_space<semaphore_mem>>)
        %dma_wait3A = arith.constant 0 : i32
        %dma_wait3A_48 = tpu.memref_slice %arg12[%add3A_40, %dma_wait3A] : memref<10000x128xf32, #tpu.memory_space<vmem_shared>> -> memref<80x128xf32, #tpu.memory_space<vmem_shared>>
        %dma_wait3A_49 = arith.constant 0 : i32
        %dma_wait3A_50 = tpu.memref_slice %arg12[%add3A_40, %dma_wait3A_49] : memref<10000x128xf32, #tpu.memory_space<vmem_shared>> -> memref<80x128xf32, #tpu.memory_space<vmem_shared>>
        tpu.wait_dma2 semaphore(%run_scoped3A : memref<!tpu.dma_semaphore, #tpu.memory_space<semaphore_mem>>) src(%arg11 : memref<80x128xf32, #tpu.memory_space<vmem>>) dst(%dma_wait3A_50 : memref<80x128xf32, #tpu.memory_space<vmem_shared>>)
        tpu.yield
      }) : () -> ()
      %add3A_41 = arith.constant 480 : i32
      %add3A_42 = arith.addi %mul3A_6, %add3A_41 : i32
      "tpu.region"() ({
        %run_scoped3A = tpu.sem_alloc : memref<!tpu.dma_semaphore, #tpu.memory_space<semaphore_mem>>
        %dma_start3A = arith.constant 0 : i32
        %dma_start3A_45 = tpu.memref_slice %arg12[%add3A_42, %dma_start3A] : memref<10000x128xf32, #tpu.memory_space<vmem_shared>> -> memref<80x128xf32, #tpu.memory_space<vmem_shared>>
        %dma_start3A_46 = arith.constant 0 : i32
        %dma_start3A_47 = tpu.memref_slice %arg12[%add3A_42, %dma_start3A_46] : memref<10000x128xf32, #tpu.memory_space<vmem_shared>> -> memref<80x128xf32, #tpu.memory_space<vmem_shared>>
        tpu.enqueue_dma source(%arg11 : memref<80x128xf32, #tpu.memory_space<vmem>>) target(%dma_start3A_47 : memref<80x128xf32, #tpu.memory_space<vmem_shared>>) target_semaphore(%run_scoped3A : memref<!tpu.dma_semaphore, #tpu.memory_space<semaphore_mem>>)
        %dma_wait3A = arith.constant 0 : i32
        %dma_wait3A_48 = tpu.memref_slice %arg12[%add3A_42, %dma_wait3A] : memref<10000x128xf32, #tpu.memory_space<vmem_shared>> -> memref<80x128xf32, #tpu.memory_space<vmem_shared>>
        %dma_wait3A_49 = arith.constant 0 : i32
        %dma_wait3A_50 = tpu.memref_slice %arg12[%add3A_42, %dma_wait3A_49] : memref<10000x128xf32, #tpu.memory_space<vmem_shared>> -> memref<80x128xf32, #tpu.memory_space<vmem_shared>>
        tpu.wait_dma2 semaphore(%run_scoped3A : memref<!tpu.dma_semaphore, #tpu.memory_space<semaphore_mem>>) src(%arg11 : memref<80x128xf32, #tpu.memory_space<vmem>>) dst(%dma_wait3A_50 : memref<80x128xf32, #tpu.memory_space<vmem_shared>>)
        tpu.yield
      }) : () -> ()
      %add3A_43 = arith.constant 560 : i32
      %add3A_44 = arith.addi %mul3A_6, %add3A_43 : i32
      "tpu.region"() ({
        %run_scoped3A = tpu.sem_alloc : memref<!tpu.dma_semaphore, #tpu.memory_space<semaphore_mem>>
        %dma_start3A = arith.constant 0 : i32
        %dma_start3A_45 = arith.constant 0 : i32
        %dma_start3A_46 = tpu.memref_slice %arg11[%dma_start3A, %dma_start3A_45] : memref<80x128xf32, #tpu.memory_space<vmem>> -> memref<72x128xf32, #tpu.memory_space<vmem>>
        %dma_start3A_47 = arith.constant 0 : i32
        %dma_start3A_48 = tpu.memref_slice %arg12[%add3A_44, %dma_start3A_47] : memref<10000x128xf32, #tpu.memory_space<vmem_shared>> -> memref<72x128xf32, #tpu.memory_space<vmem_shared>>
        %dma_start3A_49 = arith.constant 0 : i32
        %dma_start3A_50 = tpu.memref_slice %arg12[%add3A_44, %dma_start3A_49] : memref<10000x128xf32, #tpu.memory_space<vmem_shared>> -> memref<72x128xf32, #tpu.memory_space<vmem_shared>>
        %dma_start3A_51 = arith.constant 0 : i32
        %dma_start3A_52 = arith.constant 0 : i32
        %dma_start3A_53 = tpu.memref_slice %arg11[%dma_start3A_51, %dma_start3A_52] : memref<80x128xf32, #tpu.memory_space<vmem>> -> memref<72x128xf32, #tpu.memory_space<vmem>>
        tpu.enqueue_dma source(%dma_start3A_53 : memref<72x128xf32, #tpu.memory_space<vmem>>) target(%dma_start3A_50 : memref<72x128xf32, #tpu.memory_space<vmem_shared>>) target_semaphore(%run_scoped3A : memref<!tpu.dma_semaphore, #tpu.memory_space<semaphore_mem>>)
        %dma_wait3A = arith.constant 0 : i32
        %dma_wait3A_54 = arith.constant 0 : i32
        %dma_wait3A_55 = tpu.memref_slice %arg11[%dma_wait3A, %dma_wait3A_54] : memref<80x128xf32, #tpu.memory_space<vmem>> -> memref<72x128xf32, #tpu.memory_space<vmem>>
        %dma_wait3A_56 = arith.constant 0 : i32
        %dma_wait3A_57 = tpu.memref_slice %arg12[%add3A_44, %dma_wait3A_56] : memref<10000x128xf32, #tpu.memory_space<vmem_shared>> -> memref<72x128xf32, #tpu.memory_space<vmem_shared>>
        %dma_wait3A_58 = arith.constant 0 : i32
        %dma_wait3A_59 = tpu.memref_slice %arg12[%add3A_44, %dma_wait3A_58] : memref<10000x128xf32, #tpu.memory_space<vmem_shared>> -> memref<72x128xf32, #tpu.memory_space<vmem_shared>>
        %dma_wait3A_60 = arith.constant 0 : i32
        %dma_wait3A_61 = arith.constant 0 : i32
        %dma_wait3A_62 = tpu.memref_slice %arg11[%dma_wait3A_60, %dma_wait3A_61] : memref<80x128xf32, #tpu.memory_space<vmem>> -> memref<72x128xf32, #tpu.memory_space<vmem>>
        tpu.wait_dma2 semaphore(%run_scoped3A : memref<!tpu.dma_semaphore, #tpu.memory_space<semaphore_mem>>) src(%dma_wait3A_62 : memref<72x128xf32, #tpu.memory_space<vmem>>) dst(%dma_wait3A_59 : memref<72x128xf32, #tpu.memory_space<vmem_shared>>)
        tpu.yield
      }) : () -> ()
    } else {
    }
    %eq3A = arith.constant 15 : i32
    %eq3A_9 = arith.cmpi eq, %arg1, %eq3A : i32
    %convert_element_type3A_10 = arith.extui %eq3A_9 : i1 to i32
    %cond3A_11 = arith.constant 0 : i32
    %cond3A_12 = arith.cmpi ne, %convert_element_type3A_10, %cond3A_11 : i32
    scf.if %cond3A_12 {
      %add3A = arith.constant 0 : i32
      %add3A_30 = arith.addi %mul3A_6, %add3A : i32
      "tpu.region"() ({
        %run_scoped3A = tpu.sem_alloc : memref<!tpu.dma_semaphore, #tpu.memory_space<semaphore_mem>>
        %dma_start3A = arith.constant 0 : i32
        %dma_start3A_43 = tpu.memref_slice %arg12[%add3A_30, %dma_start3A] : memref<10000x128xf32, #tpu.memory_space<vmem_shared>> -> memref<80x128xf32, #tpu.memory_space<vmem_shared>>
        %dma_start3A_44 = arith.constant 0 : i32
        %dma_start3A_45 = tpu.memref_slice %arg12[%add3A_30, %dma_start3A_44] : memref<10000x128xf32, #tpu.memory_space<vmem_shared>> -> memref<80x128xf32, #tpu.memory_space<vmem_shared>>
        tpu.enqueue_dma source(%arg11 : memref<80x128xf32, #tpu.memory_space<vmem>>) target(%dma_start3A_45 : memref<80x128xf32, #tpu.memory_space<vmem_shared>>) target_semaphore(%run_scoped3A : memref<!tpu.dma_semaphore, #tpu.memory_space<semaphore_mem>>)
        %dma_wait3A = arith.constant 0 : i32
        %dma_wait3A_46 = tpu.memref_slice %arg12[%add3A_30, %dma_wait3A] : memref<10000x128xf32, #tpu.memory_space<vmem_shared>> -> memref<80x128xf32, #tpu.memory_space<vmem_shared>>
        %dma_wait3A_47 = arith.constant 0 : i32
        %dma_wait3A_48 = tpu.memref_slice %arg12[%add3A_30, %dma_wait3A_47] : memref<10000x128xf32, #tpu.memory_space<vmem_shared>> -> memref<80x128xf32, #tpu.memory_space<vmem_shared>>
        tpu.wait_dma2 semaphore(%run_scoped3A : memref<!tpu.dma_semaphore, #tpu.memory_space<semaphore_mem>>) src(%arg11 : memref<80x128xf32, #tpu.memory_space<vmem>>) dst(%dma_wait3A_48 : memref<80x128xf32, #tpu.memory_space<vmem_shared>>)
        tpu.yield
      }) : () -> ()
      %add3A_31 = arith.constant 80 : i32
      %add3A_32 = arith.addi %mul3A_6, %add3A_31 : i32
      "tpu.region"() ({
        %run_scoped3A = tpu.sem_alloc : memref<!tpu.dma_semaphore, #tpu.memory_space<semaphore_mem>>
        %dma_start3A = arith.constant 0 : i32
        %dma_start3A_43 = tpu.memref_slice %arg12[%add3A_32, %dma_start3A] : memref<10000x128xf32, #tpu.memory_space<vmem_shared>> -> memref<80x128xf32, #tpu.memory_space<vmem_shared>>
        %dma_start3A_44 = arith.constant 0 : i32
        %dma_start3A_45 = tpu.memref_slice %arg12[%add3A_32, %dma_start3A_44] : memref<10000x128xf32, #tpu.memory_space<vmem_shared>> -> memref<80x128xf32, #tpu.memory_space<vmem_shared>>
        tpu.enqueue_dma source(%arg11 : memref<80x128xf32, #tpu.memory_space<vmem>>) target(%dma_start3A_45 : memref<80x128xf32, #tpu.memory_space<vmem_shared>>) target_semaphore(%run_scoped3A : memref<!tpu.dma_semaphore, #tpu.memory_space<semaphore_mem>>)
        %dma_wait3A = arith.constant 0 : i32
        %dma_wait3A_46 = tpu.memref_slice %arg12[%add3A_32, %dma_wait3A] : memref<10000x128xf32, #tpu.memory_space<vmem_shared>> -> memref<80x128xf32, #tpu.memory_space<vmem_shared>>
        %dma_wait3A_47 = arith.constant 0 : i32
        %dma_wait3A_48 = tpu.memref_slice %arg12[%add3A_32, %dma_wait3A_47] : memref<10000x128xf32, #tpu.memory_space<vmem_shared>> -> memref<80x128xf32, #tpu.memory_space<vmem_shared>>
        tpu.wait_dma2 semaphore(%run_scoped3A : memref<!tpu.dma_semaphore, #tpu.memory_space<semaphore_mem>>) src(%arg11 : memref<80x128xf32, #tpu.memory_space<vmem>>) dst(%dma_wait3A_48 : memref<80x128xf32, #tpu.memory_space<vmem_shared>>)
        tpu.yield
      }) : () -> ()
      %add3A_33 = arith.constant 160 : i32
      %add3A_34 = arith.addi %mul3A_6, %add3A_33 : i32
      "tpu.region"() ({
        %run_scoped3A = tpu.sem_alloc : memref<!tpu.dma_semaphore, #tpu.memory_space<semaphore_mem>>
        %dma_start3A = arith.constant 0 : i32
        %dma_start3A_43 = tpu.memref_slice %arg12[%add3A_34, %dma_start3A] : memref<10000x128xf32, #tpu.memory_space<vmem_shared>> -> memref<80x128xf32, #tpu.memory_space<vmem_shared>>
        %dma_start3A_44 = arith.constant 0 : i32
        %dma_start3A_45 = tpu.memref_slice %arg12[%add3A_34, %dma_start3A_44] : memref<10000x128xf32, #tpu.memory_space<vmem_shared>> -> memref<80x128xf32, #tpu.memory_space<vmem_shared>>
        tpu.enqueue_dma source(%arg11 : memref<80x128xf32, #tpu.memory_space<vmem>>) target(%dma_start3A_45 : memref<80x128xf32, #tpu.memory_space<vmem_shared>>) target_semaphore(%run_scoped3A : memref<!tpu.dma_semaphore, #tpu.memory_space<semaphore_mem>>)
        %dma_wait3A = arith.constant 0 : i32
        %dma_wait3A_46 = tpu.memref_slice %arg12[%add3A_34, %dma_wait3A] : memref<10000x128xf32, #tpu.memory_space<vmem_shared>> -> memref<80x128xf32, #tpu.memory_space<vmem_shared>>
        %dma_wait3A_47 = arith.constant 0 : i32
        %dma_wait3A_48 = tpu.memref_slice %arg12[%add3A_34, %dma_wait3A_47] : memref<10000x128xf32, #tpu.memory_space<vmem_shared>> -> memref<80x128xf32, #tpu.memory_space<vmem_shared>>
        tpu.wait_dma2 semaphore(%run_scoped3A : memref<!tpu.dma_semaphore, #tpu.memory_space<semaphore_mem>>) src(%arg11 : memref<80x128xf32, #tpu.memory_space<vmem>>) dst(%dma_wait3A_48 : memref<80x128xf32, #tpu.memory_space<vmem_shared>>)
        tpu.yield
      }) : () -> ()
      %add3A_35 = arith.constant 240 : i32
      %add3A_36 = arith.addi %mul3A_6, %add3A_35 : i32
      "tpu.region"() ({
        %run_scoped3A = tpu.sem_alloc : memref<!tpu.dma_semaphore, #tpu.memory_space<semaphore_mem>>
        %dma_start3A = arith.constant 0 : i32
        %dma_start3A_43 = tpu.memref_slice %arg12[%add3A_36, %dma_start3A] : memref<10000x128xf32, #tpu.memory_space<vmem_shared>> -> memref<80x128xf32, #tpu.memory_space<vmem_shared>>
        %dma_start3A_44 = arith.constant 0 : i32
        %dma_start3A_45 = tpu.memref_slice %arg12[%add3A_36, %dma_start3A_44] : memref<10000x128xf32, #tpu.memory_space<vmem_shared>> -> memref<80x128xf32, #tpu.memory_space<vmem_shared>>
        tpu.enqueue_dma source(%arg11 : memref<80x128xf32, #tpu.memory_space<vmem>>) target(%dma_start3A_45 : memref<80x128xf32, #tpu.memory_space<vmem_shared>>) target_semaphore(%run_scoped3A : memref<!tpu.dma_semaphore, #tpu.memory_space<semaphore_mem>>)
        %dma_wait3A = arith.constant 0 : i32
        %dma_wait3A_46 = tpu.memref_slice %arg12[%add3A_36, %dma_wait3A] : memref<10000x128xf32, #tpu.memory_space<vmem_shared>> -> memref<80x128xf32, #tpu.memory_space<vmem_shared>>
        %dma_wait3A_47 = arith.constant 0 : i32
        %dma_wait3A_48 = tpu.memref_slice %arg12[%add3A_36, %dma_wait3A_47] : memref<10000x128xf32, #tpu.memory_space<vmem_shared>> -> memref<80x128xf32, #tpu.memory_space<vmem_shared>>
        tpu.wait_dma2 semaphore(%run_scoped3A : memref<!tpu.dma_semaphore, #tpu.memory_space<semaphore_mem>>) src(%arg11 : memref<80x128xf32, #tpu.memory_space<vmem>>) dst(%dma_wait3A_48 : memref<80x128xf32, #tpu.memory_space<vmem_shared>>)
        tpu.yield
      }) : () -> ()
      %add3A_37 = arith.constant 320 : i32
      %add3A_38 = arith.addi %mul3A_6, %add3A_37 : i32
      "tpu.region"() ({
        %run_scoped3A = tpu.sem_alloc : memref<!tpu.dma_semaphore, #tpu.memory_space<semaphore_mem>>
        %dma_start3A = arith.constant 0 : i32
        %dma_start3A_43 = tpu.memref_slice %arg12[%add3A_38, %dma_start3A] : memref<10000x128xf32, #tpu.memory_space<vmem_shared>> -> memref<80x128xf32, #tpu.memory_space<vmem_shared>>
        %dma_start3A_44 = arith.constant 0 : i32
        %dma_start3A_45 = tpu.memref_slice %arg12[%add3A_38, %dma_start3A_44] : memref<10000x128xf32, #tpu.memory_space<vmem_shared>> -> memref<80x128xf32, #tpu.memory_space<vmem_shared>>
        tpu.enqueue_dma source(%arg11 : memref<80x128xf32, #tpu.memory_space<vmem>>) target(%dma_start3A_45 : memref<80x128xf32, #tpu.memory_space<vmem_shared>>) target_semaphore(%run_scoped3A : memref<!tpu.dma_semaphore, #tpu.memory_space<semaphore_mem>>)
        %dma_wait3A = arith.constant 0 : i32
        %dma_wait3A_46 = tpu.memref_slice %arg12[%add3A_38, %dma_wait3A] : memref<10000x128xf32, #tpu.memory_space<vmem_shared>> -> memref<80x128xf32, #tpu.memory_space<vmem_shared>>
        %dma_wait3A_47 = arith.constant 0 : i32
        %dma_wait3A_48 = tpu.memref_slice %arg12[%add3A_38, %dma_wait3A_47] : memref<10000x128xf32, #tpu.memory_space<vmem_shared>> -> memref<80x128xf32, #tpu.memory_space<vmem_shared>>
        tpu.wait_dma2 semaphore(%run_scoped3A : memref<!tpu.dma_semaphore, #tpu.memory_space<semaphore_mem>>) src(%arg11 : memref<80x128xf32, #tpu.memory_space<vmem>>) dst(%dma_wait3A_48 : memref<80x128xf32, #tpu.memory_space<vmem_shared>>)
        tpu.yield
      }) : () -> ()
      %add3A_39 = arith.constant 400 : i32
      %add3A_40 = arith.addi %mul3A_6, %add3A_39 : i32
      "tpu.region"() ({
        %run_scoped3A = tpu.sem_alloc : memref<!tpu.dma_semaphore, #tpu.memory_space<semaphore_mem>>
        %dma_start3A = arith.constant 0 : i32
        %dma_start3A_43 = tpu.memref_slice %arg12[%add3A_40, %dma_start3A] : memref<10000x128xf32, #tpu.memory_space<vmem_shared>> -> memref<80x128xf32, #tpu.memory_space<vmem_shared>>
        %dma_start3A_44 = arith.constant 0 : i32
        %dma_start3A_45 = tpu.memref_slice %arg12[%add3A_40, %dma_start3A_44] : memref<10000x128xf32, #tpu.memory_space<vmem_shared>> -> memref<80x128xf32, #tpu.memory_space<vmem_shared>>
        tpu.enqueue_dma source(%arg11 : memref<80x128xf32, #tpu.memory_space<vmem>>) target(%dma_start3A_45 : memref<80x128xf32, #tpu.memory_space<vmem_shared>>) target_semaphore(%run_scoped3A : memref<!tpu.dma_semaphore, #tpu.memory_space<semaphore_mem>>)
        %dma_wait3A = arith.constant 0 : i32
        %dma_wait3A_46 = tpu.memref_slice %arg12[%add3A_40, %dma_wait3A] : memref<10000x128xf32, #tpu.memory_space<vmem_shared>> -> memref<80x128xf32, #tpu.memory_space<vmem_shared>>
        %dma_wait3A_47 = arith.constant 0 : i32
        %dma_wait3A_48 = tpu.memref_slice %arg12[%add3A_40, %dma_wait3A_47] : memref<10000x128xf32, #tpu.memory_space<vmem_shared>> -> memref<80x128xf32, #tpu.memory_space<vmem_shared>>
        tpu.wait_dma2 semaphore(%run_scoped3A : memref<!tpu.dma_semaphore, #tpu.memory_space<semaphore_mem>>) src(%arg11 : memref<80x128xf32, #tpu.memory_space<vmem>>) dst(%dma_wait3A_48 : memref<80x128xf32, #tpu.memory_space<vmem_shared>>)
        tpu.yield
      }) : () -> ()
      %add3A_41 = arith.constant 480 : i32
      %add3A_42 = arith.addi %mul3A_6, %add3A_41 : i32
      "tpu.region"() ({
        %run_scoped3A = tpu.sem_alloc : memref<!tpu.dma_semaphore, #tpu.memory_space<semaphore_mem>>
        %dma_start3A = arith.constant 0 : i32
        %dma_start3A_43 = arith.constant 0 : i32
        %dma_start3A_44 = tpu.memref_slice %arg11[%dma_start3A, %dma_start3A_43] : memref<80x128xf32, #tpu.memory_space<vmem>> -> memref<40x128xf32, #tpu.memory_space<vmem>>
        %dma_start3A_45 = arith.constant 0 : i32
        %dma_start3A_46 = tpu.memref_slice %arg12[%add3A_42, %dma_start3A_45] : memref<10000x128xf32, #tpu.memory_space<vmem_shared>> -> memref<40x128xf32, #tpu.memory_space<vmem_shared>>
        %dma_start3A_47 = arith.constant 0 : i32
        %dma_start3A_48 = tpu.memref_slice %arg12[%add3A_42, %dma_start3A_47] : memref<10000x128xf32, #tpu.memory_space<vmem_shared>> -> memref<40x128xf32, #tpu.memory_space<vmem_shared>>
        %dma_start3A_49 = arith.constant 0 : i32
        %dma_start3A_50 = arith.constant 0 : i32
        %dma_start3A_51 = tpu.memref_slice %arg11[%dma_start3A_49, %dma_start3A_50] : memref<80x128xf32, #tpu.memory_space<vmem>> -> memref<40x128xf32, #tpu.memory_space<vmem>>
        tpu.enqueue_dma source(%dma_start3A_51 : memref<40x128xf32, #tpu.memory_space<vmem>>) target(%dma_start3A_48 : memref<40x128xf32, #tpu.memory_space<vmem_shared>>) target_semaphore(%run_scoped3A : memref<!tpu.dma_semaphore, #tpu.memory_space<semaphore_mem>>)
        %dma_wait3A = arith.constant 0 : i32
        %dma_wait3A_52 = arith.constant 0 : i32
        %dma_wait3A_53 = tpu.memref_slice %arg11[%dma_wait3A, %dma_wait3A_52] : memref<80x128xf32, #tpu.memory_space<vmem>> -> memref<40x128xf32, #tpu.memory_space<vmem>>
        %dma_wait3A_54 = arith.constant 0 : i32
        %dma_wait3A_55 = tpu.memref_slice %arg12[%add3A_42, %dma_wait3A_54] : memref<10000x128xf32, #tpu.memory_space<vmem_shared>> -> memref<40x128xf32, #tpu.memory_space<vmem_shared>>
        %dma_wait3A_56 = arith.constant 0 : i32
        %dma_wait3A_57 = tpu.memref_slice %arg12[%add3A_42, %dma_wait3A_56] : memref<10000x128xf32, #tpu.memory_space<vmem_shared>> -> memref<40x128xf32, #tpu.memory_space<vmem_shared>>
        %dma_wait3A_58 = arith.constant 0 : i32
        %dma_wait3A_59 = arith.constant 0 : i32
        %dma_wait3A_60 = tpu.memref_slice %arg11[%dma_wait3A_58, %dma_wait3A_59] : memref<80x128xf32, #tpu.memory_space<vmem>> -> memref<40x128xf32, #tpu.memory_space<vmem>>
        tpu.wait_dma2 semaphore(%run_scoped3A : memref<!tpu.dma_semaphore, #tpu.memory_space<semaphore_mem>>) src(%dma_wait3A_60 : memref<40x128xf32, #tpu.memory_space<vmem>>) dst(%dma_wait3A_57 : memref<40x128xf32, #tpu.memory_space<vmem_shared>>)
        tpu.yield
      }) : () -> ()
    } else {
    }
    %barrier3A = arith.constant 0 : index
    tpu.barrier barrier_id(%barrier3A)
    %scan3A_13 = arith.constant 0 : i32
    %scan3A_14 = arith.constant 0 : i32
    %scan3A_15 = arith.constant 125 : i32
    %scan3A_16 = arith.addi %scan3A_14, %scan3A_15 : i32
    %scan3A_17 = arith.constant 1 : i32
    scf.for %scan3A_30 = %scan3A_14 to %scan3A_16 step %scan3A_17  : i32 {
      "tpu.region"() ({
        %run_scoped3A = tpu.sem_alloc : memref<!tpu.dma_semaphore, #tpu.memory_space<semaphore_mem>>
        %dma_start3A_113 = arith.constant 0 : i32
        %dma_start3A_114 = arith.constant 0 : i32
        %dma_start3A_115 = tpu.memref_slice %arg2[%arg1, %scan3A_30, %dma_start3A_113, %dma_start3A_114] : memref<16x125x2x80xi32, #tpu.memory_space<hbm>> -> memref<1x1x2x80xi32, #tpu.memory_space<hbm>>
        %dma_start3A_116 = tpu.memref_squeeze %dma_start3A_115 : memref<1x1x2x80xi32, #tpu.memory_space<hbm>> -> memref<2x80xi32, #tpu.memory_space<hbm>>
        %dma_start3A_117 = arith.constant 0 : i32
        %dma_start3A_118 = arith.constant 0 : i32
        %dma_start3A_119 = tpu.memref_slice %arg2[%arg1, %scan3A_30, %dma_start3A_117, %dma_start3A_118] : memref<16x125x2x80xi32, #tpu.memory_space<hbm>> -> memref<1x1x2x80xi32, #tpu.memory_space<hbm>>
        %dma_start3A_120 = tpu.memref_squeeze %dma_start3A_119 : memref<1x1x2x80xi32, #tpu.memory_space<hbm>> -> memref<2x80xi32, #tpu.memory_space<hbm>>
        tpu.enqueue_dma source(%dma_start3A_120 : memref<2x80xi32, #tpu.memory_space<hbm>>) target(%arg9 : memref<2x80xi32, #tpu.memory_space<vmem>>) target_semaphore(%run_scoped3A : memref<!tpu.dma_semaphore, #tpu.memory_space<semaphore_mem>>)
        %dma_wait3A_121 = arith.constant 0 : i32
        %dma_wait3A_122 = arith.constant 0 : i32
        %dma_wait3A_123 = tpu.memref_slice %arg2[%arg1, %scan3A_30, %dma_wait3A_121, %dma_wait3A_122] : memref<16x125x2x80xi32, #tpu.memory_space<hbm>> -> memref<1x1x2x80xi32, #tpu.memory_space<hbm>>
        %dma_wait3A_124 = tpu.memref_squeeze %dma_wait3A_123 : memref<1x1x2x80xi32, #tpu.memory_space<hbm>> -> memref<2x80xi32, #tpu.memory_space<hbm>>
        %dma_wait3A_125 = arith.constant 0 : i32
        %dma_wait3A_126 = arith.constant 0 : i32
        %dma_wait3A_127 = tpu.memref_slice %arg2[%arg1, %scan3A_30, %dma_wait3A_125, %dma_wait3A_126] : memref<16x125x2x80xi32, #tpu.memory_space<hbm>> -> memref<1x1x2x80xi32, #tpu.memory_space<hbm>>
        %dma_wait3A_128 = tpu.memref_squeeze %dma_wait3A_127 : memref<1x1x2x80xi32, #tpu.memory_space<hbm>> -> memref<2x80xi32, #tpu.memory_space<hbm>>
        tpu.wait_dma2 semaphore(%run_scoped3A : memref<!tpu.dma_semaphore, #tpu.memory_space<semaphore_mem>>) src(%dma_wait3A_128 : memref<2x80xi32, #tpu.memory_space<hbm>>) dst(%arg9 : memref<2x80xi32, #tpu.memory_space<vmem>>)
        tpu.yield
      }) : () -> ()
      %dma_start3A = arith.constant 0 : i32
      %dma_start3A_31 = arith.constant 0 : i32
      %dma_start3A_32 = tpu.memref_slice %arg9[%dma_start3A, %dma_start3A_31] : memref<2x80xi32, #tpu.memory_space<vmem>> -> memref<1x80xi32, #tpu.memory_space<vmem>>
      %dma_start3A_33 = tpu.memref_squeeze %dma_start3A_32 : memref<1x80xi32, #tpu.memory_space<vmem>> -> memref<80xi32, #tpu.memory_space<vmem>>
      %dma_start3A_34 = arith.constant 0 : i32
      %dma_start3A_35 = arith.constant 0 : i32
      %dma_start3A_36 = tpu.memref_slice %arg5[%arg0, %dma_start3A_34, %dma_start3A_35] : memref<2x10240x128xf32, #tpu.memory_space<hbm>> -> memref<1x10240x128xf32, #tpu.memory_space<hbm>>
      %dma_start3A_37 = tpu.memref_squeeze %dma_start3A_36 : memref<1x10240x128xf32, #tpu.memory_space<hbm>> -> memref<10240x128xf32, #tpu.memory_space<hbm>>
      %dma_start3A_38 = arith.constant 0 : i32
      %dma_start3A_39 = arith.constant 0 : i32
      %dma_start3A_40 = tpu.memref_slice %dma_start3A_37[%dma_start3A_38, %dma_start3A_39] : memref<10240x128xf32, #tpu.memory_space<hbm>> -> memref<10240x128xf32, #tpu.memory_space<hbm>>
      tpu.enqueue_indirect_dma source(%dma_start3A_40 : memref<10240x128xf32, #tpu.memory_space<hbm>>) target(%arg11 : memref<80x128xf32, #tpu.memory_space<vmem>>) offsets(%dma_start3A_33 : memref<80xi32, #tpu.memory_space<vmem>>) semaphore(%arg13 : memref<!tpu.dma_semaphore, #tpu.memory_space<semaphore_mem>>)
      %dma_wait3A = arith.constant 0 : i32
      %dma_wait3A_41 = arith.constant 0 : i32
      %dma_wait3A_42 = tpu.memref_slice %arg9[%dma_wait3A, %dma_wait3A_41] : memref<2x80xi32, #tpu.memory_space<vmem>> -> memref<1x80xi32, #tpu.memory_space<vmem>>
      %dma_wait3A_43 = tpu.memref_squeeze %dma_wait3A_42 : memref<1x80xi32, #tpu.memory_space<vmem>> -> memref<80xi32, #tpu.memory_space<vmem>>
      %dma_wait3A_44 = arith.constant 0 : i32
      %dma_wait3A_45 = arith.constant 0 : i32
      %dma_wait3A_46 = tpu.memref_slice %arg5[%arg0, %dma_wait3A_44, %dma_wait3A_45] : memref<2x10240x128xf32, #tpu.memory_space<hbm>> -> memref<1x10240x128xf32, #tpu.memory_space<hbm>>
      %dma_wait3A_47 = tpu.memref_squeeze %dma_wait3A_46 : memref<1x10240x128xf32, #tpu.memory_space<hbm>> -> memref<10240x128xf32, #tpu.memory_space<hbm>>
      %dma_wait3A_48 = arith.constant 0 : i32
      %dma_wait3A_49 = arith.constant 0 : i32
      %dma_wait3A_50 = tpu.memref_slice %dma_wait3A_47[%dma_wait3A_48, %dma_wait3A_49] : memref<10240x128xf32, #tpu.memory_space<hbm>> -> memref<10240x128xf32, #tpu.memory_space<hbm>>
      tpu.wait_indirect_dma semaphore(%arg13 : memref<!tpu.dma_semaphore, #tpu.memory_space<semaphore_mem>>) src(%dma_wait3A_50 : memref<10240x128xf32, #tpu.memory_space<hbm>>) dst(%arg11 : memref<80x128xf32, #tpu.memory_space<vmem>>)
      %get3A = arith.index_cast %scan3A_30 : i32 to index
      %get3A_51 = arith.constant 0 : index
      %get3A_52 = tpu.vector_load %arg8[%get3A, %get3A_51] {strides = array<i32>} : memref<125x80xi32, #tpu.memory_space<vmem>>, vector<16xi32>,
      %gather3A = tpu.vector_load_idx %arg7[%get3A_52] : memref<10000xf32, #tpu.memory_space<vmem>>[vector<16xi32>], vector<16xf32>,
      %get3A_53 = arith.constant 1 : i32
      %get3A_54 = arith.index_cast %get3A_53 : i32 to index
      %get3A_55 = arith.constant 0 : index
      %get3A_56 = tpu.vector_load %arg9[%get3A_54, %get3A_55] {strides = array<i32>} : memref<2x80xi32, #tpu.memory_space<vmem>>, vector<16xi32>,
      %bitcast3A = vector.bitcast %get3A_56 : vector<16xi32> to vector<16xf32>
      %mul3A_57 = arith.mulf %bitcast3A, %gather3A : vector<16xf32>
      %swap3A = arith.constant 0 : index
      %swap3A_58 = tpu.vector_load %arg10[%swap3A] {strides = array<i32>} : memref<80xf32, #tpu.memory_space<vmem>>, vector<16xf32>,
      tpu.vector_store %arg10[%swap3A], %mul3A_57 {strides = array<i32>} : memref<80xf32, #tpu.memory_space<vmem>>, vector<16xf32>,
      %get3A_59 = arith.index_cast %scan3A_30 : i32 to index
      %get3A_60 = arith.constant 16 : index
      %get3A_61 = tpu.vector_load %arg8[%get3A_59, %get3A_60] {strides = array<i32>} : memref<125x80xi32, #tpu.memory_space<vmem>>, vector<16xi32>,
      %gather3A_62 = tpu.vector_load_idx %arg7[%get3A_61] : memref<10000xf32, #tpu.memory_space<vmem>>[vector<16xi32>], vector<16xf32>,
      %get3A_63 = arith.constant 1 : i32
      %get3A_64 = arith.index_cast %get3A_63 : i32 to index
      %get3A_65 = arith.constant 16 : index
      %get3A_66 = tpu.vector_load %arg9[%get3A_64, %get3A_65] {strides = array<i32>} : memref<2x80xi32, #tpu.memory_space<vmem>>, vector<16xi32>,
      %bitcast3A_67 = vector.bitcast %get3A_66 : vector<16xi32> to vector<16xf32>
      %mul3A_68 = arith.mulf %bitcast3A_67, %gather3A_62 : vector<16xf32>
      %swap3A_69 = arith.constant 16 : index
      %swap3A_70 = tpu.vector_load %arg10[%swap3A_69] {strides = array<i32>} : memref<80xf32, #tpu.memory_space<vmem>>, vector<16xf32>,
      tpu.vector_store %arg10[%swap3A_69], %mul3A_68 {strides = array<i32>} : memref<80xf32, #tpu.memory_space<vmem>>, vector<16xf32>,
      %get3A_71 = arith.index_cast %scan3A_30 : i32 to index
      %get3A_72 = arith.constant 32 : index
      %get3A_73 = tpu.vector_load %arg8[%get3A_71, %get3A_72] {strides = array<i32>} : memref<125x80xi32, #tpu.memory_space<vmem>>, vector<16xi32>,
      %gather3A_74 = tpu.vector_load_idx %arg7[%get3A_73] : memref<10000xf32, #tpu.memory_space<vmem>>[vector<16xi32>], vector<16xf32>,
      %get3A_75 = arith.constant 1 : i32
      %get3A_76 = arith.index_cast %get3A_75 : i32 to index
      %get3A_77 = arith.constant 32 : index
      %get3A_78 = tpu.vector_load %arg9[%get3A_76, %get3A_77] {strides = array<i32>} : memref<2x80xi32, #tpu.memory_space<vmem>>, vector<16xi32>,
      %bitcast3A_79 = vector.bitcast %get3A_78 : vector<16xi32> to vector<16xf32>
      %mul3A_80 = arith.mulf %bitcast3A_79, %gather3A_74 : vector<16xf32>
      %swap3A_81 = arith.constant 32 : index
      %swap3A_82 = tpu.vector_load %arg10[%swap3A_81] {strides = array<i32>} : memref<80xf32, #tpu.memory_space<vmem>>, vector<16xf32>,
      tpu.vector_store %arg10[%swap3A_81], %mul3A_80 {strides = array<i32>} : memref<80xf32, #tpu.memory_space<vmem>>, vector<16xf32>,
      %get3A_83 = arith.index_cast %scan3A_30 : i32 to index
      %get3A_84 = arith.constant 48 : index
      %get3A_85 = tpu.vector_load %arg8[%get3A_83, %get3A_84] {strides = array<i32>} : memref<125x80xi32, #tpu.memory_space<vmem>>, vector<16xi32>,
      %gather3A_86 = tpu.vector_load_idx %arg7[%get3A_85] : memref<10000xf32, #tpu.memory_space<vmem>>[vector<16xi32>], vector<16xf32>,
      %get3A_87 = arith.constant 1 : i32
      %get3A_88 = arith.index_cast %get3A_87 : i32 to index
      %get3A_89 = arith.constant 48 : index
      %get3A_90 = tpu.vector_load %arg9[%get3A_88, %get3A_89] {strides = array<i32>} : memref<2x80xi32, #tpu.memory_space<vmem>>, vector<16xi32>,
      %bitcast3A_91 = vector.bitcast %get3A_90 : vector<16xi32> to vector<16xf32>
      %mul3A_92 = arith.mulf %bitcast3A_91, %gather3A_86 : vector<16xf32>
      %swap3A_93 = arith.constant 48 : index
      %swap3A_94 = tpu.vector_load %arg10[%swap3A_93] {strides = array<i32>} : memref<80xf32, #tpu.memory_space<vmem>>, vector<16xf32>,
      tpu.vector_store %arg10[%swap3A_93], %mul3A_92 {strides = array<i32>} : memref<80xf32, #tpu.memory_space<vmem>>, vector<16xf32>,
      %get3A_95 = arith.index_cast %scan3A_30 : i32 to index
      %get3A_96 = arith.constant 64 : index
      %get3A_97 = tpu.vector_load %arg8[%get3A_95, %get3A_96] {strides = array<i32>} : memref<125x80xi32, #tpu.memory_space<vmem>>, vector<16xi32>,
      %gather3A_98 = tpu.vector_load_idx %arg7[%get3A_97] : memref<10000xf32, #tpu.memory_space<vmem>>[vector<16xi32>], vector<16xf32>,
      %get3A_99 = arith.constant 1 : i32
      %get3A_100 = arith.index_cast %get3A_99 : i32 to index
      %get3A_101 = arith.constant 64 : index
      %get3A_102 = tpu.vector_load %arg9[%get3A_100, %get3A_101] {strides = array<i32>} : memref<2x80xi32, #tpu.memory_space<vmem>>, vector<16xi32>,
      %bitcast3A_103 = vector.bitcast %get3A_102 : vector<16xi32> to vector<16xf32>
      %mul3A_104 = arith.mulf %bitcast3A_103, %gather3A_98 : vector<16xf32>
      %swap3A_105 = arith.constant 64 : index
      %swap3A_106 = tpu.vector_load %arg10[%swap3A_105] {strides = array<i32>} : memref<80xf32, #tpu.memory_space<vmem>>, vector<16xf32>,
      tpu.vector_store %arg10[%swap3A_105], %mul3A_104 {strides = array<i32>} : memref<80xf32, #tpu.memory_space<vmem>>, vector<16xf32>,
      %scan3A_107 = arith.constant 0 : i32
      %scan3A_108 = arith.constant 0 : i32
      %scan3A_109 = arith.constant 5 : i32
      %scan3A_110 = arith.addi %scan3A_108, %scan3A_109 : i32
      %scan3A_111 = arith.constant 1 : i32
      scf.for %scan3A_113 = %scan3A_108 to %scan3A_110 step %scan3A_111  : i32 {
        %mul3A_114 = arith.constant 16 : i32
        %mul3A_115 = arith.muli %scan3A_113, %mul3A_114 : i32
        %get3A_116 = arith.index_cast %mul3A_115 : i32 to index
        %get3A_117 = tpu.vector_load %arg10[%get3A_116] {strides = array<i32>} : memref<80xf32, #tpu.memory_space<vmem>>, vector<16xf32>,
        %mul3A_118 = arith.constant 16 : i32
        %mul3A_119 = arith.muli %scan3A_113, %mul3A_118 : i32
        %slice3A = vector.extract_strided_slice %get3A_117 {offsets = [0], sizes = [1], strides = [1]} : vector<16xf32> to vector<1xf32>
        %squeeze3A = vector.extract %slice3A[0] : f32 from vector<1xf32>
        %broadcast_in_dim3A_120 = vector.broadcast %squeeze3A : f32 to vector<16xf32>
        %add3A = arith.constant 0 : i32
        %add3A_121 = arith.addi %mul3A_119, %add3A : i32
        %get3A_122 = arith.index_cast %add3A_121 : i32 to index
        %get3A_123 = arith.constant 0 : index
        %get3A_124 = tpu.vector_load %arg11[%get3A_122, %get3A_123] {strides = array<i32>} : memref<80x128xf32, #tpu.memory_space<vmem>>, vector<16xf32>,
        %mul3A_125 = arith.mulf %get3A_124, %broadcast_in_dim3A_120 : vector<16xf32>
        %add3A_126 = arith.constant 0 : i32
        %add3A_127 = arith.addi %mul3A_119, %add3A_126 : i32
        %swap3A_128 = arith.index_cast %add3A_127 : i32 to index
        %swap3A_129 = arith.constant 0 : index
        %swap3A_130 = tpu.vector_load %arg11[%swap3A_128, %swap3A_129] {strides = array<i32>} : memref<80x128xf32, #tpu.memory_space<vmem>>, vector<16xf32>,
        tpu.vector_store %arg11[%swap3A_128, %swap3A_129], %mul3A_125 {strides = array<i32>} : memref<80x128xf32, #tpu.memory_space<vmem>>, vector<16xf32>,
        %add3A_131 = arith.constant 0 : i32
        %add3A_132 = arith.addi %mul3A_119, %add3A_131 : i32
        %get3A_133 = arith.index_cast %add3A_132 : i32 to index
        %get3A_134 = arith.constant 16 : index
        %get3A_135 = tpu.vector_load %arg11[%get3A_133, %get3A_134] {strides = array<i32>} : memref<80x128xf32, #tpu.memory_space<vmem>>, vector<16xf32>,
        %mul3A_136 = arith.mulf %get3A_135, %broadcast_in_dim3A_120 : vector<16xf32>
        %add3A_137 = arith.constant 0 : i32
        %add3A_138 = arith.addi %mul3A_119, %add3A_137 : i32
        %swap3A_139 = arith.index_cast %add3A_138 : i32 to index
        %swap3A_140 = arith.constant 16 : index
        %swap3A_141 = tpu.vector_load %arg11[%swap3A_139, %swap3A_140] {strides = array<i32>} : memref<80x128xf32, #tpu.memory_space<vmem>>, vector<16xf32>,
        tpu.vector_store %arg11[%swap3A_139, %swap3A_140], %mul3A_136 {strides = array<i32>} : memref<80x128xf32, #tpu.memory_space<vmem>>, vector<16xf32>,
        %add3A_142 = arith.constant 0 : i32
        %add3A_143 = arith.addi %mul3A_119, %add3A_142 : i32
        %get3A_144 = arith.index_cast %add3A_143 : i32 to index
        %get3A_145 = arith.constant 32 : index
        %get3A_146 = tpu.vector_load %arg11[%get3A_144, %get3A_145] {strides = array<i32>} : memref<80x128xf32, #tpu.memory_space<vmem>>, vector<16xf32>,
        %mul3A_147 = arith.mulf %get3A_146, %broadcast_in_dim3A_120 : vector<16xf32>
        %add3A_148 = arith.constant 0 : i32
        %add3A_149 = arith.addi %mul3A_119, %add3A_148 : i32
        %swap3A_150 = arith.index_cast %add3A_149 : i32 to index
        %swap3A_151 = arith.constant 32 : index
        %swap3A_152 = tpu.vector_load %arg11[%swap3A_150, %swap3A_151] {strides = array<i32>} : memref<80x128xf32, #tpu.memory_space<vmem>>, vector<16xf32>,
        tpu.vector_store %arg11[%swap3A_150, %swap3A_151], %mul3A_147 {strides = array<i32>} : memref<80x128xf32, #tpu.memory_space<vmem>>, vector<16xf32>,
        %add3A_153 = arith.constant 0 : i32
        %add3A_154 = arith.addi %mul3A_119, %add3A_153 : i32
        %get3A_155 = arith.index_cast %add3A_154 : i32 to index
        %get3A_156 = arith.constant 48 : index
        %get3A_157 = tpu.vector_load %arg11[%get3A_155, %get3A_156] {strides = array<i32>} : memref<80x128xf32, #tpu.memory_space<vmem>>, vector<16xf32>,
        %mul3A_158 = arith.mulf %get3A_157, %broadcast_in_dim3A_120 : vector<16xf32>
        %add3A_159 = arith.constant 0 : i32
        %add3A_160 = arith.addi %mul3A_119, %add3A_159 : i32
        %swap3A_161 = arith.index_cast %add3A_160 : i32 to index
        %swap3A_162 = arith.constant 48 : index
        %swap3A_163 = tpu.vector_load %arg11[%swap3A_161, %swap3A_162] {strides = array<i32>} : memref<80x128xf32, #tpu.memory_space<vmem>>, vector<16xf32>,
        tpu.vector_store %arg11[%swap3A_161, %swap3A_162], %mul3A_158 {strides = array<i32>} : memref<80x128xf32, #tpu.memory_space<vmem>>, vector<16xf32>,
        %add3A_164 = arith.constant 0 : i32
        %add3A_165 = arith.addi %mul3A_119, %add3A_164 : i32
        %get3A_166 = arith.index_cast %add3A_165 : i32 to index
        %get3A_167 = arith.constant 64 : index
        %get3A_168 = tpu.vector_load %arg11[%get3A_166, %get3A_167] {strides = array<i32>} : memref<80x128xf32, #tpu.memory_space<vmem>>, vector<16xf32>,
        %mul3A_169 = arith.mulf %get3A_168, %broadcast_in_dim3A_120 : vector<16xf32>
        %add3A_170 = arith.constant 0 : i32
        %add3A_171 = arith.addi %mul3A_119, %add3A_170 : i32
        %swap3A_172 = arith.index_cast %add3A_171 : i32 to index
        %swap3A_173 = arith.constant 64 : index
        %swap3A_174 = tpu.vector_load %arg11[%swap3A_172, %swap3A_173] {strides = array<i32>} : memref<80x128xf32, #tpu.memory_space<vmem>>, vector<16xf32>,
        tpu.vector_store %arg11[%swap3A_172, %swap3A_173], %mul3A_169 {strides = array<i32>} : memref<80x128xf32, #tpu.memory_space<vmem>>, vector<16xf32>,
        %add3A_175 = arith.constant 0 : i32
        %add3A_176 = arith.addi %mul3A_119, %add3A_175 : i32
        %get3A_177 = arith.index_cast %add3A_176 : i32 to index
        %get3A_178 = arith.constant 80 : index
        %get3A_179 = tpu.vector_load %arg11[%get3A_177, %get3A_178] {strides = array<i32>} : memref<80x128xf32, #tpu.memory_space<vmem>>, vector<16xf32>,
        %mul3A_180 = arith.mulf %get3A_179, %broadcast_in_dim3A_120 : vector<16xf32>
        %add3A_181 = arith.constant 0 : i32
        %add3A_182 = arith.addi %mul3A_119, %add3A_181 : i32
        %swap3A_183 = arith.index_cast %add3A_182 : i32 to index
        %swap3A_184 = arith.constant 80 : index
        %swap3A_185 = tpu.vector_load %arg11[%swap3A_183, %swap3A_184] {strides = array<i32>} : memref<80x128xf32, #tpu.memory_space<vmem>>, vector<16xf32>,
        tpu.vector_store %arg11[%swap3A_183, %swap3A_184], %mul3A_180 {strides = array<i32>} : memref<80x128xf32, #tpu.memory_space<vmem>>, vector<16xf32>,
        %add3A_186 = arith.constant 0 : i32
        %add3A_187 = arith.addi %mul3A_119, %add3A_186 : i32
        %get3A_188 = arith.index_cast %add3A_187 : i32 to index
        %get3A_189 = arith.constant 96 : index
        %get3A_190 = tpu.vector_load %arg11[%get3A_188, %get3A_189] {strides = array<i32>} : memref<80x128xf32, #tpu.memory_space<vmem>>, vector<16xf32>,
        %mul3A_191 = arith.mulf %get3A_190, %broadcast_in_dim3A_120 : vector<16xf32>
        %add3A_192 = arith.constant 0 : i32
        %add3A_193 = arith.addi %mul3A_119, %add3A_192 : i32
        %swap3A_194 = arith.index_cast %add3A_193 : i32 to index
        %swap3A_195 = arith.constant 96 : index
        %swap3A_196 = tpu.vector_load %arg11[%swap3A_194, %swap3A_195] {strides = array<i32>} : memref<80x128xf32, #tpu.memory_space<vmem>>, vector<16xf32>,
        tpu.vector_store %arg11[%swap3A_194, %swap3A_195], %mul3A_191 {strides = array<i32>} : memref<80x128xf32, #tpu.memory_space<vmem>>, vector<16xf32>,
        %add3A_197 = arith.constant 0 : i32
        %add3A_198 = arith.addi %mul3A_119, %add3A_197 : i32
        %get3A_199 = arith.index_cast %add3A_198 : i32 to index
        %get3A_200 = arith.constant 112 : index
        %get3A_201 = tpu.vector_load %arg11[%get3A_199, %get3A_200] {strides = array<i32>} : memref<80x128xf32, #tpu.memory_space<vmem>>, vector<16xf32>,
        %mul3A_202 = arith.mulf %get3A_201, %broadcast_in_dim3A_120 : vector<16xf32>
        %add3A_203 = arith.constant 0 : i32
        %add3A_204 = arith.addi %mul3A_119, %add3A_203 : i32
        %swap3A_205 = arith.index_cast %add3A_204 : i32 to index
        %swap3A_206 = arith.constant 112 : index
        %swap3A_207 = tpu.vector_load %arg11[%swap3A_205, %swap3A_206] {strides = array<i32>} : memref<80x128xf32, #tpu.memory_space<vmem>>, vector<16xf32>,
        tpu.vector_store %arg11[%swap3A_205, %swap3A_206], %mul3A_202 {strides = array<i32>} : memref<80x128xf32, #tpu.memory_space<vmem>>, vector<16xf32>,
        %slice3A_208 = vector.extract_strided_slice %get3A_117 {offsets = [1], sizes = [1], strides = [1]} : vector<16xf32> to vector<1xf32>
        %squeeze3A_209 = vector.extract %slice3A_208[0] : f32 from vector<1xf32>
        %broadcast_in_dim3A_210 = vector.broadcast %squeeze3A_209 : f32 to vector<16xf32>
        %add3A_211 = arith.constant 1 : i32
        %add3A_212 = arith.addi %mul3A_119, %add3A_211 : i32
        %get3A_213 = arith.index_cast %add3A_212 : i32 to index
        %get3A_214 = arith.constant 0 : index
        %get3A_215 = tpu.vector_load %arg11[%get3A_213, %get3A_214] {strides = array<i32>} : memref<80x128xf32, #tpu.memory_space<vmem>>, vector<16xf32>,
        %mul3A_216 = arith.mulf %get3A_215, %broadcast_in_dim3A_210 : vector<16xf32>
        %add3A_217 = arith.constant 1 : i32
        %add3A_218 = arith.addi %mul3A_119, %add3A_217 : i32
        %swap3A_219 = arith.index_cast %add3A_218 : i32 to index
        %swap3A_220 = arith.constant 0 : index
        %swap3A_221 = tpu.vector_load %arg11[%swap3A_219, %swap3A_220] {strides = array<i32>} : memref<80x128xf32, #tpu.memory_space<vmem>>, vector<16xf32>,
        tpu.vector_store %arg11[%swap3A_219, %swap3A_220], %mul3A_216 {strides = array<i32>} : memref<80x128xf32, #tpu.memory_space<vmem>>, vector<16xf32>,
        %add3A_222 = arith.constant 1 : i32
        %add3A_223 = arith.addi %mul3A_119, %add3A_222 : i32
        %get3A_224 = arith.index_cast %add3A_223 : i32 to index
        %get3A_225 = arith.constant 16 : index
        %get3A_226 = tpu.vector_load %arg11[%get3A_224, %get3A_225] {strides = array<i32>} : memref<80x128xf32, #tpu.memory_space<vmem>>, vector<16xf32>,
        %mul3A_227 = arith.mulf %get3A_226, %broadcast_in_dim3A_210 : vector<16xf32>
        %add3A_228 = arith.constant 1 : i32
        %add3A_229 = arith.addi %mul3A_119, %add3A_228 : i32
        %swap3A_230 = arith.index_cast %add3A_229 : i32 to index
        %swap3A_231 = arith.constant 16 : index
        %swap3A_232 = tpu.vector_load %arg11[%swap3A_230, %swap3A_231] {strides = array<i32>} : memref<80x128xf32, #tpu.memory_space<vmem>>, vector<16xf32>,
        tpu.vector_store %arg11[%swap3A_230, %swap3A_231], %mul3A_227 {strides = array<i32>} : memref<80x128xf32, #tpu.memory_space<vmem>>, vector<16xf32>,
        %add3A_233 = arith.constant 1 : i32
        %add3A_234 = arith.addi %mul3A_119, %add3A_233 : i32
        %get3A_235 = arith.index_cast %add3A_234 : i32 to index
        %get3A_236 = arith.constant 32 : index
        %get3A_237 = tpu.vector_load %arg11[%get3A_235, %get3A_236] {strides = array<i32>} : memref<80x128xf32, #tpu.memory_space<vmem>>, vector<16xf32>,
        %mul3A_238 = arith.mulf %get3A_237, %broadcast_in_dim3A_210 : vector<16xf32>
        %add3A_239 = arith.constant 1 : i32
        %add3A_240 = arith.addi %mul3A_119, %add3A_239 : i32
        %swap3A_241 = arith.index_cast %add3A_240 : i32 to index
        %swap3A_242 = arith.constant 32 : index
        %swap3A_243 = tpu.vector_load %arg11[%swap3A_241, %swap3A_242] {strides = array<i32>} : memref<80x128xf32, #tpu.memory_space<vmem>>, vector<16xf32>,
        tpu.vector_store %arg11[%swap3A_241, %swap3A_242], %mul3A_238 {strides = array<i32>} : memref<80x128xf32, #tpu.memory_space<vmem>>, vector<16xf32>,
        %add3A_244 = arith.constant 1 : i32
        %add3A_245 = arith.addi %mul3A_119, %add3A_244 : i32
        %get3A_246 = arith.index_cast %add3A_245 : i32 to index
        %get3A_247 = arith.constant 48 : index
        %get3A_248 = tpu.vector_load %arg11[%get3A_246, %get3A_247] {strides = array<i32>} : memref<80x128xf32, #tpu.memory_space<vmem>>, vector<16xf32>,
        %mul3A_249 = arith.mulf %get3A_248, %broadcast_in_dim3A_210 : vector<16xf32>
        %add3A_250 = arith.constant 1 : i32
        %add3A_251 = arith.addi %mul3A_119, %add3A_250 : i32
        %swap3A_252 = arith.index_cast %add3A_251 : i32 to index
        %swap3A_253 = arith.constant 48 : index
        %swap3A_254 = tpu.vector_load %arg11[%swap3A_252, %swap3A_253] {strides = array<i32>} : memref<80x128xf32, #tpu.memory_space<vmem>>, vector<16xf32>,
        tpu.vector_store %arg11[%swap3A_252, %swap3A_253], %mul3A_249 {strides = array<i32>} : memref<80x128xf32, #tpu.memory_space<vmem>>, vector<16xf32>,
        %add3A_255 = arith.constant 1 : i32
        %add3A_256 = arith.addi %mul3A_119, %add3A_255 : i32
        %get3A_257 = arith.index_cast %add3A_256 : i32 to index
        %get3A_258 = arith.constant 64 : index
        %get3A_259 = tpu.vector_load %arg11[%get3A_257, %get3A_258] {strides = array<i32>} : memref<80x128xf32, #tpu.memory_space<vmem>>, vector<16xf32>,
        %mul3A_260 = arith.mulf %get3A_259, %broadcast_in_dim3A_210 : vector<16xf32>
        %add3A_261 = arith.constant 1 : i32
        %add3A_262 = arith.addi %mul3A_119, %add3A_261 : i32
        %swap3A_263 = arith.index_cast %add3A_262 : i32 to index
        %swap3A_264 = arith.constant 64 : index
        %swap3A_265 = tpu.vector_load %arg11[%swap3A_263, %swap3A_264] {strides = array<i32>} : memref<80x128xf32, #tpu.memory_space<vmem>>, vector<16xf32>,
        tpu.vector_store %arg11[%swap3A_263, %swap3A_264], %mul3A_260 {strides = array<i32>} : memref<80x128xf32, #tpu.memory_space<vmem>>, vector<16xf32>,
        %add3A_266 = arith.constant 1 : i32
        %add3A_267 = arith.addi %mul3A_119, %add3A_266 : i32
        %get3A_268 = arith.index_cast %add3A_267 : i32 to index
        %get3A_269 = arith.constant 80 : index
        %get3A_270 = tpu.vector_load %arg11[%get3A_268, %get3A_269] {strides = array<i32>} : memref<80x128xf32, #tpu.memory_space<vmem>>, vector<16xf32>,
        %mul3A_271 = arith.mulf %get3A_270, %broadcast_in_dim3A_210 : vector<16xf32>
        %add3A_272 = arith.constant 1 : i32
        %add3A_273 = arith.addi %mul3A_119, %add3A_272 : i32
        %swap3A_274 = arith.index_cast %add3A_273 : i32 to index
        %swap3A_275 = arith.constant 80 : index
        %swap3A_276 = tpu.vector_load %arg11[%swap3A_274, %swap3A_275] {strides = array<i32>} : memref<80x128xf32, #tpu.memory_space<vmem>>, vector<16xf32>,
        tpu.vector_store %arg11[%swap3A_274, %swap3A_275], %mul3A_271 {strides = array<i32>} : memref<80x128xf32, #tpu.memory_space<vmem>>, vector<16xf32>,
        %add3A_277 = arith.constant 1 : i32
        %add3A_278 = arith.addi %mul3A_119, %add3A_277 : i32
        %get3A_279 = arith.index_cast %add3A_278 : i32 to index
        %get3A_280 = arith.constant 96 : index
        %get3A_281 = tpu.vector_load %arg11[%get3A_279, %get3A_280] {strides = array<i32>} : memref<80x128xf32, #tpu.memory_space<vmem>>, vector<16xf32>,
        %mul3A_282 = arith.mulf %get3A_281, %broadcast_in_dim3A_210 : vector<16xf32>
        %add3A_283 = arith.constant 1 : i32
        %add3A_284 = arith.addi %mul3A_119, %add3A_283 : i32
        %swap3A_285 = arith.index_cast %add3A_284 : i32 to index
        %swap3A_286 = arith.constant 96 : index
        %swap3A_287 = tpu.vector_load %arg11[%swap3A_285, %swap3A_286] {strides = array<i32>} : memref<80x128xf32, #tpu.memory_space<vmem>>, vector<16xf32>,
        tpu.vector_store %arg11[%swap3A_285, %swap3A_286], %mul3A_282 {strides = array<i32>} : memref<80x128xf32, #tpu.memory_space<vmem>>, vector<16xf32>,
        %add3A_288 = arith.constant 1 : i32
        %add3A_289 = arith.addi %mul3A_119, %add3A_288 : i32
        %get3A_290 = arith.index_cast %add3A_289 : i32 to index
        %get3A_291 = arith.constant 112 : index
        %get3A_292 = tpu.vector_load %arg11[%get3A_290, %get3A_291] {strides = array<i32>} : memref<80x128xf32, #tpu.memory_space<vmem>>, vector<16xf32>,
        %mul3A_293 = arith.mulf %get3A_292, %broadcast_in_dim3A_210 : vector<16xf32>
        %add3A_294 = arith.constant 1 : i32
        %add3A_295 = arith.addi %mul3A_119, %add3A_294 : i32
        %swap3A_296 = arith.index_cast %add3A_295 : i32 to index
        %swap3A_297 = arith.constant 112 : index
        %swap3A_298 = tpu.vector_load %arg11[%swap3A_296, %swap3A_297] {strides = array<i32>} : memref<80x128xf32, #tpu.memory_space<vmem>>, vector<16xf32>,
        tpu.vector_store %arg11[%swap3A_296, %swap3A_297], %mul3A_293 {strides = array<i32>} : memref<80x128xf32, #tpu.memory_space<vmem>>, vector<16xf32>,
        %slice3A_299 = vector.extract_strided_slice %get3A_117 {offsets = [2], sizes = [1], strides = [1]} : vector<16xf32> to vector<1xf32>
        %squeeze3A_300 = vector.extract %slice3A_299[0] : f32 from vector<1xf32>
        %broadcast_in_dim3A_301 = vector.broadcast %squeeze3A_300 : f32 to vector<16xf32>
        %add3A_302 = arith.constant 2 : i32
        %add3A_303 = arith.addi %mul3A_119, %add3A_302 : i32
        %get3A_304 = arith.index_cast %add3A_303 : i32 to index
        %get3A_305 = arith.constant 0 : index
        %get3A_306 = tpu.vector_load %arg11[%get3A_304, %get3A_305] {strides = array<i32>} : memref<80x128xf32, #tpu.memory_space<vmem>>, vector<16xf32>,
        %mul3A_307 = arith.mulf %get3A_306, %broadcast_in_dim3A_301 : vector<16xf32>
        %add3A_308 = arith.constant 2 : i32
        %add3A_309 = arith.addi %mul3A_119, %add3A_308 : i32
        %swap3A_310 = arith.index_cast %add3A_309 : i32 to index
        %swap3A_311 = arith.constant 0 : index
        %swap3A_312 = tpu.vector_load %arg11[%swap3A_310, %swap3A_311] {strides = array<i32>} : memref<80x128xf32, #tpu.memory_space<vmem>>, vector<16xf32>,
        tpu.vector_store %arg11[%swap3A_310, %swap3A_311], %mul3A_307 {strides = array<i32>} : memref<80x128xf32, #tpu.memory_space<vmem>>, vector<16xf32>,
        %add3A_313 = arith.constant 2 : i32
        %add3A_314 = arith.addi %mul3A_119, %add3A_313 : i32
        %get3A_315 = arith.index_cast %add3A_314 : i32 to index
        %get3A_316 = arith.constant 16 : index
        %get3A_317 = tpu.vector_load %arg11[%get3A_315, %get3A_316] {strides = array<i32>} : memref<80x128xf32, #tpu.memory_space<vmem>>, vector<16xf32>,
        %mul3A_318 = arith.mulf %get3A_317, %broadcast_in_dim3A_301 : vector<16xf32>
        %add3A_319 = arith.constant 2 : i32
        %add3A_320 = arith.addi %mul3A_119, %add3A_319 : i32
        %swap3A_321 = arith.index_cast %add3A_320 : i32 to index
        %swap3A_322 = arith.constant 16 : index
        %swap3A_323 = tpu.vector_load %arg11[%swap3A_321, %swap3A_322] {strides = array<i32>} : memref<80x128xf32, #tpu.memory_space<vmem>>, vector<16xf32>,
        tpu.vector_store %arg11[%swap3A_321, %swap3A_322], %mul3A_318 {strides = array<i32>} : memref<80x128xf32, #tpu.memory_space<vmem>>, vector<16xf32>,
        %add3A_324 = arith.constant 2 : i32
        %add3A_325 = arith.addi %mul3A_119, %add3A_324 : i32
        %get3A_326 = arith.index_cast %add3A_325 : i32 to index
        %get3A_327 = arith.constant 32 : index
        %get3A_328 = tpu.vector_load %arg11[%get3A_326, %get3A_327] {strides = array<i32>} : memref<80x128xf32, #tpu.memory_space<vmem>>, vector<16xf32>,
        %mul3A_329 = arith.mulf %get3A_328, %broadcast_in_dim3A_301 : vector<16xf32>
        %add3A_330 = arith.constant 2 : i32
        %add3A_331 = arith.addi %mul3A_119, %add3A_330 : i32
        %swap3A_332 = arith.index_cast %add3A_331 : i32 to index
        %swap3A_333 = arith.constant 32 : index
        %swap3A_334 = tpu.vector_load %arg11[%swap3A_332, %swap3A_333] {strides = array<i32>} : memref<80x128xf32, #tpu.memory_space<vmem>>, vector<16xf32>,
        tpu.vector_store %arg11[%swap3A_332, %swap3A_333], %mul3A_329 {strides = array<i32>} : memref<80x128xf32, #tpu.memory_space<vmem>>, vector<16xf32>,
        %add3A_335 = arith.constant 2 : i32
        %add3A_336 = arith.addi %mul3A_119, %add3A_335 : i32
        %get3A_337 = arith.index_cast %add3A_336 : i32 to index
        %get3A_338 = arith.constant 48 : index
        %get3A_339 = tpu.vector_load %arg11[%get3A_337, %get3A_338] {strides = array<i32>} : memref<80x128xf32, #tpu.memory_space<vmem>>, vector<16xf32>,
        %mul3A_340 = arith.mulf %get3A_339, %broadcast_in_dim3A_301 : vector<16xf32>
        %add3A_341 = arith.constant 2 : i32
        %add3A_342 = arith.addi %mul3A_119, %add3A_341 : i32
        %swap3A_343 = arith.index_cast %add3A_342 : i32 to index
        %swap3A_344 = arith.constant 48 : index
        %swap3A_345 = tpu.vector_load %arg11[%swap3A_343, %swap3A_344] {strides = array<i32>} : memref<80x128xf32, #tpu.memory_space<vmem>>, vector<16xf32>,
        tpu.vector_store %arg11[%swap3A_343, %swap3A_344], %mul3A_340 {strides = array<i32>} : memref<80x128xf32, #tpu.memory_space<vmem>>, vector<16xf32>,
        %add3A_346 = arith.constant 2 : i32
        %add3A_347 = arith.addi %mul3A_119, %add3A_346 : i32
        %get3A_348 = arith.index_cast %add3A_347 : i32 to index
        %get3A_349 = arith.constant 64 : index
        %get3A_350 = tpu.vector_load %arg11[%get3A_348, %get3A_349] {strides = array<i32>} : memref<80x128xf32, #tpu.memory_space<vmem>>, vector<16xf32>,
        %mul3A_351 = arith.mulf %get3A_350, %broadcast_in_dim3A_301 : vector<16xf32>
        %add3A_352 = arith.constant 2 : i32
        %add3A_353 = arith.addi %mul3A_119, %add3A_352 : i32
        %swap3A_354 = arith.index_cast %add3A_353 : i32 to index
        %swap3A_355 = arith.constant 64 : index
        %swap3A_356 = tpu.vector_load %arg11[%swap3A_354, %swap3A_355] {strides = array<i32>} : memref<80x128xf32, #tpu.memory_space<vmem>>, vector<16xf32>,
        tpu.vector_store %arg11[%swap3A_354, %swap3A_355], %mul3A_351 {strides = array<i32>} : memref<80x128xf32, #tpu.memory_space<vmem>>, vector<16xf32>,
        %add3A_357 = arith.constant 2 : i32
        %add3A_358 = arith.addi %mul3A_119, %add3A_357 : i32
        %get3A_359 = arith.index_cast %add3A_358 : i32 to index
        %get3A_360 = arith.constant 80 : index
        %get3A_361 = tpu.vector_load %arg11[%get3A_359, %get3A_360] {strides = array<i32>} : memref<80x128xf32, #tpu.memory_space<vmem>>, vector<16xf32>,
        %mul3A_362 = arith.mulf %get3A_361, %broadcast_in_dim3A_301 : vector<16xf32>
        %add3A_363 = arith.constant 2 : i32
        %add3A_364 = arith.addi %mul3A_119, %add3A_363 : i32
        %swap3A_365 = arith.index_cast %add3A_364 : i32 to index
        %swap3A_366 = arith.constant 80 : index
        %swap3A_367 = tpu.vector_load %arg11[%swap3A_365, %swap3A_366] {strides = array<i32>} : memref<80x128xf32, #tpu.memory_space<vmem>>, vector<16xf32>,
        tpu.vector_store %arg11[%swap3A_365, %swap3A_366], %mul3A_362 {strides = array<i32>} : memref<80x128xf32, #tpu.memory_space<vmem>>, vector<16xf32>,
        %add3A_368 = arith.constant 2 : i32
        %add3A_369 = arith.addi %mul3A_119, %add3A_368 : i32
        %get3A_370 = arith.index_cast %add3A_369 : i32 to index
        %get3A_371 = arith.constant 96 : index
        %get3A_372 = tpu.vector_load %arg11[%get3A_370, %get3A_371] {strides = array<i32>} : memref<80x128xf32, #tpu.memory_space<vmem>>, vector<16xf32>,
        %mul3A_373 = arith.mulf %get3A_372, %broadcast_in_dim3A_301 : vector<16xf32>
        %add3A_374 = arith.constant 2 : i32
        %add3A_375 = arith.addi %mul3A_119, %add3A_374 : i32
        %swap3A_376 = arith.index_cast %add3A_375 : i32 to index
        %swap3A_377 = arith.constant 96 : index
        %swap3A_378 = tpu.vector_load %arg11[%swap3A_376, %swap3A_377] {strides = array<i32>} : memref<80x128xf32, #tpu.memory_space<vmem>>, vector<16xf32>,
        tpu.vector_store %arg11[%swap3A_376, %swap3A_377], %mul3A_373 {strides = array<i32>} : memref<80x128xf32, #tpu.memory_space<vmem>>, vector<16xf32>,
        %add3A_379 = arith.constant 2 : i32
        %add3A_380 = arith.addi %mul3A_119, %add3A_379 : i32
        %get3A_381 = arith.index_cast %add3A_380 : i32 to index
        %get3A_382 = arith.constant 112 : index
        %get3A_383 = tpu.vector_load %arg11[%get3A_381, %get3A_382] {strides = array<i32>} : memref<80x128xf32, #tpu.memory_space<vmem>>, vector<16xf32>,
        %mul3A_384 = arith.mulf %get3A_383, %broadcast_in_dim3A_301 : vector<16xf32>
        %add3A_385 = arith.constant 2 : i32
        %add3A_386 = arith.addi %mul3A_119, %add3A_385 : i32
        %swap3A_387 = arith.index_cast %add3A_386 : i32 to index
        %swap3A_388 = arith.constant 112 : index
        %swap3A_389 = tpu.vector_load %arg11[%swap3A_387, %swap3A_388] {strides = array<i32>} : memref<80x128xf32, #tpu.memory_space<vmem>>, vector<16xf32>,
        tpu.vector_store %arg11[%swap3A_387, %swap3A_388], %mul3A_384 {strides = array<i32>} : memref<80x128xf32, #tpu.memory_space<vmem>>, vector<16xf32>,
        %slice3A_390 = vector.extract_strided_slice %get3A_117 {offsets = [3], sizes = [1], strides = [1]} : vector<16xf32> to vector<1xf32>
        %squeeze3A_391 = vector.extract %slice3A_390[0] : f32 from vector<1xf32>
        %broadcast_in_dim3A_392 = vector.broadcast %squeeze3A_391 : f32 to vector<16xf32>
        %add3A_393 = arith.constant 3 : i32
        %add3A_394 = arith.addi %mul3A_119, %add3A_393 : i32
        %get3A_395 = arith.index_cast %add3A_394 : i32 to index
        %get3A_396 = arith.constant 0 : index
        %get3A_397 = tpu.vector_load %arg11[%get3A_395, %get3A_396] {strides = array<i32>} : memref<80x128xf32, #tpu.memory_space<vmem>>, vector<16xf32>,
        %mul3A_398 = arith.mulf %get3A_397, %broadcast_in_dim3A_392 : vector<16xf32>
        %add3A_399 = arith.constant 3 : i32
        %add3A_400 = arith.addi %mul3A_119, %add3A_399 : i32
        %swap3A_401 = arith.index_cast %add3A_400 : i32 to index
        %swap3A_402 = arith.constant 0 : index
        %swap3A_403 = tpu.vector_load %arg11[%swap3A_401, %swap3A_402] {strides = array<i32>} : memref<80x128xf32, #tpu.memory_space<vmem>>, vector<16xf32>,
        tpu.vector_store %arg11[%swap3A_401, %swap3A_402], %mul3A_398 {strides = array<i32>} : memref<80x128xf32, #tpu.memory_space<vmem>>, vector<16xf32>,
        %add3A_404 = arith.constant 3 : i32
        %add3A_405 = arith.addi %mul3A_119, %add3A_404 : i32
        %get3A_406 = arith.index_cast %add3A_405 : i32 to index
        %get3A_407 = arith.constant 16 : index
        %get3A_408 = tpu.vector_load %arg11[%get3A_406, %get3A_407] {strides = array<i32>} : memref<80x128xf32, #tpu.memory_space<vmem>>, vector<16xf32>,
        %mul3A_409 = arith.mulf %get3A_408, %broadcast_in_dim3A_392 : vector<16xf32>
        %add3A_410 = arith.constant 3 : i32
        %add3A_411 = arith.addi %mul3A_119, %add3A_410 : i32
        %swap3A_412 = arith.index_cast %add3A_411 : i32 to index
        %swap3A_413 = arith.constant 16 : index
        %swap3A_414 = tpu.vector_load %arg11[%swap3A_412, %swap3A_413] {strides = array<i32>} : memref<80x128xf32, #tpu.memory_space<vmem>>, vector<16xf32>,
        tpu.vector_store %arg11[%swap3A_412, %swap3A_413], %mul3A_409 {strides = array<i32>} : memref<80x128xf32, #tpu.memory_space<vmem>>, vector<16xf32>,
        %add3A_415 = arith.constant 3 : i32
        %add3A_416 = arith.addi %mul3A_119, %add3A_415 : i32
        %get3A_417 = arith.index_cast %add3A_416 : i32 to index
        %get3A_418 = arith.constant 32 : index
        %get3A_419 = tpu.vector_load %arg11[%get3A_417, %get3A_418] {strides = array<i32>} : memref<80x128xf32, #tpu.memory_space<vmem>>, vector<16xf32>,
        %mul3A_420 = arith.mulf %get3A_419, %broadcast_in_dim3A_392 : vector<16xf32>
        %add3A_421 = arith.constant 3 : i32
        %add3A_422 = arith.addi %mul3A_119, %add3A_421 : i32
        %swap3A_423 = arith.index_cast %add3A_422 : i32 to index
        %swap3A_424 = arith.constant 32 : index
        %swap3A_425 = tpu.vector_load %arg11[%swap3A_423, %swap3A_424] {strides = array<i32>} : memref<80x128xf32, #tpu.memory_space<vmem>>, vector<16xf32>,
        tpu.vector_store %arg11[%swap3A_423, %swap3A_424], %mul3A_420 {strides = array<i32>} : memref<80x128xf32, #tpu.memory_space<vmem>>, vector<16xf32>,
        %add3A_426 = arith.constant 3 : i32
        %add3A_427 = arith.addi %mul3A_119, %add3A_426 : i32
        %get3A_428 = arith.index_cast %add3A_427 : i32 to index
        %get3A_429 = arith.constant 48 : index
        %get3A_430 = tpu.vector_load %arg11[%get3A_428, %get3A_429] {strides = array<i32>} : memref<80x128xf32, #tpu.memory_space<vmem>>, vector<16xf32>,
        %mul3A_431 = arith.mulf %get3A_430, %broadcast_in_dim3A_392 : vector<16xf32>
        %add3A_432 = arith.constant 3 : i32
        %add3A_433 = arith.addi %mul3A_119, %add3A_432 : i32
        %swap3A_434 = arith.index_cast %add3A_433 : i32 to index
        %swap3A_435 = arith.constant 48 : index
        %swap3A_436 = tpu.vector_load %arg11[%swap3A_434, %swap3A_435] {strides = array<i32>} : memref<80x128xf32, #tpu.memory_space<vmem>>, vector<16xf32>,
        tpu.vector_store %arg11[%swap3A_434, %swap3A_435], %mul3A_431 {strides = array<i32>} : memref<80x128xf32, #tpu.memory_space<vmem>>, vector<16xf32>,
        %add3A_437 = arith.constant 3 : i32
        %add3A_438 = arith.addi %mul3A_119, %add3A_437 : i32
        %get3A_439 = arith.index_cast %add3A_438 : i32 to index
        %get3A_440 = arith.constant 64 : index
        %get3A_441 = tpu.vector_load %arg11[%get3A_439, %get3A_440] {strides = array<i32>} : memref<80x128xf32, #tpu.memory_space<vmem>>, vector<16xf32>,
        %mul3A_442 = arith.mulf %get3A_441, %broadcast_in_dim3A_392 : vector<16xf32>
        %add3A_443 = arith.constant 3 : i32
        %add3A_444 = arith.addi %mul3A_119, %add3A_443 : i32
        %swap3A_445 = arith.index_cast %add3A_444 : i32 to index
        %swap3A_446 = arith.constant 64 : index
        %swap3A_447 = tpu.vector_load %arg11[%swap3A_445, %swap3A_446] {strides = array<i32>} : memref<80x128xf32, #tpu.memory_space<vmem>>, vector<16xf32>,
        tpu.vector_store %arg11[%swap3A_445, %swap3A_446], %mul3A_442 {strides = array<i32>} : memref<80x128xf32, #tpu.memory_space<vmem>>, vector<16xf32>,
        %add3A_448 = arith.constant 3 : i32
        %add3A_449 = arith.addi %mul3A_119, %add3A_448 : i32
        %get3A_450 = arith.index_cast %add3A_449 : i32 to index
        %get3A_451 = arith.constant 80 : index
        %get3A_452 = tpu.vector_load %arg11[%get3A_450, %get3A_451] {strides = array<i32>} : memref<80x128xf32, #tpu.memory_space<vmem>>, vector<16xf32>,
        %mul3A_453 = arith.mulf %get3A_452, %broadcast_in_dim3A_392 : vector<16xf32>
        %add3A_454 = arith.constant 3 : i32
        %add3A_455 = arith.addi %mul3A_119, %add3A_454 : i32
        %swap3A_456 = arith.index_cast %add3A_455 : i32 to index
        %swap3A_457 = arith.constant 80 : index
        %swap3A_458 = tpu.vector_load %arg11[%swap3A_456, %swap3A_457] {strides = array<i32>} : memref<80x128xf32, #tpu.memory_space<vmem>>, vector<16xf32>,
        tpu.vector_store %arg11[%swap3A_456, %swap3A_457], %mul3A_453 {strides = array<i32>} : memref<80x128xf32, #tpu.memory_space<vmem>>, vector<16xf32>,
        %add3A_459 = arith.constant 3 : i32
        %add3A_460 = arith.addi %mul3A_119, %add3A_459 : i32
        %get3A_461 = arith.index_cast %add3A_460 : i32 to index
        %get3A_462 = arith.constant 96 : index
        %get3A_463 = tpu.vector_load %arg11[%get3A_461, %get3A_462] {strides = array<i32>} : memref<80x128xf32, #tpu.memory_space<vmem>>, vector<16xf32>,
        %mul3A_464 = arith.mulf %get3A_463, %broadcast_in_dim3A_392 : vector<16xf32>
        %add3A_465 = arith.constant 3 : i32
        %add3A_466 = arith.addi %mul3A_119, %add3A_465 : i32
        %swap3A_467 = arith.index_cast %add3A_466 : i32 to index
        %swap3A_468 = arith.constant 96 : index
        %swap3A_469 = tpu.vector_load %arg11[%swap3A_467, %swap3A_468] {strides = array<i32>} : memref<80x128xf32, #tpu.memory_space<vmem>>, vector<16xf32>,
        tpu.vector_store %arg11[%swap3A_467, %swap3A_468], %mul3A_464 {strides = array<i32>} : memref<80x128xf32, #tpu.memory_space<vmem>>, vector<16xf32>,
        %add3A_470 = arith.constant 3 : i32
        %add3A_471 = arith.addi %mul3A_119, %add3A_470 : i32
        %get3A_472 = arith.index_cast %add3A_471 : i32 to index
        %get3A_473 = arith.constant 112 : index
        %get3A_474 = tpu.vector_load %arg11[%get3A_472, %get3A_473] {strides = array<i32>} : memref<80x128xf32, #tpu.memory_space<vmem>>, vector<16xf32>,
        %mul3A_475 = arith.mulf %get3A_474, %broadcast_in_dim3A_392 : vector<16xf32>
        %add3A_476 = arith.constant 3 : i32
        %add3A_477 = arith.addi %mul3A_119, %add3A_476 : i32
        %swap3A_478 = arith.index_cast %add3A_477 : i32 to index
        %swap3A_479 = arith.constant 112 : index
        %swap3A_480 = tpu.vector_load %arg11[%swap3A_478, %swap3A_479] {strides = array<i32>} : memref<80x128xf32, #tpu.memory_space<vmem>>, vector<16xf32>,
        tpu.vector_store %arg11[%swap3A_478, %swap3A_479], %mul3A_475 {strides = array<i32>} : memref<80x128xf32, #tpu.memory_space<vmem>>, vector<16xf32>,
        %slice3A_481 = vector.extract_strided_slice %get3A_117 {offsets = [4], sizes = [1], strides = [1]} : vector<16xf32> to vector<1xf32>
        %squeeze3A_482 = vector.extract %slice3A_481[0] : f32 from vector<1xf32>
        %broadcast_in_dim3A_483 = vector.broadcast %squeeze3A_482 : f32 to vector<16xf32>
        %add3A_484 = arith.constant 4 : i32
        %add3A_485 = arith.addi %mul3A_119, %add3A_484 : i32
        %get3A_486 = arith.index_cast %add3A_485 : i32 to index
        %get3A_487 = arith.constant 0 : index
        %get3A_488 = tpu.vector_load %arg11[%get3A_486, %get3A_487] {strides = array<i32>} : memref<80x128xf32, #tpu.memory_space<vmem>>, vector<16xf32>,
        %mul3A_489 = arith.mulf %get3A_488, %broadcast_in_dim3A_483 : vector<16xf32>
        %add3A_490 = arith.constant 4 : i32
        %add3A_491 = arith.addi %mul3A_119, %add3A_490 : i32
        %swap3A_492 = arith.index_cast %add3A_491 : i32 to index
        %swap3A_493 = arith.constant 0 : index
        %swap3A_494 = tpu.vector_load %arg11[%swap3A_492, %swap3A_493] {strides = array<i32>} : memref<80x128xf32, #tpu.memory_space<vmem>>, vector<16xf32>,
        tpu.vector_store %arg11[%swap3A_492, %swap3A_493], %mul3A_489 {strides = array<i32>} : memref<80x128xf32, #tpu.memory_space<vmem>>, vector<16xf32>,
        %add3A_495 = arith.constant 4 : i32
        %add3A_496 = arith.addi %mul3A_119, %add3A_495 : i32
        %get3A_497 = arith.index_cast %add3A_496 : i32 to index
        %get3A_498 = arith.constant 16 : index
        %get3A_499 = tpu.vector_load %arg11[%get3A_497, %get3A_498] {strides = array<i32>} : memref<80x128xf32, #tpu.memory_space<vmem>>, vector<16xf32>,
        %mul3A_500 = arith.mulf %get3A_499, %broadcast_in_dim3A_483 : vector<16xf32>
        %add3A_501 = arith.constant 4 : i32
        %add3A_502 = arith.addi %mul3A_119, %add3A_501 : i32
        %swap3A_503 = arith.index_cast %add3A_502 : i32 to index
        %swap3A_504 = arith.constant 16 : index
        %swap3A_505 = tpu.vector_load %arg11[%swap3A_503, %swap3A_504] {strides = array<i32>} : memref<80x128xf32, #tpu.memory_space<vmem>>, vector<16xf32>,
        tpu.vector_store %arg11[%swap3A_503, %swap3A_504], %mul3A_500 {strides = array<i32>} : memref<80x128xf32, #tpu.memory_space<vmem>>, vector<16xf32>,
        %add3A_506 = arith.constant 4 : i32
        %add3A_507 = arith.addi %mul3A_119, %add3A_506 : i32
        %get3A_508 = arith.index_cast %add3A_507 : i32 to index
        %get3A_509 = arith.constant 32 : index
        %get3A_510 = tpu.vector_load %arg11[%get3A_508, %get3A_509] {strides = array<i32>} : memref<80x128xf32, #tpu.memory_space<vmem>>, vector<16xf32>,
        %mul3A_511 = arith.mulf %get3A_510, %broadcast_in_dim3A_483 : vector<16xf32>
        %add3A_512 = arith.constant 4 : i32
        %add3A_513 = arith.addi %mul3A_119, %add3A_512 : i32
        %swap3A_514 = arith.index_cast %add3A_513 : i32 to index
        %swap3A_515 = arith.constant 32 : index
        %swap3A_516 = tpu.vector_load %arg11[%swap3A_514, %swap3A_515] {strides = array<i32>} : memref<80x128xf32, #tpu.memory_space<vmem>>, vector<16xf32>,
        tpu.vector_store %arg11[%swap3A_514, %swap3A_515], %mul3A_511 {strides = array<i32>} : memref<80x128xf32, #tpu.memory_space<vmem>>, vector<16xf32>,
        %add3A_517 = arith.constant 4 : i32
        %add3A_518 = arith.addi %mul3A_119, %add3A_517 : i32
        %get3A_519 = arith.index_cast %add3A_518 : i32 to index
        %get3A_520 = arith.constant 48 : index
        %get3A_521 = tpu.vector_load %arg11[%get3A_519, %get3A_520] {strides = array<i32>} : memref<80x128xf32, #tpu.memory_space<vmem>>, vector<16xf32>,
        %mul3A_522 = arith.mulf %get3A_521, %broadcast_in_dim3A_483 : vector<16xf32>
        %add3A_523 = arith.constant 4 : i32
        %add3A_524 = arith.addi %mul3A_119, %add3A_523 : i32
        %swap3A_525 = arith.index_cast %add3A_524 : i32 to index
        %swap3A_526 = arith.constant 48 : index
        %swap3A_527 = tpu.vector_load %arg11[%swap3A_525, %swap3A_526] {strides = array<i32>} : memref<80x128xf32, #tpu.memory_space<vmem>>, vector<16xf32>,
        tpu.vector_store %arg11[%swap3A_525, %swap3A_526], %mul3A_522 {strides = array<i32>} : memref<80x128xf32, #tpu.memory_space<vmem>>, vector<16xf32>,
        %add3A_528 = arith.constant 4 : i32
        %add3A_529 = arith.addi %mul3A_119, %add3A_528 : i32
        %get3A_530 = arith.index_cast %add3A_529 : i32 to index
        %get3A_531 = arith.constant 64 : index
        %get3A_532 = tpu.vector_load %arg11[%get3A_530, %get3A_531] {strides = array<i32>} : memref<80x128xf32, #tpu.memory_space<vmem>>, vector<16xf32>,
        %mul3A_533 = arith.mulf %get3A_532, %broadcast_in_dim3A_483 : vector<16xf32>
        %add3A_534 = arith.constant 4 : i32
        %add3A_535 = arith.addi %mul3A_119, %add3A_534 : i32
        %swap3A_536 = arith.index_cast %add3A_535 : i32 to index
        %swap3A_537 = arith.constant 64 : index
        %swap3A_538 = tpu.vector_load %arg11[%swap3A_536, %swap3A_537] {strides = array<i32>} : memref<80x128xf32, #tpu.memory_space<vmem>>, vector<16xf32>,
        tpu.vector_store %arg11[%swap3A_536, %swap3A_537], %mul3A_533 {strides = array<i32>} : memref<80x128xf32, #tpu.memory_space<vmem>>, vector<16xf32>,
        %add3A_539 = arith.constant 4 : i32
        %add3A_540 = arith.addi %mul3A_119, %add3A_539 : i32
        %get3A_541 = arith.index_cast %add3A_540 : i32 to index
        %get3A_542 = arith.constant 80 : index
        %get3A_543 = tpu.vector_load %arg11[%get3A_541, %get3A_542] {strides = array<i32>} : memref<80x128xf32, #tpu.memory_space<vmem>>, vector<16xf32>,
        %mul3A_544 = arith.mulf %get3A_543, %broadcast_in_dim3A_483 : vector<16xf32>
        %add3A_545 = arith.constant 4 : i32
        %add3A_546 = arith.addi %mul3A_119, %add3A_545 : i32
        %swap3A_547 = arith.index_cast %add3A_546 : i32 to index
        %swap3A_548 = arith.constant 80 : index
        %swap3A_549 = tpu.vector_load %arg11[%swap3A_547, %swap3A_548] {strides = array<i32>} : memref<80x128xf32, #tpu.memory_space<vmem>>, vector<16xf32>,
        tpu.vector_store %arg11[%swap3A_547, %swap3A_548], %mul3A_544 {strides = array<i32>} : memref<80x128xf32, #tpu.memory_space<vmem>>, vector<16xf32>,
        %add3A_550 = arith.constant 4 : i32
        %add3A_551 = arith.addi %mul3A_119, %add3A_550 : i32
        %get3A_552 = arith.index_cast %add3A_551 : i32 to index
        %get3A_553 = arith.constant 96 : index
        %get3A_554 = tpu.vector_load %arg11[%get3A_552, %get3A_553] {strides = array<i32>} : memref<80x128xf32, #tpu.memory_space<vmem>>, vector<16xf32>,
        %mul3A_555 = arith.mulf %get3A_554, %broadcast_in_dim3A_483 : vector<16xf32>
        %add3A_556 = arith.constant 4 : i32
        %add3A_557 = arith.addi %mul3A_119, %add3A_556 : i32
        %swap3A_558 = arith.index_cast %add3A_557 : i32 to index
        %swap3A_559 = arith.constant 96 : index
        %swap3A_560 = tpu.vector_load %arg11[%swap3A_558, %swap3A_559] {strides = array<i32>} : memref<80x128xf32, #tpu.memory_space<vmem>>, vector<16xf32>,
        tpu.vector_store %arg11[%swap3A_558, %swap3A_559], %mul3A_555 {strides = array<i32>} : memref<80x128xf32, #tpu.memory_space<vmem>>, vector<16xf32>,
        %add3A_561 = arith.constant 4 : i32
        %add3A_562 = arith.addi %mul3A_119, %add3A_561 : i32
        %get3A_563 = arith.index_cast %add3A_562 : i32 to index
        %get3A_564 = arith.constant 112 : index
        %get3A_565 = tpu.vector_load %arg11[%get3A_563, %get3A_564] {strides = array<i32>} : memref<80x128xf32, #tpu.memory_space<vmem>>, vector<16xf32>,
        %mul3A_566 = arith.mulf %get3A_565, %broadcast_in_dim3A_483 : vector<16xf32>
        %add3A_567 = arith.constant 4 : i32
        %add3A_568 = arith.addi %mul3A_119, %add3A_567 : i32
        %swap3A_569 = arith.index_cast %add3A_568 : i32 to index
        %swap3A_570 = arith.constant 112 : index
        %swap3A_571 = tpu.vector_load %arg11[%swap3A_569, %swap3A_570] {strides = array<i32>} : memref<80x128xf32, #tpu.memory_space<vmem>>, vector<16xf32>,
        tpu.vector_store %arg11[%swap3A_569, %swap3A_570], %mul3A_566 {strides = array<i32>} : memref<80x128xf32, #tpu.memory_space<vmem>>, vector<16xf32>,
        %slice3A_572 = vector.extract_strided_slice %get3A_117 {offsets = [5], sizes = [1], strides = [1]} : vector<16xf32> to vector<1xf32>
        %squeeze3A_573 = vector.extract %slice3A_572[0] : f32 from vector<1xf32>
        %broadcast_in_dim3A_574 = vector.broadcast %squeeze3A_573 : f32 to vector<16xf32>
        %add3A_575 = arith.constant 5 : i32
        %add3A_576 = arith.addi %mul3A_119, %add3A_575 : i32
        %get3A_577 = arith.index_cast %add3A_576 : i32 to index
        %get3A_578 = arith.constant 0 : index
        %get3A_579 = tpu.vector_load %arg11[%get3A_577, %get3A_578] {strides = array<i32>} : memref<80x128xf32, #tpu.memory_space<vmem>>, vector<16xf32>,
        %mul3A_580 = arith.mulf %get3A_579, %broadcast_in_dim3A_574 : vector<16xf32>
        %add3A_581 = arith.constant 5 : i32
        %add3A_582 = arith.addi %mul3A_119, %add3A_581 : i32
        %swap3A_583 = arith.index_cast %add3A_582 : i32 to index
        %swap3A_584 = arith.constant 0 : index
        %swap3A_585 = tpu.vector_load %arg11[%swap3A_583, %swap3A_584] {strides = array<i32>} : memref<80x128xf32, #tpu.memory_space<vmem>>, vector<16xf32>,
        tpu.vector_store %arg11[%swap3A_583, %swap3A_584], %mul3A_580 {strides = array<i32>} : memref<80x128xf32, #tpu.memory_space<vmem>>, vector<16xf32>,
        %add3A_586 = arith.constant 5 : i32
        %add3A_587 = arith.addi %mul3A_119, %add3A_586 : i32
        %get3A_588 = arith.index_cast %add3A_587 : i32 to index
        %get3A_589 = arith.constant 16 : index
        %get3A_590 = tpu.vector_load %arg11[%get3A_588, %get3A_589] {strides = array<i32>} : memref<80x128xf32, #tpu.memory_space<vmem>>, vector<16xf32>,
        %mul3A_591 = arith.mulf %get3A_590, %broadcast_in_dim3A_574 : vector<16xf32>
        %add3A_592 = arith.constant 5 : i32
        %add3A_593 = arith.addi %mul3A_119, %add3A_592 : i32
        %swap3A_594 = arith.index_cast %add3A_593 : i32 to index
        %swap3A_595 = arith.constant 16 : index
        %swap3A_596 = tpu.vector_load %arg11[%swap3A_594, %swap3A_595] {strides = array<i32>} : memref<80x128xf32, #tpu.memory_space<vmem>>, vector<16xf32>,
        tpu.vector_store %arg11[%swap3A_594, %swap3A_595], %mul3A_591 {strides = array<i32>} : memref<80x128xf32, #tpu.memory_space<vmem>>, vector<16xf32>,
        %add3A_597 = arith.constant 5 : i32
        %add3A_598 = arith.addi %mul3A_119, %add3A_597 : i32
        %get3A_599 = arith.index_cast %add3A_598 : i32 to index
        %get3A_600 = arith.constant 32 : index
        %get3A_601 = tpu.vector_load %arg11[%get3A_599, %get3A_600] {strides = array<i32>} : memref<80x128xf32, #tpu.memory_space<vmem>>, vector<16xf32>,
        %mul3A_602 = arith.mulf %get3A_601, %broadcast_in_dim3A_574 : vector<16xf32>
        %add3A_603 = arith.constant 5 : i32
        %add3A_604 = arith.addi %mul3A_119, %add3A_603 : i32
        %swap3A_605 = arith.index_cast %add3A_604 : i32 to index
        %swap3A_606 = arith.constant 32 : index
        %swap3A_607 = tpu.vector_load %arg11[%swap3A_605, %swap3A_606] {strides = array<i32>} : memref<80x128xf32, #tpu.memory_space<vmem>>, vector<16xf32>,
        tpu.vector_store %arg11[%swap3A_605, %swap3A_606], %mul3A_602 {strides = array<i32>} : memref<80x128xf32, #tpu.memory_space<vmem>>, vector<16xf32>,
        %add3A_608 = arith.constant 5 : i32
        %add3A_609 = arith.addi %mul3A_119, %add3A_608 : i32
        %get3A_610 = arith.index_cast %add3A_609 : i32 to index
        %get3A_611 = arith.constant 48 : index
        %get3A_612 = tpu.vector_load %arg11[%get3A_610, %get3A_611] {strides = array<i32>} : memref<80x128xf32, #tpu.memory_space<vmem>>, vector<16xf32>,
        %mul3A_613 = arith.mulf %get3A_612, %broadcast_in_dim3A_574 : vector<16xf32>
        %add3A_614 = arith.constant 5 : i32
        %add3A_615 = arith.addi %mul3A_119, %add3A_614 : i32
        %swap3A_616 = arith.index_cast %add3A_615 : i32 to index
        %swap3A_617 = arith.constant 48 : index
        %swap3A_618 = tpu.vector_load %arg11[%swap3A_616, %swap3A_617] {strides = array<i32>} : memref<80x128xf32, #tpu.memory_space<vmem>>, vector<16xf32>,
        tpu.vector_store %arg11[%swap3A_616, %swap3A_617], %mul3A_613 {strides = array<i32>} : memref<80x128xf32, #tpu.memory_space<vmem>>, vector<16xf32>,
        %add3A_619 = arith.constant 5 : i32
        %add3A_620 = arith.addi %mul3A_119, %add3A_619 : i32
        %get3A_621 = arith.index_cast %add3A_620 : i32 to index
        %get3A_622 = arith.constant 64 : index
        %get3A_623 = tpu.vector_load %arg11[%get3A_621, %get3A_622] {strides = array<i32>} : memref<80x128xf32, #tpu.memory_space<vmem>>, vector<16xf32>,
        %mul3A_624 = arith.mulf %get3A_623, %broadcast_in_dim3A_574 : vector<16xf32>
        %add3A_625 = arith.constant 5 : i32
        %add3A_626 = arith.addi %mul3A_119, %add3A_625 : i32
        %swap3A_627 = arith.index_cast %add3A_626 : i32 to index
        %swap3A_628 = arith.constant 64 : index
        %swap3A_629 = tpu.vector_load %arg11[%swap3A_627, %swap3A_628] {strides = array<i32>} : memref<80x128xf32, #tpu.memory_space<vmem>>, vector<16xf32>,
        tpu.vector_store %arg11[%swap3A_627, %swap3A_628], %mul3A_624 {strides = array<i32>} : memref<80x128xf32, #tpu.memory_space<vmem>>, vector<16xf32>,
        %add3A_630 = arith.constant 5 : i32
        %add3A_631 = arith.addi %mul3A_119, %add3A_630 : i32
        %get3A_632 = arith.index_cast %add3A_631 : i32 to index
        %get3A_633 = arith.constant 80 : index
        %get3A_634 = tpu.vector_load %arg11[%get3A_632, %get3A_633] {strides = array<i32>} : memref<80x128xf32, #tpu.memory_space<vmem>>, vector<16xf32>,
        %mul3A_635 = arith.mulf %get3A_634, %broadcast_in_dim3A_574 : vector<16xf32>
        %add3A_636 = arith.constant 5 : i32
        %add3A_637 = arith.addi %mul3A_119, %add3A_636 : i32
        %swap3A_638 = arith.index_cast %add3A_637 : i32 to index
        %swap3A_639 = arith.constant 80 : index
        %swap3A_640 = tpu.vector_load %arg11[%swap3A_638, %swap3A_639] {strides = array<i32>} : memref<80x128xf32, #tpu.memory_space<vmem>>, vector<16xf32>,
        tpu.vector_store %arg11[%swap3A_638, %swap3A_639], %mul3A_635 {strides = array<i32>} : memref<80x128xf32, #tpu.memory_space<vmem>>, vector<16xf32>,
        %add3A_641 = arith.constant 5 : i32
        %add3A_642 = arith.addi %mul3A_119, %add3A_641 : i32
        %get3A_643 = arith.index_cast %add3A_642 : i32 to index
        %get3A_644 = arith.constant 96 : index
        %get3A_645 = tpu.vector_load %arg11[%get3A_643, %get3A_644] {strides = array<i32>} : memref<80x128xf32, #tpu.memory_space<vmem>>, vector<16xf32>,
        %mul3A_646 = arith.mulf %get3A_645, %broadcast_in_dim3A_574 : vector<16xf32>
        %add3A_647 = arith.constant 5 : i32
        %add3A_648 = arith.addi %mul3A_119, %add3A_647 : i32
        %swap3A_649 = arith.index_cast %add3A_648 : i32 to index
        %swap3A_650 = arith.constant 96 : index
        %swap3A_651 = tpu.vector_load %arg11[%swap3A_649, %swap3A_650] {strides = array<i32>} : memref<80x128xf32, #tpu.memory_space<vmem>>, vector<16xf32>,
        tpu.vector_store %arg11[%swap3A_649, %swap3A_650], %mul3A_646 {strides = array<i32>} : memref<80x128xf32, #tpu.memory_space<vmem>>, vector<16xf32>,
        %add3A_652 = arith.constant 5 : i32
        %add3A_653 = arith.addi %mul3A_119, %add3A_652 : i32
        %get3A_654 = arith.index_cast %add3A_653 : i32 to index
        %get3A_655 = arith.constant 112 : index
        %get3A_656 = tpu.vector_load %arg11[%get3A_654, %get3A_655] {strides = array<i32>} : memref<80x128xf32, #tpu.memory_space<vmem>>, vector<16xf32>,
        %mul3A_657 = arith.mulf %get3A_656, %broadcast_in_dim3A_574 : vector<16xf32>
        %add3A_658 = arith.constant 5 : i32
        %add3A_659 = arith.addi %mul3A_119, %add3A_658 : i32
        %swap3A_660 = arith.index_cast %add3A_659 : i32 to index
        %swap3A_661 = arith.constant 112 : index
        %swap3A_662 = tpu.vector_load %arg11[%swap3A_660, %swap3A_661] {strides = array<i32>} : memref<80x128xf32, #tpu.memory_space<vmem>>, vector<16xf32>,
        tpu.vector_store %arg11[%swap3A_660, %swap3A_661], %mul3A_657 {strides = array<i32>} : memref<80x128xf32, #tpu.memory_space<vmem>>, vector<16xf32>,
        %slice3A_663 = vector.extract_strided_slice %get3A_117 {offsets = [6], sizes = [1], strides = [1]} : vector<16xf32> to vector<1xf32>
        %squeeze3A_664 = vector.extract %slice3A_663[0] : f32 from vector<1xf32>
        %broadcast_in_dim3A_665 = vector.broadcast %squeeze3A_664 : f32 to vector<16xf32>
        %add3A_666 = arith.constant 6 : i32
        %add3A_667 = arith.addi %mul3A_119, %add3A_666 : i32
        %get3A_668 = arith.index_cast %add3A_667 : i32 to index
        %get3A_669 = arith.constant 0 : index
        %get3A_670 = tpu.vector_load %arg11[%get3A_668, %get3A_669] {strides = array<i32>} : memref<80x128xf32, #tpu.memory_space<vmem>>, vector<16xf32>,
        %mul3A_671 = arith.mulf %get3A_670, %broadcast_in_dim3A_665 : vector<16xf32>
        %add3A_672 = arith.constant 6 : i32
        %add3A_673 = arith.addi %mul3A_119, %add3A_672 : i32
        %swap3A_674 = arith.index_cast %add3A_673 : i32 to index
        %swap3A_675 = arith.constant 0 : index
        %swap3A_676 = tpu.vector_load %arg11[%swap3A_674, %swap3A_675] {strides = array<i32>} : memref<80x128xf32, #tpu.memory_space<vmem>>, vector<16xf32>,
        tpu.vector_store %arg11[%swap3A_674, %swap3A_675], %mul3A_671 {strides = array<i32>} : memref<80x128xf32, #tpu.memory_space<vmem>>, vector<16xf32>,
        %add3A_677 = arith.constant 6 : i32
        %add3A_678 = arith.addi %mul3A_119, %add3A_677 : i32
        %get3A_679 = arith.index_cast %add3A_678 : i32 to index
        %get3A_680 = arith.constant 16 : index
        %get3A_681 = tpu.vector_load %arg11[%get3A_679, %get3A_680] {strides = array<i32>} : memref<80x128xf32, #tpu.memory_space<vmem>>, vector<16xf32>,
        %mul3A_682 = arith.mulf %get3A_681, %broadcast_in_dim3A_665 : vector<16xf32>
        %add3A_683 = arith.constant 6 : i32
        %add3A_684 = arith.addi %mul3A_119, %add3A_683 : i32
        %swap3A_685 = arith.index_cast %add3A_684 : i32 to index
        %swap3A_686 = arith.constant 16 : index
        %swap3A_687 = tpu.vector_load %arg11[%swap3A_685, %swap3A_686] {strides = array<i32>} : memref<80x128xf32, #tpu.memory_space<vmem>>, vector<16xf32>,
        tpu.vector_store %arg11[%swap3A_685, %swap3A_686], %mul3A_682 {strides = array<i32>} : memref<80x128xf32, #tpu.memory_space<vmem>>, vector<16xf32>,
        %add3A_688 = arith.constant 6 : i32
        %add3A_689 = arith.addi %mul3A_119, %add3A_688 : i32
        %get3A_690 = arith.index_cast %add3A_689 : i32 to index
        %get3A_691 = arith.constant 32 : index
        %get3A_692 = tpu.vector_load %arg11[%get3A_690, %get3A_691] {strides = array<i32>} : memref<80x128xf32, #tpu.memory_space<vmem>>, vector<16xf32>,
        %mul3A_693 = arith.mulf %get3A_692, %broadcast_in_dim3A_665 : vector<16xf32>
        %add3A_694 = arith.constant 6 : i32
        %add3A_695 = arith.addi %mul3A_119, %add3A_694 : i32
        %swap3A_696 = arith.index_cast %add3A_695 : i32 to index
        %swap3A_697 = arith.constant 32 : index
        %swap3A_698 = tpu.vector_load %arg11[%swap3A_696, %swap3A_697] {strides = array<i32>} : memref<80x128xf32, #tpu.memory_space<vmem>>, vector<16xf32>,
        tpu.vector_store %arg11[%swap3A_696, %swap3A_697], %mul3A_693 {strides = array<i32>} : memref<80x128xf32, #tpu.memory_space<vmem>>, vector<16xf32>,
        %add3A_699 = arith.constant 6 : i32
        %add3A_700 = arith.addi %mul3A_119, %add3A_699 : i32
        %get3A_701 = arith.index_cast %add3A_700 : i32 to index
        %get3A_702 = arith.constant 48 : index
        %get3A_703 = tpu.vector_load %arg11[%get3A_701, %get3A_702] {strides = array<i32>} : memref<80x128xf32, #tpu.memory_space<vmem>>, vector<16xf32>,
        %mul3A_704 = arith.mulf %get3A_703, %broadcast_in_dim3A_665 : vector<16xf32>
        %add3A_705 = arith.constant 6 : i32
        %add3A_706 = arith.addi %mul3A_119, %add3A_705 : i32
        %swap3A_707 = arith.index_cast %add3A_706 : i32 to index
        %swap3A_708 = arith.constant 48 : index
        %swap3A_709 = tpu.vector_load %arg11[%swap3A_707, %swap3A_708] {strides = array<i32>} : memref<80x128xf32, #tpu.memory_space<vmem>>, vector<16xf32>,
        tpu.vector_store %arg11[%swap3A_707, %swap3A_708], %mul3A_704 {strides = array<i32>} : memref<80x128xf32, #tpu.memory_space<vmem>>, vector<16xf32>,
        %add3A_710 = arith.constant 6 : i32
        %add3A_711 = arith.addi %mul3A_119, %add3A_710 : i32
        %get3A_712 = arith.index_cast %add3A_711 : i32 to index
        %get3A_713 = arith.constant 64 : index
        %get3A_714 = tpu.vector_load %arg11[%get3A_712, %get3A_713] {strides = array<i32>} : memref<80x128xf32, #tpu.memory_space<vmem>>, vector<16xf32>,
        %mul3A_715 = arith.mulf %get3A_714, %broadcast_in_dim3A_665 : vector<16xf32>
        %add3A_716 = arith.constant 6 : i32
        %add3A_717 = arith.addi %mul3A_119, %add3A_716 : i32
        %swap3A_718 = arith.index_cast %add3A_717 : i32 to index
        %swap3A_719 = arith.constant 64 : index
        %swap3A_720 = tpu.vector_load %arg11[%swap3A_718, %swap3A_719] {strides = array<i32>} : memref<80x128xf32, #tpu.memory_space<vmem>>, vector<16xf32>,
        tpu.vector_store %arg11[%swap3A_718, %swap3A_719], %mul3A_715 {strides = array<i32>} : memref<80x128xf32, #tpu.memory_space<vmem>>, vector<16xf32>,
        %add3A_721 = arith.constant 6 : i32
        %add3A_722 = arith.addi %mul3A_119, %add3A_721 : i32
        %get3A_723 = arith.index_cast %add3A_722 : i32 to index
        %get3A_724 = arith.constant 80 : index
        %get3A_725 = tpu.vector_load %arg11[%get3A_723, %get3A_724] {strides = array<i32>} : memref<80x128xf32, #tpu.memory_space<vmem>>, vector<16xf32>,
        %mul3A_726 = arith.mulf %get3A_725, %broadcast_in_dim3A_665 : vector<16xf32>
        %add3A_727 = arith.constant 6 : i32
        %add3A_728 = arith.addi %mul3A_119, %add3A_727 : i32
        %swap3A_729 = arith.index_cast %add3A_728 : i32 to index
        %swap3A_730 = arith.constant 80 : index
        %swap3A_731 = tpu.vector_load %arg11[%swap3A_729, %swap3A_730] {strides = array<i32>} : memref<80x128xf32, #tpu.memory_space<vmem>>, vector<16xf32>,
        tpu.vector_store %arg11[%swap3A_729, %swap3A_730], %mul3A_726 {strides = array<i32>} : memref<80x128xf32, #tpu.memory_space<vmem>>, vector<16xf32>,
        %add3A_732 = arith.constant 6 : i32
        %add3A_733 = arith.addi %mul3A_119, %add3A_732 : i32
        %get3A_734 = arith.index_cast %add3A_733 : i32 to index
        %get3A_735 = arith.constant 96 : index
        %get3A_736 = tpu.vector_load %arg11[%get3A_734, %get3A_735] {strides = array<i32>} : memref<80x128xf32, #tpu.memory_space<vmem>>, vector<16xf32>,
        %mul3A_737 = arith.mulf %get3A_736, %broadcast_in_dim3A_665 : vector<16xf32>
        %add3A_738 = arith.constant 6 : i32
        %add3A_739 = arith.addi %mul3A_119, %add3A_738 : i32
        %swap3A_740 = arith.index_cast %add3A_739 : i32 to index
        %swap3A_741 = arith.constant 96 : index
        %swap3A_742 = tpu.vector_load %arg11[%swap3A_740, %swap3A_741] {strides = array<i32>} : memref<80x128xf32, #tpu.memory_space<vmem>>, vector<16xf32>,
        tpu.vector_store %arg11[%swap3A_740, %swap3A_741], %mul3A_737 {strides = array<i32>} : memref<80x128xf32, #tpu.memory_space<vmem>>, vector<16xf32>,
        %add3A_743 = arith.constant 6 : i32
        %add3A_744 = arith.addi %mul3A_119, %add3A_743 : i32
        %get3A_745 = arith.index_cast %add3A_744 : i32 to index
        %get3A_746 = arith.constant 112 : index
        %get3A_747 = tpu.vector_load %arg11[%get3A_745, %get3A_746] {strides = array<i32>} : memref<80x128xf32, #tpu.memory_space<vmem>>, vector<16xf32>,
        %mul3A_748 = arith.mulf %get3A_747, %broadcast_in_dim3A_665 : vector<16xf32>
        %add3A_749 = arith.constant 6 : i32
        %add3A_750 = arith.addi %mul3A_119, %add3A_749 : i32
        %swap3A_751 = arith.index_cast %add3A_750 : i32 to index
        %swap3A_752 = arith.constant 112 : index
        %swap3A_753 = tpu.vector_load %arg11[%swap3A_751, %swap3A_752] {strides = array<i32>} : memref<80x128xf32, #tpu.memory_space<vmem>>, vector<16xf32>,
        tpu.vector_store %arg11[%swap3A_751, %swap3A_752], %mul3A_748 {strides = array<i32>} : memref<80x128xf32, #tpu.memory_space<vmem>>, vector<16xf32>,
        %slice3A_754 = vector.extract_strided_slice %get3A_117 {offsets = [7], sizes = [1], strides = [1]} : vector<16xf32> to vector<1xf32>
        %squeeze3A_755 = vector.extract %slice3A_754[0] : f32 from vector<1xf32>
        %broadcast_in_dim3A_756 = vector.broadcast %squeeze3A_755 : f32 to vector<16xf32>
        %add3A_757 = arith.constant 7 : i32
        %add3A_758 = arith.addi %mul3A_119, %add3A_757 : i32
        %get3A_759 = arith.index_cast %add3A_758 : i32 to index
        %get3A_760 = arith.constant 0 : index
        %get3A_761 = tpu.vector_load %arg11[%get3A_759, %get3A_760] {strides = array<i32>} : memref<80x128xf32, #tpu.memory_space<vmem>>, vector<16xf32>,
        %mul3A_762 = arith.mulf %get3A_761, %broadcast_in_dim3A_756 : vector<16xf32>
        %add3A_763 = arith.constant 7 : i32
        %add3A_764 = arith.addi %mul3A_119, %add3A_763 : i32
        %swap3A_765 = arith.index_cast %add3A_764 : i32 to index
        %swap3A_766 = arith.constant 0 : index
        %swap3A_767 = tpu.vector_load %arg11[%swap3A_765, %swap3A_766] {strides = array<i32>} : memref<80x128xf32, #tpu.memory_space<vmem>>, vector<16xf32>,
        tpu.vector_store %arg11[%swap3A_765, %swap3A_766], %mul3A_762 {strides = array<i32>} : memref<80x128xf32, #tpu.memory_space<vmem>>, vector<16xf32>,
        %add3A_768 = arith.constant 7 : i32
        %add3A_769 = arith.addi %mul3A_119, %add3A_768 : i32
        %get3A_770 = arith.index_cast %add3A_769 : i32 to index
        %get3A_771 = arith.constant 16 : index
        %get3A_772 = tpu.vector_load %arg11[%get3A_770, %get3A_771] {strides = array<i32>} : memref<80x128xf32, #tpu.memory_space<vmem>>, vector<16xf32>,
        %mul3A_773 = arith.mulf %get3A_772, %broadcast_in_dim3A_756 : vector<16xf32>
        %add3A_774 = arith.constant 7 : i32
        %add3A_775 = arith.addi %mul3A_119, %add3A_774 : i32
        %swap3A_776 = arith.index_cast %add3A_775 : i32 to index
        %swap3A_777 = arith.constant 16 : index
        %swap3A_778 = tpu.vector_load %arg11[%swap3A_776, %swap3A_777] {strides = array<i32>} : memref<80x128xf32, #tpu.memory_space<vmem>>, vector<16xf32>,
        tpu.vector_store %arg11[%swap3A_776, %swap3A_777], %mul3A_773 {strides = array<i32>} : memref<80x128xf32, #tpu.memory_space<vmem>>, vector<16xf32>,
        %add3A_779 = arith.constant 7 : i32
        %add3A_780 = arith.addi %mul3A_119, %add3A_779 : i32
        %get3A_781 = arith.index_cast %add3A_780 : i32 to index
        %get3A_782 = arith.constant 32 : index
        %get3A_783 = tpu.vector_load %arg11[%get3A_781, %get3A_782] {strides = array<i32>} : memref<80x128xf32, #tpu.memory_space<vmem>>, vector<16xf32>,
        %mul3A_784 = arith.mulf %get3A_783, %broadcast_in_dim3A_756 : vector<16xf32>
        %add3A_785 = arith.constant 7 : i32
        %add3A_786 = arith.addi %mul3A_119, %add3A_785 : i32
        %swap3A_787 = arith.index_cast %add3A_786 : i32 to index
        %swap3A_788 = arith.constant 32 : index
        %swap3A_789 = tpu.vector_load %arg11[%swap3A_787, %swap3A_788] {strides = array<i32>} : memref<80x128xf32, #tpu.memory_space<vmem>>, vector<16xf32>,
        tpu.vector_store %arg11[%swap3A_787, %swap3A_788], %mul3A_784 {strides = array<i32>} : memref<80x128xf32, #tpu.memory_space<vmem>>, vector<16xf32>,
        %add3A_790 = arith.constant 7 : i32
        %add3A_791 = arith.addi %mul3A_119, %add3A_790 : i32
        %get3A_792 = arith.index_cast %add3A_791 : i32 to index
        %get3A_793 = arith.constant 48 : index
        %get3A_794 = tpu.vector_load %arg11[%get3A_792, %get3A_793] {strides = array<i32>} : memref<80x128xf32, #tpu.memory_space<vmem>>, vector<16xf32>,
        %mul3A_795 = arith.mulf %get3A_794, %broadcast_in_dim3A_756 : vector<16xf32>
        %add3A_796 = arith.constant 7 : i32
        %add3A_797 = arith.addi %mul3A_119, %add3A_796 : i32
        %swap3A_798 = arith.index_cast %add3A_797 : i32 to index
        %swap3A_799 = arith.constant 48 : index
        %swap3A_800 = tpu.vector_load %arg11[%swap3A_798, %swap3A_799] {strides = array<i32>} : memref<80x128xf32, #tpu.memory_space<vmem>>, vector<16xf32>,
        tpu.vector_store %arg11[%swap3A_798, %swap3A_799], %mul3A_795 {strides = array<i32>} : memref<80x128xf32, #tpu.memory_space<vmem>>, vector<16xf32>,
        %add3A_801 = arith.constant 7 : i32
        %add3A_802 = arith.addi %mul3A_119, %add3A_801 : i32
        %get3A_803 = arith.index_cast %add3A_802 : i32 to index
        %get3A_804 = arith.constant 64 : index
        %get3A_805 = tpu.vector_load %arg11[%get3A_803, %get3A_804] {strides = array<i32>} : memref<80x128xf32, #tpu.memory_space<vmem>>, vector<16xf32>,
        %mul3A_806 = arith.mulf %get3A_805, %broadcast_in_dim3A_756 : vector<16xf32>
        %add3A_807 = arith.constant 7 : i32
        %add3A_808 = arith.addi %mul3A_119, %add3A_807 : i32
        %swap3A_809 = arith.index_cast %add3A_808 : i32 to index
        %swap3A_810 = arith.constant 64 : index
        %swap3A_811 = tpu.vector_load %arg11[%swap3A_809, %swap3A_810] {strides = array<i32>} : memref<80x128xf32, #tpu.memory_space<vmem>>, vector<16xf32>,
        tpu.vector_store %arg11[%swap3A_809, %swap3A_810], %mul3A_806 {strides = array<i32>} : memref<80x128xf32, #tpu.memory_space<vmem>>, vector<16xf32>,
        %add3A_812 = arith.constant 7 : i32
        %add3A_813 = arith.addi %mul3A_119, %add3A_812 : i32
        %get3A_814 = arith.index_cast %add3A_813 : i32 to index
        %get3A_815 = arith.constant 80 : index
        %get3A_816 = tpu.vector_load %arg11[%get3A_814, %get3A_815] {strides = array<i32>} : memref<80x128xf32, #tpu.memory_space<vmem>>, vector<16xf32>,
        %mul3A_817 = arith.mulf %get3A_816, %broadcast_in_dim3A_756 : vector<16xf32>
        %add3A_818 = arith.constant 7 : i32
        %add3A_819 = arith.addi %mul3A_119, %add3A_818 : i32
        %swap3A_820 = arith.index_cast %add3A_819 : i32 to index
        %swap3A_821 = arith.constant 80 : index
        %swap3A_822 = tpu.vector_load %arg11[%swap3A_820, %swap3A_821] {strides = array<i32>} : memref<80x128xf32, #tpu.memory_space<vmem>>, vector<16xf32>,
        tpu.vector_store %arg11[%swap3A_820, %swap3A_821], %mul3A_817 {strides = array<i32>} : memref<80x128xf32, #tpu.memory_space<vmem>>, vector<16xf32>,
        %add3A_823 = arith.constant 7 : i32
        %add3A_824 = arith.addi %mul3A_119, %add3A_823 : i32
        %get3A_825 = arith.index_cast %add3A_824 : i32 to index
        %get3A_826 = arith.constant 96 : index
        %get3A_827 = tpu.vector_load %arg11[%get3A_825, %get3A_826] {strides = array<i32>} : memref<80x128xf32, #tpu.memory_space<vmem>>, vector<16xf32>,
        %mul3A_828 = arith.mulf %get3A_827, %broadcast_in_dim3A_756 : vector<16xf32>
        %add3A_829 = arith.constant 7 : i32
        %add3A_830 = arith.addi %mul3A_119, %add3A_829 : i32
        %swap3A_831 = arith.index_cast %add3A_830 : i32 to index
        %swap3A_832 = arith.constant 96 : index
        %swap3A_833 = tpu.vector_load %arg11[%swap3A_831, %swap3A_832] {strides = array<i32>} : memref<80x128xf32, #tpu.memory_space<vmem>>, vector<16xf32>,
        tpu.vector_store %arg11[%swap3A_831, %swap3A_832], %mul3A_828 {strides = array<i32>} : memref<80x128xf32, #tpu.memory_space<vmem>>, vector<16xf32>,
        %add3A_834 = arith.constant 7 : i32
        %add3A_835 = arith.addi %mul3A_119, %add3A_834 : i32
        %get3A_836 = arith.index_cast %add3A_835 : i32 to index
        %get3A_837 = arith.constant 112 : index
        %get3A_838 = tpu.vector_load %arg11[%get3A_836, %get3A_837] {strides = array<i32>} : memref<80x128xf32, #tpu.memory_space<vmem>>, vector<16xf32>,
        %mul3A_839 = arith.mulf %get3A_838, %broadcast_in_dim3A_756 : vector<16xf32>
        %add3A_840 = arith.constant 7 : i32
        %add3A_841 = arith.addi %mul3A_119, %add3A_840 : i32
        %swap3A_842 = arith.index_cast %add3A_841 : i32 to index
        %swap3A_843 = arith.constant 112 : index
        %swap3A_844 = tpu.vector_load %arg11[%swap3A_842, %swap3A_843] {strides = array<i32>} : memref<80x128xf32, #tpu.memory_space<vmem>>, vector<16xf32>,
        tpu.vector_store %arg11[%swap3A_842, %swap3A_843], %mul3A_839 {strides = array<i32>} : memref<80x128xf32, #tpu.memory_space<vmem>>, vector<16xf32>,
        %slice3A_845 = vector.extract_strided_slice %get3A_117 {offsets = [8], sizes = [1], strides = [1]} : vector<16xf32> to vector<1xf32>
        %squeeze3A_846 = vector.extract %slice3A_845[0] : f32 from vector<1xf32>
        %broadcast_in_dim3A_847 = vector.broadcast %squeeze3A_846 : f32 to vector<16xf32>
        %add3A_848 = arith.constant 8 : i32
        %add3A_849 = arith.addi %mul3A_119, %add3A_848 : i32
        %get3A_850 = arith.index_cast %add3A_849 : i32 to index
        %get3A_851 = arith.constant 0 : index
        %get3A_852 = tpu.vector_load %arg11[%get3A_850, %get3A_851] {strides = array<i32>} : memref<80x128xf32, #tpu.memory_space<vmem>>, vector<16xf32>,
        %mul3A_853 = arith.mulf %get3A_852, %broadcast_in_dim3A_847 : vector<16xf32>
        %add3A_854 = arith.constant 8 : i32
        %add3A_855 = arith.addi %mul3A_119, %add3A_854 : i32
        %swap3A_856 = arith.index_cast %add3A_855 : i32 to index
        %swap3A_857 = arith.constant 0 : index
        %swap3A_858 = tpu.vector_load %arg11[%swap3A_856, %swap3A_857] {strides = array<i32>} : memref<80x128xf32, #tpu.memory_space<vmem>>, vector<16xf32>,
        tpu.vector_store %arg11[%swap3A_856, %swap3A_857], %mul3A_853 {strides = array<i32>} : memref<80x128xf32, #tpu.memory_space<vmem>>, vector<16xf32>,
        %add3A_859 = arith.constant 8 : i32
        %add3A_860 = arith.addi %mul3A_119, %add3A_859 : i32
        %get3A_861 = arith.index_cast %add3A_860 : i32 to index
        %get3A_862 = arith.constant 16 : index
        %get3A_863 = tpu.vector_load %arg11[%get3A_861, %get3A_862] {strides = array<i32>} : memref<80x128xf32, #tpu.memory_space<vmem>>, vector<16xf32>,
        %mul3A_864 = arith.mulf %get3A_863, %broadcast_in_dim3A_847 : vector<16xf32>
        %add3A_865 = arith.constant 8 : i32
        %add3A_866 = arith.addi %mul3A_119, %add3A_865 : i32
        %swap3A_867 = arith.index_cast %add3A_866 : i32 to index
        %swap3A_868 = arith.constant 16 : index
        %swap3A_869 = tpu.vector_load %arg11[%swap3A_867, %swap3A_868] {strides = array<i32>} : memref<80x128xf32, #tpu.memory_space<vmem>>, vector<16xf32>,
        tpu.vector_store %arg11[%swap3A_867, %swap3A_868], %mul3A_864 {strides = array<i32>} : memref<80x128xf32, #tpu.memory_space<vmem>>, vector<16xf32>,
        %add3A_870 = arith.constant 8 : i32
        %add3A_871 = arith.addi %mul3A_119, %add3A_870 : i32
        %get3A_872 = arith.index_cast %add3A_871 : i32 to index
        %get3A_873 = arith.constant 32 : index
        %get3A_874 = tpu.vector_load %arg11[%get3A_872, %get3A_873] {strides = array<i32>} : memref<80x128xf32, #tpu.memory_space<vmem>>, vector<16xf32>,
        %mul3A_875 = arith.mulf %get3A_874, %broadcast_in_dim3A_847 : vector<16xf32>
        %add3A_876 = arith.constant 8 : i32
        %add3A_877 = arith.addi %mul3A_119, %add3A_876 : i32
        %swap3A_878 = arith.index_cast %add3A_877 : i32 to index
        %swap3A_879 = arith.constant 32 : index
        %swap3A_880 = tpu.vector_load %arg11[%swap3A_878, %swap3A_879] {strides = array<i32>} : memref<80x128xf32, #tpu.memory_space<vmem>>, vector<16xf32>,
        tpu.vector_store %arg11[%swap3A_878, %swap3A_879], %mul3A_875 {strides = array<i32>} : memref<80x128xf32, #tpu.memory_space<vmem>>, vector<16xf32>,
        %add3A_881 = arith.constant 8 : i32
        %add3A_882 = arith.addi %mul3A_119, %add3A_881 : i32
        %get3A_883 = arith.index_cast %add3A_882 : i32 to index
        %get3A_884 = arith.constant 48 : index
        %get3A_885 = tpu.vector_load %arg11[%get3A_883, %get3A_884] {strides = array<i32>} : memref<80x128xf32, #tpu.memory_space<vmem>>, vector<16xf32>,
        %mul3A_886 = arith.mulf %get3A_885, %broadcast_in_dim3A_847 : vector<16xf32>
        %add3A_887 = arith.constant 8 : i32
        %add3A_888 = arith.addi %mul3A_119, %add3A_887 : i32
        %swap3A_889 = arith.index_cast %add3A_888 : i32 to index
        %swap3A_890 = arith.constant 48 : index
        %swap3A_891 = tpu.vector_load %arg11[%swap3A_889, %swap3A_890] {strides = array<i32>} : memref<80x128xf32, #tpu.memory_space<vmem>>, vector<16xf32>,
        tpu.vector_store %arg11[%swap3A_889, %swap3A_890], %mul3A_886 {strides = array<i32>} : memref<80x128xf32, #tpu.memory_space<vmem>>, vector<16xf32>,
        %add3A_892 = arith.constant 8 : i32
        %add3A_893 = arith.addi %mul3A_119, %add3A_892 : i32
        %get3A_894 = arith.index_cast %add3A_893 : i32 to index
        %get3A_895 = arith.constant 64 : index
        %get3A_896 = tpu.vector_load %arg11[%get3A_894, %get3A_895] {strides = array<i32>} : memref<80x128xf32, #tpu.memory_space<vmem>>, vector<16xf32>,
        %mul3A_897 = arith.mulf %get3A_896, %broadcast_in_dim3A_847 : vector<16xf32>
        %add3A_898 = arith.constant 8 : i32
        %add3A_899 = arith.addi %mul3A_119, %add3A_898 : i32
        %swap3A_900 = arith.index_cast %add3A_899 : i32 to index
        %swap3A_901 = arith.constant 64 : index
        %swap3A_902 = tpu.vector_load %arg11[%swap3A_900, %swap3A_901] {strides = array<i32>} : memref<80x128xf32, #tpu.memory_space<vmem>>, vector<16xf32>,
        tpu.vector_store %arg11[%swap3A_900, %swap3A_901], %mul3A_897 {strides = array<i32>} : memref<80x128xf32, #tpu.memory_space<vmem>>, vector<16xf32>,
        %add3A_903 = arith.constant 8 : i32
        %add3A_904 = arith.addi %mul3A_119, %add3A_903 : i32
        %get3A_905 = arith.index_cast %add3A_904 : i32 to index
        %get3A_906 = arith.constant 80 : index
        %get3A_907 = tpu.vector_load %arg11[%get3A_905, %get3A_906] {strides = array<i32>} : memref<80x128xf32, #tpu.memory_space<vmem>>, vector<16xf32>,
        %mul3A_908 = arith.mulf %get3A_907, %broadcast_in_dim3A_847 : vector<16xf32>
        %add3A_909 = arith.constant 8 : i32
        %add3A_910 = arith.addi %mul3A_119, %add3A_909 : i32
        %swap3A_911 = arith.index_cast %add3A_910 : i32 to index
        %swap3A_912 = arith.constant 80 : index
        %swap3A_913 = tpu.vector_load %arg11[%swap3A_911, %swap3A_912] {strides = array<i32>} : memref<80x128xf32, #tpu.memory_space<vmem>>, vector<16xf32>,
        tpu.vector_store %arg11[%swap3A_911, %swap3A_912], %mul3A_908 {strides = array<i32>} : memref<80x128xf32, #tpu.memory_space<vmem>>, vector<16xf32>,
        %add3A_914 = arith.constant 8 : i32
        %add3A_915 = arith.addi %mul3A_119, %add3A_914 : i32
        %get3A_916 = arith.index_cast %add3A_915 : i32 to index
        %get3A_917 = arith.constant 96 : index
        %get3A_918 = tpu.vector_load %arg11[%get3A_916, %get3A_917] {strides = array<i32>} : memref<80x128xf32, #tpu.memory_space<vmem>>, vector<16xf32>,
        %mul3A_919 = arith.mulf %get3A_918, %broadcast_in_dim3A_847 : vector<16xf32>
        %add3A_920 = arith.constant 8 : i32
        %add3A_921 = arith.addi %mul3A_119, %add3A_920 : i32
        %swap3A_922 = arith.index_cast %add3A_921 : i32 to index
        %swap3A_923 = arith.constant 96 : index
        %swap3A_924 = tpu.vector_load %arg11[%swap3A_922, %swap3A_923] {strides = array<i32>} : memref<80x128xf32, #tpu.memory_space<vmem>>, vector<16xf32>,
        tpu.vector_store %arg11[%swap3A_922, %swap3A_923], %mul3A_919 {strides = array<i32>} : memref<80x128xf32, #tpu.memory_space<vmem>>, vector<16xf32>,
        %add3A_925 = arith.constant 8 : i32
        %add3A_926 = arith.addi %mul3A_119, %add3A_925 : i32
        %get3A_927 = arith.index_cast %add3A_926 : i32 to index
        %get3A_928 = arith.constant 112 : index
        %get3A_929 = tpu.vector_load %arg11[%get3A_927, %get3A_928] {strides = array<i32>} : memref<80x128xf32, #tpu.memory_space<vmem>>, vector<16xf32>,
        %mul3A_930 = arith.mulf %get3A_929, %broadcast_in_dim3A_847 : vector<16xf32>
        %add3A_931 = arith.constant 8 : i32
        %add3A_932 = arith.addi %mul3A_119, %add3A_931 : i32
        %swap3A_933 = arith.index_cast %add3A_932 : i32 to index
        %swap3A_934 = arith.constant 112 : index
        %swap3A_935 = tpu.vector_load %arg11[%swap3A_933, %swap3A_934] {strides = array<i32>} : memref<80x128xf32, #tpu.memory_space<vmem>>, vector<16xf32>,
        tpu.vector_store %arg11[%swap3A_933, %swap3A_934], %mul3A_930 {strides = array<i32>} : memref<80x128xf32, #tpu.memory_space<vmem>>, vector<16xf32>,
        %slice3A_936 = vector.extract_strided_slice %get3A_117 {offsets = [9], sizes = [1], strides = [1]} : vector<16xf32> to vector<1xf32>
        %squeeze3A_937 = vector.extract %slice3A_936[0] : f32 from vector<1xf32>
        %broadcast_in_dim3A_938 = vector.broadcast %squeeze3A_937 : f32 to vector<16xf32>
        %add3A_939 = arith.constant 9 : i32
        %add3A_940 = arith.addi %mul3A_119, %add3A_939 : i32
        %get3A_941 = arith.index_cast %add3A_940 : i32 to index
        %get3A_942 = arith.constant 0 : index
        %get3A_943 = tpu.vector_load %arg11[%get3A_941, %get3A_942] {strides = array<i32>} : memref<80x128xf32, #tpu.memory_space<vmem>>, vector<16xf32>,
        %mul3A_944 = arith.mulf %get3A_943, %broadcast_in_dim3A_938 : vector<16xf32>
        %add3A_945 = arith.constant 9 : i32
        %add3A_946 = arith.addi %mul3A_119, %add3A_945 : i32
        %swap3A_947 = arith.index_cast %add3A_946 : i32 to index
        %swap3A_948 = arith.constant 0 : index
        %swap3A_949 = tpu.vector_load %arg11[%swap3A_947, %swap3A_948] {strides = array<i32>} : memref<80x128xf32, #tpu.memory_space<vmem>>, vector<16xf32>,
        tpu.vector_store %arg11[%swap3A_947, %swap3A_948], %mul3A_944 {strides = array<i32>} : memref<80x128xf32, #tpu.memory_space<vmem>>, vector<16xf32>,
        %add3A_950 = arith.constant 9 : i32
        %add3A_951 = arith.addi %mul3A_119, %add3A_950 : i32
        %get3A_952 = arith.index_cast %add3A_951 : i32 to index
        %get3A_953 = arith.constant 16 : index
        %get3A_954 = tpu.vector_load %arg11[%get3A_952, %get3A_953] {strides = array<i32>} : memref<80x128xf32, #tpu.memory_space<vmem>>, vector<16xf32>,
        %mul3A_955 = arith.mulf %get3A_954, %broadcast_in_dim3A_938 : vector<16xf32>
        %add3A_956 = arith.constant 9 : i32
        %add3A_957 = arith.addi %mul3A_119, %add3A_956 : i32
        %swap3A_958 = arith.index_cast %add3A_957 : i32 to index
        %swap3A_959 = arith.constant 16 : index
        %swap3A_960 = tpu.vector_load %arg11[%swap3A_958, %swap3A_959] {strides = array<i32>} : memref<80x128xf32, #tpu.memory_space<vmem>>, vector<16xf32>,
        tpu.vector_store %arg11[%swap3A_958, %swap3A_959], %mul3A_955 {strides = array<i32>} : memref<80x128xf32, #tpu.memory_space<vmem>>, vector<16xf32>,
        %add3A_961 = arith.constant 9 : i32
        %add3A_962 = arith.addi %mul3A_119, %add3A_961 : i32
        %get3A_963 = arith.index_cast %add3A_962 : i32 to index
        %get3A_964 = arith.constant 32 : index
        %get3A_965 = tpu.vector_load %arg11[%get3A_963, %get3A_964] {strides = array<i32>} : memref<80x128xf32, #tpu.memory_space<vmem>>, vector<16xf32>,
        %mul3A_966 = arith.mulf %get3A_965, %broadcast_in_dim3A_938 : vector<16xf32>
        %add3A_967 = arith.constant 9 : i32
        %add3A_968 = arith.addi %mul3A_119, %add3A_967 : i32
        %swap3A_969 = arith.index_cast %add3A_968 : i32 to index
        %swap3A_970 = arith.constant 32 : index
        %swap3A_971 = tpu.vector_load %arg11[%swap3A_969, %swap3A_970] {strides = array<i32>} : memref<80x128xf32, #tpu.memory_space<vmem>>, vector<16xf32>,
        tpu.vector_store %arg11[%swap3A_969, %swap3A_970], %mul3A_966 {strides = array<i32>} : memref<80x128xf32, #tpu.memory_space<vmem>>, vector<16xf32>,
        %add3A_972 = arith.constant 9 : i32
        %add3A_973 = arith.addi %mul3A_119, %add3A_972 : i32
        %get3A_974 = arith.index_cast %add3A_973 : i32 to index
        %get3A_975 = arith.constant 48 : index
        %get3A_976 = tpu.vector_load %arg11[%get3A_974, %get3A_975] {strides = array<i32>} : memref<80x128xf32, #tpu.memory_space<vmem>>, vector<16xf32>,
        %mul3A_977 = arith.mulf %get3A_976, %broadcast_in_dim3A_938 : vector<16xf32>
        %add3A_978 = arith.constant 9 : i32
        %add3A_979 = arith.addi %mul3A_119, %add3A_978 : i32
        %swap3A_980 = arith.index_cast %add3A_979 : i32 to index
        %swap3A_981 = arith.constant 48 : index
        %swap3A_982 = tpu.vector_load %arg11[%swap3A_980, %swap3A_981] {strides = array<i32>} : memref<80x128xf32, #tpu.memory_space<vmem>>, vector<16xf32>,
        tpu.vector_store %arg11[%swap3A_980, %swap3A_981], %mul3A_977 {strides = array<i32>} : memref<80x128xf32, #tpu.memory_space<vmem>>, vector<16xf32>,
        %add3A_983 = arith.constant 9 : i32
        %add3A_984 = arith.addi %mul3A_119, %add3A_983 : i32
        %get3A_985 = arith.index_cast %add3A_984 : i32 to index
        %get3A_986 = arith.constant 64 : index
        %get3A_987 = tpu.vector_load %arg11[%get3A_985, %get3A_986] {strides = array<i32>} : memref<80x128xf32, #tpu.memory_space<vmem>>, vector<16xf32>,
        %mul3A_988 = arith.mulf %get3A_987, %broadcast_in_dim3A_938 : vector<16xf32>
        %add3A_989 = arith.constant 9 : i32
        %add3A_990 = arith.addi %mul3A_119, %add3A_989 : i32
        %swap3A_991 = arith.index_cast %add3A_990 : i32 to index
        %swap3A_992 = arith.constant 64 : index
        %swap3A_993 = tpu.vector_load %arg11[%swap3A_991, %swap3A_992] {strides = array<i32>} : memref<80x128xf32, #tpu.memory_space<vmem>>, vector<16xf32>,
        tpu.vector_store %arg11[%swap3A_991, %swap3A_992], %mul3A_988 {strides = array<i32>} : memref<80x128xf32, #tpu.memory_space<vmem>>, vector<16xf32>,
        %add3A_994 = arith.constant 9 : i32
        %add3A_995 = arith.addi %mul3A_119, %add3A_994 : i32
        %get3A_996 = arith.index_cast %add3A_995 : i32 to index
        %get3A_997 = arith.constant 80 : index
        %get3A_998 = tpu.vector_load %arg11[%get3A_996, %get3A_997] {strides = array<i32>} : memref<80x128xf32, #tpu.memory_space<vmem>>, vector<16xf32>,
        %mul3A_999 = arith.mulf %get3A_998, %broadcast_in_dim3A_938 : vector<16xf32>
        %add3A_1000 = arith.constant 9 : i32
        %add3A_1001 = arith.addi %mul3A_119, %add3A_1000 : i32
        %swap3A_1002 = arith.index_cast %add3A_1001 : i32 to index
        %swap3A_1003 = arith.constant 80 : index
        %swap3A_1004 = tpu.vector_load %arg11[%swap3A_1002, %swap3A_1003] {strides = array<i32>} : memref<80x128xf32, #tpu.memory_space<vmem>>, vector<16xf32>,
        tpu.vector_store %arg11[%swap3A_1002, %swap3A_1003], %mul3A_999 {strides = array<i32>} : memref<80x128xf32, #tpu.memory_space<vmem>>, vector<16xf32>,
        %add3A_1005 = arith.constant 9 : i32
        %add3A_1006 = arith.addi %mul3A_119, %add3A_1005 : i32
        %get3A_1007 = arith.index_cast %add3A_1006 : i32 to index
        %get3A_1008 = arith.constant 96 : index
        %get3A_1009 = tpu.vector_load %arg11[%get3A_1007, %get3A_1008] {strides = array<i32>} : memref<80x128xf32, #tpu.memory_space<vmem>>, vector<16xf32>,
        %mul3A_1010 = arith.mulf %get3A_1009, %broadcast_in_dim3A_938 : vector<16xf32>
        %add3A_1011 = arith.constant 9 : i32
        %add3A_1012 = arith.addi %mul3A_119, %add3A_1011 : i32
        %swap3A_1013 = arith.index_cast %add3A_1012 : i32 to index
        %swap3A_1014 = arith.constant 96 : index
        %swap3A_1015 = tpu.vector_load %arg11[%swap3A_1013, %swap3A_1014] {strides = array<i32>} : memref<80x128xf32, #tpu.memory_space<vmem>>, vector<16xf32>,
        tpu.vector_store %arg11[%swap3A_1013, %swap3A_1014], %mul3A_1010 {strides = array<i32>} : memref<80x128xf32, #tpu.memory_space<vmem>>, vector<16xf32>,
        %add3A_1016 = arith.constant 9 : i32
        %add3A_1017 = arith.addi %mul3A_119, %add3A_1016 : i32
        %get3A_1018 = arith.index_cast %add3A_1017 : i32 to index
        %get3A_1019 = arith.constant 112 : index
        %get3A_1020 = tpu.vector_load %arg11[%get3A_1018, %get3A_1019] {strides = array<i32>} : memref<80x128xf32, #tpu.memory_space<vmem>>, vector<16xf32>,
        %mul3A_1021 = arith.mulf %get3A_1020, %broadcast_in_dim3A_938 : vector<16xf32>
        %add3A_1022 = arith.constant 9 : i32
        %add3A_1023 = arith.addi %mul3A_119, %add3A_1022 : i32
        %swap3A_1024 = arith.index_cast %add3A_1023 : i32 to index
        %swap3A_1025 = arith.constant 112 : index
        %swap3A_1026 = tpu.vector_load %arg11[%swap3A_1024, %swap3A_1025] {strides = array<i32>} : memref<80x128xf32, #tpu.memory_space<vmem>>, vector<16xf32>,
        tpu.vector_store %arg11[%swap3A_1024, %swap3A_1025], %mul3A_1021 {strides = array<i32>} : memref<80x128xf32, #tpu.memory_space<vmem>>, vector<16xf32>,
        %slice3A_1027 = vector.extract_strided_slice %get3A_117 {offsets = [10], sizes = [1], strides = [1]} : vector<16xf32> to vector<1xf32>
        %squeeze3A_1028 = vector.extract %slice3A_1027[0] : f32 from vector<1xf32>
        %broadcast_in_dim3A_1029 = vector.broadcast %squeeze3A_1028 : f32 to vector<16xf32>
        %add3A_1030 = arith.constant 10 : i32
        %add3A_1031 = arith.addi %mul3A_119, %add3A_1030 : i32
        %get3A_1032 = arith.index_cast %add3A_1031 : i32 to index
        %get3A_1033 = arith.constant 0 : index
        %get3A_1034 = tpu.vector_load %arg11[%get3A_1032, %get3A_1033] {strides = array<i32>} : memref<80x128xf32, #tpu.memory_space<vmem>>, vector<16xf32>,
        %mul3A_1035 = arith.mulf %get3A_1034, %broadcast_in_dim3A_1029 : vector<16xf32>
        %add3A_1036 = arith.constant 10 : i32
        %add3A_1037 = arith.addi %mul3A_119, %add3A_1036 : i32
        %swap3A_1038 = arith.index_cast %add3A_1037 : i32 to index
        %swap3A_1039 = arith.constant 0 : index
        %swap3A_1040 = tpu.vector_load %arg11[%swap3A_1038, %swap3A_1039] {strides = array<i32>} : memref<80x128xf32, #tpu.memory_space<vmem>>, vector<16xf32>,
        tpu.vector_store %arg11[%swap3A_1038, %swap3A_1039], %mul3A_1035 {strides = array<i32>} : memref<80x128xf32, #tpu.memory_space<vmem>>, vector<16xf32>,
        %add3A_1041 = arith.constant 10 : i32
        %add3A_1042 = arith.addi %mul3A_119, %add3A_1041 : i32
        %get3A_1043 = arith.index_cast %add3A_1042 : i32 to index
        %get3A_1044 = arith.constant 16 : index
        %get3A_1045 = tpu.vector_load %arg11[%get3A_1043, %get3A_1044] {strides = array<i32>} : memref<80x128xf32, #tpu.memory_space<vmem>>, vector<16xf32>,
        %mul3A_1046 = arith.mulf %get3A_1045, %broadcast_in_dim3A_1029 : vector<16xf32>
        %add3A_1047 = arith.constant 10 : i32
        %add3A_1048 = arith.addi %mul3A_119, %add3A_1047 : i32
        %swap3A_1049 = arith.index_cast %add3A_1048 : i32 to index
        %swap3A_1050 = arith.constant 16 : index
        %swap3A_1051 = tpu.vector_load %arg11[%swap3A_1049, %swap3A_1050] {strides = array<i32>} : memref<80x128xf32, #tpu.memory_space<vmem>>, vector<16xf32>,
        tpu.vector_store %arg11[%swap3A_1049, %swap3A_1050], %mul3A_1046 {strides = array<i32>} : memref<80x128xf32, #tpu.memory_space<vmem>>, vector<16xf32>,
        %add3A_1052 = arith.constant 10 : i32
        %add3A_1053 = arith.addi %mul3A_119, %add3A_1052 : i32
        %get3A_1054 = arith.index_cast %add3A_1053 : i32 to index
        %get3A_1055 = arith.constant 32 : index
        %get3A_1056 = tpu.vector_load %arg11[%get3A_1054, %get3A_1055] {strides = array<i32>} : memref<80x128xf32, #tpu.memory_space<vmem>>, vector<16xf32>,
        %mul3A_1057 = arith.mulf %get3A_1056, %broadcast_in_dim3A_1029 : vector<16xf32>
        %add3A_1058 = arith.constant 10 : i32
        %add3A_1059 = arith.addi %mul3A_119, %add3A_1058 : i32
        %swap3A_1060 = arith.index_cast %add3A_1059 : i32 to index
        %swap3A_1061 = arith.constant 32 : index
        %swap3A_1062 = tpu.vector_load %arg11[%swap3A_1060, %swap3A_1061] {strides = array<i32>} : memref<80x128xf32, #tpu.memory_space<vmem>>, vector<16xf32>,
        tpu.vector_store %arg11[%swap3A_1060, %swap3A_1061], %mul3A_1057 {strides = array<i32>} : memref<80x128xf32, #tpu.memory_space<vmem>>, vector<16xf32>,
        %add3A_1063 = arith.constant 10 : i32
        %add3A_1064 = arith.addi %mul3A_119, %add3A_1063 : i32
        %get3A_1065 = arith.index_cast %add3A_1064 : i32 to index
        %get3A_1066 = arith.constant 48 : index
        %get3A_1067 = tpu.vector_load %arg11[%get3A_1065, %get3A_1066] {strides = array<i32>} : memref<80x128xf32, #tpu.memory_space<vmem>>, vector<16xf32>,
        %mul3A_1068 = arith.mulf %get3A_1067, %broadcast_in_dim3A_1029 : vector<16xf32>
        %add3A_1069 = arith.constant 10 : i32
        %add3A_1070 = arith.addi %mul3A_119, %add3A_1069 : i32
        %swap3A_1071 = arith.index_cast %add3A_1070 : i32 to index
        %swap3A_1072 = arith.constant 48 : index
        %swap3A_1073 = tpu.vector_load %arg11[%swap3A_1071, %swap3A_1072] {strides = array<i32>} : memref<80x128xf32, #tpu.memory_space<vmem>>, vector<16xf32>,
        tpu.vector_store %arg11[%swap3A_1071, %swap3A_1072], %mul3A_1068 {strides = array<i32>} : memref<80x128xf32, #tpu.memory_space<vmem>>, vector<16xf32>,
        %add3A_1074 = arith.constant 10 : i32
        %add3A_1075 = arith.addi %mul3A_119, %add3A_1074 : i32
        %get3A_1076 = arith.index_cast %add3A_1075 : i32 to index
        %get3A_1077 = arith.constant 64 : index
        %get3A_1078 = tpu.vector_load %arg11[%get3A_1076, %get3A_1077] {strides = array<i32>} : memref<80x128xf32, #tpu.memory_space<vmem>>, vector<16xf32>,
        %mul3A_1079 = arith.mulf %get3A_1078, %broadcast_in_dim3A_1029 : vector<16xf32>
        %add3A_1080 = arith.constant 10 : i32
        %add3A_1081 = arith.addi %mul3A_119, %add3A_1080 : i32
        %swap3A_1082 = arith.index_cast %add3A_1081 : i32 to index
        %swap3A_1083 = arith.constant 64 : index
        %swap3A_1084 = tpu.vector_load %arg11[%swap3A_1082, %swap3A_1083] {strides = array<i32>} : memref<80x128xf32, #tpu.memory_space<vmem>>, vector<16xf32>,
        tpu.vector_store %arg11[%swap3A_1082, %swap3A_1083], %mul3A_1079 {strides = array<i32>} : memref<80x128xf32, #tpu.memory_space<vmem>>, vector<16xf32>,
        %add3A_1085 = arith.constant 10 : i32
        %add3A_1086 = arith.addi %mul3A_119, %add3A_1085 : i32
        %get3A_1087 = arith.index_cast %add3A_1086 : i32 to index
        %get3A_1088 = arith.constant 80 : index
        %get3A_1089 = tpu.vector_load %arg11[%get3A_1087, %get3A_1088] {strides = array<i32>} : memref<80x128xf32, #tpu.memory_space<vmem>>, vector<16xf32>,
        %mul3A_1090 = arith.mulf %get3A_1089, %broadcast_in_dim3A_1029 : vector<16xf32>
        %add3A_1091 = arith.constant 10 : i32
        %add3A_1092 = arith.addi %mul3A_119, %add3A_1091 : i32
        %swap3A_1093 = arith.index_cast %add3A_1092 : i32 to index
        %swap3A_1094 = arith.constant 80 : index
        %swap3A_1095 = tpu.vector_load %arg11[%swap3A_1093, %swap3A_1094] {strides = array<i32>} : memref<80x128xf32, #tpu.memory_space<vmem>>, vector<16xf32>,
        tpu.vector_store %arg11[%swap3A_1093, %swap3A_1094], %mul3A_1090 {strides = array<i32>} : memref<80x128xf32, #tpu.memory_space<vmem>>, vector<16xf32>,
        %add3A_1096 = arith.constant 10 : i32
        %add3A_1097 = arith.addi %mul3A_119, %add3A_1096 : i32
        %get3A_1098 = arith.index_cast %add3A_1097 : i32 to index
        %get3A_1099 = arith.constant 96 : index
        %get3A_1100 = tpu.vector_load %arg11[%get3A_1098, %get3A_1099] {strides = array<i32>} : memref<80x128xf32, #tpu.memory_space<vmem>>, vector<16xf32>,
        %mul3A_1101 = arith.mulf %get3A_1100, %broadcast_in_dim3A_1029 : vector<16xf32>
        %add3A_1102 = arith.constant 10 : i32
        %add3A_1103 = arith.addi %mul3A_119, %add3A_1102 : i32
        %swap3A_1104 = arith.index_cast %add3A_1103 : i32 to index
        %swap3A_1105 = arith.constant 96 : index
        %swap3A_1106 = tpu.vector_load %arg11[%swap3A_1104, %swap3A_1105] {strides = array<i32>} : memref<80x128xf32, #tpu.memory_space<vmem>>, vector<16xf32>,
        tpu.vector_store %arg11[%swap3A_1104, %swap3A_1105], %mul3A_1101 {strides = array<i32>} : memref<80x128xf32, #tpu.memory_space<vmem>>, vector<16xf32>,
        %add3A_1107 = arith.constant 10 : i32
        %add3A_1108 = arith.addi %mul3A_119, %add3A_1107 : i32
        %get3A_1109 = arith.index_cast %add3A_1108 : i32 to index
        %get3A_1110 = arith.constant 112 : index
        %get3A_1111 = tpu.vector_load %arg11[%get3A_1109, %get3A_1110] {strides = array<i32>} : memref<80x128xf32, #tpu.memory_space<vmem>>, vector<16xf32>,
        %mul3A_1112 = arith.mulf %get3A_1111, %broadcast_in_dim3A_1029 : vector<16xf32>
        %add3A_1113 = arith.constant 10 : i32
        %add3A_1114 = arith.addi %mul3A_119, %add3A_1113 : i32
        %swap3A_1115 = arith.index_cast %add3A_1114 : i32 to index
        %swap3A_1116 = arith.constant 112 : index
        %swap3A_1117 = tpu.vector_load %arg11[%swap3A_1115, %swap3A_1116] {strides = array<i32>} : memref<80x128xf32, #tpu.memory_space<vmem>>, vector<16xf32>,
        tpu.vector_store %arg11[%swap3A_1115, %swap3A_1116], %mul3A_1112 {strides = array<i32>} : memref<80x128xf32, #tpu.memory_space<vmem>>, vector<16xf32>,
        %slice3A_1118 = vector.extract_strided_slice %get3A_117 {offsets = [11], sizes = [1], strides = [1]} : vector<16xf32> to vector<1xf32>
        %squeeze3A_1119 = vector.extract %slice3A_1118[0] : f32 from vector<1xf32>
        %broadcast_in_dim3A_1120 = vector.broadcast %squeeze3A_1119 : f32 to vector<16xf32>
        %add3A_1121 = arith.constant 11 : i32
        %add3A_1122 = arith.addi %mul3A_119, %add3A_1121 : i32
        %get3A_1123 = arith.index_cast %add3A_1122 : i32 to index
        %get3A_1124 = arith.constant 0 : index
        %get3A_1125 = tpu.vector_load %arg11[%get3A_1123, %get3A_1124] {strides = array<i32>} : memref<80x128xf32, #tpu.memory_space<vmem>>, vector<16xf32>,
        %mul3A_1126 = arith.mulf %get3A_1125, %broadcast_in_dim3A_1120 : vector<16xf32>
        %add3A_1127 = arith.constant 11 : i32
        %add3A_1128 = arith.addi %mul3A_119, %add3A_1127 : i32
        %swap3A_1129 = arith.index_cast %add3A_1128 : i32 to index
        %swap3A_1130 = arith.constant 0 : index
        %swap3A_1131 = tpu.vector_load %arg11[%swap3A_1129, %swap3A_1130] {strides = array<i32>} : memref<80x128xf32, #tpu.memory_space<vmem>>, vector<16xf32>,
        tpu.vector_store %arg11[%swap3A_1129, %swap3A_1130], %mul3A_1126 {strides = array<i32>} : memref<80x128xf32, #tpu.memory_space<vmem>>, vector<16xf32>,
        %add3A_1132 = arith.constant 11 : i32
        %add3A_1133 = arith.addi %mul3A_119, %add3A_1132 : i32
        %get3A_1134 = arith.index_cast %add3A_1133 : i32 to index
        %get3A_1135 = arith.constant 16 : index
        %get3A_1136 = tpu.vector_load %arg11[%get3A_1134, %get3A_1135] {strides = array<i32>} : memref<80x128xf32, #tpu.memory_space<vmem>>, vector<16xf32>,
        %mul3A_1137 = arith.mulf %get3A_1136, %broadcast_in_dim3A_1120 : vector<16xf32>
        %add3A_1138 = arith.constant 11 : i32
        %add3A_1139 = arith.addi %mul3A_119, %add3A_1138 : i32
        %swap3A_1140 = arith.index_cast %add3A_1139 : i32 to index
        %swap3A_1141 = arith.constant 16 : index
        %swap3A_1142 = tpu.vector_load %arg11[%swap3A_1140, %swap3A_1141] {strides = array<i32>} : memref<80x128xf32, #tpu.memory_space<vmem>>, vector<16xf32>,
        tpu.vector_store %arg11[%swap3A_1140, %swap3A_1141], %mul3A_1137 {strides = array<i32>} : memref<80x128xf32, #tpu.memory_space<vmem>>, vector<16xf32>,
        %add3A_1143 = arith.constant 11 : i32
        %add3A_1144 = arith.addi %mul3A_119, %add3A_1143 : i32
        %get3A_1145 = arith.index_cast %add3A_1144 : i32 to index
        %get3A_1146 = arith.constant 32 : index
        %get3A_1147 = tpu.vector_load %arg11[%get3A_1145, %get3A_1146] {strides = array<i32>} : memref<80x128xf32, #tpu.memory_space<vmem>>, vector<16xf32>,
        %mul3A_1148 = arith.mulf %get3A_1147, %broadcast_in_dim3A_1120 : vector<16xf32>
        %add3A_1149 = arith.constant 11 : i32
        %add3A_1150 = arith.addi %mul3A_119, %add3A_1149 : i32
        %swap3A_1151 = arith.index_cast %add3A_1150 : i32 to index
        %swap3A_1152 = arith.constant 32 : index
        %swap3A_1153 = tpu.vector_load %arg11[%swap3A_1151, %swap3A_1152] {strides = array<i32>} : memref<80x128xf32, #tpu.memory_space<vmem>>, vector<16xf32>,
        tpu.vector_store %arg11[%swap3A_1151, %swap3A_1152], %mul3A_1148 {strides = array<i32>} : memref<80x128xf32, #tpu.memory_space<vmem>>, vector<16xf32>,
        %add3A_1154 = arith.constant 11 : i32
        %add3A_1155 = arith.addi %mul3A_119, %add3A_1154 : i32
        %get3A_1156 = arith.index_cast %add3A_1155 : i32 to index
        %get3A_1157 = arith.constant 48 : index
        %get3A_1158 = tpu.vector_load %arg11[%get3A_1156, %get3A_1157] {strides = array<i32>} : memref<80x128xf32, #tpu.memory_space<vmem>>, vector<16xf32>,
        %mul3A_1159 = arith.mulf %get3A_1158, %broadcast_in_dim3A_1120 : vector<16xf32>
        %add3A_1160 = arith.constant 11 : i32
        %add3A_1161 = arith.addi %mul3A_119, %add3A_1160 : i32
        %swap3A_1162 = arith.index_cast %add3A_1161 : i32 to index
        %swap3A_1163 = arith.constant 48 : index
        %swap3A_1164 = tpu.vector_load %arg11[%swap3A_1162, %swap3A_1163] {strides = array<i32>} : memref<80x128xf32, #tpu.memory_space<vmem>>, vector<16xf32>,
        tpu.vector_store %arg11[%swap3A_1162, %swap3A_1163], %mul3A_1159 {strides = array<i32>} : memref<80x128xf32, #tpu.memory_space<vmem>>, vector<16xf32>,
        %add3A_1165 = arith.constant 11 : i32
        %add3A_1166 = arith.addi %mul3A_119, %add3A_1165 : i32
        %get3A_1167 = arith.index_cast %add3A_1166 : i32 to index
        %get3A_1168 = arith.constant 64 : index
        %get3A_1169 = tpu.vector_load %arg11[%get3A_1167, %get3A_1168] {strides = array<i32>} : memref<80x128xf32, #tpu.memory_space<vmem>>, vector<16xf32>,
        %mul3A_1170 = arith.mulf %get3A_1169, %broadcast_in_dim3A_1120 : vector<16xf32>
        %add3A_1171 = arith.constant 11 : i32
        %add3A_1172 = arith.addi %mul3A_119, %add3A_1171 : i32
        %swap3A_1173 = arith.index_cast %add3A_1172 : i32 to index
        %swap3A_1174 = arith.constant 64 : index
        %swap3A_1175 = tpu.vector_load %arg11[%swap3A_1173, %swap3A_1174] {strides = array<i32>} : memref<80x128xf32, #tpu.memory_space<vmem>>, vector<16xf32>,
        tpu.vector_store %arg11[%swap3A_1173, %swap3A_1174], %mul3A_1170 {strides = array<i32>} : memref<80x128xf32, #tpu.memory_space<vmem>>, vector<16xf32>,
        %add3A_1176 = arith.constant 11 : i32
        %add3A_1177 = arith.addi %mul3A_119, %add3A_1176 : i32
        %get3A_1178 = arith.index_cast %add3A_1177 : i32 to index
        %get3A_1179 = arith.constant 80 : index
        %get3A_1180 = tpu.vector_load %arg11[%get3A_1178, %get3A_1179] {strides = array<i32>} : memref<80x128xf32, #tpu.memory_space<vmem>>, vector<16xf32>,
        %mul3A_1181 = arith.mulf %get3A_1180, %broadcast_in_dim3A_1120 : vector<16xf32>
        %add3A_1182 = arith.constant 11 : i32
        %add3A_1183 = arith.addi %mul3A_119, %add3A_1182 : i32
        %swap3A_1184 = arith.index_cast %add3A_1183 : i32 to index
        %swap3A_1185 = arith.constant 80 : index
        %swap3A_1186 = tpu.vector_load %arg11[%swap3A_1184, %swap3A_1185] {strides = array<i32>} : memref<80x128xf32, #tpu.memory_space<vmem>>, vector<16xf32>,
        tpu.vector_store %arg11[%swap3A_1184, %swap3A_1185], %mul3A_1181 {strides = array<i32>} : memref<80x128xf32, #tpu.memory_space<vmem>>, vector<16xf32>,
        %add3A_1187 = arith.constant 11 : i32
        %add3A_1188 = arith.addi %mul3A_119, %add3A_1187 : i32
        %get3A_1189 = arith.index_cast %add3A_1188 : i32 to index
        %get3A_1190 = arith.constant 96 : index
        %get3A_1191 = tpu.vector_load %arg11[%get3A_1189, %get3A_1190] {strides = array<i32>} : memref<80x128xf32, #tpu.memory_space<vmem>>, vector<16xf32>,
        %mul3A_1192 = arith.mulf %get3A_1191, %broadcast_in_dim3A_1120 : vector<16xf32>
        %add3A_1193 = arith.constant 11 : i32
        %add3A_1194 = arith.addi %mul3A_119, %add3A_1193 : i32
        %swap3A_1195 = arith.index_cast %add3A_1194 : i32 to index
        %swap3A_1196 = arith.constant 96 : index
        %swap3A_1197 = tpu.vector_load %arg11[%swap3A_1195, %swap3A_1196] {strides = array<i32>} : memref<80x128xf32, #tpu.memory_space<vmem>>, vector<16xf32>,
        tpu.vector_store %arg11[%swap3A_1195, %swap3A_1196], %mul3A_1192 {strides = array<i32>} : memref<80x128xf32, #tpu.memory_space<vmem>>, vector<16xf32>,
        %add3A_1198 = arith.constant 11 : i32
        %add3A_1199 = arith.addi %mul3A_119, %add3A_1198 : i32
        %get3A_1200 = arith.index_cast %add3A_1199 : i32 to index
        %get3A_1201 = arith.constant 112 : index
        %get3A_1202 = tpu.vector_load %arg11[%get3A_1200, %get3A_1201] {strides = array<i32>} : memref<80x128xf32, #tpu.memory_space<vmem>>, vector<16xf32>,
        %mul3A_1203 = arith.mulf %get3A_1202, %broadcast_in_dim3A_1120 : vector<16xf32>
        %add3A_1204 = arith.constant 11 : i32
        %add3A_1205 = arith.addi %mul3A_119, %add3A_1204 : i32
        %swap3A_1206 = arith.index_cast %add3A_1205 : i32 to index
        %swap3A_1207 = arith.constant 112 : index
        %swap3A_1208 = tpu.vector_load %arg11[%swap3A_1206, %swap3A_1207] {strides = array<i32>} : memref<80x128xf32, #tpu.memory_space<vmem>>, vector<16xf32>,
        tpu.vector_store %arg11[%swap3A_1206, %swap3A_1207], %mul3A_1203 {strides = array<i32>} : memref<80x128xf32, #tpu.memory_space<vmem>>, vector<16xf32>,
        %slice3A_1209 = vector.extract_strided_slice %get3A_117 {offsets = [12], sizes = [1], strides = [1]} : vector<16xf32> to vector<1xf32>
        %squeeze3A_1210 = vector.extract %slice3A_1209[0] : f32 from vector<1xf32>
        %broadcast_in_dim3A_1211 = vector.broadcast %squeeze3A_1210 : f32 to vector<16xf32>
        %add3A_1212 = arith.constant 12 : i32
        %add3A_1213 = arith.addi %mul3A_119, %add3A_1212 : i32
        %get3A_1214 = arith.index_cast %add3A_1213 : i32 to index
        %get3A_1215 = arith.constant 0 : index
        %get3A_1216 = tpu.vector_load %arg11[%get3A_1214, %get3A_1215] {strides = array<i32>} : memref<80x128xf32, #tpu.memory_space<vmem>>, vector<16xf32>,
        %mul3A_1217 = arith.mulf %get3A_1216, %broadcast_in_dim3A_1211 : vector<16xf32>
        %add3A_1218 = arith.constant 12 : i32
        %add3A_1219 = arith.addi %mul3A_119, %add3A_1218 : i32
        %swap3A_1220 = arith.index_cast %add3A_1219 : i32 to index
        %swap3A_1221 = arith.constant 0 : index
        %swap3A_1222 = tpu.vector_load %arg11[%swap3A_1220, %swap3A_1221] {strides = array<i32>} : memref<80x128xf32, #tpu.memory_space<vmem>>, vector<16xf32>,
        tpu.vector_store %arg11[%swap3A_1220, %swap3A_1221], %mul3A_1217 {strides = array<i32>} : memref<80x128xf32, #tpu.memory_space<vmem>>, vector<16xf32>,
        %add3A_1223 = arith.constant 12 : i32
        %add3A_1224 = arith.addi %mul3A_119, %add3A_1223 : i32
        %get3A_1225 = arith.index_cast %add3A_1224 : i32 to index
        %get3A_1226 = arith.constant 16 : index
        %get3A_1227 = tpu.vector_load %arg11[%get3A_1225, %get3A_1226] {strides = array<i32>} : memref<80x128xf32, #tpu.memory_space<vmem>>, vector<16xf32>,
        %mul3A_1228 = arith.mulf %get3A_1227, %broadcast_in_dim3A_1211 : vector<16xf32>
        %add3A_1229 = arith.constant 12 : i32
        %add3A_1230 = arith.addi %mul3A_119, %add3A_1229 : i32
        %swap3A_1231 = arith.index_cast %add3A_1230 : i32 to index
        %swap3A_1232 = arith.constant 16 : index
        %swap3A_1233 = tpu.vector_load %arg11[%swap3A_1231, %swap3A_1232] {strides = array<i32>} : memref<80x128xf32, #tpu.memory_space<vmem>>, vector<16xf32>,
        tpu.vector_store %arg11[%swap3A_1231, %swap3A_1232], %mul3A_1228 {strides = array<i32>} : memref<80x128xf32, #tpu.memory_space<vmem>>, vector<16xf32>,
        %add3A_1234 = arith.constant 12 : i32
        %add3A_1235 = arith.addi %mul3A_119, %add3A_1234 : i32
        %get3A_1236 = arith.index_cast %add3A_1235 : i32 to index
        %get3A_1237 = arith.constant 32 : index
        %get3A_1238 = tpu.vector_load %arg11[%get3A_1236, %get3A_1237] {strides = array<i32>} : memref<80x128xf32, #tpu.memory_space<vmem>>, vector<16xf32>,
        %mul3A_1239 = arith.mulf %get3A_1238, %broadcast_in_dim3A_1211 : vector<16xf32>
        %add3A_1240 = arith.constant 12 : i32
        %add3A_1241 = arith.addi %mul3A_119, %add3A_1240 : i32
        %swap3A_1242 = arith.index_cast %add3A_1241 : i32 to index
        %swap3A_1243 = arith.constant 32 : index
        %swap3A_1244 = tpu.vector_load %arg11[%swap3A_1242, %swap3A_1243] {strides = array<i32>} : memref<80x128xf32, #tpu.memory_space<vmem>>, vector<16xf32>,
        tpu.vector_store %arg11[%swap3A_1242, %swap3A_1243], %mul3A_1239 {strides = array<i32>} : memref<80x128xf32, #tpu.memory_space<vmem>>, vector<16xf32>,
        %add3A_1245 = arith.constant 12 : i32
        %add3A_1246 = arith.addi %mul3A_119, %add3A_1245 : i32
        %get3A_1247 = arith.index_cast %add3A_1246 : i32 to index
        %get3A_1248 = arith.constant 48 : index
        %get3A_1249 = tpu.vector_load %arg11[%get3A_1247, %get3A_1248] {strides = array<i32>} : memref<80x128xf32, #tpu.memory_space<vmem>>, vector<16xf32>,
        %mul3A_1250 = arith.mulf %get3A_1249, %broadcast_in_dim3A_1211 : vector<16xf32>
        %add3A_1251 = arith.constant 12 : i32
        %add3A_1252 = arith.addi %mul3A_119, %add3A_1251 : i32
        %swap3A_1253 = arith.index_cast %add3A_1252 : i32 to index
        %swap3A_1254 = arith.constant 48 : index
        %swap3A_1255 = tpu.vector_load %arg11[%swap3A_1253, %swap3A_1254] {strides = array<i32>} : memref<80x128xf32, #tpu.memory_space<vmem>>, vector<16xf32>,
        tpu.vector_store %arg11[%swap3A_1253, %swap3A_1254], %mul3A_1250 {strides = array<i32>} : memref<80x128xf32, #tpu.memory_space<vmem>>, vector<16xf32>,
        %add3A_1256 = arith.constant 12 : i32
        %add3A_1257 = arith.addi %mul3A_119, %add3A_1256 : i32
        %get3A_1258 = arith.index_cast %add3A_1257 : i32 to index
        %get3A_1259 = arith.constant 64 : index
        %get3A_1260 = tpu.vector_load %arg11[%get3A_1258, %get3A_1259] {strides = array<i32>} : memref<80x128xf32, #tpu.memory_space<vmem>>, vector<16xf32>,
        %mul3A_1261 = arith.mulf %get3A_1260, %broadcast_in_dim3A_1211 : vector<16xf32>
        %add3A_1262 = arith.constant 12 : i32
        %add3A_1263 = arith.addi %mul3A_119, %add3A_1262 : i32
        %swap3A_1264 = arith.index_cast %add3A_1263 : i32 to index
        %swap3A_1265 = arith.constant 64 : index
        %swap3A_1266 = tpu.vector_load %arg11[%swap3A_1264, %swap3A_1265] {strides = array<i32>} : memref<80x128xf32, #tpu.memory_space<vmem>>, vector<16xf32>,
        tpu.vector_store %arg11[%swap3A_1264, %swap3A_1265], %mul3A_1261 {strides = array<i32>} : memref<80x128xf32, #tpu.memory_space<vmem>>, vector<16xf32>,
        %add3A_1267 = arith.constant 12 : i32
        %add3A_1268 = arith.addi %mul3A_119, %add3A_1267 : i32
        %get3A_1269 = arith.index_cast %add3A_1268 : i32 to index
        %get3A_1270 = arith.constant 80 : index
        %get3A_1271 = tpu.vector_load %arg11[%get3A_1269, %get3A_1270] {strides = array<i32>} : memref<80x128xf32, #tpu.memory_space<vmem>>, vector<16xf32>,
        %mul3A_1272 = arith.mulf %get3A_1271, %broadcast_in_dim3A_1211 : vector<16xf32>
        %add3A_1273 = arith.constant 12 : i32
        %add3A_1274 = arith.addi %mul3A_119, %add3A_1273 : i32
        %swap3A_1275 = arith.index_cast %add3A_1274 : i32 to index
        %swap3A_1276 = arith.constant 80 : index
        %swap3A_1277 = tpu.vector_load %arg11[%swap3A_1275, %swap3A_1276] {strides = array<i32>} : memref<80x128xf32, #tpu.memory_space<vmem>>, vector<16xf32>,
        tpu.vector_store %arg11[%swap3A_1275, %swap3A_1276], %mul3A_1272 {strides = array<i32>} : memref<80x128xf32, #tpu.memory_space<vmem>>, vector<16xf32>,
        %add3A_1278 = arith.constant 12 : i32
        %add3A_1279 = arith.addi %mul3A_119, %add3A_1278 : i32
        %get3A_1280 = arith.index_cast %add3A_1279 : i32 to index
        %get3A_1281 = arith.constant 96 : index
        %get3A_1282 = tpu.vector_load %arg11[%get3A_1280, %get3A_1281] {strides = array<i32>} : memref<80x128xf32, #tpu.memory_space<vmem>>, vector<16xf32>,
        %mul3A_1283 = arith.mulf %get3A_1282, %broadcast_in_dim3A_1211 : vector<16xf32>
        %add3A_1284 = arith.constant 12 : i32
        %add3A_1285 = arith.addi %mul3A_119, %add3A_1284 : i32
        %swap3A_1286 = arith.index_cast %add3A_1285 : i32 to index
        %swap3A_1287 = arith.constant 96 : index
        %swap3A_1288 = tpu.vector_load %arg11[%swap3A_1286, %swap3A_1287] {strides = array<i32>} : memref<80x128xf32, #tpu.memory_space<vmem>>, vector<16xf32>,
        tpu.vector_store %arg11[%swap3A_1286, %swap3A_1287], %mul3A_1283 {strides = array<i32>} : memref<80x128xf32, #tpu.memory_space<vmem>>, vector<16xf32>,
        %add3A_1289 = arith.constant 12 : i32
        %add3A_1290 = arith.addi %mul3A_119, %add3A_1289 : i32
        %get3A_1291 = arith.index_cast %add3A_1290 : i32 to index
        %get3A_1292 = arith.constant 112 : index
        %get3A_1293 = tpu.vector_load %arg11[%get3A_1291, %get3A_1292] {strides = array<i32>} : memref<80x128xf32, #tpu.memory_space<vmem>>, vector<16xf32>,
        %mul3A_1294 = arith.mulf %get3A_1293, %broadcast_in_dim3A_1211 : vector<16xf32>
        %add3A_1295 = arith.constant 12 : i32
        %add3A_1296 = arith.addi %mul3A_119, %add3A_1295 : i32
        %swap3A_1297 = arith.index_cast %add3A_1296 : i32 to index
        %swap3A_1298 = arith.constant 112 : index
        %swap3A_1299 = tpu.vector_load %arg11[%swap3A_1297, %swap3A_1298] {strides = array<i32>} : memref<80x128xf32, #tpu.memory_space<vmem>>, vector<16xf32>,
        tpu.vector_store %arg11[%swap3A_1297, %swap3A_1298], %mul3A_1294 {strides = array<i32>} : memref<80x128xf32, #tpu.memory_space<vmem>>, vector<16xf32>,
        %slice3A_1300 = vector.extract_strided_slice %get3A_117 {offsets = [13], sizes = [1], strides = [1]} : vector<16xf32> to vector<1xf32>
        %squeeze3A_1301 = vector.extract %slice3A_1300[0] : f32 from vector<1xf32>
        %broadcast_in_dim3A_1302 = vector.broadcast %squeeze3A_1301 : f32 to vector<16xf32>
        %add3A_1303 = arith.constant 13 : i32
        %add3A_1304 = arith.addi %mul3A_119, %add3A_1303 : i32
        %get3A_1305 = arith.index_cast %add3A_1304 : i32 to index
        %get3A_1306 = arith.constant 0 : index
        %get3A_1307 = tpu.vector_load %arg11[%get3A_1305, %get3A_1306] {strides = array<i32>} : memref<80x128xf32, #tpu.memory_space<vmem>>, vector<16xf32>,
        %mul3A_1308 = arith.mulf %get3A_1307, %broadcast_in_dim3A_1302 : vector<16xf32>
        %add3A_1309 = arith.constant 13 : i32
        %add3A_1310 = arith.addi %mul3A_119, %add3A_1309 : i32
        %swap3A_1311 = arith.index_cast %add3A_1310 : i32 to index
        %swap3A_1312 = arith.constant 0 : index
        %swap3A_1313 = tpu.vector_load %arg11[%swap3A_1311, %swap3A_1312] {strides = array<i32>} : memref<80x128xf32, #tpu.memory_space<vmem>>, vector<16xf32>,
        tpu.vector_store %arg11[%swap3A_1311, %swap3A_1312], %mul3A_1308 {strides = array<i32>} : memref<80x128xf32, #tpu.memory_space<vmem>>, vector<16xf32>,
        %add3A_1314 = arith.constant 13 : i32
        %add3A_1315 = arith.addi %mul3A_119, %add3A_1314 : i32
        %get3A_1316 = arith.index_cast %add3A_1315 : i32 to index
        %get3A_1317 = arith.constant 16 : index
        %get3A_1318 = tpu.vector_load %arg11[%get3A_1316, %get3A_1317] {strides = array<i32>} : memref<80x128xf32, #tpu.memory_space<vmem>>, vector<16xf32>,
        %mul3A_1319 = arith.mulf %get3A_1318, %broadcast_in_dim3A_1302 : vector<16xf32>
        %add3A_1320 = arith.constant 13 : i32
        %add3A_1321 = arith.addi %mul3A_119, %add3A_1320 : i32
        %swap3A_1322 = arith.index_cast %add3A_1321 : i32 to index
        %swap3A_1323 = arith.constant 16 : index
        %swap3A_1324 = tpu.vector_load %arg11[%swap3A_1322, %swap3A_1323] {strides = array<i32>} : memref<80x128xf32, #tpu.memory_space<vmem>>, vector<16xf32>,
        tpu.vector_store %arg11[%swap3A_1322, %swap3A_1323], %mul3A_1319 {strides = array<i32>} : memref<80x128xf32, #tpu.memory_space<vmem>>, vector<16xf32>,
        %add3A_1325 = arith.constant 13 : i32
        %add3A_1326 = arith.addi %mul3A_119, %add3A_1325 : i32
        %get3A_1327 = arith.index_cast %add3A_1326 : i32 to index
        %get3A_1328 = arith.constant 32 : index
        %get3A_1329 = tpu.vector_load %arg11[%get3A_1327, %get3A_1328] {strides = array<i32>} : memref<80x128xf32, #tpu.memory_space<vmem>>, vector<16xf32>,
        %mul3A_1330 = arith.mulf %get3A_1329, %broadcast_in_dim3A_1302 : vector<16xf32>
        %add3A_1331 = arith.constant 13 : i32
        %add3A_1332 = arith.addi %mul3A_119, %add3A_1331 : i32
        %swap3A_1333 = arith.index_cast %add3A_1332 : i32 to index
        %swap3A_1334 = arith.constant 32 : index
        %swap3A_1335 = tpu.vector_load %arg11[%swap3A_1333, %swap3A_1334] {strides = array<i32>} : memref<80x128xf32, #tpu.memory_space<vmem>>, vector<16xf32>,
        tpu.vector_store %arg11[%swap3A_1333, %swap3A_1334], %mul3A_1330 {strides = array<i32>} : memref<80x128xf32, #tpu.memory_space<vmem>>, vector<16xf32>,
        %add3A_1336 = arith.constant 13 : i32
        %add3A_1337 = arith.addi %mul3A_119, %add3A_1336 : i32
        %get3A_1338 = arith.index_cast %add3A_1337 : i32 to index
        %get3A_1339 = arith.constant 48 : index
        %get3A_1340 = tpu.vector_load %arg11[%get3A_1338, %get3A_1339] {strides = array<i32>} : memref<80x128xf32, #tpu.memory_space<vmem>>, vector<16xf32>,
        %mul3A_1341 = arith.mulf %get3A_1340, %broadcast_in_dim3A_1302 : vector<16xf32>
        %add3A_1342 = arith.constant 13 : i32
        %add3A_1343 = arith.addi %mul3A_119, %add3A_1342 : i32
        %swap3A_1344 = arith.index_cast %add3A_1343 : i32 to index
        %swap3A_1345 = arith.constant 48 : index
        %swap3A_1346 = tpu.vector_load %arg11[%swap3A_1344, %swap3A_1345] {strides = array<i32>} : memref<80x128xf32, #tpu.memory_space<vmem>>, vector<16xf32>,
        tpu.vector_store %arg11[%swap3A_1344, %swap3A_1345], %mul3A_1341 {strides = array<i32>} : memref<80x128xf32, #tpu.memory_space<vmem>>, vector<16xf32>,
        %add3A_1347 = arith.constant 13 : i32
        %add3A_1348 = arith.addi %mul3A_119, %add3A_1347 : i32
        %get3A_1349 = arith.index_cast %add3A_1348 : i32 to index
        %get3A_1350 = arith.constant 64 : index
        %get3A_1351 = tpu.vector_load %arg11[%get3A_1349, %get3A_1350] {strides = array<i32>} : memref<80x128xf32, #tpu.memory_space<vmem>>, vector<16xf32>,
        %mul3A_1352 = arith.mulf %get3A_1351, %broadcast_in_dim3A_1302 : vector<16xf32>
        %add3A_1353 = arith.constant 13 : i32
        %add3A_1354 = arith.addi %mul3A_119, %add3A_1353 : i32
        %swap3A_1355 = arith.index_cast %add3A_1354 : i32 to index
        %swap3A_1356 = arith.constant 64 : index
        %swap3A_1357 = tpu.vector_load %arg11[%swap3A_1355, %swap3A_1356] {strides = array<i32>} : memref<80x128xf32, #tpu.memory_space<vmem>>, vector<16xf32>,
        tpu.vector_store %arg11[%swap3A_1355, %swap3A_1356], %mul3A_1352 {strides = array<i32>} : memref<80x128xf32, #tpu.memory_space<vmem>>, vector<16xf32>,
        %add3A_1358 = arith.constant 13 : i32
        %add3A_1359 = arith.addi %mul3A_119, %add3A_1358 : i32
        %get3A_1360 = arith.index_cast %add3A_1359 : i32 to index
        %get3A_1361 = arith.constant 80 : index
        %get3A_1362 = tpu.vector_load %arg11[%get3A_1360, %get3A_1361] {strides = array<i32>} : memref<80x128xf32, #tpu.memory_space<vmem>>, vector<16xf32>,
        %mul3A_1363 = arith.mulf %get3A_1362, %broadcast_in_dim3A_1302 : vector<16xf32>
        %add3A_1364 = arith.constant 13 : i32
        %add3A_1365 = arith.addi %mul3A_119, %add3A_1364 : i32
        %swap3A_1366 = arith.index_cast %add3A_1365 : i32 to index
        %swap3A_1367 = arith.constant 80 : index
        %swap3A_1368 = tpu.vector_load %arg11[%swap3A_1366, %swap3A_1367] {strides = array<i32>} : memref<80x128xf32, #tpu.memory_space<vmem>>, vector<16xf32>,
        tpu.vector_store %arg11[%swap3A_1366, %swap3A_1367], %mul3A_1363 {strides = array<i32>} : memref<80x128xf32, #tpu.memory_space<vmem>>, vector<16xf32>,
        %add3A_1369 = arith.constant 13 : i32
        %add3A_1370 = arith.addi %mul3A_119, %add3A_1369 : i32
        %get3A_1371 = arith.index_cast %add3A_1370 : i32 to index
        %get3A_1372 = arith.constant 96 : index
        %get3A_1373 = tpu.vector_load %arg11[%get3A_1371, %get3A_1372] {strides = array<i32>} : memref<80x128xf32, #tpu.memory_space<vmem>>, vector<16xf32>,
        %mul3A_1374 = arith.mulf %get3A_1373, %broadcast_in_dim3A_1302 : vector<16xf32>
        %add3A_1375 = arith.constant 13 : i32
        %add3A_1376 = arith.addi %mul3A_119, %add3A_1375 : i32
        %swap3A_1377 = arith.index_cast %add3A_1376 : i32 to index
        %swap3A_1378 = arith.constant 96 : index
        %swap3A_1379 = tpu.vector_load %arg11[%swap3A_1377, %swap3A_1378] {strides = array<i32>} : memref<80x128xf32, #tpu.memory_space<vmem>>, vector<16xf32>,
        tpu.vector_store %arg11[%swap3A_1377, %swap3A_1378], %mul3A_1374 {strides = array<i32>} : memref<80x128xf32, #tpu.memory_space<vmem>>, vector<16xf32>,
        %add3A_1380 = arith.constant 13 : i32
        %add3A_1381 = arith.addi %mul3A_119, %add3A_1380 : i32
        %get3A_1382 = arith.index_cast %add3A_1381 : i32 to index
        %get3A_1383 = arith.constant 112 : index
        %get3A_1384 = tpu.vector_load %arg11[%get3A_1382, %get3A_1383] {strides = array<i32>} : memref<80x128xf32, #tpu.memory_space<vmem>>, vector<16xf32>,
        %mul3A_1385 = arith.mulf %get3A_1384, %broadcast_in_dim3A_1302 : vector<16xf32>
        %add3A_1386 = arith.constant 13 : i32
        %add3A_1387 = arith.addi %mul3A_119, %add3A_1386 : i32
        %swap3A_1388 = arith.index_cast %add3A_1387 : i32 to index
        %swap3A_1389 = arith.constant 112 : index
        %swap3A_1390 = tpu.vector_load %arg11[%swap3A_1388, %swap3A_1389] {strides = array<i32>} : memref<80x128xf32, #tpu.memory_space<vmem>>, vector<16xf32>,
        tpu.vector_store %arg11[%swap3A_1388, %swap3A_1389], %mul3A_1385 {strides = array<i32>} : memref<80x128xf32, #tpu.memory_space<vmem>>, vector<16xf32>,
        %slice3A_1391 = vector.extract_strided_slice %get3A_117 {offsets = [14], sizes = [1], strides = [1]} : vector<16xf32> to vector<1xf32>
        %squeeze3A_1392 = vector.extract %slice3A_1391[0] : f32 from vector<1xf32>
        %broadcast_in_dim3A_1393 = vector.broadcast %squeeze3A_1392 : f32 to vector<16xf32>
        %add3A_1394 = arith.constant 14 : i32
        %add3A_1395 = arith.addi %mul3A_119, %add3A_1394 : i32
        %get3A_1396 = arith.index_cast %add3A_1395 : i32 to index
        %get3A_1397 = arith.constant 0 : index
        %get3A_1398 = tpu.vector_load %arg11[%get3A_1396, %get3A_1397] {strides = array<i32>} : memref<80x128xf32, #tpu.memory_space<vmem>>, vector<16xf32>,
        %mul3A_1399 = arith.mulf %get3A_1398, %broadcast_in_dim3A_1393 : vector<16xf32>
        %add3A_1400 = arith.constant 14 : i32
        %add3A_1401 = arith.addi %mul3A_119, %add3A_1400 : i32
        %swap3A_1402 = arith.index_cast %add3A_1401 : i32 to index
        %swap3A_1403 = arith.constant 0 : index
        %swap3A_1404 = tpu.vector_load %arg11[%swap3A_1402, %swap3A_1403] {strides = array<i32>} : memref<80x128xf32, #tpu.memory_space<vmem>>, vector<16xf32>,
        tpu.vector_store %arg11[%swap3A_1402, %swap3A_1403], %mul3A_1399 {strides = array<i32>} : memref<80x128xf32, #tpu.memory_space<vmem>>, vector<16xf32>,
        %add3A_1405 = arith.constant 14 : i32
        %add3A_1406 = arith.addi %mul3A_119, %add3A_1405 : i32
        %get3A_1407 = arith.index_cast %add3A_1406 : i32 to index
        %get3A_1408 = arith.constant 16 : index
        %get3A_1409 = tpu.vector_load %arg11[%get3A_1407, %get3A_1408] {strides = array<i32>} : memref<80x128xf32, #tpu.memory_space<vmem>>, vector<16xf32>,
        %mul3A_1410 = arith.mulf %get3A_1409, %broadcast_in_dim3A_1393 : vector<16xf32>
        %add3A_1411 = arith.constant 14 : i32
        %add3A_1412 = arith.addi %mul3A_119, %add3A_1411 : i32
        %swap3A_1413 = arith.index_cast %add3A_1412 : i32 to index
        %swap3A_1414 = arith.constant 16 : index
        %swap3A_1415 = tpu.vector_load %arg11[%swap3A_1413, %swap3A_1414] {strides = array<i32>} : memref<80x128xf32, #tpu.memory_space<vmem>>, vector<16xf32>,
        tpu.vector_store %arg11[%swap3A_1413, %swap3A_1414], %mul3A_1410 {strides = array<i32>} : memref<80x128xf32, #tpu.memory_space<vmem>>, vector<16xf32>,
        %add3A_1416 = arith.constant 14 : i32
        %add3A_1417 = arith.addi %mul3A_119, %add3A_1416 : i32
        %get3A_1418 = arith.index_cast %add3A_1417 : i32 to index
        %get3A_1419 = arith.constant 32 : index
        %get3A_1420 = tpu.vector_load %arg11[%get3A_1418, %get3A_1419] {strides = array<i32>} : memref<80x128xf32, #tpu.memory_space<vmem>>, vector<16xf32>,
        %mul3A_1421 = arith.mulf %get3A_1420, %broadcast_in_dim3A_1393 : vector<16xf32>
        %add3A_1422 = arith.constant 14 : i32
        %add3A_1423 = arith.addi %mul3A_119, %add3A_1422 : i32
        %swap3A_1424 = arith.index_cast %add3A_1423 : i32 to index
        %swap3A_1425 = arith.constant 32 : index
        %swap3A_1426 = tpu.vector_load %arg11[%swap3A_1424, %swap3A_1425] {strides = array<i32>} : memref<80x128xf32, #tpu.memory_space<vmem>>, vector<16xf32>,
        tpu.vector_store %arg11[%swap3A_1424, %swap3A_1425], %mul3A_1421 {strides = array<i32>} : memref<80x128xf32, #tpu.memory_space<vmem>>, vector<16xf32>,
        %add3A_1427 = arith.constant 14 : i32
        %add3A_1428 = arith.addi %mul3A_119, %add3A_1427 : i32
        %get3A_1429 = arith.index_cast %add3A_1428 : i32 to index
        %get3A_1430 = arith.constant 48 : index
        %get3A_1431 = tpu.vector_load %arg11[%get3A_1429, %get3A_1430] {strides = array<i32>} : memref<80x128xf32, #tpu.memory_space<vmem>>, vector<16xf32>,
        %mul3A_1432 = arith.mulf %get3A_1431, %broadcast_in_dim3A_1393 : vector<16xf32>
        %add3A_1433 = arith.constant 14 : i32
        %add3A_1434 = arith.addi %mul3A_119, %add3A_1433 : i32
        %swap3A_1435 = arith.index_cast %add3A_1434 : i32 to index
        %swap3A_1436 = arith.constant 48 : index
        %swap3A_1437 = tpu.vector_load %arg11[%swap3A_1435, %swap3A_1436] {strides = array<i32>} : memref<80x128xf32, #tpu.memory_space<vmem>>, vector<16xf32>,
        tpu.vector_store %arg11[%swap3A_1435, %swap3A_1436], %mul3A_1432 {strides = array<i32>} : memref<80x128xf32, #tpu.memory_space<vmem>>, vector<16xf32>,
        %add3A_1438 = arith.constant 14 : i32
        %add3A_1439 = arith.addi %mul3A_119, %add3A_1438 : i32
        %get3A_1440 = arith.index_cast %add3A_1439 : i32 to index
        %get3A_1441 = arith.constant 64 : index
        %get3A_1442 = tpu.vector_load %arg11[%get3A_1440, %get3A_1441] {strides = array<i32>} : memref<80x128xf32, #tpu.memory_space<vmem>>, vector<16xf32>,
        %mul3A_1443 = arith.mulf %get3A_1442, %broadcast_in_dim3A_1393 : vector<16xf32>
        %add3A_1444 = arith.constant 14 : i32
        %add3A_1445 = arith.addi %mul3A_119, %add3A_1444 : i32
        %swap3A_1446 = arith.index_cast %add3A_1445 : i32 to index
        %swap3A_1447 = arith.constant 64 : index
        %swap3A_1448 = tpu.vector_load %arg11[%swap3A_1446, %swap3A_1447] {strides = array<i32>} : memref<80x128xf32, #tpu.memory_space<vmem>>, vector<16xf32>,
        tpu.vector_store %arg11[%swap3A_1446, %swap3A_1447], %mul3A_1443 {strides = array<i32>} : memref<80x128xf32, #tpu.memory_space<vmem>>, vector<16xf32>,
        %add3A_1449 = arith.constant 14 : i32
        %add3A_1450 = arith.addi %mul3A_119, %add3A_1449 : i32
        %get3A_1451 = arith.index_cast %add3A_1450 : i32 to index
        %get3A_1452 = arith.constant 80 : index
        %get3A_1453 = tpu.vector_load %arg11[%get3A_1451, %get3A_1452] {strides = array<i32>} : memref<80x128xf32, #tpu.memory_space<vmem>>, vector<16xf32>,
        %mul3A_1454 = arith.mulf %get3A_1453, %broadcast_in_dim3A_1393 : vector<16xf32>
        %add3A_1455 = arith.constant 14 : i32
        %add3A_1456 = arith.addi %mul3A_119, %add3A_1455 : i32
        %swap3A_1457 = arith.index_cast %add3A_1456 : i32 to index
        %swap3A_1458 = arith.constant 80 : index
        %swap3A_1459 = tpu.vector_load %arg11[%swap3A_1457, %swap3A_1458] {strides = array<i32>} : memref<80x128xf32, #tpu.memory_space<vmem>>, vector<16xf32>,
        tpu.vector_store %arg11[%swap3A_1457, %swap3A_1458], %mul3A_1454 {strides = array<i32>} : memref<80x128xf32, #tpu.memory_space<vmem>>, vector<16xf32>,
        %add3A_1460 = arith.constant 14 : i32
        %add3A_1461 = arith.addi %mul3A_119, %add3A_1460 : i32
        %get3A_1462 = arith.index_cast %add3A_1461 : i32 to index
        %get3A_1463 = arith.constant 96 : index
        %get3A_1464 = tpu.vector_load %arg11[%get3A_1462, %get3A_1463] {strides = array<i32>} : memref<80x128xf32, #tpu.memory_space<vmem>>, vector<16xf32>,
        %mul3A_1465 = arith.mulf %get3A_1464, %broadcast_in_dim3A_1393 : vector<16xf32>
        %add3A_1466 = arith.constant 14 : i32
        %add3A_1467 = arith.addi %mul3A_119, %add3A_1466 : i32
        %swap3A_1468 = arith.index_cast %add3A_1467 : i32 to index
        %swap3A_1469 = arith.constant 96 : index
        %swap3A_1470 = tpu.vector_load %arg11[%swap3A_1468, %swap3A_1469] {strides = array<i32>} : memref<80x128xf32, #tpu.memory_space<vmem>>, vector<16xf32>,
        tpu.vector_store %arg11[%swap3A_1468, %swap3A_1469], %mul3A_1465 {strides = array<i32>} : memref<80x128xf32, #tpu.memory_space<vmem>>, vector<16xf32>,
        %add3A_1471 = arith.constant 14 : i32
        %add3A_1472 = arith.addi %mul3A_119, %add3A_1471 : i32
        %get3A_1473 = arith.index_cast %add3A_1472 : i32 to index
        %get3A_1474 = arith.constant 112 : index
        %get3A_1475 = tpu.vector_load %arg11[%get3A_1473, %get3A_1474] {strides = array<i32>} : memref<80x128xf32, #tpu.memory_space<vmem>>, vector<16xf32>,
        %mul3A_1476 = arith.mulf %get3A_1475, %broadcast_in_dim3A_1393 : vector<16xf32>
        %add3A_1477 = arith.constant 14 : i32
        %add3A_1478 = arith.addi %mul3A_119, %add3A_1477 : i32
        %swap3A_1479 = arith.index_cast %add3A_1478 : i32 to index
        %swap3A_1480 = arith.constant 112 : index
        %swap3A_1481 = tpu.vector_load %arg11[%swap3A_1479, %swap3A_1480] {strides = array<i32>} : memref<80x128xf32, #tpu.memory_space<vmem>>, vector<16xf32>,
        tpu.vector_store %arg11[%swap3A_1479, %swap3A_1480], %mul3A_1476 {strides = array<i32>} : memref<80x128xf32, #tpu.memory_space<vmem>>, vector<16xf32>,
        %slice3A_1482 = vector.extract_strided_slice %get3A_117 {offsets = [15], sizes = [1], strides = [1]} : vector<16xf32> to vector<1xf32>
        %squeeze3A_1483 = vector.extract %slice3A_1482[0] : f32 from vector<1xf32>
        %broadcast_in_dim3A_1484 = vector.broadcast %squeeze3A_1483 : f32 to vector<16xf32>
        %add3A_1485 = arith.constant 15 : i32
        %add3A_1486 = arith.addi %mul3A_119, %add3A_1485 : i32
        %get3A_1487 = arith.index_cast %add3A_1486 : i32 to index
        %get3A_1488 = arith.constant 0 : index
        %get3A_1489 = tpu.vector_load %arg11[%get3A_1487, %get3A_1488] {strides = array<i32>} : memref<80x128xf32, #tpu.memory_space<vmem>>, vector<16xf32>,
        %mul3A_1490 = arith.mulf %get3A_1489, %broadcast_in_dim3A_1484 : vector<16xf32>
        %add3A_1491 = arith.constant 15 : i32
        %add3A_1492 = arith.addi %mul3A_119, %add3A_1491 : i32
        %swap3A_1493 = arith.index_cast %add3A_1492 : i32 to index
        %swap3A_1494 = arith.constant 0 : index
        %swap3A_1495 = tpu.vector_load %arg11[%swap3A_1493, %swap3A_1494] {strides = array<i32>} : memref<80x128xf32, #tpu.memory_space<vmem>>, vector<16xf32>,
        tpu.vector_store %arg11[%swap3A_1493, %swap3A_1494], %mul3A_1490 {strides = array<i32>} : memref<80x128xf32, #tpu.memory_space<vmem>>, vector<16xf32>,
        %add3A_1496 = arith.constant 15 : i32
        %add3A_1497 = arith.addi %mul3A_119, %add3A_1496 : i32
        %get3A_1498 = arith.index_cast %add3A_1497 : i32 to index
        %get3A_1499 = arith.constant 16 : index
        %get3A_1500 = tpu.vector_load %arg11[%get3A_1498, %get3A_1499] {strides = array<i32>} : memref<80x128xf32, #tpu.memory_space<vmem>>, vector<16xf32>,
        %mul3A_1501 = arith.mulf %get3A_1500, %broadcast_in_dim3A_1484 : vector<16xf32>
        %add3A_1502 = arith.constant 15 : i32
        %add3A_1503 = arith.addi %mul3A_119, %add3A_1502 : i32
        %swap3A_1504 = arith.index_cast %add3A_1503 : i32 to index
        %swap3A_1505 = arith.constant 16 : index
        %swap3A_1506 = tpu.vector_load %arg11[%swap3A_1504, %swap3A_1505] {strides = array<i32>} : memref<80x128xf32, #tpu.memory_space<vmem>>, vector<16xf32>,
        tpu.vector_store %arg11[%swap3A_1504, %swap3A_1505], %mul3A_1501 {strides = array<i32>} : memref<80x128xf32, #tpu.memory_space<vmem>>, vector<16xf32>,
        %add3A_1507 = arith.constant 15 : i32
        %add3A_1508 = arith.addi %mul3A_119, %add3A_1507 : i32
        %get3A_1509 = arith.index_cast %add3A_1508 : i32 to index
        %get3A_1510 = arith.constant 32 : index
        %get3A_1511 = tpu.vector_load %arg11[%get3A_1509, %get3A_1510] {strides = array<i32>} : memref<80x128xf32, #tpu.memory_space<vmem>>, vector<16xf32>,
        %mul3A_1512 = arith.mulf %get3A_1511, %broadcast_in_dim3A_1484 : vector<16xf32>
        %add3A_1513 = arith.constant 15 : i32
        %add3A_1514 = arith.addi %mul3A_119, %add3A_1513 : i32
        %swap3A_1515 = arith.index_cast %add3A_1514 : i32 to index
        %swap3A_1516 = arith.constant 32 : index
        %swap3A_1517 = tpu.vector_load %arg11[%swap3A_1515, %swap3A_1516] {strides = array<i32>} : memref<80x128xf32, #tpu.memory_space<vmem>>, vector<16xf32>,
        tpu.vector_store %arg11[%swap3A_1515, %swap3A_1516], %mul3A_1512 {strides = array<i32>} : memref<80x128xf32, #tpu.memory_space<vmem>>, vector<16xf32>,
        %add3A_1518 = arith.constant 15 : i32
        %add3A_1519 = arith.addi %mul3A_119, %add3A_1518 : i32
        %get3A_1520 = arith.index_cast %add3A_1519 : i32 to index
        %get3A_1521 = arith.constant 48 : index
        %get3A_1522 = tpu.vector_load %arg11[%get3A_1520, %get3A_1521] {strides = array<i32>} : memref<80x128xf32, #tpu.memory_space<vmem>>, vector<16xf32>,
        %mul3A_1523 = arith.mulf %get3A_1522, %broadcast_in_dim3A_1484 : vector<16xf32>
        %add3A_1524 = arith.constant 15 : i32
        %add3A_1525 = arith.addi %mul3A_119, %add3A_1524 : i32
        %swap3A_1526 = arith.index_cast %add3A_1525 : i32 to index
        %swap3A_1527 = arith.constant 48 : index
        %swap3A_1528 = tpu.vector_load %arg11[%swap3A_1526, %swap3A_1527] {strides = array<i32>} : memref<80x128xf32, #tpu.memory_space<vmem>>, vector<16xf32>,
        tpu.vector_store %arg11[%swap3A_1526, %swap3A_1527], %mul3A_1523 {strides = array<i32>} : memref<80x128xf32, #tpu.memory_space<vmem>>, vector<16xf32>,
        %add3A_1529 = arith.constant 15 : i32
        %add3A_1530 = arith.addi %mul3A_119, %add3A_1529 : i32
        %get3A_1531 = arith.index_cast %add3A_1530 : i32 to index
        %get3A_1532 = arith.constant 64 : index
        %get3A_1533 = tpu.vector_load %arg11[%get3A_1531, %get3A_1532] {strides = array<i32>} : memref<80x128xf32, #tpu.memory_space<vmem>>, vector<16xf32>,
        %mul3A_1534 = arith.mulf %get3A_1533, %broadcast_in_dim3A_1484 : vector<16xf32>
        %add3A_1535 = arith.constant 15 : i32
        %add3A_1536 = arith.addi %mul3A_119, %add3A_1535 : i32
        %swap3A_1537 = arith.index_cast %add3A_1536 : i32 to index
        %swap3A_1538 = arith.constant 64 : index
        %swap3A_1539 = tpu.vector_load %arg11[%swap3A_1537, %swap3A_1538] {strides = array<i32>} : memref<80x128xf32, #tpu.memory_space<vmem>>, vector<16xf32>,
        tpu.vector_store %arg11[%swap3A_1537, %swap3A_1538], %mul3A_1534 {strides = array<i32>} : memref<80x128xf32, #tpu.memory_space<vmem>>, vector<16xf32>,
        %add3A_1540 = arith.constant 15 : i32
        %add3A_1541 = arith.addi %mul3A_119, %add3A_1540 : i32
        %get3A_1542 = arith.index_cast %add3A_1541 : i32 to index
        %get3A_1543 = arith.constant 80 : index
        %get3A_1544 = tpu.vector_load %arg11[%get3A_1542, %get3A_1543] {strides = array<i32>} : memref<80x128xf32, #tpu.memory_space<vmem>>, vector<16xf32>,
        %mul3A_1545 = arith.mulf %get3A_1544, %broadcast_in_dim3A_1484 : vector<16xf32>
        %add3A_1546 = arith.constant 15 : i32
        %add3A_1547 = arith.addi %mul3A_119, %add3A_1546 : i32
        %swap3A_1548 = arith.index_cast %add3A_1547 : i32 to index
        %swap3A_1549 = arith.constant 80 : index
        %swap3A_1550 = tpu.vector_load %arg11[%swap3A_1548, %swap3A_1549] {strides = array<i32>} : memref<80x128xf32, #tpu.memory_space<vmem>>, vector<16xf32>,
        tpu.vector_store %arg11[%swap3A_1548, %swap3A_1549], %mul3A_1545 {strides = array<i32>} : memref<80x128xf32, #tpu.memory_space<vmem>>, vector<16xf32>,
        %add3A_1551 = arith.constant 15 : i32
        %add3A_1552 = arith.addi %mul3A_119, %add3A_1551 : i32
        %get3A_1553 = arith.index_cast %add3A_1552 : i32 to index
        %get3A_1554 = arith.constant 96 : index
        %get3A_1555 = tpu.vector_load %arg11[%get3A_1553, %get3A_1554] {strides = array<i32>} : memref<80x128xf32, #tpu.memory_space<vmem>>, vector<16xf32>,
        %mul3A_1556 = arith.mulf %get3A_1555, %broadcast_in_dim3A_1484 : vector<16xf32>
        %add3A_1557 = arith.constant 15 : i32
        %add3A_1558 = arith.addi %mul3A_119, %add3A_1557 : i32
        %swap3A_1559 = arith.index_cast %add3A_1558 : i32 to index
        %swap3A_1560 = arith.constant 96 : index
        %swap3A_1561 = tpu.vector_load %arg11[%swap3A_1559, %swap3A_1560] {strides = array<i32>} : memref<80x128xf32, #tpu.memory_space<vmem>>, vector<16xf32>,
        tpu.vector_store %arg11[%swap3A_1559, %swap3A_1560], %mul3A_1556 {strides = array<i32>} : memref<80x128xf32, #tpu.memory_space<vmem>>, vector<16xf32>,
        %add3A_1562 = arith.constant 15 : i32
        %add3A_1563 = arith.addi %mul3A_119, %add3A_1562 : i32
        %get3A_1564 = arith.index_cast %add3A_1563 : i32 to index
        %get3A_1565 = arith.constant 112 : index
        %get3A_1566 = tpu.vector_load %arg11[%get3A_1564, %get3A_1565] {strides = array<i32>} : memref<80x128xf32, #tpu.memory_space<vmem>>, vector<16xf32>,
        %mul3A_1567 = arith.mulf %get3A_1566, %broadcast_in_dim3A_1484 : vector<16xf32>
        %add3A_1568 = arith.constant 15 : i32
        %add3A_1569 = arith.addi %mul3A_119, %add3A_1568 : i32
        %swap3A_1570 = arith.index_cast %add3A_1569 : i32 to index
        %swap3A_1571 = arith.constant 112 : index
        %swap3A_1572 = tpu.vector_load %arg11[%swap3A_1570, %swap3A_1571] {strides = array<i32>} : memref<80x128xf32, #tpu.memory_space<vmem>>, vector<16xf32>,
        tpu.vector_store %arg11[%swap3A_1570, %swap3A_1571], %mul3A_1567 {strides = array<i32>} : memref<80x128xf32, #tpu.memory_space<vmem>>, vector<16xf32>,
      }
      %scan3A_112 = arith.constant 5 : i32
      "tpu.region"() ({
        %run_scoped3A = tpu.sem_alloc : memref<!tpu.dma_semaphore, #tpu.memory_space<semaphore_mem>>
        %dma_start3A_113 = arith.constant 0 : i32
        %dma_start3A_114 = tpu.memref_slice %arg8[%scan3A_30, %dma_start3A_113] : memref<125x80xi32, #tpu.memory_space<vmem>> -> memref<1x80xi32, #tpu.memory_space<vmem>>
        %dma_start3A_115 = tpu.memref_squeeze %dma_start3A_114 : memref<1x80xi32, #tpu.memory_space<vmem>> -> memref<80xi32, #tpu.memory_space<vmem>>
        %dma_start3A_116 = arith.constant 0 : i32
        %dma_start3A_117 = arith.constant 0 : i32
        %dma_start3A_118 = tpu.memref_slice %arg12[%dma_start3A_116, %dma_start3A_117] : memref<10000x128xf32, #tpu.memory_space<vmem_shared>> -> memref<10000x128xf32, #tpu.memory_space<vmem_shared>>
        tpu.enqueue_indirect_dma source(%arg11 : memref<80x128xf32, #tpu.memory_space<vmem>>) target(%dma_start3A_118 : memref<10000x128xf32, #tpu.memory_space<vmem_shared>>) offsets(%dma_start3A_115 : memref<80xi32, #tpu.memory_space<vmem>>) semaphore(%run_scoped3A : memref<!tpu.dma_semaphore, #tpu.memory_space<semaphore_mem>>) {add = true}
        %dma_wait3A_119 = arith.constant 0 : i32
        %dma_wait3A_120 = tpu.memref_slice %arg8[%scan3A_30, %dma_wait3A_119] : memref<125x80xi32, #tpu.memory_space<vmem>> -> memref<1x80xi32, #tpu.memory_space<vmem>>
        %dma_wait3A_121 = tpu.memref_squeeze %dma_wait3A_120 : memref<1x80xi32, #tpu.memory_space<vmem>> -> memref<80xi32, #tpu.memory_space<vmem>>
        %dma_wait3A_122 = arith.constant 0 : i32
        %dma_wait3A_123 = arith.constant 0 : i32
        %dma_wait3A_124 = tpu.memref_slice %arg12[%dma_wait3A_122, %dma_wait3A_123] : memref<10000x128xf32, #tpu.memory_space<vmem_shared>> -> memref<10000x128xf32, #tpu.memory_space<vmem_shared>>
        tpu.wait_indirect_dma semaphore(%run_scoped3A : memref<!tpu.dma_semaphore, #tpu.memory_space<semaphore_mem>>) src(%arg11 : memref<80x128xf32, #tpu.memory_space<vmem>>) dst(%dma_wait3A_124 : memref<10000x128xf32, #tpu.memory_space<vmem_shared>>)
        tpu.yield
      }) : () -> ()
    }
    %scan3A_18 = arith.constant 125 : i32
    %barrier3A_19 = arith.constant 0 : index
    tpu.barrier barrier_id(%barrier3A_19)
    %lt3A_20 = arith.constant 15 : i32
    %lt3A_21 = arith.cmpi slt, %arg1, %lt3A_20 : i32
    %convert_element_type3A_22 = arith.extui %lt3A_21 : i1 to i32
    %cond3A_23 = arith.constant 0 : i32
    %cond3A_24 = arith.cmpi ne, %convert_element_type3A_22, %cond3A_23 : i32
    scf.if %cond3A_24 {
      "tpu.region"() ({
        %run_scoped3A = tpu.sem_alloc : memref<!tpu.dma_semaphore, #tpu.memory_space<semaphore_mem>>
        %dma_start3A = arith.constant 0 : i32
        %dma_start3A_30 = tpu.memref_slice %arg6[%arg0, %mul3A_6, %dma_start3A] : memref<2x10000x128xf32, #tpu.memory_space<hbm>> -> memref<1x632x128xf32, #tpu.memory_space<hbm>>
        %dma_start3A_31 = tpu.memref_squeeze %dma_start3A_30 : memref<1x632x128xf32, #tpu.memory_space<hbm>> -> memref<632x128xf32, #tpu.memory_space<hbm>>
        %dma_start3A_32 = arith.constant 0 : i32
        %dma_start3A_33 = tpu.memref_slice %arg12[%mul3A_6, %dma_start3A_32] : memref<10000x128xf32, #tpu.memory_space<vmem_shared>> -> memref<632x128xf32, #tpu.memory_space<vmem_shared>>
        tpu.enqueue_dma source(%dma_start3A_33 : memref<632x128xf32, #tpu.memory_space<vmem_shared>>) target(%dma_start3A_31 : memref<632x128xf32, #tpu.memory_space<hbm>>) target_semaphore(%run_scoped3A : memref<!tpu.dma_semaphore, #tpu.memory_space<semaphore_mem>>)
        %dma_wait3A = arith.constant 0 : i32
        %dma_wait3A_34 = tpu.memref_slice %arg6[%arg0, %mul3A_6, %dma_wait3A] : memref<2x10000x128xf32, #tpu.memory_space<hbm>> -> memref<1x632x128xf32, #tpu.memory_space<hbm>>
        %dma_wait3A_35 = tpu.memref_squeeze %dma_wait3A_34 : memref<1x632x128xf32, #tpu.memory_space<hbm>> -> memref<632x128xf32, #tpu.memory_space<hbm>>
        %dma_wait3A_36 = arith.constant 0 : i32
        %dma_wait3A_37 = tpu.memref_slice %arg12[%mul3A_6, %dma_wait3A_36] : memref<10000x128xf32, #tpu.memory_space<vmem_shared>> -> memref<632x128xf32, #tpu.memory_space<vmem_shared>>
        tpu.wait_dma2 semaphore(%run_scoped3A : memref<!tpu.dma_semaphore, #tpu.memory_space<semaphore_mem>>) src(%dma_wait3A_37 : memref<632x128xf32, #tpu.memory_space<vmem_shared>>) dst(%dma_wait3A_35 : memref<632x128xf32, #tpu.memory_space<hbm>>)
        tpu.yield
      }) : () -> ()
    } else {
    }
    %eq3A_25 = arith.constant 15 : i32
    %eq3A_26 = arith.cmpi eq, %arg1, %eq3A_25 : i32
    %convert_element_type3A_27 = arith.extui %eq3A_26 : i1 to i32
    %cond3A_28 = arith.constant 0 : i32
    %cond3A_29 = arith.cmpi ne, %convert_element_type3A_27, %cond3A_28 : i32
    scf.if %cond3A_29 {
      "tpu.region"() ({
        %run_scoped3A = tpu.sem_alloc : memref<!tpu.dma_semaphore, #tpu.memory_space<semaphore_mem>>
        %dma_start3A = arith.constant 0 : i32
        %dma_start3A_30 = tpu.memref_slice %arg6[%arg0, %mul3A_6, %dma_start3A] : memref<2x10000x128xf32, #tpu.memory_space<hbm>> -> memref<1x520x128xf32, #tpu.memory_space<hbm>>
        %dma_start3A_31 = tpu.memref_squeeze %dma_start3A_30 : memref<1x520x128xf32, #tpu.memory_space<hbm>> -> memref<520x128xf32, #tpu.memory_space<hbm>>
        %dma_start3A_32 = arith.constant 0 : i32
        %dma_start3A_33 = tpu.memref_slice %arg12[%mul3A_6, %dma_start3A_32] : memref<10000x128xf32, #tpu.memory_space<vmem_shared>> -> memref<520x128xf32, #tpu.memory_space<vmem_shared>>
        tpu.enqueue_dma source(%dma_start3A_33 : memref<520x128xf32, #tpu.memory_space<vmem_shared>>) target(%dma_start3A_31 : memref<520x128xf32, #tpu.memory_space<hbm>>) target_semaphore(%run_scoped3A : memref<!tpu.dma_semaphore, #tpu.memory_space<semaphore_mem>>)
        %dma_wait3A = arith.constant 0 : i32
        %dma_wait3A_34 = tpu.memref_slice %arg6[%arg0, %mul3A_6, %dma_wait3A] : memref<2x10000x128xf32, #tpu.memory_space<hbm>> -> memref<1x520x128xf32, #tpu.memory_space<hbm>>
        %dma_wait3A_35 = tpu.memref_squeeze %dma_wait3A_34 : memref<1x520x128xf32, #tpu.memory_space<hbm>> -> memref<520x128xf32, #tpu.memory_space<hbm>>
        %dma_wait3A_36 = arith.constant 0 : i32
        %dma_wait3A_37 = tpu.memref_slice %arg12[%mul3A_6, %dma_wait3A_36] : memref<10000x128xf32, #tpu.memory_space<vmem_shared>> -> memref<520x128xf32, #tpu.memory_space<vmem_shared>>
        tpu.wait_dma2 semaphore(%run_scoped3A : memref<!tpu.dma_semaphore, #tpu.memory_space<semaphore_mem>>) src(%dma_wait3A_37 : memref<520x128xf32, #tpu.memory_space<vmem_shared>>) dst(%dma_wait3A_35 : memref<520x128xf32, #tpu.memory_space<hbm>>)
        tpu.yield
      }) : () -> ()
    } else {
    }
    return
  }
}

#map = affine_map<(d0, d1) -> (0, 0, 0)>
#map1 = affine_map<(d0, d1) -> (0, 0)>
module attributes {stable_mosaic.version = 14 : i64} {
  func.func @_pair_gather_body(%arg0: i32, %arg1: i32, %arg2: memref<32x2x128xi32, #tpu.memory_space<hbm>>, %arg3: memref<10000x128xf32, #tpu.memory_space<hbm>>, %arg4: memref<4096x128xf32, #tpu.memory_space<hbm>>, %arg5: memref<4096x128xf32, #tpu.memory_space<hbm>>, %arg6: memref<2x128xi32, #tpu.memory_space<vmem>>, %arg7: memref<128x128xf32, #tpu.memory_space<vmem>>, %arg8: memref<128x128xf32, #tpu.memory_space<vmem>>, %arg9: memref<!tpu.dma_semaphore, #tpu.memory_space<semaphore_mem>>) attributes {dimension_semantics = [#tpu.dimension_semantics<core_parallel>, #tpu.dimension_semantics<subcore_parallel>], iteration_bounds = array<i64: 2, 16>, scalar_prefetch = 0 : i64, scratch_operands = 4 : i64, tpu.core_type = #tpu.core_type<sc_vector_subcore>, window_params = [{transform_indices = #map}, {transform_indices = #map1}, {transform_indices = #map1}, {transform_indices = #map1}]} {
    %mul3A = arith.constant 2 : i32
    %mul3A_0 = arith.muli %arg1, %mul3A : i32
    %add3A = arith.addi %mul3A_0, %arg0 : i32
    %mul3A_1 = arith.constant 128 : i32
    %mul3A_2 = arith.muli %add3A, %mul3A_1 : i32
    "tpu.region"() ({
      %run_scoped3A = tpu.sem_alloc : memref<!tpu.dma_semaphore, #tpu.memory_space<semaphore_mem>>
      %dma_start3A_34 = arith.constant 0 : i32
      %dma_start3A_35 = arith.constant 0 : i32
      %dma_start3A_36 = tpu.memref_slice %arg2[%add3A, %dma_start3A_34, %dma_start3A_35] : memref<32x2x128xi32, #tpu.memory_space<hbm>> -> memref<1x2x128xi32, #tpu.memory_space<hbm>>
      %dma_start3A_37 = tpu.memref_squeeze %dma_start3A_36 : memref<1x2x128xi32, #tpu.memory_space<hbm>> -> memref<2x128xi32, #tpu.memory_space<hbm>>
      %dma_start3A_38 = arith.constant 0 : i32
      %dma_start3A_39 = arith.constant 0 : i32
      %dma_start3A_40 = tpu.memref_slice %arg2[%add3A, %dma_start3A_38, %dma_start3A_39] : memref<32x2x128xi32, #tpu.memory_space<hbm>> -> memref<1x2x128xi32, #tpu.memory_space<hbm>>
      %dma_start3A_41 = tpu.memref_squeeze %dma_start3A_40 : memref<1x2x128xi32, #tpu.memory_space<hbm>> -> memref<2x128xi32, #tpu.memory_space<hbm>>
      tpu.enqueue_dma source(%dma_start3A_41 : memref<2x128xi32, #tpu.memory_space<hbm>>) target(%arg6 : memref<2x128xi32, #tpu.memory_space<vmem>>) target_semaphore(%run_scoped3A : memref<!tpu.dma_semaphore, #tpu.memory_space<semaphore_mem>>)
      %dma_wait3A_42 = arith.constant 0 : i32
      %dma_wait3A_43 = arith.constant 0 : i32
      %dma_wait3A_44 = tpu.memref_slice %arg2[%add3A, %dma_wait3A_42, %dma_wait3A_43] : memref<32x2x128xi32, #tpu.memory_space<hbm>> -> memref<1x2x128xi32, #tpu.memory_space<hbm>>
      %dma_wait3A_45 = tpu.memref_squeeze %dma_wait3A_44 : memref<1x2x128xi32, #tpu.memory_space<hbm>> -> memref<2x128xi32, #tpu.memory_space<hbm>>
      %dma_wait3A_46 = arith.constant 0 : i32
      %dma_wait3A_47 = arith.constant 0 : i32
      %dma_wait3A_48 = tpu.memref_slice %arg2[%add3A, %dma_wait3A_46, %dma_wait3A_47] : memref<32x2x128xi32, #tpu.memory_space<hbm>> -> memref<1x2x128xi32, #tpu.memory_space<hbm>>
      %dma_wait3A_49 = tpu.memref_squeeze %dma_wait3A_48 : memref<1x2x128xi32, #tpu.memory_space<hbm>> -> memref<2x128xi32, #tpu.memory_space<hbm>>
      tpu.wait_dma2 semaphore(%run_scoped3A : memref<!tpu.dma_semaphore, #tpu.memory_space<semaphore_mem>>) src(%dma_wait3A_49 : memref<2x128xi32, #tpu.memory_space<hbm>>) dst(%arg6 : memref<2x128xi32, #tpu.memory_space<vmem>>)
      tpu.yield
    }) : () -> ()
    %dma_start3A = arith.constant 0 : i32
    %dma_start3A_3 = arith.constant 0 : i32
    %dma_start3A_4 = tpu.memref_slice %arg6[%dma_start3A, %dma_start3A_3] : memref<2x128xi32, #tpu.memory_space<vmem>> -> memref<1x128xi32, #tpu.memory_space<vmem>>
    %dma_start3A_5 = tpu.memref_squeeze %dma_start3A_4 : memref<1x128xi32, #tpu.memory_space<vmem>> -> memref<128xi32, #tpu.memory_space<vmem>>
    %dma_start3A_6 = arith.constant 0 : i32
    %dma_start3A_7 = arith.constant 0 : i32
    %dma_start3A_8 = tpu.memref_slice %arg3[%dma_start3A_6, %dma_start3A_7] : memref<10000x128xf32, #tpu.memory_space<hbm>> -> memref<10000x128xf32, #tpu.memory_space<hbm>>
    tpu.enqueue_indirect_dma source(%dma_start3A_8 : memref<10000x128xf32, #tpu.memory_space<hbm>>) target(%arg7 : memref<128x128xf32, #tpu.memory_space<vmem>>) offsets(%dma_start3A_5 : memref<128xi32, #tpu.memory_space<vmem>>) semaphore(%arg9 : memref<!tpu.dma_semaphore, #tpu.memory_space<semaphore_mem>>)
    %dma_wait3A = arith.constant 0 : i32
    %dma_wait3A_9 = arith.constant 0 : i32
    %dma_wait3A_10 = tpu.memref_slice %arg6[%dma_wait3A, %dma_wait3A_9] : memref<2x128xi32, #tpu.memory_space<vmem>> -> memref<1x128xi32, #tpu.memory_space<vmem>>
    %dma_wait3A_11 = tpu.memref_squeeze %dma_wait3A_10 : memref<1x128xi32, #tpu.memory_space<vmem>> -> memref<128xi32, #tpu.memory_space<vmem>>
    %dma_wait3A_12 = arith.constant 0 : i32
    %dma_wait3A_13 = arith.constant 0 : i32
    %dma_wait3A_14 = tpu.memref_slice %arg3[%dma_wait3A_12, %dma_wait3A_13] : memref<10000x128xf32, #tpu.memory_space<hbm>> -> memref<10000x128xf32, #tpu.memory_space<hbm>>
    tpu.wait_indirect_dma semaphore(%arg9 : memref<!tpu.dma_semaphore, #tpu.memory_space<semaphore_mem>>) src(%dma_wait3A_14 : memref<10000x128xf32, #tpu.memory_space<hbm>>) dst(%arg7 : memref<128x128xf32, #tpu.memory_space<vmem>>)
    %dma_start3A_15 = arith.constant 1 : i32
    %dma_start3A_16 = arith.constant 0 : i32
    %dma_start3A_17 = tpu.memref_slice %arg6[%dma_start3A_15, %dma_start3A_16] : memref<2x128xi32, #tpu.memory_space<vmem>> -> memref<1x128xi32, #tpu.memory_space<vmem>>
    %dma_start3A_18 = tpu.memref_squeeze %dma_start3A_17 : memref<1x128xi32, #tpu.memory_space<vmem>> -> memref<128xi32, #tpu.memory_space<vmem>>
    %dma_start3A_19 = arith.constant 0 : i32
    %dma_start3A_20 = arith.constant 0 : i32
    %dma_start3A_21 = tpu.memref_slice %arg3[%dma_start3A_19, %dma_start3A_20] : memref<10000x128xf32, #tpu.memory_space<hbm>> -> memref<10000x128xf32, #tpu.memory_space<hbm>>
    tpu.enqueue_indirect_dma source(%dma_start3A_21 : memref<10000x128xf32, #tpu.memory_space<hbm>>) target(%arg8 : memref<128x128xf32, #tpu.memory_space<vmem>>) offsets(%dma_start3A_18 : memref<128xi32, #tpu.memory_space<vmem>>) semaphore(%arg9 : memref<!tpu.dma_semaphore, #tpu.memory_space<semaphore_mem>>)
    %dma_wait3A_22 = arith.constant 1 : i32
    %dma_wait3A_23 = arith.constant 0 : i32
    %dma_wait3A_24 = tpu.memref_slice %arg6[%dma_wait3A_22, %dma_wait3A_23] : memref<2x128xi32, #tpu.memory_space<vmem>> -> memref<1x128xi32, #tpu.memory_space<vmem>>
    %dma_wait3A_25 = tpu.memref_squeeze %dma_wait3A_24 : memref<1x128xi32, #tpu.memory_space<vmem>> -> memref<128xi32, #tpu.memory_space<vmem>>
    %dma_wait3A_26 = arith.constant 0 : i32
    %dma_wait3A_27 = arith.constant 0 : i32
    %dma_wait3A_28 = tpu.memref_slice %arg3[%dma_wait3A_26, %dma_wait3A_27] : memref<10000x128xf32, #tpu.memory_space<hbm>> -> memref<10000x128xf32, #tpu.memory_space<hbm>>
    tpu.wait_indirect_dma semaphore(%arg9 : memref<!tpu.dma_semaphore, #tpu.memory_space<semaphore_mem>>) src(%dma_wait3A_28 : memref<10000x128xf32, #tpu.memory_space<hbm>>) dst(%arg8 : memref<128x128xf32, #tpu.memory_space<vmem>>)
    %scan3A = arith.constant 0 : i32
    %scan3A_29 = arith.constant 0 : i32
    %scan3A_30 = arith.constant 128 : i32
    %scan3A_31 = arith.addi %scan3A_29, %scan3A_30 : i32
    %scan3A_32 = arith.constant 1 : i32
    scf.for %scan3A_34 = %scan3A_29 to %scan3A_31 step %scan3A_32  : i32 {
      %get3A = arith.index_cast %scan3A_34 : i32 to index
      %get3A_35 = arith.constant 0 : index
      %get3A_36 = tpu.vector_load %arg8[%get3A, %get3A_35] {strides = array<i32>} : memref<128x128xf32, #tpu.memory_space<vmem>>, vector<16xf32>,
      %get3A_37 = arith.index_cast %scan3A_34 : i32 to index
      %get3A_38 = arith.constant 0 : index
      %get3A_39 = tpu.vector_load %arg7[%get3A_37, %get3A_38] {strides = array<i32>} : memref<128x128xf32, #tpu.memory_space<vmem>>, vector<16xf32>,
      %mul3A_40 = arith.mulf %get3A_36, %get3A_39 : vector<16xf32>
      %swap3A = arith.index_cast %scan3A_34 : i32 to index
      %swap3A_41 = arith.constant 0 : index
      %swap3A_42 = tpu.vector_load %arg8[%swap3A, %swap3A_41] {strides = array<i32>} : memref<128x128xf32, #tpu.memory_space<vmem>>, vector<16xf32>,
      tpu.vector_store %arg8[%swap3A, %swap3A_41], %mul3A_40 {strides = array<i32>} : memref<128x128xf32, #tpu.memory_space<vmem>>, vector<16xf32>,
      %get3A_43 = arith.index_cast %scan3A_34 : i32 to index
      %get3A_44 = arith.constant 16 : index
      %get3A_45 = tpu.vector_load %arg8[%get3A_43, %get3A_44] {strides = array<i32>} : memref<128x128xf32, #tpu.memory_space<vmem>>, vector<16xf32>,
      %get3A_46 = arith.index_cast %scan3A_34 : i32 to index
      %get3A_47 = arith.constant 16 : index
      %get3A_48 = tpu.vector_load %arg7[%get3A_46, %get3A_47] {strides = array<i32>} : memref<128x128xf32, #tpu.memory_space<vmem>>, vector<16xf32>,
      %mul3A_49 = arith.mulf %get3A_45, %get3A_48 : vector<16xf32>
      %swap3A_50 = arith.index_cast %scan3A_34 : i32 to index
      %swap3A_51 = arith.constant 16 : index
      %swap3A_52 = tpu.vector_load %arg8[%swap3A_50, %swap3A_51] {strides = array<i32>} : memref<128x128xf32, #tpu.memory_space<vmem>>, vector<16xf32>,
      tpu.vector_store %arg8[%swap3A_50, %swap3A_51], %mul3A_49 {strides = array<i32>} : memref<128x128xf32, #tpu.memory_space<vmem>>, vector<16xf32>,
      %get3A_53 = arith.index_cast %scan3A_34 : i32 to index
      %get3A_54 = arith.constant 32 : index
      %get3A_55 = tpu.vector_load %arg8[%get3A_53, %get3A_54] {strides = array<i32>} : memref<128x128xf32, #tpu.memory_space<vmem>>, vector<16xf32>,
      %get3A_56 = arith.index_cast %scan3A_34 : i32 to index
      %get3A_57 = arith.constant 32 : index
      %get3A_58 = tpu.vector_load %arg7[%get3A_56, %get3A_57] {strides = array<i32>} : memref<128x128xf32, #tpu.memory_space<vmem>>, vector<16xf32>,
      %mul3A_59 = arith.mulf %get3A_55, %get3A_58 : vector<16xf32>
      %swap3A_60 = arith.index_cast %scan3A_34 : i32 to index
      %swap3A_61 = arith.constant 32 : index
      %swap3A_62 = tpu.vector_load %arg8[%swap3A_60, %swap3A_61] {strides = array<i32>} : memref<128x128xf32, #tpu.memory_space<vmem>>, vector<16xf32>,
      tpu.vector_store %arg8[%swap3A_60, %swap3A_61], %mul3A_59 {strides = array<i32>} : memref<128x128xf32, #tpu.memory_space<vmem>>, vector<16xf32>,
      %get3A_63 = arith.index_cast %scan3A_34 : i32 to index
      %get3A_64 = arith.constant 48 : index
      %get3A_65 = tpu.vector_load %arg8[%get3A_63, %get3A_64] {strides = array<i32>} : memref<128x128xf32, #tpu.memory_space<vmem>>, vector<16xf32>,
      %get3A_66 = arith.index_cast %scan3A_34 : i32 to index
      %get3A_67 = arith.constant 48 : index
      %get3A_68 = tpu.vector_load %arg7[%get3A_66, %get3A_67] {strides = array<i32>} : memref<128x128xf32, #tpu.memory_space<vmem>>, vector<16xf32>,
      %mul3A_69 = arith.mulf %get3A_65, %get3A_68 : vector<16xf32>
      %swap3A_70 = arith.index_cast %scan3A_34 : i32 to index
      %swap3A_71 = arith.constant 48 : index
      %swap3A_72 = tpu.vector_load %arg8[%swap3A_70, %swap3A_71] {strides = array<i32>} : memref<128x128xf32, #tpu.memory_space<vmem>>, vector<16xf32>,
      tpu.vector_store %arg8[%swap3A_70, %swap3A_71], %mul3A_69 {strides = array<i32>} : memref<128x128xf32, #tpu.memory_space<vmem>>, vector<16xf32>,
      %get3A_73 = arith.index_cast %scan3A_34 : i32 to index
      %get3A_74 = arith.constant 64 : index
      %get3A_75 = tpu.vector_load %arg8[%get3A_73, %get3A_74] {strides = array<i32>} : memref<128x128xf32, #tpu.memory_space<vmem>>, vector<16xf32>,
      %get3A_76 = arith.index_cast %scan3A_34 : i32 to index
      %get3A_77 = arith.constant 64 : index
      %get3A_78 = tpu.vector_load %arg7[%get3A_76, %get3A_77] {strides = array<i32>} : memref<128x128xf32, #tpu.memory_space<vmem>>, vector<16xf32>,
      %mul3A_79 = arith.mulf %get3A_75, %get3A_78 : vector<16xf32>
      %swap3A_80 = arith.index_cast %scan3A_34 : i32 to index
      %swap3A_81 = arith.constant 64 : index
      %swap3A_82 = tpu.vector_load %arg8[%swap3A_80, %swap3A_81] {strides = array<i32>} : memref<128x128xf32, #tpu.memory_space<vmem>>, vector<16xf32>,
      tpu.vector_store %arg8[%swap3A_80, %swap3A_81], %mul3A_79 {strides = array<i32>} : memref<128x128xf32, #tpu.memory_space<vmem>>, vector<16xf32>,
      %get3A_83 = arith.index_cast %scan3A_34 : i32 to index
      %get3A_84 = arith.constant 80 : index
      %get3A_85 = tpu.vector_load %arg8[%get3A_83, %get3A_84] {strides = array<i32>} : memref<128x128xf32, #tpu.memory_space<vmem>>, vector<16xf32>,
      %get3A_86 = arith.index_cast %scan3A_34 : i32 to index
      %get3A_87 = arith.constant 80 : index
      %get3A_88 = tpu.vector_load %arg7[%get3A_86, %get3A_87] {strides = array<i32>} : memref<128x128xf32, #tpu.memory_space<vmem>>, vector<16xf32>,
      %mul3A_89 = arith.mulf %get3A_85, %get3A_88 : vector<16xf32>
      %swap3A_90 = arith.index_cast %scan3A_34 : i32 to index
      %swap3A_91 = arith.constant 80 : index
      %swap3A_92 = tpu.vector_load %arg8[%swap3A_90, %swap3A_91] {strides = array<i32>} : memref<128x128xf32, #tpu.memory_space<vmem>>, vector<16xf32>,
      tpu.vector_store %arg8[%swap3A_90, %swap3A_91], %mul3A_89 {strides = array<i32>} : memref<128x128xf32, #tpu.memory_space<vmem>>, vector<16xf32>,
      %get3A_93 = arith.index_cast %scan3A_34 : i32 to index
      %get3A_94 = arith.constant 96 : index
      %get3A_95 = tpu.vector_load %arg8[%get3A_93, %get3A_94] {strides = array<i32>} : memref<128x128xf32, #tpu.memory_space<vmem>>, vector<16xf32>,
      %get3A_96 = arith.index_cast %scan3A_34 : i32 to index
      %get3A_97 = arith.constant 96 : index
      %get3A_98 = tpu.vector_load %arg7[%get3A_96, %get3A_97] {strides = array<i32>} : memref<128x128xf32, #tpu.memory_space<vmem>>, vector<16xf32>,
      %mul3A_99 = arith.mulf %get3A_95, %get3A_98 : vector<16xf32>
      %swap3A_100 = arith.index_cast %scan3A_34 : i32 to index
      %swap3A_101 = arith.constant 96 : index
      %swap3A_102 = tpu.vector_load %arg8[%swap3A_100, %swap3A_101] {strides = array<i32>} : memref<128x128xf32, #tpu.memory_space<vmem>>, vector<16xf32>,
      tpu.vector_store %arg8[%swap3A_100, %swap3A_101], %mul3A_99 {strides = array<i32>} : memref<128x128xf32, #tpu.memory_space<vmem>>, vector<16xf32>,
      %get3A_103 = arith.index_cast %scan3A_34 : i32 to index
      %get3A_104 = arith.constant 112 : index
      %get3A_105 = tpu.vector_load %arg8[%get3A_103, %get3A_104] {strides = array<i32>} : memref<128x128xf32, #tpu.memory_space<vmem>>, vector<16xf32>,
      %get3A_106 = arith.index_cast %scan3A_34 : i32 to index
      %get3A_107 = arith.constant 112 : index
      %get3A_108 = tpu.vector_load %arg7[%get3A_106, %get3A_107] {strides = array<i32>} : memref<128x128xf32, #tpu.memory_space<vmem>>, vector<16xf32>,
      %mul3A_109 = arith.mulf %get3A_105, %get3A_108 : vector<16xf32>
      %swap3A_110 = arith.index_cast %scan3A_34 : i32 to index
      %swap3A_111 = arith.constant 112 : index
      %swap3A_112 = tpu.vector_load %arg8[%swap3A_110, %swap3A_111] {strides = array<i32>} : memref<128x128xf32, #tpu.memory_space<vmem>>, vector<16xf32>,
      tpu.vector_store %arg8[%swap3A_110, %swap3A_111], %mul3A_109 {strides = array<i32>} : memref<128x128xf32, #tpu.memory_space<vmem>>, vector<16xf32>,
    }
    %scan3A_33 = arith.constant 128 : i32
    "tpu.region"() ({
      %run_scoped3A = tpu.sem_alloc : memref<!tpu.dma_semaphore, #tpu.memory_space<semaphore_mem>>
      %dma_start3A_34 = arith.constant 0 : i32
      %dma_start3A_35 = tpu.memref_slice %arg4[%mul3A_2, %dma_start3A_34] : memref<4096x128xf32, #tpu.memory_space<hbm>> -> memref<128x128xf32, #tpu.memory_space<hbm>>
      %dma_start3A_36 = arith.constant 0 : i32
      %dma_start3A_37 = tpu.memref_slice %arg4[%mul3A_2, %dma_start3A_36] : memref<4096x128xf32, #tpu.memory_space<hbm>> -> memref<128x128xf32, #tpu.memory_space<hbm>>
      tpu.enqueue_dma source(%arg7 : memref<128x128xf32, #tpu.memory_space<vmem>>) target(%dma_start3A_37 : memref<128x128xf32, #tpu.memory_space<hbm>>) target_semaphore(%run_scoped3A : memref<!tpu.dma_semaphore, #tpu.memory_space<semaphore_mem>>)
      %dma_wait3A_38 = arith.constant 0 : i32
      %dma_wait3A_39 = tpu.memref_slice %arg4[%mul3A_2, %dma_wait3A_38] : memref<4096x128xf32, #tpu.memory_space<hbm>> -> memref<128x128xf32, #tpu.memory_space<hbm>>
      %dma_wait3A_40 = arith.constant 0 : i32
      %dma_wait3A_41 = tpu.memref_slice %arg4[%mul3A_2, %dma_wait3A_40] : memref<4096x128xf32, #tpu.memory_space<hbm>> -> memref<128x128xf32, #tpu.memory_space<hbm>>
      tpu.wait_dma2 semaphore(%run_scoped3A : memref<!tpu.dma_semaphore, #tpu.memory_space<semaphore_mem>>) src(%arg7 : memref<128x128xf32, #tpu.memory_space<vmem>>) dst(%dma_wait3A_41 : memref<128x128xf32, #tpu.memory_space<hbm>>)
      tpu.yield
    }) : () -> ()
    "tpu.region"() ({
      %run_scoped3A = tpu.sem_alloc : memref<!tpu.dma_semaphore, #tpu.memory_space<semaphore_mem>>
      %dma_start3A_34 = arith.constant 0 : i32
      %dma_start3A_35 = tpu.memref_slice %arg5[%mul3A_2, %dma_start3A_34] : memref<4096x128xf32, #tpu.memory_space<hbm>> -> memref<128x128xf32, #tpu.memory_space<hbm>>
      %dma_start3A_36 = arith.constant 0 : i32
      %dma_start3A_37 = tpu.memref_slice %arg5[%mul3A_2, %dma_start3A_36] : memref<4096x128xf32, #tpu.memory_space<hbm>> -> memref<128x128xf32, #tpu.memory_space<hbm>>
      tpu.enqueue_dma source(%arg8 : memref<128x128xf32, #tpu.memory_space<vmem>>) target(%dma_start3A_37 : memref<128x128xf32, #tpu.memory_space<hbm>>) target_semaphore(%run_scoped3A : memref<!tpu.dma_semaphore, #tpu.memory_space<semaphore_mem>>)
      %dma_wait3A_38 = arith.constant 0 : i32
      %dma_wait3A_39 = tpu.memref_slice %arg5[%mul3A_2, %dma_wait3A_38] : memref<4096x128xf32, #tpu.memory_space<hbm>> -> memref<128x128xf32, #tpu.memory_space<hbm>>
      %dma_wait3A_40 = arith.constant 0 : i32
      %dma_wait3A_41 = tpu.memref_slice %arg5[%mul3A_2, %dma_wait3A_40] : memref<4096x128xf32, #tpu.memory_space<hbm>> -> memref<128x128xf32, #tpu.memory_space<hbm>>
      tpu.wait_dma2 semaphore(%run_scoped3A : memref<!tpu.dma_semaphore, #tpu.memory_space<semaphore_mem>>) src(%arg8 : memref<128x128xf32, #tpu.memory_space<vmem>>) dst(%dma_wait3A_41 : memref<128x128xf32, #tpu.memory_space<hbm>>)
      tpu.yield
    }) : () -> ()
    return
  }
}

module attributes {stable_mosaic.version = 14 : i64} {
  func.func @_proj_body(%arg0: i32, %arg1: memref<1024x256xf32, #tpu.memory_space<vmem>>, %arg2: memref<256x256xf32, #tpu.memory_space<vmem>>, %arg3: memref<256xf32, #tpu.memory_space<vmem>>, %arg4: memref<256xf32, #tpu.memory_space<vmem>>, %arg5: memref<2x1024x128xf32, #tpu.memory_space<vmem>>, %arg6: memref<1024x2xf32, #tpu.memory_space<vmem>>, %arg7: memref<1x2xf32, #tpu.memory_space<vmem>>) attributes {dimension_semantics = [#tpu.dimension_semantics<arbitrary>], iteration_bounds = array<i64: 10>, scalar_prefetch = 0 : i64, scratch_operands = 0 : i64, tpu.core_type = #tpu.core_type<tc>, window_params = [{transform_indices = @transform_0, window_bounds = array<i64: 1024, 256>}, {pipeline_mode = #tpu.pipeline_mode<synchronous>, transform_indices = @transform_1, window_bounds = array<i64: 256, 256>}, {pipeline_mode = #tpu.pipeline_mode<synchronous>, transform_indices = @transform_2, window_bounds = array<i64: 256>}, {pipeline_mode = #tpu.pipeline_mode<synchronous>, transform_indices = @transform_3, window_bounds = array<i64: 256>}, {transform_indices = @transform_4, window_bounds = array<i64: 2, 1024, 128>}, {transform_indices = @transform_5, window_bounds = array<i64: 1024, 2>}, {pipeline_mode = #tpu.pipeline_mode<synchronous>, transform_indices = @transform_6, window_bounds = array<i64: 1, 2>}]} {
    %get3A = arith.constant 0 : index
    %get3A_0 = arith.constant 0 : index
    %get3A_1 = vector.load %arg1[%get3A, %get3A_0] : memref<1024x256xf32, #tpu.memory_space<vmem>>, vector<1024x256xf32>
    %get3A_2 = arith.constant 0 : index
    %get3A_3 = arith.constant 0 : index
    %get3A_4 = vector.load %arg2[%get3A_2, %get3A_3] : memref<256x256xf32, #tpu.memory_space<vmem>>, vector<256x256xf32>
    %dot_general3A = arith.constant dense<0.000000e+00> : vector<1024x256xf32>
    %dot_general3A_5 = tpu.matmul %get3A_1, %get3A_4, %dot_general3A {dimension_numbers = #tpu.dot_dimension_numbers<[1], [0], [0], [1], [0, 0, 1, 1], [], []>, transpose_lhs_hint = false} : vector<1024x256xf32>, vector<256x256xf32>, vector<1024x256xf32> -> vector<1024x256xf32>
    %slice3A = vector.extract_strided_slice %dot_general3A_5 {offsets = [0, 0], sizes = [1024, 128], strides = [1, 1]} : vector<1024x256xf32> to vector<1024x128xf32>
    %swap3A = arith.constant 0 : index
    %swap3A_6 = arith.constant 0 : index
    %swap3A_7 = arith.constant 0 : index
    %swap3A_8 = vector.load %arg5[%swap3A, %swap3A_6, %swap3A_7] : memref<2x1024x128xf32, #tpu.memory_space<vmem>>, vector<1x1024x128xf32>
    %swap3A_9 = vector.shape_cast %swap3A_8 : vector<1x1024x128xf32> to vector<1024x128xf32>
    %swap3A_10 = vector.shape_cast %slice3A : vector<1024x128xf32> to vector<1x1024x128xf32>
    tpu.vector_store %arg5[%swap3A, %swap3A_6, %swap3A_7], %swap3A_10 {strides = array<i32>} : memref<2x1024x128xf32, #tpu.memory_space<vmem>>, vector<1x1024x128xf32>,
    %slice3A_11 = vector.extract_strided_slice %dot_general3A_5 {offsets = [0, 128], sizes = [1024, 128], strides = [1, 1]} : vector<1024x256xf32> to vector<1024x128xf32>
    %swap3A_12 = arith.constant 1 : index
    %swap3A_13 = arith.constant 0 : index
    %swap3A_14 = arith.constant 0 : index
    %swap3A_15 = vector.load %arg5[%swap3A_12, %swap3A_13, %swap3A_14] : memref<2x1024x128xf32, #tpu.memory_space<vmem>>, vector<1x1024x128xf32>
    %swap3A_16 = vector.shape_cast %swap3A_15 : vector<1x1024x128xf32> to vector<1024x128xf32>
    %swap3A_17 = vector.shape_cast %slice3A_11 : vector<1024x128xf32> to vector<1x1024x128xf32>
    tpu.vector_store %arg5[%swap3A_12, %swap3A_13, %swap3A_14], %swap3A_17 {strides = array<i32>} : memref<2x1024x128xf32, #tpu.memory_space<vmem>>, vector<1x1024x128xf32>,
    %get3A_18 = arith.constant 0 : index
    %get3A_19 = vector.load %arg3[%get3A_18] : memref<256xf32, #tpu.memory_space<vmem>>, vector<256xf32>
    %reshape3A = vector.shape_cast %get3A_19 : vector<256xf32> to vector<256x1xf32>
    %dot_general3A_20 = arith.constant dense<0.000000e+00> : vector<1024x1xf32>
    %dot_general3A_21 = tpu.matmul %dot_general3A_5, %reshape3A, %dot_general3A_20 {dimension_numbers = #tpu.dot_dimension_numbers<[1], [0], [0], [1], [0, 0, 1, 1], [], []>, transpose_lhs_hint = false} : vector<1024x256xf32>, vector<256x1xf32>, vector<1024x1xf32> -> vector<1024x1xf32>
    %get3A_22 = arith.constant 0 : index
    %get3A_23 = vector.load %arg4[%get3A_22] : memref<256xf32, #tpu.memory_space<vmem>>, vector<256xf32>
    %reshape3A_24 = vector.shape_cast %get3A_23 : vector<256xf32> to vector<256x1xf32>
    %dot_general3A_25 = arith.constant dense<0.000000e+00> : vector<1024x1xf32>
    %dot_general3A_26 = tpu.matmul %dot_general3A_5, %reshape3A_24, %dot_general3A_25 {dimension_numbers = #tpu.dot_dimension_numbers<[1], [0], [0], [1], [0, 0, 1, 1], [], []>, transpose_lhs_hint = false} : vector<1024x256xf32>, vector<256x1xf32>, vector<1024x1xf32> -> vector<1024x1xf32>
    %concatenate3A = tpu.concatenate %dot_general3A_21, %dot_general3A_26 in 1 : vector<1024x1xf32>, vector<1024x1xf32> -> vector<1024x2xf32>
    %swap3A_27 = arith.constant 0 : index
    %swap3A_28 = arith.constant 0 : index
    %swap3A_29 = vector.load %arg6[%swap3A_27, %swap3A_28] : memref<1024x2xf32, #tpu.memory_space<vmem>>, vector<1024x2xf32>
    tpu.vector_store %arg6[%swap3A_27, %swap3A_28], %concatenate3A {strides = array<i32>} : memref<1024x2xf32, #tpu.memory_space<vmem>>, vector<1024x2xf32>,
    %mul3A = arith.constant 1024 : i32
    %mul3A_30 = arith.muli %arg0, %mul3A : i32
    %iota3A = tpu.iota {dimensions = array<i32: 0>} : vector<1024x2xi32>
    %add3A = vector.broadcast %mul3A_30 : i32 to vector<1024x2xi32>
    %add3A_31 = arith.addi %add3A, %iota3A : vector<1024x2xi32>
    %lt3A = arith.constant 10000 : i32
    %lt3A_32 = vector.broadcast %lt3A : i32 to vector<1024x2xi32>
    %lt3A_33 = arith.cmpi slt, %add3A_31, %lt3A_32 : vector<1024x2xi32>
    %jit3A = arith.constant -1.000000e+30 : f32
    %broadcast_in_dim3A = vector.broadcast %jit3A : f32 to vector<1024x2xf32>
    %select_n3A = arith.select %lt3A_33, %concatenate3A, %broadcast_in_dim3A : vector<1024x2xi1>, vector<1024x2xf32>
    %reduce_max3A = arith.constant dense<0xFF800000> : vector<2xf32>
    %reduce_max3A_34 = vector.multi_reduction <maximumf>, %select_n3A, %reduce_max3A [0] : vector<1024x2xf32> to vector<2xf32>
    %broadcast_in_dim3A_35 = vector.shape_cast %reduce_max3A_34 : vector<2xf32> to vector<1x2xf32>
    %eq3A = arith.constant 0 : i32
    %eq3A_36 = arith.cmpi eq, %arg0, %eq3A : i32
    %convert_element_type3A = arith.extui %eq3A_36 : i1 to i32
    %cond3A = arith.constant 0 : i32
    %cond3A_37 = arith.cmpi ne, %convert_element_type3A, %cond3A : i32
    scf.if %cond3A_37 {
      %swap3A_42 = arith.constant 0 : index
      %swap3A_43 = arith.constant 0 : index
      %swap3A_44 = vector.load %arg7[%swap3A_42, %swap3A_43] : memref<1x2xf32, #tpu.memory_space<vmem>>, vector<1x2xf32>
      tpu.vector_store %arg7[%swap3A_42, %swap3A_43], %broadcast_in_dim3A_35 {strides = array<i32>} : memref<1x2xf32, #tpu.memory_space<vmem>>, vector<1x2xf32>,
    } else {
    }
    %gt3A = arith.constant 0 : i32
    %gt3A_38 = arith.cmpi sgt, %arg0, %gt3A : i32
    %convert_element_type3A_39 = arith.extui %gt3A_38 : i1 to i32
    %cond3A_40 = arith.constant 0 : i32
    %cond3A_41 = arith.cmpi ne, %convert_element_type3A_39, %cond3A_40 : i32
    scf.if %cond3A_41 {
      %get3A_42 = arith.constant 0 : index
      %get3A_43 = arith.constant 0 : index
      %get3A_44 = vector.load %arg7[%get3A_42, %get3A_43] : memref<1x2xf32, #tpu.memory_space<vmem>>, vector<1x2xf32>
      %max3A = arith.maximumf %get3A_44, %broadcast_in_dim3A_35 : vector<1x2xf32>
      %swap3A_45 = arith.constant 0 : index
      %swap3A_46 = arith.constant 0 : index
      %swap3A_47 = vector.load %arg7[%swap3A_45, %swap3A_46] : memref<1x2xf32, #tpu.memory_space<vmem>>, vector<1x2xf32>
      tpu.vector_store %arg7[%swap3A_45, %swap3A_46], %max3A {strides = array<i32>} : memref<1x2xf32, #tpu.memory_space<vmem>>, vector<1x2xf32>,
    } else {
    }
    return
  }
  func.func @transform_0(%arg0: i32) -> (i32, i32) {
    %c0_i32 = arith.constant 0 : i32
    %c0_i32_0 = arith.constant 0 : i32
    return %arg0, %c0_i32 : i32, i32
  }
  func.func @transform_1(%arg0: i32) -> (i32, i32) {
    %c0_i32 = arith.constant 0 : i32
    %c0_i32_0 = arith.constant 0 : i32
    %c0_i32_1 = arith.constant 0 : i32
    return %c0_i32, %c0_i32_0 : i32, i32
  }
  func.func @transform_2(%arg0: i32) -> i32 {
    %c0_i32 = arith.constant 0 : i32
    %c0_i32_0 = arith.constant 0 : i32
    return %c0_i32 : i32
  }
  func.func @transform_3(%arg0: i32) -> i32 {
    %c0_i32 = arith.constant 0 : i32
    %c0_i32_0 = arith.constant 0 : i32
    return %c0_i32 : i32
  }
  func.func @transform_4(%arg0: i32) -> (i32, i32, i32) {
    %c0_i32 = arith.constant 0 : i32
    %c0_i32_0 = arith.constant 0 : i32
    %c0_i32_1 = arith.constant 0 : i32
    return %c0_i32, %arg0, %c0_i32_0 : i32, i32, i32
  }
  func.func @transform_5(%arg0: i32) -> (i32, i32) {
    %c0_i32 = arith.constant 0 : i32
    %c0_i32_0 = arith.constant 0 : i32
    return %arg0, %c0_i32 : i32, i32
  }
  func.func @transform_6(%arg0: i32) -> (i32, i32) {
    %c0_i32 = arith.constant 0 : i32
    %c0_i32_0 = arith.constant 0 : i32
    %c0_i32_1 = arith.constant 0 : i32
    return %c0_i32, %c0_i32_0 : i32, i32
  }
}

module attributes {stable_mosaic.version = 14 : i64} {
  func.func @_rden_body(%arg0: i32, %arg1: memref<32x2048xf32, #tpu.memory_space<vmem>>, %arg2: memref<1x2048xf32, #tpu.memory_space<vmem>>) attributes {dimension_semantics = [#tpu.dimension_semantics<arbitrary>], iteration_bounds = array<i64: 5>, scalar_prefetch = 0 : i64, scratch_operands = 0 : i64, tpu.core_type = #tpu.core_type<tc>, window_params = [{transform_indices = @transform_0, window_bounds = array<i64: 32, 2048>}, {transform_indices = @transform_1, window_bounds = array<i64: 1, 2048>}]} {
    %get3A = arith.constant 0 : index
    %get3A_0 = arith.constant 0 : index
    %get3A_1 = vector.load %arg1[%get3A, %get3A_0] : memref<32x2048xf32, #tpu.memory_space<vmem>>, vector<32x2048xf32>
    %reduce_sum3A = arith.constant dense<0.000000e+00> : vector<2048xf32>
    %reduce_sum3A_2 = vector.multi_reduction <add>, %get3A_1, %reduce_sum3A [0] : vector<32x2048xf32> to vector<2048xf32>
    %broadcast_in_dim3A = vector.shape_cast %reduce_sum3A_2 : vector<2048xf32> to vector<1x2048xf32>
    %add3A = arith.constant 1.000000e-16 : f32
    %add3A_3 = vector.broadcast %add3A : f32 to vector<1x2048xf32>
    %add3A_4 = arith.addf %broadcast_in_dim3A, %add3A_3 : vector<1x2048xf32>
    %div3A = arith.constant 1.000000e+00 : f32
    %div3A_5 = vector.broadcast %div3A : f32 to vector<1x2048xf32>
    %div3A_6 = arith.divf %div3A_5, %add3A_4 : vector<1x2048xf32>
    %swap3A = arith.constant 0 : index
    %swap3A_7 = arith.constant 0 : index
    %swap3A_8 = vector.load %arg2[%swap3A, %swap3A_7] : memref<1x2048xf32, #tpu.memory_space<vmem>>, vector<1x2048xf32>
    tpu.vector_store %arg2[%swap3A, %swap3A_7], %div3A_6 {strides = array<i32>} : memref<1x2048xf32, #tpu.memory_space<vmem>>, vector<1x2048xf32>,
    return
  }
  func.func @transform_0(%arg0: i32) -> (i32, i32) {
    %c0_i32 = arith.constant 0 : i32
    %c0_i32_0 = arith.constant 0 : i32
    return %c0_i32, %arg0 : i32, i32
  }
  func.func @transform_1(%arg0: i32) -> (i32, i32) {
    %c0_i32 = arith.constant 0 : i32
    %c0_i32_0 = arith.constant 0 : i32
    return %c0_i32, %arg0 : i32, i32
  }
}

module attributes {stable_mosaic.version = 14 : i64} {
  func.func @_vg_dense_body(%arg0: i32, %arg1: memref<1024x128xf32, #tpu.memory_space<vmem>>, %arg2: memref<1024x128xf32, #tpu.memory_space<vmem>>, %arg3: memref<16x128xf32, #tpu.memory_space<vmem>>, %arg4: memref<1024x16xf32, #tpu.memory_space<vmem>>, %arg5: memref<1x1xf32, #tpu.memory_space<vmem>>, %arg6: memref<1024x16xf32, #tpu.memory_space<vmem>>, %arg7: memref<1024x16xf32, #tpu.memory_space<vmem>>, %arg8: memref<1024x128xf32, #tpu.memory_space<vmem>>) attributes {dimension_semantics = [#tpu.dimension_semantics<arbitrary>], iteration_bounds = array<i64: 4>, scalar_prefetch = 0 : i64, scratch_operands = 0 : i64, tpu.core_type = #tpu.core_type<tc>, window_params = [{transform_indices = @transform_0, window_bounds = array<i64: 1024, 128>}, {transform_indices = @transform_1, window_bounds = array<i64: 1024, 128>}, {pipeline_mode = #tpu.pipeline_mode<synchronous>, transform_indices = @transform_2, window_bounds = array<i64: 16, 128>}, {transform_indices = @transform_3, window_bounds = array<i64: 1024, 16>}, {pipeline_mode = #tpu.pipeline_mode<synchronous>, transform_indices = @transform_4, window_bounds = array<i64: 1, 1>}, {transform_indices = @transform_5, window_bounds = array<i64: 1024, 16>}, {transform_indices = @transform_6, window_bounds = array<i64: 1024, 16>}, {transform_indices = @transform_7, window_bounds = array<i64: 1024, 128>}]} {
    %get3A = arith.constant 0 : index
    %get3A_0 = arith.constant 0 : index
    %get3A_1 = vector.load %arg3[%get3A, %get3A_0] : memref<16x128xf32, #tpu.memory_space<vmem>>, vector<16x128xf32>
    %get3A_2 = arith.constant 0 : index
    %get3A_3 = arith.constant 0 : index
    %get3A_4 = vector.load %arg1[%get3A_2, %get3A_3] : memref<1024x128xf32, #tpu.memory_space<vmem>>, vector<1024x128xf32>
    %dot_general3A = arith.constant dense<0.000000e+00> : vector<1024x16xf32>
    %dot_general3A_5 = tpu.matmul %get3A_4, %get3A_1, %dot_general3A {dimension_numbers = #tpu.dot_dimension_numbers<[1], [1], [0], [0], [0, 0, 1, 0], [], []>, transpose_lhs_hint = false} : vector<1024x128xf32>, vector<16x128xf32>, vector<1024x16xf32> -> vector<1024x16xf32>
    %get3A_6 = arith.constant 0 : index
    %get3A_7 = arith.constant 0 : index
    %get3A_8 = vector.load %arg2[%get3A_6, %get3A_7] : memref<1024x128xf32, #tpu.memory_space<vmem>>, vector<1024x128xf32>
    %dot_general3A_9 = arith.constant dense<0.000000e+00> : vector<1024x16xf32>
    %dot_general3A_10 = tpu.matmul %get3A_8, %get3A_1, %dot_general3A_9 {dimension_numbers = #tpu.dot_dimension_numbers<[1], [1], [0], [0], [0, 0, 1, 0], [], []>, transpose_lhs_hint = false} : vector<1024x128xf32>, vector<16x128xf32>, vector<1024x16xf32> -> vector<1024x16xf32>
    %reduce_max3A = arith.constant dense<0xFF800000> : vector<1024xf32>
    %reduce_max3A_11 = vector.multi_reduction <maximumf>, %dot_general3A_5, %reduce_max3A [1] : vector<1024x16xf32> to vector<1024xf32>
    %broadcast_in_dim3A = vector.shape_cast %reduce_max3A_11 : vector<1024xf32> to vector<1024x1xf32>
    %sub3A = vector.broadcast %broadcast_in_dim3A : vector<1024x1xf32> to vector<1024x16xf32>
    %sub3A_12 = arith.subf %dot_general3A_5, %sub3A : vector<1024x16xf32>
    %exp3A = math.exp %sub3A_12 : vector<1024x16xf32>
    %reduce_sum3A = arith.constant dense<0.000000e+00> : vector<1024xf32>
    %reduce_sum3A_13 = vector.multi_reduction <add>, %exp3A, %reduce_sum3A [1] : vector<1024x16xf32> to vector<1024xf32>
    %broadcast_in_dim3A_14 = vector.shape_cast %reduce_sum3A_13 : vector<1024xf32> to vector<1024x1xf32>
    %div3A = vector.broadcast %broadcast_in_dim3A_14 : vector<1024x1xf32> to vector<1024x16xf32>
    %div3A_15 = arith.divf %exp3A, %div3A : vector<1024x16xf32>
    %swap3A = arith.constant 0 : index
    %swap3A_16 = arith.constant 0 : index
    %swap3A_17 = vector.load %arg6[%swap3A, %swap3A_16] : memref<1024x16xf32, #tpu.memory_space<vmem>>, vector<1024x16xf32>
    tpu.vector_store %arg6[%swap3A, %swap3A_16], %div3A_15 {strides = array<i32>} : memref<1024x16xf32, #tpu.memory_space<vmem>>, vector<1024x16xf32>,
    %reduce_max3A_18 = arith.constant dense<0xFF800000> : vector<1024xf32>
    %reduce_max3A_19 = vector.multi_reduction <maximumf>, %dot_general3A_10, %reduce_max3A_18 [1] : vector<1024x16xf32> to vector<1024xf32>
    %broadcast_in_dim3A_20 = vector.shape_cast %reduce_max3A_19 : vector<1024xf32> to vector<1024x1xf32>
    %sub3A_21 = vector.broadcast %broadcast_in_dim3A_20 : vector<1024x1xf32> to vector<1024x16xf32>
    %sub3A_22 = arith.subf %dot_general3A_10, %sub3A_21 : vector<1024x16xf32>
    %exp3A_23 = math.exp %sub3A_22 : vector<1024x16xf32>
    %reduce_sum3A_24 = arith.constant dense<0.000000e+00> : vector<1024xf32>
    %reduce_sum3A_25 = vector.multi_reduction <add>, %exp3A_23, %reduce_sum3A_24 [1] : vector<1024x16xf32> to vector<1024xf32>
    %broadcast_in_dim3A_26 = vector.shape_cast %reduce_sum3A_25 : vector<1024xf32> to vector<1024x1xf32>
    %div3A_27 = vector.broadcast %broadcast_in_dim3A_26 : vector<1024x1xf32> to vector<1024x16xf32>
    %div3A_28 = arith.divf %exp3A_23, %div3A_27 : vector<1024x16xf32>
    %swap3A_29 = arith.constant 0 : index
    %swap3A_30 = arith.constant 0 : index
    %swap3A_31 = vector.load %arg7[%swap3A_29, %swap3A_30] : memref<1024x16xf32, #tpu.memory_space<vmem>>, vector<1024x16xf32>
    tpu.vector_store %arg7[%swap3A_29, %swap3A_30], %div3A_28 {strides = array<i32>} : memref<1024x16xf32, #tpu.memory_space<vmem>>, vector<1024x16xf32>,
    %get3A_32 = arith.constant 0 : index
    %get3A_33 = arith.constant 0 : index
    %get3A_34 = vector.load %arg4[%get3A_32, %get3A_33] : memref<1024x16xf32, #tpu.memory_space<vmem>>, vector<1024x16xf32>
    %add3A = arith.addf %dot_general3A_10, %get3A_34 : vector<1024x16xf32>
    %get3A_35 = arith.constant 0 : index
    %get3A_36 = arith.constant 0 : index
    %get3A_37 = vector.load %arg5[%get3A_35, %get3A_36] : memref<1x1xf32, #tpu.memory_space<vmem>>, vector<1x1xf32>
    %get3A_38 = vector.extract %get3A_37[0, 0] : f32 from vector<1x1xf32>
    %div3A_39 = vector.broadcast %get3A_38 : f32 to vector<1024x16xf32>
    %div3A_40 = arith.divf %add3A, %div3A_39 : vector<1024x16xf32>
    %reduce_max3A_41 = arith.constant dense<0xFF800000> : vector<1024xf32>
    %reduce_max3A_42 = vector.multi_reduction <maximumf>, %div3A_40, %reduce_max3A_41 [1] : vector<1024x16xf32> to vector<1024xf32>
    %broadcast_in_dim3A_43 = vector.shape_cast %reduce_max3A_42 : vector<1024xf32> to vector<1024x1xf32>
    %sub3A_44 = vector.broadcast %broadcast_in_dim3A_43 : vector<1024x1xf32> to vector<1024x16xf32>
    %sub3A_45 = arith.subf %div3A_40, %sub3A_44 : vector<1024x16xf32>
    %exp3A_46 = math.exp %sub3A_45 : vector<1024x16xf32>
    %reduce_sum3A_47 = arith.constant dense<0.000000e+00> : vector<1024xf32>
    %reduce_sum3A_48 = vector.multi_reduction <add>, %exp3A_46, %reduce_sum3A_47 [1] : vector<1024x16xf32> to vector<1024xf32>
    %broadcast_in_dim3A_49 = vector.shape_cast %reduce_sum3A_48 : vector<1024xf32> to vector<1024x1xf32>
    %div3A_50 = vector.broadcast %broadcast_in_dim3A_49 : vector<1024x1xf32> to vector<1024x16xf32>
    %div3A_51 = arith.divf %exp3A_46, %div3A_50 : vector<1024x16xf32>
    %dot_general3A_52 = arith.constant dense<0.000000e+00> : vector<1024x128xf32>
    %dot_general3A_53 = tpu.matmul %div3A_51, %get3A_1, %dot_general3A_52 {dimension_numbers = #tpu.dot_dimension_numbers<[1], [0], [0], [1], [0, 0, 1, 1], [], []>, transpose_lhs_hint = false} : vector<1024x16xf32>, vector<16x128xf32>, vector<1024x128xf32> -> vector<1024x128xf32>
    %swap3A_54 = arith.constant 0 : index
    %swap3A_55 = arith.constant 0 : index
    %swap3A_56 = vector.load %arg8[%swap3A_54, %swap3A_55] : memref<1024x128xf32, #tpu.memory_space<vmem>>, vector<1024x128xf32>
    tpu.vector_store %arg8[%swap3A_54, %swap3A_55], %dot_general3A_53 {strides = array<i32>} : memref<1024x128xf32, #tpu.memory_space<vmem>>, vector<1024x128xf32>,
    return
  }
  func.func @transform_0(%arg0: i32) -> (i32, i32) {
    %c0_i32 = arith.constant 0 : i32
    %c0_i32_0 = arith.constant 0 : i32
    return %arg0, %c0_i32 : i32, i32
  }
  func.func @transform_1(%arg0: i32) -> (i32, i32) {
    %c0_i32 = arith.constant 0 : i32
    %c0_i32_0 = arith.constant 0 : i32
    return %arg0, %c0_i32 : i32, i32
  }
  func.func @transform_2(%arg0: i32) -> (i32, i32) {
    %c0_i32 = arith.constant 0 : i32
    %c0_i32_0 = arith.constant 0 : i32
    %c0_i32_1 = arith.constant 0 : i32
    return %c0_i32, %c0_i32_0 : i32, i32
  }
  func.func @transform_3(%arg0: i32) -> (i32, i32) {
    %c0_i32 = arith.constant 0 : i32
    %c0_i32_0 = arith.constant 0 : i32
    return %arg0, %c0_i32 : i32, i32
  }
  func.func @transform_4(%arg0: i32) -> (i32, i32) {
    %c0_i32 = arith.constant 0 : i32
    %c0_i32_0 = arith.constant 0 : i32
    %c0_i32_1 = arith.constant 0 : i32
    return %c0_i32, %c0_i32_0 : i32, i32
  }
  func.func @transform_5(%arg0: i32) -> (i32, i32) {
    %c0_i32 = arith.constant 0 : i32
    %c0_i32_0 = arith.constant 0 : i32
    return %arg0, %c0_i32 : i32, i32
  }
  func.func @transform_6(%arg0: i32) -> (i32, i32) {
    %c0_i32 = arith.constant 0 : i32
    %c0_i32_0 = arith.constant 0 : i32
    return %arg0, %c0_i32 : i32, i32
  }
  func.func @transform_7(%arg0: i32) -> (i32, i32) {
    %c0_i32 = arith.constant 0 : i32
    %c0_i32_0 = arith.constant 0 : i32
    return %arg0, %c0_i32 : i32, i32
  }
}

module attributes {stable_mosaic.version = 14 : i64} {
  func.func @_recon_body(%arg0: i32, %arg1: i32, %arg2: memref<1024x128xf32, #tpu.memory_space<vmem>>, %arg3: memref<1280x128xf32, #tpu.memory_space<vmem>>, %arg4: memref<1024x1280xf32, #tpu.memory_space<vmem>>) attributes {dimension_semantics = [#tpu.dimension_semantics<arbitrary>, #tpu.dimension_semantics<arbitrary>], iteration_bounds = array<i64: 4, 8>, scalar_prefetch = 0 : i64, scratch_operands = 0 : i64, tpu.core_type = #tpu.core_type<tc>, window_params = [{transform_indices = @transform_0, window_bounds = array<i64: 1024, 128>}, {transform_indices = @transform_1, window_bounds = array<i64: 1280, 128>}, {transform_indices = @transform_2, window_bounds = array<i64: 1024, 1280>}]} {
    %get3A = arith.constant 0 : index
    %get3A_0 = arith.constant 0 : index
    %get3A_1 = vector.load %arg2[%get3A, %get3A_0] : memref<1024x128xf32, #tpu.memory_space<vmem>>, vector<1024x128xf32>
    %get3A_2 = arith.constant 0 : index
    %get3A_3 = arith.constant 0 : index
    %get3A_4 = vector.load %arg3[%get3A_2, %get3A_3] : memref<1280x128xf32, #tpu.memory_space<vmem>>, vector<1280x128xf32>
    %dot_general3A = arith.constant dense<0.000000e+00> : vector<1024x1280xf32>
    %dot_general3A_5 = tpu.matmul %get3A_1, %get3A_4, %dot_general3A {dimension_numbers = #tpu.dot_dimension_numbers<[1], [1], [0], [0], [0, 0, 1, 0], [], []>, transpose_lhs_hint = false} : vector<1024x128xf32>, vector<1280x128xf32>, vector<1024x1280xf32> -> vector<1024x1280xf32>
    %swap3A = arith.constant 0 : index
    %swap3A_6 = arith.constant 0 : index
    %swap3A_7 = vector.load %arg4[%swap3A, %swap3A_6] : memref<1024x1280xf32, #tpu.memory_space<vmem>>, vector<1024x1280xf32>
    tpu.vector_store %arg4[%swap3A, %swap3A_6], %dot_general3A_5 {strides = array<i32>} : memref<1024x1280xf32, #tpu.memory_space<vmem>>, vector<1024x1280xf32>,
    return
  }
  func.func @transform_0(%arg0: i32, %arg1: i32) -> (i32, i32) {
    %c0_i32 = arith.constant 0 : i32
    %c0_i32_0 = arith.constant 0 : i32
    return %arg0, %c0_i32 : i32, i32
  }
  func.func @transform_1(%arg0: i32, %arg1: i32) -> (i32, i32) {
    %c0_i32 = arith.constant 0 : i32
    %c0_i32_0 = arith.constant 0 : i32
    return %arg1, %c0_i32 : i32, i32
  }
  func.func @transform_2(%arg0: i32, %arg1: i32) -> (i32, i32) {
    %c0_i32 = arith.constant 0 : i32
    return %arg0, %arg1 : i32, i32
  }
}

module attributes {stable_mosaic.version = 14 : i64} {
  func.func @_zq_body(%arg0: i32, %arg1: memref<2x1000x128xf32, #tpu.memory_space<vmem>>, %arg2: memref<16x256xf32, #tpu.memory_space<vmem>>, %arg3: memref<2x1000x128xf32, #tpu.memory_space<vmem>>, %arg4: memref<1000x256xf32, #tpu.memory_space<vmem>>, %arg5: memref<1000x16xf32, #tpu.memory_space<vmem>>, %arg6: memref<1000x16xf32, #tpu.memory_space<vmem>>) attributes {dimension_semantics = [#tpu.dimension_semantics<arbitrary>], iteration_bounds = array<i64: 10>, scalar_prefetch = 0 : i64, scratch_operands = 0 : i64, tpu.core_type = #tpu.core_type<tc>, window_params = [{transform_indices = @transform_0, window_bounds = array<i64: 2, 1000, 128>}, {pipeline_mode = #tpu.pipeline_mode<synchronous>, transform_indices = @transform_1, window_bounds = array<i64: 16, 256>}, {transform_indices = @transform_2, window_bounds = array<i64: 2, 1000, 128>}, {transform_indices = @transform_3, window_bounds = array<i64: 1000, 256>}, {transform_indices = @transform_4, window_bounds = array<i64: 1000, 16>}, {transform_indices = @transform_5, window_bounds = array<i64: 1000, 16>}]} {
    %get3A = arith.constant 0 : index
    %get3A_0 = arith.constant 0 : index
    %get3A_1 = arith.constant 0 : index
    %get3A_2 = vector.load %arg1[%get3A, %get3A_0, %get3A_1] : memref<2x1000x128xf32, #tpu.memory_space<vmem>>, vector<1x1000x128xf32>
    %get3A_3 = vector.shape_cast %get3A_2 : vector<1x1000x128xf32> to vector<1000x128xf32>
    %get3A_4 = arith.constant 1 : index
    %get3A_5 = arith.constant 0 : index
    %get3A_6 = arith.constant 0 : index
    %get3A_7 = vector.load %arg1[%get3A_4, %get3A_5, %get3A_6] : memref<2x1000x128xf32, #tpu.memory_space<vmem>>, vector<1x1000x128xf32>
    %get3A_8 = vector.shape_cast %get3A_7 : vector<1x1000x128xf32> to vector<1000x128xf32>
    %concatenate3A = tpu.concatenate %get3A_3, %get3A_8 in 1 : vector<1000x128xf32>, vector<1000x128xf32> -> vector<1000x256xf32>
    %gt3A = arith.constant 0.000000e+00 : f32
    %gt3A_9 = vector.broadcast %gt3A : f32 to vector<1000x256xf32>
    %gt3A_10 = arith.cmpf ogt, %concatenate3A, %gt3A_9 : vector<1000x256xf32>
    %min3A = arith.constant 0.000000e+00 : f32
    %min3A_11 = vector.broadcast %min3A : f32 to vector<1000x256xf32>
    %min3A_12 = arith.minimumf %concatenate3A, %min3A_11 : vector<1000x256xf32>
    %exp3A = math.exp %min3A_12 : vector<1000x256xf32>
    %sub3A = arith.constant 1.000000e+00 : f32
    %sub3A_13 = vector.broadcast %sub3A : f32 to vector<1000x256xf32>
    %sub3A_14 = arith.subf %exp3A, %sub3A_13 : vector<1000x256xf32>
    %select_n3A = arith.select %gt3A_10, %concatenate3A, %sub3A_14 : vector<1000x256xi1>, vector<1000x256xf32>
    %swap3A = arith.constant 0 : index
    %swap3A_15 = arith.constant 0 : index
    %swap3A_16 = vector.load %arg4[%swap3A, %swap3A_15] : memref<1000x256xf32, #tpu.memory_space<vmem>>, vector<1000x256xf32>
    tpu.vector_store %arg4[%swap3A, %swap3A_15], %select_n3A {strides = array<i32>} : memref<1000x256xf32, #tpu.memory_space<vmem>>, vector<1000x256xf32>,
    %get3A_17 = arith.constant 0 : index
    %get3A_18 = arith.constant 0 : index
    %get3A_19 = vector.load %arg2[%get3A_17, %get3A_18] : memref<16x256xf32, #tpu.memory_space<vmem>>, vector<16x256xf32>
    %dot_general3A = arith.constant dense<0.000000e+00> : vector<1000x16xf32>
    %dot_general3A_20 = tpu.matmul %select_n3A, %get3A_19, %dot_general3A {dimension_numbers = #tpu.dot_dimension_numbers<[1], [1], [0], [0], [0, 0, 1, 0], [], []>, transpose_lhs_hint = false} : vector<1000x256xf32>, vector<16x256xf32>, vector<1000x16xf32> -> vector<1000x16xf32>
    %mul3A = arith.mulf %select_n3A, %select_n3A : vector<1000x256xf32>
    %reduce_sum3A = arith.constant dense<0.000000e+00> : vector<1000xf32>
    %reduce_sum3A_21 = vector.multi_reduction <add>, %mul3A, %reduce_sum3A [1] : vector<1000x256xf32> to vector<1000xf32>
    %broadcast_in_dim3A = vector.shape_cast %reduce_sum3A_21 : vector<1000xf32> to vector<1000x1xf32>
    %mul3A_22 = arith.mulf %get3A_19, %get3A_19 : vector<16x256xf32>
    %reduce_sum3A_23 = arith.constant dense<0.000000e+00> : vector<16xf32>
    %reduce_sum3A_24 = vector.multi_reduction <add>, %mul3A_22, %reduce_sum3A_23 [1] : vector<16x256xf32> to vector<16xf32>
    %broadcast_in_dim3A_25 = vector.shape_cast %reduce_sum3A_24 : vector<16xf32> to vector<1x16xf32>
    %mul3A_26 = arith.constant 2.000000e+00 : f32
    %mul3A_27 = vector.broadcast %mul3A_26 : f32 to vector<1000x16xf32>
    %mul3A_28 = arith.mulf %mul3A_27, %dot_general3A_20 : vector<1000x16xf32>
    %sub3A_29 = vector.broadcast %broadcast_in_dim3A : vector<1000x1xf32> to vector<1000x16xf32>
    %sub3A_30 = arith.subf %sub3A_29, %mul3A_28 : vector<1000x16xf32>
    %add3A = vector.broadcast %broadcast_in_dim3A_25 : vector<1x16xf32> to vector<1000x16xf32>
    %add3A_31 = arith.addf %sub3A_30, %add3A : vector<1000x16xf32>
    %div3A = arith.constant 1.000000e+00 : f32
    %div3A_32 = vector.broadcast %div3A : f32 to vector<1000x16xf32>
    %div3A_33 = arith.divf %add3A_31, %div3A_32 : vector<1000x16xf32>
    %add3A_34 = arith.constant 1.000000e+00 : f32
    %add3A_35 = vector.broadcast %add3A_34 : f32 to vector<1000x16xf32>
    %add3A_36 = arith.addf %add3A_35, %div3A_33 : vector<1000x16xf32>
    %div3A_37 = arith.constant 1.000000e+00 : f32
    %div3A_38 = vector.broadcast %div3A_37 : f32 to vector<1000x16xf32>
    %div3A_39 = arith.divf %div3A_38, %add3A_36 : vector<1000x16xf32>
    %reduce_sum3A_40 = arith.constant dense<0.000000e+00> : vector<1000xf32>
    %reduce_sum3A_41 = vector.multi_reduction <add>, %div3A_39, %reduce_sum3A_40 [1] : vector<1000x16xf32> to vector<1000xf32>
    %broadcast_in_dim3A_42 = vector.shape_cast %reduce_sum3A_41 : vector<1000xf32> to vector<1000x1xf32>
    %div3A_43 = vector.broadcast %broadcast_in_dim3A_42 : vector<1000x1xf32> to vector<1000x16xf32>
    %div3A_44 = arith.divf %div3A_39, %div3A_43 : vector<1000x16xf32>
    %swap3A_45 = arith.constant 0 : index
    %swap3A_46 = arith.constant 0 : index
    %swap3A_47 = vector.load %arg5[%swap3A_45, %swap3A_46] : memref<1000x16xf32, #tpu.memory_space<vmem>>, vector<1000x16xf32>
    tpu.vector_store %arg5[%swap3A_45, %swap3A_46], %div3A_44 {strides = array<i32>} : memref<1000x16xf32, #tpu.memory_space<vmem>>, vector<1000x16xf32>,
    %get3A_48 = arith.constant 0 : index
    %get3A_49 = arith.constant 0 : index
    %get3A_50 = arith.constant 0 : index
    %get3A_51 = vector.load %arg3[%get3A_48, %get3A_49, %get3A_50] : memref<2x1000x128xf32, #tpu.memory_space<vmem>>, vector<1x1000x16xf32>
    %get3A_52 = vector.shape_cast %get3A_51 : vector<1x1000x16xf32> to vector<1000x16xf32>
    %get3A_53 = arith.constant 1 : index
    %get3A_54 = arith.constant 0 : index
    %get3A_55 = arith.constant 0 : index
    %get3A_56 = vector.load %arg3[%get3A_53, %get3A_54, %get3A_55] : memref<2x1000x128xf32, #tpu.memory_space<vmem>>, vector<1x1000x16xf32>
    %get3A_57 = vector.shape_cast %get3A_56 : vector<1x1000x16xf32> to vector<1000x16xf32>
    %add3A_58 = arith.addf %get3A_52, %get3A_57 : vector<1000x16xf32>
    %mul3A_59 = arith.constant 5.000000e-01 : f32
    %mul3A_60 = vector.broadcast %mul3A_59 : f32 to vector<1000x16xf32>
    %mul3A_61 = arith.mulf %mul3A_60, %add3A_58 : vector<1000x16xf32>
    %add3A_62 = arith.addf %div3A_44, %mul3A_61 : vector<1000x16xf32>
    %abs3A = math.absf %add3A_62 : vector<1000x16xf32>
    %reduce_sum3A_63 = arith.constant dense<0.000000e+00> : vector<1000xf32>
    %reduce_sum3A_64 = vector.multi_reduction <add>, %abs3A, %reduce_sum3A_63 [1] : vector<1000x16xf32> to vector<1000xf32>
    %broadcast_in_dim3A_65 = vector.shape_cast %reduce_sum3A_64 : vector<1000xf32> to vector<1000x1xf32>
    %div3A_66 = vector.broadcast %broadcast_in_dim3A_65 : vector<1000x1xf32> to vector<1000x16xf32>
    %div3A_67 = arith.divf %add3A_62, %div3A_66 : vector<1000x16xf32>
    %swap3A_68 = arith.constant 0 : index
    %swap3A_69 = arith.constant 0 : index
    %swap3A_70 = vector.load %arg6[%swap3A_68, %swap3A_69] : memref<1000x16xf32, #tpu.memory_space<vmem>>, vector<1000x16xf32>
    tpu.vector_store %arg6[%swap3A_68, %swap3A_69], %div3A_67 {strides = array<i32>} : memref<1000x16xf32, #tpu.memory_space<vmem>>, vector<1000x16xf32>,
    return
  }
  func.func @transform_0(%arg0: i32) -> (i32, i32, i32) {
    %c0_i32 = arith.constant 0 : i32
    %c0_i32_0 = arith.constant 0 : i32
    %c0_i32_1 = arith.constant 0 : i32
    return %c0_i32, %arg0, %c0_i32_0 : i32, i32, i32
  }
  func.func @transform_1(%arg0: i32) -> (i32, i32) {
    %c0_i32 = arith.constant 0 : i32
    %c0_i32_0 = arith.constant 0 : i32
    %c0_i32_1 = arith.constant 0 : i32
    return %c0_i32, %c0_i32_0 : i32, i32
  }
  func.func @transform_2(%arg0: i32) -> (i32, i32, i32) {
    %c0_i32 = arith.constant 0 : i32
    %c0_i32_0 = arith.constant 0 : i32
    %c0_i32_1 = arith.constant 0 : i32
    return %c0_i32, %arg0, %c0_i32_0 : i32, i32, i32
  }
  func.func @transform_3(%arg0: i32) -> (i32, i32) {
    %c0_i32 = arith.constant 0 : i32
    %c0_i32_0 = arith.constant 0 : i32
    return %arg0, %c0_i32 : i32, i32
  }
  func.func @transform_4(%arg0: i32) -> (i32, i32) {
    %c0_i32 = arith.constant 0 : i32
    %c0_i32_0 = arith.constant 0 : i32
    return %arg0, %c0_i32 : i32, i32
  }
  func.func @transform_5(%arg0: i32) -> (i32, i32) {
    %c0_i32 = arith.constant 0 : i32
    %c0_i32_0 = arith.constant 0 : i32
    return %arg0, %c0_i32 : i32, i32
  }
}

</mosaic_0001>

<sc_bundles>
// kernel: kernel.11.cloned.1.call-start
scs
__scs_entry_jumppad:
0x0: {  	(pc) =	sbr.rel $0x88, $3  }
0x1: {  	(tag) =	ssettag $0x0;
	lr =	simm.s32 $0x1  }
0x2: {  	[smem:$0x3F94] =	sst lr;
	_ =	strace $0xD0000000  }
0x3: {  	_ = 	snop  }
0x4: {  	_ = 	snop  }
0x5: {  	_ = 	snop  }
0x6: {  	_ = 	snop  }
0x7: {  	_ = 	snop  }
__scs_overlays_trampoline_lowered:
0x8: {  	[smem:$0x3FA3] =	sst s0  }
0x9: {  	[smem:$0x3FA4] =	sst s1  }
0xa: {  	[smem:$0x3FA5] =	sst s2  }
0xb: {  	[smem:$0x3FA6] =	sst s3  }
0xc: {  	[smem:$0x3FA7] =	sst s4  }
0xd: {  	[smem:$0x3FA8] =	sst s5  }
0xe: {  	[smem:$0x3FA9] =	sst s6  }
0xf: {  	[smem:$0x3FAA] =	sst s7  }
0x10: {  	[smem:$0x3FAB] =	sst s8  }
0x11: {  	[smem:$0x3FAC] =	sst s9;
	s0 =	simm.s32 @!p0 $0x0  }
0x12: {  	s1 =	sld [smem:$0x3F92];
	s0 =	simm.s32 @p0 $0x1  }
0x13: {  	[smem:$0x3FAD] =	sst s0;
	s0 =	simm.s32 @!p1 $0x0  }
0x14: {  	s2 =	sld [smem:$0x3F91];
	s0 =	simm.s32 @p1 $0x1  }
0x15: {  	[smem:$0x3FAE] =	sst s0;
	s0 =	simm.s32 @!p2 $0x0  }
0x16: {  	s3 =	sld [smem:$0x3FDB];
	s0 =	simm.s32 @p2 $0x1  }
0x17: {  	s4 =	simm.s32 $0x1BF5;
	[smem:$0x3FB0] =	sst s0  }
0x18: {  	s0 =	sld [smem:$0x3F93];
	_ =	swait.ge [sflag:s4], $0x0  }
0x19: {  	s7 =	sld [smem:$0x3F94]  }
0x1a: {  	s8 =	sadd.s32 $0xFFFFE003, lr  }
0x1b: {  	s9 =	sadd.s32 $0xFFFFFEF7, lr;
	s5 =	simm.s32 $0xFFFFFFFF;
	p2 =	slt.u32 s8, $0xFFFFF086  }
0x1c: {  	p1 =	slt.u32 s9, $0xF7A;
	s5 =	simm.s32 @!p2 $0x0  }
0x1d: {  	s5 =	simm.s32 @p1 $0x1;
	p0 =	seq.s32 s7, s2  }
0x1e: {  	s7 =	smul.u32 @!p0 $0xF7A, s2;
	p2 =	seq.s32 @!p0 s5, $0x0  }
0x1f: {  	s9 =	smul.u32 $0xF7A, s1;
	s8 =	simm.s32 @!p0 $0x1BF5;
	p2 =	por !p2, p0  }
0x20: {  	[sflag:s8] =	ssyncset.s32 @!p0 $0xFFFFF086;
	s6 =	sadd.s32 @!p0 s3, s7;
	s7 =	simm.s32 @!p0 $0x108  }
0x21: {  	s3 =	sadd.s32 s3, s9;
	s6 =	sadd.s32 @!p0 $0x88, s6;
	s7 =	simm.s32 @p2 $0x1082  }
0x22: {  	[simem:s7], [sflag:s8] =	dma.local @!p0 [hbm:s6], $0xF7A  }
0x23: {  	s9 =	sor.u32 $0xD0000000, s2;
	s6 =	simm.s32 $0x108;
	_ =	swait.ge @!p0 [sflag:s8], $0x0  }
0x24: {  	s3 =	sadd.s32 $0x88, s3;
	s6 =	simm.s32 @!p1 $0x1082;
	[sflag:s4] =	ssyncset.s32 $0xFFFFF086  }
0x25: {  	[simem:s6], [sflag:s4] =	dma.local [hbm:s3], $0xF7A  }
0x26: {  	[smem:$0x3F94] =	sst s1;
	(tag) =	ssettag s2;
	_ =	strace s9  }
0x27: {  	s1 =	sld [smem:$0x3FA4]  }
0x28: {  	s2 =	sld [smem:$0x3FA5]  }
0x29: {  	s4 =	sld [smem:$0x3FA7]  }
0x2a: {  	p0 =	seq.s32 s5, $0x0;
	s5 =	sld [smem:$0x3FA8]  }
0x2b: {  	s6 =	sld [smem:$0x3FA9]  }
0x2c: {  	s7 =	sld [smem:$0x3FAA]  }
0x2d: {  	s3 =	simm.s32 $0x108;
	s8 =	sld [smem:$0x3FAB]  }
0x2e: {  	s3 =	simm.s32 @!p0 $0x1082;
	s9 =	sld [smem:$0x3FAC]  }
0x2f: {  	lr =	sadd.s32 s0, s3;
	s0 =	sld [smem:$0x3FA3]  }
0x30: {  	s3 =	sld [smem:$0x3FA6]  }
0x31: {  	[smem:$0x3FAF] =	sst s10  }
0x32: {  	s10 =	sld [smem:$0x3FAD];
	_ =	sdelay $0x3  }
0x33: {  	p0 =	seq.s32 s10, $0x1;
	s10 =	sld [smem:$0x3FAF];
	_ =	sdelay $0x3  }
0x34: {  	[smem:$0x3FAF] =	sst s10  }
0x35: {  	s10 =	sld [smem:$0x3FAE];
	_ =	sdelay $0x3  }
0x36: {  	p1 =	seq.s32 s10, $0x1;
	s10 =	sld [smem:$0x3FAF];
	_ =	sdelay $0x3  }
0x37: {  	[smem:$0x3FAF] =	sst s10  }
0x38: {  	s10 =	sld [smem:$0x3FB0]  }
0x39: {  	_ = 	snop;
	(pc) =	sbr.ind lr, $3  }
0x3a: {  	_ = 	snop  }
0x3b: {  	_ = 	snop  }
0x3c: {  	p2 =	seq.s32 s10, $0x1;
	s10 =	sld [smem:$0x3FAF]  }
0x3d: {  	_ =	shalt  }
0x3e: {  	_ =	shalt  }
0x3f: {  	_ =	shalt  }
0x40: {  	_ =	shalt  }
0x41: {  	_ =	shalt  }
0x42: {  	_ =	shalt  }
0x43: {  	_ =	shalt  }
0x44: {  	_ =	shalt  }
0x45: {  	_ =	shalt  }
0x46: {  	_ =	shalt  }
0x47: {  	_ =	shalt  }
0x48: {  	_ =	shalt  }
0x49: {  	_ =	shalt  }
0x4a: {  	_ =	shalt  }
0x4b: {  	_ =	shalt  }
0x4c: {  	_ =	shalt  }
0x4d: {  	_ =	shalt  }
0x4e: {  	_ =	shalt  }
0x4f: {  	_ =	shalt  }
0x50: {  	_ =	shalt  }
0x51: {  	_ =	shalt  }
0x52: {  	_ =	shalt  }
0x53: {  	_ =	shalt  }
0x54: {  	_ =	shalt  }
0x55: {  	_ =	shalt  }
0x56: {  	_ =	shalt  }
0x57: {  	_ =	shalt  }
0x58: {  	_ =	shalt  }
0x59: {  	_ =	shalt  }
0x5a: {  	_ =	shalt  }
0x5b: {  	_ =	shalt  }
0x5c: {  	_ =	shalt  }
0x5d: {  	_ =	shalt  }
0x5e: {  	_ =	shalt  }
0x5f: {  	_ =	shalt  }
0x60: {  	_ =	shalt  }
0x61: {  	_ =	shalt  }
0x62: {  	_ =	shalt  }
0x63: {  	_ =	shalt  }
0x64: {  	_ =	shalt  }
0x65: {  	_ =	shalt  }
0x66: {  	_ =	shalt  }
0x67: {  	_ =	shalt  }
0x68: {  	_ =	shalt  }
0x69: {  	_ =	shalt  }
0x6a: {  	_ =	shalt  }
0x6b: {  	_ =	shalt  }
0x6c: {  	_ =	shalt  }
0x6d: {  	_ =	shalt  }
0x6e: {  	_ =	shalt  }
0x6f: {  	_ =	shalt  }
0x70: {  	_ =	shalt  }
0x71: {  	_ =	shalt  }
0x72: {  	_ =	shalt  }
0x73: {  	_ =	shalt  }
0x74: {  	_ =	shalt  }
0x75: {  	_ =	shalt  }
0x76: {  	_ =	shalt  }
0x77: {  	_ =	shalt  }
0x78: {  	_ =	shalt  }
0x79: {  	_ =	shalt  }
0x7a: {  	_ =	shalt  }
0x7b: {  	_ =	shalt  }
0x7c: {  	_ =	shalt  }
0x7d: {  	_ =	shalt  }
0x7e: {  	_ =	shalt  }
0x7f: {  	_ =	shalt  }
0x80: {  	_ =	shalt  }
0x81: {  	_ =	shalt  }
0x82: {  	_ =	shalt  }
0x83: {  	_ =	shalt  }
0x84: {  	_ =	shalt  }
0x85: {  	_ =	shalt  }
0x86: {  	_ =	shalt  }
0x87: {  	_ =	shalt  }
.Lfunc_end0:
.L_simem_size_0:
called_computation_lowered:
.L_overlay_start_0:
0x88: {  	s2 =	sld [smem:$0x3FD9]  }
0x89: {  	s3 =	sld [smem:$0x3FFE];
	_ =	sdelay $0x1  }
0x8a: {  	s1 =	srdreg.scid  }
0x8b: {  	s0 =	sand.u32 $0x1, s1  }
0x8c: {  	s14 =	sshll.u32 s0, $0xA;
	s2 =	sadd.s32 s3, s2  }
0x8d: {  	s2 =	sadd.s32 s2, s14  }
0x8e: {  	[smem:$0x3FBB] =	sst s2  }
0x8f: {  	_ = 	snop  }
0x90: {  	s2 =	sld [smem:$0x3FD0];
	_ =	sdelay $0x2  }
0x91: {  	s15 =	simm.s32 $0xB;
	s4 =	simm.s32 $0x10  }
0x92: {  	[smem:s4], [sflag:s15] =	dma.local [hbm:s2], $0x1  }
0x93: {  	_ =	swait.eq [sflag:s15], $0x1  }
0x94: {  	s16 =	sld [smem:$0x10]  }
0x95: {  	s17 =	sld [smem:$0x11]  }
0x96: {  	s5 =	sld [smem:$0x12]  }
0x97: {  	s6 =	sld [smem:$0x13];
	[sflag:s15] =	ssyncset.done $0x0  }
0x98: {  	s7 =	sld [smem:$0x15];
	[sflag:s15] =	ssyncadd.s32 $0xFFFFFFFF  }
0x99: {  	s18 =	sld [smem:$0x17];
	(tm) =	ssettm $0x1  }
0x9a: {  	s8 =	sld [smem:$0x3FFB];
	_ =	sdelay $0x3  }
0x9b: {  	_ =	strace s8  }
0x9c: {  	s8 =	sld [smem:$0x3FFC];
	_ =	sdelay $0x3  }
0x9d: {  	_ =	strace s8  }
0x9e: {  	s8 =	sld [smem:$0x3FFD];
	_ =	sdelay $0x3  }
0x9f: {  	_ =	strace s8  }
0xa0: {  	_ =	strace $0x8FFFFFFF  }
0xa1: {  	s19 =	sld [smem:$0x3FDB];
	_ =	sdelay $0x1  }
0xa2: {  	s9 =	simm.s32 $_scs_section_size  }
0xa3: {  	s10 =	simm.s32 $_size__tile_overlayer_lowered;
	s11 =	simm.s32 $_tile_overlayer_lowered  }
0xa4: {  	s22 =	simm.s32 $0x1BFF;
	s21 =	sshll.u32 s11, $0x1;
	s8 =	sadd.s32 s9, s19  }
0xa5: {  	s12 =	simm.s32 $0x0;
	s20 =	sshll.u32 s10, $0x1;
	s10 =	sadd.s32 s21, s8  }
0xa6: {  	[timem:s12], [sflag:s22] =	dma.local [hbm:s10], s20  }
0xa7: {  	_ =	swait.ge [sflag:s22], s20  }
0xa8: {  	s9 =	ssub.s32 $0x0, s20;
	[sflag:s22] =	ssyncset.done $0x0  }
0xa9: {  	[sflag:s22] =	ssyncadd.s32 s9;
	_ =	sdelay $0x1  }
0xaa: {  	s23 =	simm.s32 $0x1B8B  }
0xab: {  	_ =	swait.ge [sflag:s23], $0x1  }
0xac: {  	[sflag:s23] =	ssyncset.done $0x0  }
0xad: {  	s25 =	simm.s32 $0x1B8E;
	s24 =	sld [smem:$0x3FFE];
	[sflag:s23] =	ssyncadd.s32 $0xFFFFFFFF  }
0xae: {  	s26 =	simm.s32 $execute0_lowered;
	[smem:$0x3FD2] =	sst s25  }
0xaf: {  	s10 =	sshll.u32 s26, $0x1;
	_ =	strace $0x80000046;
	[dreg:$0x1] =	wrdreg $0xFFFFFFFF  }
0xb0: {  	s28 =	simm.s32 $_size_execute0_lowered;
	s8 =	sadd.s32 s8, s10;
	[dreg:$0x0] =	wrdreg $0x0  }
0xb1: {  	s10 =	sshll.u32 s28, $0x1;
	[dreg:$0x2] =	wrdreg s8  }
0xb2: {  	[dreg:$0x3] =	wrdreg s10  }
0xb3: {  	[dreg:$0x4] =	wrdreg $0xC0  }
0xb4: {  	_ =	task [dreg:s12], $0x5FFFF  }
0xb5: {  	[dreg:$0x1] =	wrdreg $0xFFFFFFFF  }
0xb6: {  	[dreg:$0x0] =	wrdreg $0x60  }
0xb7: {  	[dreg:$0x2] =	wrdreg s6  }
0xb8: {  	[dreg:$0x3] =	wrdreg s7  }
0xb9: {  	[dreg:$0x4] =	wrdreg s17  }
0xba: {  	[dreg:$0x5] =	wrdreg s5  }
0xbb: {  	[dreg:$0x6] =	wrdreg s18  }
0xbc: {  	[dreg:$0x7] =	wrdreg s24  }
0xbd: {  	[dreg:$0x8] =	wrdreg s16  }
0xbe: {  	[dreg:$0x9] =	wrdreg $0x9  }
0xbf: {  	_ =	task.clear_ibuf [dreg:s12], $0xAFFFF;
	_ =	strace $0x90000046  }
0xc0: {  	s29 =	simm.s32 $0x9;
	_ =	strace $0x80000048  }
0xc1: {  	_ =	swait.ge [sflag:s29], $0x1  }
0xc2: {  	[sflag:s29] =	ssyncadd.s32 $0xFFFFFFFF  }
0xc3: {  	_ =	strace $0x90000048  }
0xc4: {  	_ =	sfence  }
0xc5: {  	s30 =	sld [smem:$0x0];
	_ =	sdelay $0x2  }
0xc6: {  	s31 =	sshll.u32 s1, $0xD;
	s1 =	sshrl.u32 s1, $0x2  }
0xc7: {  	s3 =	sand.u32 $0x4000, s31;
	s1 =	sadd.s32 s1, s30  }
0xc8: {  	s0 =	sor.u32 s3, s0;
	s1 =	sshll.u32 s1, $0x11  }
0xc9: {  	s0 =	sor.u32 s1, s0  }
0xca: {  	s0 =	sadd.s32 $0x8F2B, s0  }
0xcb: {  	[sflag:s0] =	ssyncadd.remote.s32 $0x1  }
0xcc: {  	_ =	sfence.sel $0xFFFF  }
0xcd: {  	[dreg:$0x0] =	wrdreg $0xFFFFFFFF;
	(pc) =	sbr.abs _section_cstart, $3  }
0xce: {  	[dreg:$0x1] =	wrdreg $0xFFFFFFFF  }
0xcf: {  	_ =	task.clear_ibuf [dreg:s12], $0x2FFFF;
	_ =	strace $0x9FFFFFFF  }
0xd0: {  	(tm) =	ssettm $0x7FFFFFFF  }
0xd1: {  	_ =	shalt  }
tec
execute0_lowered:
.L_overlay_start_1:
0x0: {  	(tag) =	ssettag $0x1  }
0x1: {  	s0 =	rddreg [dreg:$0x0]  }
0x2: {  	s2 =	rddreg [dreg:$0x1]  }
0x3: {  	s6 =	rddreg [dreg:$0x2]  }
0x4: {  	s7 =	rddreg [dreg:$0x3]  }
0x5: {  	s3 =	rddreg [dreg:$0x4]  }
0x6: {  	s8 =	rddreg [dreg:$0x5]  }
0x7: {  	s9 =	rddreg [dreg:$0x6]  }
0x8: {  	s1 =	rddreg [dreg:$0x7];
	s10 =	srdreg.scid  }
0x9: {  	s4 =	stileid.u32;
	s5 =	simm.s32 $0x0;
	s15 =	simm.s32 $0xB280  }
0xa: {  	s16 =	simm.s32 $0x8B00;
	s17 =	simm.s32 $0x7700;
	s18 =	simm.s32 $0x80  }
0xb: {  	s19 =	simm.s32 $0x400;
	s20 =	simm.s32 $0x0;
	s10 =	sand.u32 $0x1, s10  }
0xc: {  	s11 =	sshll.u32 s4, $0x1;
	[smem:$0x7FF] =	sst s5;
	s13 =	sshrl.u32 s4, $0x2  }
0xd: {  	s11 =	sor.u32 s10, s11;
	_ =	strace $0x80000047;
	s10 =	ssub.s32 $0x2, s10  }
0xe: {  	s12 =	smul.u32 $0x271, s11;
	s11 =	sshll.u32 s11, $0x7;
	s14 =	sshrl.u32 s10, $0x1  }
0xf: {  	s13 =	smul.u32 $0x13C00, s13;
	s11 =	sand.u32 $0x380, s11;
	s10 =	ssub.s32 s10, s14  }
0x10: {  	s14 =	simm.s32 $0x6300;
	s8 =	sadd.s32 s12, s8;
	s6 =	sadd.s32 s6, s12  }
0x11: {  	s11 =	sor.u32 s13, s11;
	s7 =	sadd.s32 s7, s12;
	s10 =	smax.u32 s10, $0x1  }
0x12: {  	s12 =	simm.s32 $0x2780;
	s13 =	simm.s32 $0x4F00;
	s11 =	sshrl.u32 s11, $0x3  }
0x13: {  	v0 =	vimm.f32 $0.0e+00;
	vm0 =	vmmov $0xff;
	s8 =	sadd.s32 $0x53A00, s8;
	s9 =	sadd.s32 s9, s11;
	s11 =	simm.s32 $0x1  }
.LBB2_1:
0x14: {  	[tilespmem:s5], [sflag:$0x1] =	stream.linear.gather [hbm4b:s0+s5], $0x2780, $0x38;
	[tilespmem:$0xB300] =	vst v63  }
0x15: {  	_ =	swait.ge [sflag:s11], $0x2780  }
0x16: {  	[sflag:s11] =	ssyncset.done $0x0  }
0x17: {  	[sflag:s11] =	ssyncadd.s32 $0xFFFFD880  }
0x18: {  	[tilespmem:s12], [sflag:$0x1] =	stream.linear.gather [hbm4b:s2+s5], $0x2780, $0x38;
	[tilespmem:$0xB300] =	vst v63  }
0x19: {  	_ =	swait.ge [sflag:s11], $0x2780  }
0x1a: {  	[sflag:s11] =	ssyncset.done $0x0  }
0x1b: {  	[sflag:s11] =	ssyncadd.s32 $0xFFFFD880  }
0x1c: {  	[tilespmem:s13], [sflag:$0x1] =	stream.linear.gather [hbm4b:s6+s5], $0x1388, $0x38;
	[tilespmem:$0xB300] =	vst v63  }
0x1d: {  	_ =	swait.ge [sflag:s11], $0x1388  }
0x1e: {  	[sflag:s11] =	ssyncset.done $0x0  }
0x1f: {  	[sflag:s11] =	ssyncadd.s32 $0xFFFFEC78  }
0x20: {  	[tilespmem:s14], [sflag:$0x1] =	stream.linear.gather [hbm4b:s7+s5], $0x1388, $0x38;
	[tilespmem:$0xB300] =	vst v63  }
0x21: {  	_ =	swait.ge [sflag:s11], $0x1388  }
0x22: {  	[sflag:s11] =	ssyncset.done $0x0  }
0x23: {  	[sflag:s11] =	ssyncadd.s32 $0xFFFFEC78  }
0x24: {  	[tilespmem:s15], [sflag:$0x1] =	stream.linear.gather [hbm4b:s3+s5], $0x80, $0x38;
	[tilespmem:$0xB300] =	vst v63  }
0x25: {  	_ =	swait.ge [sflag:s11], $0x80  }
0x26: {  	[sflag:s11] =	ssyncset.done $0x0  }
0x27: {  	[sflag:s11] =	ssyncadd.s32 $0xFFFFFF80  }
0x28: {  	s21 =	simm.s32 $0x0;
	v1 =	vld [tilespmem:$0xB280]  }
.LBB2_2:
0x29: {  	p0 =	sne.s32 s21, $0x9C00  }
.Ltmp0:
0x2a: {  	_ = 	snop;
	(pc) =	sbr.rel @p0 .LBB2_2-.Ltmp0, $3  }
0x2b: {  	_ =	sdelay $0x1  }
0x2c: {  	s22 =	sshra.s32 s21, $0x2  }
0x2d: {  	s21 =	sadd.s32 $0x40, s21;
	[tilespmem:s22+$0x8B00] =	vst v0  }
0x2e: {  	s21 =	simm.s32 $0x0  }
0x2f: {  	v2 =	vld [tilespmem:s21+$0x6300]  }
0x30: {  	s22 =	simm.s32 $0x40;
	v3 =	vld [tilespmem:s21+$0x4F00]  }
.LBB2_4:
0x31: {  	p0 =	sne.s32 s22, $0x4DC0;
	_ =	sdelay $0x5  }
0x32: {  	v4 =	vld.idx.msk [tilespmem:v2+s12+$0x0], $0xffff  }
0x33: {  	v3 =	vld.idx.msk [tilespmem:v3+s5+$0x0], $0xffff;
	_ =	sdelay $0x5  }
0x34: {  	v3 =	vadd.f32 v4, v3;
	_ =	sdelay $0x1  }
0x35: {  	v4 =	vmul.f32 $2.000000030e-01, v3  }
0x36: {  	vm1 =	vge.f32 v3, $0.0e+00  }
0x37: {  	v3 =	vsel vm1, v3, v4  }
0x38: {  	v3 =	vsub.f32 v3, v1;
	_ =	sdelay $0x1  }
0x39: {  	v3 =	vmul.f32 $1.442695020e+00, v3;
	_ =	sdelay $0x1  }
0x3a: {  	(erf) = vpow2.f32 v3;
	_ =	sdelay $0x8  }
.Ltmp1:
0x3b: {  	v3 =	vpop (erf);
	(pc) =	sbr.rel @p0 .LBB2_4-.Ltmp1, $4  }
0x3c: {  	[tilespmem:s21+$0x7700] =	vst v3  }
0x3d: {  	s21 =	sshra.s32 s22, $0x2;
	[tilespmem:v2+s16+$0x0] =	vst.idx.add.f32.msk $0xffff, v3  }
0x3e: {  	v2 =	vld [tilespmem:s21+$0x6300]  }
0x3f: {  	s22 =	sadd.s32 $0x40, s22;
	v3 =	vld [tilespmem:s21+$0x4F00]  }
0x40: {  	_ =	sdelay $0x6  }
0x41: {  	v4 =	vld.idx.msk [tilespmem:v2+s12+$0x0], $0xffff  }
0x42: {  	v3 =	vld.idx.msk [tilespmem:v3+s5+$0x0], $0xffff;
	_ =	sdelay $0x4  }
0x43: {  	v3 =	vadd.f32 v4, v3;
	_ =	sdelay $0x1  }
0x44: {  	v4 =	vmul.f32 $2.000000030e-01, v3  }
0x45: {  	vm1 =	vge.f32 v3, $0.0e+00  }
0x46: {  	v3 =	vsel vm1, v3, v4  }
0x47: {  	v3 =	vsub.f32 v3, v1;
	_ =	sdelay $0x1  }
0x48: {  	v3 =	vmul.f32 $1.442695020e+00, v3;
	_ =	sdelay $0x1  }
0x49: {  	(erf) = vpow2.f32 v3;
	_ =	sdelay $0x8  }
0x4a: {  	v3 =	vpop (erf)  }
0x4b: {  	[tilespmem:s21+$0x7700] =	vst v3  }
0x4c: {  	[tilespmem:v2+s16+$0x0] =	vst.idx.add.f32.msk $0xffff, v3  }
0x4d: {  	v2 =	vld [tilespmem:$0x6280]  }
0x4e: {  	v3 =	vld [tilespmem:$0x7680];
	_ =	sdelay $0x3  }
0x4f: {  	v2 =	vnsel vm0, $0x0, v2  }
0x50: {  	v3 =	vnsel vm0, $0x0, v3;
	_ =	sdelay $0x3  }
0x51: {  	v2 =	vld.idx.msk [tilespmem:v2+s5+$0x0], $0xffff  }
0x52: {  	v63 =	vld.idx.msk [tilespmem:v3+s12+$0x0], $0xffff;
	_ =	sdelay $0x4  }
0x53: {  	v2 =	vadd.f32 v63, v2;
	_ =	sdelay $0x1  }
0x54: {  	v4 =	vmul.f32 $2.000000030e-01, v2  }
0x55: {  	vm1 =	vge.f32 v2, $0.0e+00  }
0x56: {  	v2 =	vsel vm1, v2, v4  }
0x57: {  	v1 =	vsub.f32 v2, v1;
	_ =	sdelay $0x1  }
0x58: {  	v1 =	vmul.f32 $1.442695020e+00, v1;
	_ =	sdelay $0x1  }
0x59: {  	(erf) = vpow2.f32 v1;
	_ =	sdelay $0x8  }
0x5a: {  	v1 =	vpop (erf)  }
0x5b: {  	[tilespmem:$0x8A80] =	vst v1  }
0x5c: {  	[tilespmem:v3+s16+$0x0] =	vst.idx.add.f32.msk $0xff, v1  }
0x5d: {  	[hbm4b:s8+s5] =	stream.linear.scatter [tilespmem:s17], [sflag:$0x1], $0x1388, $0x38;
	[tilespmem:$0xB300] =	vst v63  }
0x5e: {  	s20 =	sadd.s32 $0x1, s20;
	_ =	swait.ge [sflag:s11], $0x1388  }
0x5f: {  	p0 =	sne.s32 s20, s10;
	[sflag:s11] =	ssyncset.done $0x0  }
.Ltmp2:
0x60: {  	[sflag:s11] =	ssyncadd.s32 $0xFFFFEC78;
	(pc) =	sbr.rel @p0 .LBB2_1-.Ltmp2, $4  }
0x61: {  	[hbm4b:s9+s18] =	stream.strided.scatter [tilespmem:s16], [sflag:$0x1], $0x2780, s19, s18, $0x38;
	[tilespmem:$0xB300] =	vst v63  }
0x62: {  	_ =	swait.ge [sflag:s11], $0x2780  }
0x63: {  	[sflag:s11] =	ssyncset.done $0x0  }
0x64: {  	[sflag:s11] =	ssyncadd.s32 $0xFFFFD880  }
0x65: {  	_ =	sfence.sel $0x180000  }
0x66: {  	[bflag:$0x0] =	sbarrier.arrive $0xFFFF  }
0x67: {  	p0 =	sne.s32 s4, $0x0;
	_ =	strace $0x90000047  }
0x68: {  	s0 =	sadd.s32 @!p0 $0x100000, s1;
	[bflag:$0x2] =	sbarrier.arrive $0xFFFF  }
0x69: {  	[sflag:s0] =	ssyncadd.tile.s32 @!p0 $0x1;
	_ =	shalt  }
.Lfunc_end2:
_tile_overlayer_lowered:
.L_overlay_start_2:
0x6a: {  	(tag) =	ssettag $0x2  }
0x6b: {  	s0 =	rddreg [dreg:$0x0];
	s2 =	stileid.u32  }
0x6c: {  	s1 =	rddreg [dreg:$0x1];
	p0 =	sne.s32 s2, $0x0  }
0x6d: {  	s3 =	rddreg [dreg:$0x2];
	[bflag:$0x3] =	sbarrier.arrive $0xFFFF;
	s2 =	simm.s32 @!p0 $0x1C01  }
0x6e: {  	[timem:s3], [sflag:s2] =	dma.local @!p0 [hbm:s0], s1  }
0x6f: {  	s0 =	simm.s32 @!p0 $0x1  }
0x70: {  	_ =	swait.ge @!p0 [sflag:s0], s1  }
0x71: {  	s1 =	ssub.s32 @!p0 $0x0, s1;
	[sflag:s0] =	ssyncset.done @!p0 $0x0  }
0x72: {  	[sflag:s0] =	ssyncadd.s32 @!p0 s1  }
0x73: {  	[bflag:$0x3] =	sbarrier.arrive $0xFFFF  }
0x74: {  	_ =	shalt  }

// kernel: kernel.14.cloned.1.call-start
scs
__scs_entry_jumppad:
0x0: {  	(pc) =	sbr.rel $0x88, $3  }
0x1: {  	(tag) =	ssettag $0x0;
	lr =	simm.s32 $0x1  }
0x2: {  	[smem:$0x3F94] =	sst lr;
	_ =	strace $0xD0000000  }
0x3: {  	_ = 	snop  }
0x4: {  	_ = 	snop  }
0x5: {  	_ = 	snop  }
0x6: {  	_ = 	snop  }
0x7: {  	_ = 	snop  }
__scs_overlays_trampoline_lowered:
0x8: {  	[smem:$0x3FA3] =	sst s0  }
0x9: {  	[smem:$0x3FA4] =	sst s1  }
0xa: {  	[smem:$0x3FA5] =	sst s2  }
0xb: {  	[smem:$0x3FA6] =	sst s3  }
0xc: {  	[smem:$0x3FA7] =	sst s4  }
0xd: {  	[smem:$0x3FA8] =	sst s5  }
0xe: {  	[smem:$0x3FA9] =	sst s6  }
0xf: {  	[smem:$0x3FAA] =	sst s7  }
0x10: {  	[smem:$0x3FAB] =	sst s8  }
0x11: {  	[smem:$0x3FAC] =	sst s9;
	s0 =	simm.s32 @!p0 $0x0  }
0x12: {  	s1 =	sld [smem:$0x3F92];
	s0 =	simm.s32 @p0 $0x1  }
0x13: {  	[smem:$0x3FAD] =	sst s0;
	s0 =	simm.s32 @!p1 $0x0  }
0x14: {  	s2 =	sld [smem:$0x3F91];
	s0 =	simm.s32 @p1 $0x1  }
0x15: {  	[smem:$0x3FAE] =	sst s0;
	s0 =	simm.s32 @!p2 $0x0  }
0x16: {  	s3 =	sld [smem:$0x3FDB];
	s0 =	simm.s32 @p2 $0x1  }
0x17: {  	s4 =	simm.s32 $0x1BF5;
	[smem:$0x3FB0] =	sst s0  }
0x18: {  	s0 =	sld [smem:$0x3F93];
	_ =	swait.ge [sflag:s4], $0x0  }
0x19: {  	s7 =	sld [smem:$0x3F94]  }
0x1a: {  	s8 =	sadd.s32 $0xFFFFE003, lr  }
0x1b: {  	s9 =	sadd.s32 $0xFFFFFEF7, lr;
	s5 =	simm.s32 $0xFFFFFFFF;
	p2 =	slt.u32 s8, $0xFFFFF086  }
0x1c: {  	p1 =	slt.u32 s9, $0xF7A;
	s5 =	simm.s32 @!p2 $0x0  }
0x1d: {  	s5 =	simm.s32 @p1 $0x1;
	p0 =	seq.s32 s7, s2  }
0x1e: {  	s7 =	smul.u32 @!p0 $0xF7A, s2;
	p2 =	seq.s32 @!p0 s5, $0x0  }
0x1f: {  	s9 =	smul.u32 $0xF7A, s1;
	s8 =	simm.s32 @!p0 $0x1BF5;
	p2 =	por !p2, p0  }
0x20: {  	[sflag:s8] =	ssyncset.s32 @!p0 $0xFFFFF086;
	s6 =	sadd.s32 @!p0 s3, s7;
	s7 =	simm.s32 @!p0 $0x108  }
0x21: {  	s3 =	sadd.s32 s3, s9;
	s6 =	sadd.s32 @!p0 $0x88, s6;
	s7 =	simm.s32 @p2 $0x1082  }
0x22: {  	[simem:s7], [sflag:s8] =	dma.local @!p0 [hbm:s6], $0xF7A  }
0x23: {  	s9 =	sor.u32 $0xD0000000, s2;
	s6 =	simm.s32 $0x108;
	_ =	swait.ge @!p0 [sflag:s8], $0x0  }
0x24: {  	s3 =	sadd.s32 $0x88, s3;
	s6 =	simm.s32 @!p1 $0x1082;
	[sflag:s4] =	ssyncset.s32 $0xFFFFF086  }
0x25: {  	[simem:s6], [sflag:s4] =	dma.local [hbm:s3], $0xF7A  }
0x26: {  	[smem:$0x3F94] =	sst s1;
	(tag) =	ssettag s2;
	_ =	strace s9  }
0x27: {  	s1 =	sld [smem:$0x3FA4]  }
0x28: {  	s2 =	sld [smem:$0x3FA5]  }
0x29: {  	s4 =	sld [smem:$0x3FA7]  }
0x2a: {  	p0 =	seq.s32 s5, $0x0;
	s5 =	sld [smem:$0x3FA8]  }
0x2b: {  	s6 =	sld [smem:$0x3FA9]  }
0x2c: {  	s7 =	sld [smem:$0x3FAA]  }
0x2d: {  	s3 =	simm.s32 $0x108;
	s8 =	sld [smem:$0x3FAB]  }
0x2e: {  	s3 =	simm.s32 @!p0 $0x1082;
	s9 =	sld [smem:$0x3FAC]  }
0x2f: {  	lr =	sadd.s32 s0, s3;
	s0 =	sld [smem:$0x3FA3]  }
0x30: {  	s3 =	sld [smem:$0x3FA6]  }
0x31: {  	[smem:$0x3FAF] =	sst s10  }
0x32: {  	s10 =	sld [smem:$0x3FAD];
	_ =	sdelay $0x3  }
0x33: {  	p0 =	seq.s32 s10, $0x1;
	s10 =	sld [smem:$0x3FAF];
	_ =	sdelay $0x3  }
0x34: {  	[smem:$0x3FAF] =	sst s10  }
0x35: {  	s10 =	sld [smem:$0x3FAE];
	_ =	sdelay $0x3  }
0x36: {  	p1 =	seq.s32 s10, $0x1;
	s10 =	sld [smem:$0x3FAF];
	_ =	sdelay $0x3  }
0x37: {  	[smem:$0x3FAF] =	sst s10  }
0x38: {  	s10 =	sld [smem:$0x3FB0]  }
0x39: {  	_ = 	snop;
	(pc) =	sbr.ind lr, $3  }
0x3a: {  	_ = 	snop  }
0x3b: {  	_ = 	snop  }
0x3c: {  	p2 =	seq.s32 s10, $0x1;
	s10 =	sld [smem:$0x3FAF]  }
0x3d: {  	_ =	shalt  }
0x3e: {  	_ =	shalt  }
0x3f: {  	_ =	shalt  }
0x40: {  	_ =	shalt  }
0x41: {  	_ =	shalt  }
0x42: {  	_ =	shalt  }
0x43: {  	_ =	shalt  }
0x44: {  	_ =	shalt  }
0x45: {  	_ =	shalt  }
0x46: {  	_ =	shalt  }
0x47: {  	_ =	shalt  }
0x48: {  	_ =	shalt  }
0x49: {  	_ =	shalt  }
0x4a: {  	_ =	shalt  }
0x4b: {  	_ =	shalt  }
0x4c: {  	_ =	shalt  }
0x4d: {  	_ =	shalt  }
0x4e: {  	_ =	shalt  }
0x4f: {  	_ =	shalt  }
0x50: {  	_ =	shalt  }
0x51: {  	_ =	shalt  }
0x52: {  	_ =	shalt  }
0x53: {  	_ =	shalt  }
0x54: {  	_ =	shalt  }
0x55: {  	_ =	shalt  }
0x56: {  	_ =	shalt  }
0x57: {  	_ =	shalt  }
0x58: {  	_ =	shalt  }
0x59: {  	_ =	shalt  }
0x5a: {  	_ =	shalt  }
0x5b: {  	_ =	shalt  }
0x5c: {  	_ =	shalt  }
0x5d: {  	_ =	shalt  }
0x5e: {  	_ =	shalt  }
0x5f: {  	_ =	shalt  }
0x60: {  	_ =	shalt  }
0x61: {  	_ =	shalt  }
0x62: {  	_ =	shalt  }
0x63: {  	_ =	shalt  }
0x64: {  	_ =	shalt  }
0x65: {  	_ =	shalt  }
0x66: {  	_ =	shalt  }
0x67: {  	_ =	shalt  }
0x68: {  	_ =	shalt  }
0x69: {  	_ =	shalt  }
0x6a: {  	_ =	shalt  }
0x6b: {  	_ =	shalt  }
0x6c: {  	_ =	shalt  }
0x6d: {  	_ =	shalt  }
0x6e: {  	_ =	shalt  }
0x6f: {  	_ =	shalt  }
0x70: {  	_ =	shalt  }
0x71: {  	_ =	shalt  }
0x72: {  	_ =	shalt  }
0x73: {  	_ =	shalt  }
0x74: {  	_ =	shalt  }
0x75: {  	_ =	shalt  }
0x76: {  	_ =	shalt  }
0x77: {  	_ =	shalt  }
0x78: {  	_ =	shalt  }
0x79: {  	_ =	shalt  }
0x7a: {  	_ =	shalt  }
0x7b: {  	_ =	shalt  }
0x7c: {  	_ =	shalt  }
0x7d: {  	_ =	shalt  }
0x7e: {  	_ =	shalt  }
0x7f: {  	_ =	shalt  }
0x80: {  	_ =	shalt  }
0x81: {  	_ =	shalt  }
0x82: {  	_ =	shalt  }
0x83: {  	_ =	shalt  }
0x84: {  	_ =	shalt  }
0x85: {  	_ =	shalt  }
0x86: {  	_ =	shalt  }
0x87: {  	_ =	shalt  }
.Lfunc_end0:
.L_simem_size_0:
called_computation.1_lowered:
.L_overlay_start_0:
0x88: {  	s2 =	sld [smem:$0x3FD9]  }
0x89: {  	s3 =	sld [smem:$0x3FFE];
	_ =	sdelay $0x1  }
0x8a: {  	s1 =	srdreg.scid  }
0x8b: {  	s0 =	sand.u32 $0x1, s1  }
0x8c: {  	s15 =	sshll.u32 s0, $0xA;
	s2 =	sadd.s32 s3, s2  }
0x8d: {  	s2 =	sadd.s32 s2, s15  }
0x8e: {  	[smem:$0x3FBB] =	sst s2  }
0x8f: {  	_ = 	snop  }
0x90: {  	s2 =	sld [smem:$0x3FD0];
	_ =	sdelay $0x2  }
0x91: {  	s4 =	simm.s32 $0xB;
	s16 =	simm.s32 $0x10  }
0x92: {  	[smem:s16], [sflag:s4] =	dma.local [hbm:s2], $0x1  }
0x93: {  	_ =	swait.eq [sflag:s4], $0x1  }
0x94: {  	[sflag:s4] =	ssyncset.done $0x0  }
0x95: {  	s17 =	sld [smem:$0x10];
	[sflag:s4] =	ssyncadd.s32 $0xFFFFFFFF  }
0x96: {  	s18 =	sld [smem:$0x12];
	(tm) =	ssettm $0x1  }
0x97: {  	s19 =	sld [smem:$0x3FFB];
	_ =	sdelay $0x3  }
0x98: {  	_ =	strace s19  }
0x99: {  	s2 =	sld [smem:$0x3FFC];
	_ =	sdelay $0x3  }
0x9a: {  	_ =	strace s2  }
0x9b: {  	s2 =	sld [smem:$0x3FFD];
	_ =	sdelay $0x3  }
0x9c: {  	_ =	strace s2  }
0x9d: {  	_ =	strace $0x8FFFFFFF  }
0x9e: {  	s20 =	sld [smem:$0x3FDB];
	_ =	sdelay $0x1  }
0x9f: {  	s5 =	simm.s32 $_scs_section_size  }
0xa0: {  	s6 =	simm.s32 $_size__tile_overlayer_lowered;
	s7 =	simm.s32 $_tile_overlayer_lowered  }
0xa1: {  	s8 =	simm.s32 $0x1BFF;
	s21 =	sshll.u32 s7, $0x1;
	s5 =	sadd.s32 s5, s20  }
0xa2: {  	s22 =	simm.s32 $0x0;
	s6 =	sshll.u32 s6, $0x1;
	s7 =	sadd.s32 s21, s5  }
0xa3: {  	[timem:s22], [sflag:s8] =	dma.local [hbm:s7], s6  }
0xa4: {  	_ =	swait.ge [sflag:s8], s6  }
0xa5: {  	s6 =	ssub.s32 $0x0, s6;
	[sflag:s8] =	ssyncset.done $0x0  }
0xa6: {  	[sflag:s8] =	ssyncadd.s32 s6;
	_ =	sdelay $0x1  }
0xa7: {  	s23 =	simm.s32 $0x1B8B  }
0xa8: {  	_ =	swait.ge [sflag:s23], $0x1  }
0xa9: {  	[sflag:s23] =	ssyncset.done $0x0  }
0xaa: {  	[sflag:s23] =	ssyncadd.s32 $0xFFFFFFFF  }
0xab: {  	s6 =	sld [smem:$0x0]  }
0xac: {  	s7 =	sand.u32 $0xFFFFFFFE, s1  }
0xad: {  	p0 =	sne.s32 s1, s7  }
0xae: {  	s7 =	sshll.u32 @p0 s7, $0xE  }
0xaf: {  	s7 =	sadd.s32 @p0 $0x11B8D, s7;
	s8 =	sshll.u32 @p0 s6, $0x11  }
0xb0: {  	s7 =	sor.u32 @p0 s8, s7  }
0xb1: {  	[sflag:s7] =	ssyncadd.remote.s32 @p0 $0x1;
	_ =	sdelay $0x1  }
0xb2: {  	s7 =	simm.s32 @p0 $0x1B8D  }
0xb3: {  	_ =	swait.eq @p0 [sflag:s7], $0x1  }
0xb4: {  	[sflag:s7] =	ssyncadd.s32 @p0 $0xFFFFFFFF  }
0xb5: {  	s8 =	sshll.u32 @!p0 s1, $0xE  }
0xb6: {  	s8 =	sor.u32 @!p0 $0x4000, s8;
	s7 =	simm.s32 @!p0 $0x1B8D  }
0xb7: {  	s6 =	sshll.u32 @!p0 s6, $0x11;
	s8 =	sadd.s32 @!p0 $0x11B8D, s8;
	_ =	swait.eq @!p0 [sflag:s7], $0x1  }
0xb8: {  	s6 =	sor.u32 @!p0 s6, s8;
	[sflag:s7] =	ssyncadd.s32 @!p0 $0xFFFFFFFF  }
0xb9: {  	s25 =	simm.s32 $0x1B8E;
	s24 =	sld [smem:$0x3FFE];
	[sflag:s6] =	ssyncadd.remote.s32 @!p0 $0x1  }
0xba: {  	s26 =	simm.s32 $execute0_lowered;
	[smem:$0x3FD2] =	sst s25  }
0xbb: {  	s7 =	sshll.u32 s26, $0x1;
	_ =	strace $0x8000004C;
	[dreg:$0x1] =	wrdreg $0xFFFFFFFF  }
0xbc: {  	s28 =	simm.s32 $_size_execute0_lowered;
	s5 =	sadd.s32 s5, s7;
	[dreg:$0x0] =	wrdreg $0x0  }
0xbd: {  	s7 =	sshll.u32 s28, $0x1;
	[dreg:$0x2] =	wrdreg s5  }
0xbe: {  	[dreg:$0x3] =	wrdreg s7  }
0xbf: {  	[dreg:$0x4] =	wrdreg $0xC0  }
0xc0: {  	_ =	task [dreg:s22], $0x5FFFF  }
0xc1: {  	[dreg:$0x1] =	wrdreg $0xFFFFFFFF  }
0xc2: {  	[dreg:$0x0] =	wrdreg $0x60  }
0xc3: {  	[dreg:$0x2] =	wrdreg s24  }
0xc4: {  	[dreg:$0x3] =	wrdreg s18  }
0xc5: {  	[dreg:$0x4] =	wrdreg s17  }
0xc6: {  	[dreg:$0x5] =	wrdreg $0x91000  }
0xc7: {  	[dreg:$0x6] =	wrdreg $0x9  }
0xc8: {  	_ =	task.clear_ibuf [dreg:s22], $0x7FFFF;
	_ =	strace $0x9000004C  }
0xc9: {  	s29 =	simm.s32 $0x9;
	_ =	strace $0x8000004E  }
0xca: {  	_ =	swait.ge [sflag:s29], $0x1  }
0xcb: {  	[sflag:s29] =	ssyncadd.s32 $0xFFFFFFFF  }
0xcc: {  	_ =	strace $0x9000004E  }
0xcd: {  	_ =	sfence  }
0xce: {  	s30 =	sld [smem:$0x0];
	_ =	sdelay $0x2  }
0xcf: {  	s31 =	sshll.u32 s1, $0xD;
	s1 =	sshrl.u32 s1, $0x2  }
0xd0: {  	s4 =	sand.u32 $0x4000, s31;
	s1 =	sadd.s32 s1, s30  }
0xd1: {  	s0 =	sor.u32 s4, s0;
	s1 =	sshll.u32 s1, $0x11  }
0xd2: {  	s0 =	sor.u32 s1, s0  }
0xd3: {  	s0 =	sadd.s32 $0x8F2B, s0  }
0xd4: {  	[sflag:s0] =	ssyncadd.remote.s32 $0x1  }
0xd5: {  	_ =	sfence.sel $0xFFFF  }
0xd6: {  	[dreg:$0x0] =	wrdreg $0xFFFFFFFF;
	(pc) =	sbr.abs _section_cstart, $3  }
0xd7: {  	[dreg:$0x1] =	wrdreg $0xFFFFFFFF  }
0xd8: {  	_ =	task.clear_ibuf [dreg:s22], $0x2FFFF;
	_ =	strace $0x9FFFFFFF  }
0xd9: {  	(tm) =	ssettm $0x7FFFFFFF  }
tec
execute0_lowered:
.L_overlay_start_1:
0x0: {  	(tag) =	ssettag $0x1  }
0x1: {  	s0 =	rddreg [dreg:$0x0]  }
0x2: {  	s1 =	rddreg [dreg:$0x2]  }
0x3: {  	s3 =	rddreg [dreg:$0x3];
	s4 =	simm.s32 $0x0;
	s9 =	stileid.u32  }
0x4: {  	s2 =	srdreg.scid;
	s28 =	simm.s32 $0x2;
	s30 =	simm.s32 $0x6780  }
0x5: {  	s31 =	simm.s32 $0x50;
	[smem:$0x7FF] =	sst s4;
	s20 =	smul.u32 $0x4F000, s9  }
0x6: {  	s6 =	sshll.u32 s9, $0xB;
	s5 =	sadd.s32 $0x60E00, s0;
	s15 =	sadd.s32 $0x128400, s3  }
0x7: {  	s29 =	simm.s32 $0x0;
	s16 =	sadd.s32 $0x12AC00, s3;
	s17 =	sadd.s32 $0x12D400, s3  }
0x8: {  	s2 =	sand.u32 $0x1, s2;
	s18 =	sadd.s32 $0x12FC00, s3;
	s19 =	sadd.s32 $0x132400, s3  }
0x9: {  	s25 =	smul.u32 $0x13C00, s9;
	p0 =	seq.s32 s9, $0xF;
	_ =	strace $0x8000004D  }
0xa: {  	s7 =	smul.u32 $0x28000, s2;
	s8 =	sadd.s32 s6, s0;
	s21 =	ssub.s32 $0x2, s2  }
0xb: {  	s2 =	smul.u32 $0x138800, s2;
	s4 =	sshrl.u32 s20, $0x2;
	s22 =	sshrl.u32 s21, $0x1  }
0xc: {  	s8 =	sadd.s32 $0x58E00, s8;
	s20 =	sadd.s32 $0x134C00, s3;
	s0 =	sadd.s32 s7, s0  }
0xd: {  	s6 =	sadd.s32 s4, s3;
	[dreg:$0x5] =	wrdreg s8;
	s4 =	ssub.s32 s21, s22  }
0xe: {  	s26 =	sadd.s32 s25, s2;
	s2 =	sshrl.u32 s2, $0x3;
	s22 =	sadd.s32 $0x137400, s3  }
0xf: {  	s23 =	sadd.s32 $0x2800, s6;
	s24 =	sadd.s32 $0x5000, s6;
	s10 =	sadd.s32 $0x7800, s6  }
0x10: {  	s11 =	sadd.s32 $0xA000, s6;
	s12 =	sadd.s32 $0xC800, s6;
	s13 =	sadd.s32 $0xF000, s6  }
0x11: {  	s14 =	sadd.s32 $0x11800, s6;
	s7 =	sshrl.u32 s26, $0x3;
	[dreg:$0x6] =	wrdreg s23  }
0x12: {  	s25 =	smax.u32 s4, $0x1;
	s26 =	smul.u32 $0x7D00, s9;
	[dreg:$0x7] =	wrdreg s24  }
0x13: {  	s21 =	sadd.s32 s1, s7;
	s1 =	sadd.s32 s1, s2;
	s23 =	sadd.s32 $0x3A00, s0  }
0x14: {  	v0 =	vimm.f32 $0.0e+00;
	s0 =	simm.s32 $0x6900;
	s24 =	sadd.s32 $0x25080, s1;
	s1 =	simm.s32 $0x1  }
.LBB2_1:
0x15: {  	s2 =	rddreg [dreg:$0x1];
	s4 =	simm.s32 $0x0  }
0x16: {  	[tilespmem:s4], [sflag:$0x2] =	stream.linear.gather [hbm4b:s2+s4], $0x2780, $0x38;
	[tilespmem:$0x1C980] =	vst v63  }
0x17: {  	_ =	swait.ge [sflag:s28], $0x2780  }
0x18: {  	[sflag:s28] =	ssyncset.done $0x0  }
0x19: {  	s7 =	simm.s32 $0x2780;
	s9 =	rddreg [dreg:$0x5];
	[sflag:s28] =	ssyncadd.s32 $0xFFFFD880  }
0x1a: {  	[tilespmem:s7], [sflag:$0x2] =	stream.linear.gather [hbm4b:s9+s4], $0x3E80, $0x38;
	[tilespmem:$0x1C980] =	vst v63  }
0x1b: {  	_ =	swait.ge [sflag:s28], $0x3E80  }
0x1c: {  	[sflag:s28] =	ssyncset.done $0x0  }
0x1d: {  	s2 =	simm.s32 $0x0;
	s4 =	simm.s32 $0x200;
	[sflag:s28] =	ssyncadd.s32 $0xFFFFC180  }
.LBB2_2:
0x1e: {  	p1 =	sne.s32 s4, $0x9E00;
	[tilespmem:s2+$0x6970] =	vst v0  }
0x1f: {  	[tilespmem:s2+$0x6900] =	vst v0  }
0x20: {  	[tilespmem:s2+$0x6910] =	vst v0  }
.Ltmp0:
0x21: {  	[tilespmem:s2+$0x6920] =	vst v0;
	(pc) =	sbr.rel @p1 .LBB2_2-.Ltmp0, $4  }
0x22: {  	[tilespmem:s2+$0x6930] =	vst v0  }
0x23: {  	[tilespmem:s2+$0x6940] =	vst v0  }
0x24: {  	[tilespmem:s2+$0x6950] =	vst v0  }
0x25: {  	[tilespmem:s2+$0x6960] =	vst v0;
	s2 =	sshra.s32 s4, $0x2;
	s4 =	sadd.s32 $0x200, s4  }
0x26: {  	[tilespmem:s2+$0x6970] =	vst v0  }
0x27: {  	[tilespmem:s2+$0x6900] =	vst v0  }
0x28: {  	[tilespmem:s2+$0x6910] =	vst v0  }
0x29: {  	[tilespmem:s2+$0x6920] =	vst v0  }
0x2a: {  	[tilespmem:s2+$0x6930] =	vst v0  }
0x2b: {  	[tilespmem:s2+$0x6940] =	vst v0  }
0x2c: {  	[tilespmem:s2+$0x6950] =	vst v0  }
0x2d: {  	[tilespmem:s2+$0x6960] =	vst v0;
	s2 =	simm.s32 @p0 $0x6900;
	s4 =	simm.s32 @p0 $0x2  }
0x2e: {  	[spmem:s15] =	stream.linear.scatter @p0 [tilespmem:s2], [sflag:$0x2], $0x2800, $0x38;
	[tilespmem:$0x1C980] =	vst v63  }
0x2f: {  	_ =	swait.ge @p0 [sflag:s4], $0x2800  }
0x30: {  	[sflag:s4] =	ssyncset.done @p0 $0x0  }
0x31: {  	[sflag:s4] =	ssyncadd.s32 @p0 $0xFFFFD800  }
0x32: {  	[spmem:s16] =	stream.linear.scatter @p0 [tilespmem:s2], [sflag:$0x2], $0x2800, $0x38;
	[tilespmem:$0x1C980] =	vst v63  }
0x33: {  	_ =	swait.ge @p0 [sflag:s4], $0x2800  }
0x34: {  	[sflag:s4] =	ssyncset.done @p0 $0x0  }
0x35: {  	[sflag:s4] =	ssyncadd.s32 @p0 $0xFFFFD800  }
0x36: {  	[spmem:s17] =	stream.linear.scatter @p0 [tilespmem:s2], [sflag:$0x2], $0x2800, $0x38;
	[tilespmem:$0x1C980] =	vst v63  }
0x37: {  	_ =	swait.ge @p0 [sflag:s4], $0x2800  }
0x38: {  	[sflag:s4] =	ssyncset.done @p0 $0x0  }
0x39: {  	[sflag:s4] =	ssyncadd.s32 @p0 $0xFFFFD800  }
0x3a: {  	[spmem:s18] =	stream.linear.scatter @p0 [tilespmem:s2], [sflag:$0x2], $0x2800, $0x38;
	[tilespmem:$0x1C980] =	vst v63  }
0x3b: {  	_ =	swait.ge @p0 [sflag:s4], $0x2800  }
0x3c: {  	[sflag:s4] =	ssyncset.done @p0 $0x0  }
0x3d: {  	[sflag:s4] =	ssyncadd.s32 @p0 $0xFFFFD800  }
0x3e: {  	[spmem:s19] =	stream.linear.scatter @p0 [tilespmem:s2], [sflag:$0x2], $0x2800, $0x38;
	[tilespmem:$0x1C980] =	vst v63  }
0x3f: {  	_ =	swait.ge @p0 [sflag:s4], $0x2800  }
0x40: {  	[sflag:s4] =	ssyncset.done @p0 $0x0  }
0x41: {  	[sflag:s4] =	ssyncadd.s32 @p0 $0xFFFFD800  }
0x42: {  	[spmem:s20] =	stream.linear.scatter @p0 [tilespmem:s2], [sflag:$0x2], $0x2800, $0x38;
	[tilespmem:$0x1C980] =	vst v63  }
0x43: {  	_ =	swait.ge @p0 [sflag:s4], $0x2800  }
0x44: {  	[sflag:s4] =	ssyncset.done @p0 $0x0  }
0x45: {  	[sflag:s4] =	ssyncadd.s32 @p0 $0xFFFFD800  }
0x46: {  	[spmem:s22] =	stream.linear.scatter @p0 [tilespmem:s2], [sflag:$0x2], $0x1400, $0x38;
	[tilespmem:$0x1C980] =	vst v63  }
0x47: {  	_ =	swait.ge @p0 [sflag:s4], $0x1400  }
0x48: {  	[sflag:s4] =	ssyncset.done @p0 $0x0  }
0x49: {  	s2 =	simm.s32 @!p0 $0x6900;
	[sflag:s4] =	ssyncadd.s32 @p0 $0xFFFFEC00;
	s4 =	simm.s32 @!p0 $0x2  }
0x4a: {  	[spmem:s6] =	stream.linear.scatter @!p0 [tilespmem:s2], [sflag:$0x2], $0x2800, $0x38;
	[tilespmem:$0x1C980] =	vst v63  }
0x4b: {  	_ =	swait.ge @!p0 [sflag:s4], $0x2800  }
0x4c: {  	[sflag:s4] =	ssyncset.done @!p0 $0x0  }
0x4d: {  	s7 =	rddreg [dreg:$0x6];
	[sflag:s4] =	ssyncadd.s32 @!p0 $0xFFFFD800  }
0x4e: {  	[spmem:s7] =	stream.linear.scatter @!p0 [tilespmem:s2], [sflag:$0x2], $0x2800, $0x38;
	[tilespmem:$0x1C980] =	vst v63  }
0x4f: {  	_ =	swait.ge @!p0 [sflag:s4], $0x2800  }
0x50: {  	[sflag:s4] =	ssyncset.done @!p0 $0x0  }
0x51: {  	s7 =	rddreg [dreg:$0x7];
	[sflag:s4] =	ssyncadd.s32 @!p0 $0xFFFFD800  }
0x52: {  	[spmem:s7] =	stream.linear.scatter @!p0 [tilespmem:s2], [sflag:$0x2], $0x2800, $0x38;
	[tilespmem:$0x1C980] =	vst v63  }
0x53: {  	_ =	swait.ge @!p0 [sflag:s4], $0x2800  }
0x54: {  	[sflag:s4] =	ssyncset.done @!p0 $0x0  }
0x55: {  	[sflag:s4] =	ssyncadd.s32 @!p0 $0xFFFFD800  }
0x56: {  	[spmem:s10] =	stream.linear.scatter @!p0 [tilespmem:s2], [sflag:$0x2], $0x2800, $0x38;
	[tilespmem:$0x1C980] =	vst v63  }
0x57: {  	_ =	swait.ge @!p0 [sflag:s4], $0x2800  }
0x58: {  	[sflag:s4] =	ssyncset.done @!p0 $0x0  }
0x59: {  	[sflag:s4] =	ssyncadd.s32 @!p0 $0xFFFFD800  }
0x5a: {  	[spmem:s11] =	stream.linear.scatter @!p0 [tilespmem:s2], [sflag:$0x2], $0x2800, $0x38;
	[tilespmem:$0x1C980] =	vst v63  }
0x5b: {  	_ =	swait.ge @!p0 [sflag:s4], $0x2800  }
0x5c: {  	[sflag:s4] =	ssyncset.done @!p0 $0x0  }
0x5d: {  	[sflag:s4] =	ssyncadd.s32 @!p0 $0xFFFFD800  }
0x5e: {  	[spmem:s12] =	stream.linear.scatter @!p0 [tilespmem:s2], [sflag:$0x2], $0x2800, $0x38;
	[tilespmem:$0x1C980] =	vst v63  }
0x5f: {  	_ =	swait.ge @!p0 [sflag:s4], $0x2800  }
0x60: {  	[sflag:s4] =	ssyncset.done @!p0 $0x0  }
0x61: {  	[sflag:s4] =	ssyncadd.s32 @!p0 $0xFFFFD800  }
0x62: {  	[spmem:s13] =	stream.linear.scatter @!p0 [tilespmem:s2], [sflag:$0x2], $0x2800, $0x38;
	[tilespmem:$0x1C980] =	vst v63  }
0x63: {  	_ =	swait.ge @!p0 [sflag:s4], $0x2800  }
0x64: {  	[sflag:s4] =	ssyncset.done @!p0 $0x0  }
0x65: {  	[sflag:s4] =	ssyncadd.s32 @!p0 $0xFFFFD800  }
0x66: {  	[spmem:s14] =	stream.linear.scatter @!p0 [tilespmem:s2], [sflag:$0x2], $0x2400, $0x38;
	[tilespmem:$0x1C980] =	vst v63  }
0x67: {  	_ =	swait.ge @!p0 [sflag:s4], $0x2400  }
0x68: {  	[sflag:s4] =	ssyncset.done @!p0 $0x0  }
0x69: {  	[sflag:s4] =	ssyncadd.s32 @!p0 $0xFFFFDC00  }
0x6a: {  	s2 =	simm.s32 $0x0;
	s4 =	simm.s32 $0x0;
	[bflag:$0x0] =	sbarrier.arrive $0xFFFF  }
.LBB2_4:
0x6b: {  	s7 =	sshll.u32 s4, $0x8  }
0x6c: {  	s7 =	sadd.s32 s26, s7  }
0x6d: {  	s7 =	sshrl.u32 s7, $0x3  }
0x6e: {  	s7 =	sadd.s32 s5, s7  }
0x6f: {  	[tilespmem:s30], [sflag:$0x2] =	stream.linear.gather [hbm4b:s7+s2], $0x100, $0x38;
	[tilespmem:$0x1C980] =	vst v63  }
0x70: {  	_ =	swait.ge [sflag:s28], $0x100  }
0x71: {  	[sflag:s28] =	ssyncset.done $0x0  }
0x72: {  	[sflag:s28] =	ssyncadd.s32 $0xFFFFFF00  }
0x73: {  	[tilespmem:s0], [sflag:$0x1] =	stream.indirect.gather [hbm4b:s23+s31], $0x80, s30, s31, $0xb8;
	[tilespmem:$0x1C980] =	vst v63  }
0x74: {  	_ =	swait.ge [sflag:s1], $0x2800  }
0x75: {  	s9 =	sshll.u32 s4, $0x7;
	[sflag:s1] =	ssyncset.done $0x0  }
0x76: {  	s7 =	sand.u32 $0x3FFFFF80, s9;
	[sflag:s1] =	ssyncadd.s32 $0xFFFFD800  }
0x77: {  	v1 =	vld [tilespmem:s7+$0x2780];
	_ =	sdelay $0x6  }
0x78: {  	v2 =	vld [tilespmem:$0x6800]  }
0x79: {  	v1 =	vld.idx.msk [tilespmem:v1+s2+$0x0], $0xffff;
	_ =	sdelay $0x4  }
0x7a: {  	v1 =	vmul.f32 v2, v1;
	_ =	sdelay $0x1  }
0x7b: {  	[tilespmem:$0x6880] =	vst v1  }
0x7c: {  	v1 =	vld [tilespmem:s7+$0x2790];
	_ =	sdelay $0x6  }
0x7d: {  	v2 =	vld [tilespmem:$0x6810]  }
0x7e: {  	v1 =	vld.idx.msk [tilespmem:v1+s2+$0x0], $0xffff;
	_ =	sdelay $0x4  }
0x7f: {  	v1 =	vmul.f32 v2, v1;
	_ =	sdelay $0x1  }
0x80: {  	[tilespmem:$0x6890] =	vst v1  }
0x81: {  	v1 =	vld [tilespmem:s7+$0x27A0];
	_ =	sdelay $0x6  }
0x82: {  	v2 =	vld [tilespmem:$0x6820]  }
0x83: {  	v1 =	vld.idx.msk [tilespmem:v1+s2+$0x0], $0xffff;
	_ =	sdelay $0x4  }
0x84: {  	v1 =	vmul.f32 v2, v1;
	_ =	sdelay $0x1  }
0x85: {  	[tilespmem:$0x68A0] =	vst v1  }
0x86: {  	v1 =	vld [tilespmem:s7+$0x27B0];
	_ =	sdelay $0x6  }
0x87: {  	v2 =	vld [tilespmem:$0x6830]  }
0x88: {  	v1 =	vld.idx.msk [tilespmem:v1+s2+$0x0], $0xffff;
	_ =	sdelay $0x4  }
0x89: {  	v1 =	vmul.f32 v2, v1;
	_ =	sdelay $0x1  }
0x8a: {  	[tilespmem:$0x68B0] =	vst v1  }
0x8b: {  	v1 =	vld [tilespmem:s7+$0x27C0];
	_ =	sdelay $0x6  }
0x8c: {  	v2 =	vld [tilespmem:$0x6840]  }
0x8d: {  	v1 =	vld.idx.msk [tilespmem:v1+s2+$0x0], $0xffff;
	_ =	sdelay $0x4  }
0x8e: {  	v1 =	vmul.f32 v2, v1;
	_ =	sdelay $0x1  }
0x8f: {  	s8 =	simm.s32 $0x0;
	s7 =	sadd.s32 $0x2780, s7;
	[tilespmem:$0x68C0] =	vst v1  }
.LBB2_5:
0x90: {  	s9 =	sshll.u32 s8, $0x4  }
0x91: {  	s9 =	sand.u32 $0x3FFFFFF0, s9  }
0x92: {  	v1 =	vld [tilespmem:s9+$0x6880];
	s9 =	sshll.u32 s8, $0xB  }
0x93: {  	s9 =	sand.u32 $0x3FFFF800, s9  }
0x94: {  	v2 =	vld [tilespmem:s9+$0x6900]  }
0x95: {  	v3 =	vld [tilespmem:s9+$0x6910]  }
0x96: {  	v4 =	vld [tilespmem:s9+$0x6920]  }
0x97: {  	v6 =	vld [tilespmem:s9+$0x6930];
	v5 =	vbroadcast v1, $0x0  }
0x98: {  	v7 =	vld [tilespmem:s9+$0x6940]  }
0x99: {  	v8 =	vld [tilespmem:s9+$0x6950];
	v2 =	vmul.f32 v5, v2  }
0x9a: {  	v9 =	vld [tilespmem:s9+$0x6960];
	v3 =	vmul.f32 v3, v5  }
0x9b: {  	v34 =	vld [tilespmem:s9+$0x6970];
	[tilespmem:s9+$0x6900] =	vst v2;
	v2 =	vmul.f32 v4, v5  }
0x9c: {  	v35 =	vld [tilespmem:s9+$0x6980];
	[tilespmem:s9+$0x6910] =	vst v3;
	v3 =	vmul.f32 v6, v5  }
0x9d: {  	v36 =	vld [tilespmem:s9+$0x6990];
	[tilespmem:s9+$0x6920] =	vst v2;
	v2 =	vmul.f32 v7, v5  }
0x9e: {  	v37 =	vld [tilespmem:s9+$0x69A0];
	[tilespmem:s9+$0x6930] =	vst v3;
	v3 =	vmul.f32 v8, v5  }
0x9f: {  	v10 =	vld [tilespmem:s9+$0x69B0];
	v38 =	vbroadcast v1, $0x1;
	[tilespmem:s9+$0x6940] =	vst v2;
	v2 =	vmul.f32 v9, v5  }
0xa0: {  	v39 =	vld [tilespmem:s9+$0x69C0];
	[tilespmem:s9+$0x6950] =	vst v3;
	v3 =	vmul.f32 v34, v5  }
0xa1: {  	v40 =	vld [tilespmem:s9+$0x69D0];
	[tilespmem:s9+$0x6960] =	vst v2;
	v2 =	vmul.f32 v35, v38  }
0xa2: {  	v41 =	vld [tilespmem:s9+$0x69E0];
	[tilespmem:s9+$0x6970] =	vst v3;
	v3 =	vmul.f32 v36, v38  }
0xa3: {  	v42 =	vld [tilespmem:s9+$0x69F0];
	[tilespmem:s9+$0x6980] =	vst v2;
	v2 =	vmul.f32 v37, v38  }
0xa4: {  	v43 =	vld [tilespmem:s9+$0x6A00];
	[tilespmem:s9+$0x6990] =	vst v3;
	v3 =	vmul.f32 v10, v38  }
0xa5: {  	v44 =	vld [tilespmem:s9+$0x6A10];
	[tilespmem:s9+$0x69A0] =	vst v2;
	v2 =	vmul.f32 v39, v38  }
0xa6: {  	v45 =	vld [tilespmem:s9+$0x6A20];
	[tilespmem:s9+$0x69B0] =	vst v3;
	v3 =	vmul.f32 v40, v38  }
0xa7: {  	v47 =	vld [tilespmem:s9+$0x6A30];
	v46 =	vbroadcast v1, $0x2;
	[tilespmem:s9+$0x69C0] =	vst v2;
	v2 =	vmul.f32 v41, v38  }
0xa8: {  	v48 =	vld [tilespmem:s9+$0x6A40];
	[tilespmem:s9+$0x69D0] =	vst v3;
	v3 =	vmul.f32 v42, v38  }
0xa9: {  	v49 =	vld [tilespmem:s9+$0x6A50];
	[tilespmem:s9+$0x69E0] =	vst v2;
	v2 =	vmul.f32 v43, v46  }
0xaa: {  	v50 =	vld [tilespmem:s9+$0x6A60];
	[tilespmem:s9+$0x69F0] =	vst v3;
	v3 =	vmul.f32 v44, v46  }
0xab: {  	v51 =	vld [tilespmem:s9+$0x6A70];
	[tilespmem:s9+$0x6A00] =	vst v2;
	v2 =	vmul.f32 v45, v46  }
0xac: {  	v52 =	vld [tilespmem:s9+$0x6A80];
	[tilespmem:s9+$0x6A10] =	vst v3;
	v3 =	vmul.f32 v47, v46  }
0xad: {  	v53 =	vld [tilespmem:s9+$0x6A90];
	[tilespmem:s9+$0x6A20] =	vst v2;
	v2 =	vmul.f32 v48, v46  }
0xae: {  	v54 =	vld [tilespmem:s9+$0x6AA0];
	[tilespmem:s9+$0x6A30] =	vst v3;
	v3 =	vmul.f32 v49, v46  }
0xaf: {  	v56 =	vld [tilespmem:s9+$0x6AB0];
	v55 =	vbroadcast v1, $0x3;
	[tilespmem:s9+$0x6A40] =	vst v2;
	v2 =	vmul.f32 v50, v46  }
0xb0: {  	v57 =	vld [tilespmem:s9+$0x6AC0];
	[tilespmem:s9+$0x6A50] =	vst v3;
	v3 =	vmul.f32 v51, v46  }
0xb1: {  	v58 =	vld [tilespmem:s9+$0x6AD0];
	[tilespmem:s9+$0x6A60] =	vst v2;
	v2 =	vmul.f32 v52, v55  }
0xb2: {  	v59 =	vld [tilespmem:s9+$0x6AE0];
	[tilespmem:s9+$0x6A70] =	vst v3;
	v3 =	vmul.f32 v53, v55  }
0xb3: {  	v60 =	vld [tilespmem:s9+$0x6AF0];
	[tilespmem:s9+$0x6A80] =	vst v2;
	v2 =	vmul.f32 v54, v55  }
0xb4: {  	v61 =	vld [tilespmem:s9+$0x6B00];
	[tilespmem:s9+$0x6A90] =	vst v3;
	v3 =	vmul.f32 v56, v55  }
0xb5: {  	v62 =	vld [tilespmem:s9+$0x6B10];
	[tilespmem:s9+$0x6AA0] =	vst v2;
	v2 =	vmul.f32 v57, v55  }
0xb6: {  	v63 =	vld [tilespmem:s9+$0x6B20];
	[tilespmem:s9+$0x6AB0] =	vst v3;
	v3 =	vmul.f32 v58, v55  }
0xb7: {  	v13 =	vld [tilespmem:s9+$0x6B30];
	v12 =	vbroadcast v1, $0x4;
	[tilespmem:s9+$0x6AC0] =	vst v2;
	v2 =	vmul.f32 v59, v55  }
0xb8: {  	v14 =	vld [tilespmem:s9+$0x6B40];
	[tilespmem:s9+$0x6AD0] =	vst v3;
	v3 =	vmul.f32 v60, v55  }
0xb9: {  	v15 =	vld [tilespmem:s9+$0x6B50];
	[tilespmem:s9+$0x6AE0] =	vst v2;
	v2 =	vmul.f32 v61, v12  }
0xba: {  	v16 =	vld [tilespmem:s9+$0x6B60];
	[tilespmem:s9+$0x6AF0] =	vst v3;
	v3 =	vmul.f32 v62, v12  }
0xbb: {  	v17 =	vld [tilespmem:s9+$0x6B70];
	[tilespmem:s9+$0x6B00] =	vst v2;
	v2 =	vmul.f32 v63, v12  }
0xbc: {  	v18 =	vld [tilespmem:s9+$0x6B80];
	[tilespmem:s9+$0x6B10] =	vst v3;
	v3 =	vmul.f32 v13, v12  }
0xbd: {  	v19 =	vld [tilespmem:s9+$0x6B90];
	[tilespmem:s9+$0x6B20] =	vst v2;
	v2 =	vmul.f32 v14, v12  }
0xbe: {  	v20 =	vld [tilespmem:s9+$0x6BA0];
	[tilespmem:s9+$0x6B30] =	vst v3;
	v3 =	vmul.f32 v15, v12  }
0xbf: {  	v22 =	vld [tilespmem:s9+$0x6BB0];
	v21 =	vbroadcast v1, $0x5;
	[tilespmem:s9+$0x6B40] =	vst v2;
	v2 =	vmul.f32 v16, v12  }
0xc0: {  	v23 =	vld [tilespmem:s9+$0x6BC0];
	[tilespmem:s9+$0x6B50] =	vst v3;
	v3 =	vmul.f32 v17, v12  }
0xc1: {  	v24 =	vld [tilespmem:s9+$0x6BD0];
	[tilespmem:s9+$0x6B60] =	vst v2;
	v2 =	vmul.f32 v18, v21  }
0xc2: {  	v25 =	vld [tilespmem:s9+$0x6BE0];
	[tilespmem:s9+$0x6B70] =	vst v3;
	v3 =	vmul.f32 v19, v21  }
0xc3: {  	v26 =	vld [tilespmem:s9+$0x6BF0];
	[tilespmem:s9+$0x6B80] =	vst v2;
	v2 =	vmul.f32 v20, v21  }
0xc4: {  	v27 =	vld [tilespmem:s9+$0x6C00];
	[tilespmem:s9+$0x6B90] =	vst v3;
	v3 =	vmul.f32 v22, v21  }
0xc5: {  	v28 =	vld [tilespmem:s9+$0x6C10];
	[tilespmem:s9+$0x6BA0] =	vst v2;
	v2 =	vmul.f32 v23, v21  }
0xc6: {  	v29 =	vld [tilespmem:s9+$0x6C20];
	[tilespmem:s9+$0x6BB0] =	vst v3;
	v3 =	vmul.f32 v24, v21  }
0xc7: {  	v31 =	vld [tilespmem:s9+$0x6C30];
	v30 =	vbroadcast v1, $0x6;
	[tilespmem:s9+$0x6BC0] =	vst v2;
	v2 =	vmul.f32 v25, v21  }
0xc8: {  	v32 =	vld [tilespmem:s9+$0x6C40];
	[tilespmem:s9+$0x6BD0] =	vst v3;
	v3 =	vmul.f32 v26, v21  }
0xc9: {  	v33 =	vld [tilespmem:s9+$0x6C50];
	[tilespmem:s9+$0x6BE0] =	vst v2;
	v2 =	vmul.f32 v27, v30  }
0xca: {  	v34 =	vld [tilespmem:s9+$0x6C60];
	[tilespmem:s9+$0x6BF0] =	vst v3;
	v3 =	vmul.f32 v28, v30  }
0xcb: {  	v35 =	vld [tilespmem:s9+$0x6C70];
	[tilespmem:s9+$0x6C00] =	vst v2;
	v2 =	vmul.f32 v29, v30  }
0xcc: {  	v36 =	vld [tilespmem:s9+$0x6C80];
	[tilespmem:s9+$0x6C10] =	vst v3;
	v3 =	vmul.f32 v31, v30  }
0xcd: {  	v37 =	vld [tilespmem:s9+$0x6C90];
	[tilespmem:s9+$0x6C20] =	vst v2;
	v2 =	vmul.f32 v32, v30  }
0xce: {  	v38 =	vld [tilespmem:s9+$0x6CA0];
	[tilespmem:s9+$0x6C30] =	vst v3;
	v3 =	vmul.f32 v33, v30  }
0xcf: {  	v39 =	vbroadcast v1, $0x7;
	v40 =	vld [tilespmem:s9+$0x6CB0];
	[tilespmem:s9+$0x6C40] =	vst v2;
	v2 =	vmul.f32 v34, v30  }
0xd0: {  	v41 =	vld [tilespmem:s9+$0x6CC0];
	[tilespmem:s9+$0x6C50] =	vst v3;
	v3 =	vmul.f32 v35, v30  }
0xd1: {  	v42 =	vld [tilespmem:s9+$0x6CD0];
	[tilespmem:s9+$0x6C60] =	vst v2;
	v2 =	vmul.f32 v36, v39  }
0xd2: {  	v43 =	vld [tilespmem:s9+$0x6CE0];
	[tilespmem:s9+$0x6C70] =	vst v3;
	v3 =	vmul.f32 v37, v39  }
0xd3: {  	v44 =	vld [tilespmem:s9+$0x6CF0];
	[tilespmem:s9+$0x6C80] =	vst v2;
	v2 =	vmul.f32 v38, v39  }
0xd4: {  	v45 =	vld [tilespmem:s9+$0x6D00];
	[tilespmem:s9+$0x6C90] =	vst v3;
	v3 =	vmul.f32 v40, v39  }
0xd5: {  	v46 =	vld [tilespmem:s9+$0x6D10];
	[tilespmem:s9+$0x6CA0] =	vst v2;
	v2 =	vmul.f32 v41, v39  }
0xd6: {  	v47 =	vld [tilespmem:s9+$0x6D20];
	[tilespmem:s9+$0x6CB0] =	vst v3;
	v3 =	vmul.f32 v42, v39  }
0xd7: {  	v48 =	vbroadcast v1, $0x8;
	v49 =	vld [tilespmem:s9+$0x6D30];
	[tilespmem:s9+$0x6CC0] =	vst v2;
	v2 =	vmul.f32 v43, v39  }
0xd8: {  	v50 =	vld [tilespmem:s9+$0x6D40];
	[tilespmem:s9+$0x6CD0] =	vst v3;
	v3 =	vmul.f32 v44, v39  }
0xd9: {  	v51 =	vld [tilespmem:s9+$0x6D50];
	[tilespmem:s9+$0x6CE0] =	vst v2;
	v2 =	vmul.f32 v45, v48  }
0xda: {  	v52 =	vld [tilespmem:s9+$0x6D60];
	[tilespmem:s9+$0x6CF0] =	vst v3;
	v3 =	vmul.f32 v46, v48  }
0xdb: {  	v53 =	vld [tilespmem:s9+$0x6D70];
	[tilespmem:s9+$0x6D00] =	vst v2;
	v2 =	vmul.f32 v47, v48  }
0xdc: {  	v54 =	vld [tilespmem:s9+$0x6D80];
	[tilespmem:s9+$0x6D10] =	vst v3;
	v3 =	vmul.f32 v49, v48  }
0xdd: {  	v55 =	vld [tilespmem:s9+$0x6D90];
	[tilespmem:s9+$0x6D20] =	vst v2;
	v2 =	vmul.f32 v50, v48  }
0xde: {  	v56 =	vld [tilespmem:s9+$0x6DA0];
	[tilespmem:s9+$0x6D30] =	vst v3;
	v3 =	vmul.f32 v51, v48  }
0xdf: {  	v57 =	vbroadcast v1, $0x9;
	v58 =	vld [tilespmem:s9+$0x6DB0];
	[tilespmem:s9+$0x6D40] =	vst v2;
	v2 =	vmul.f32 v52, v48  }
0xe0: {  	v59 =	vld [tilespmem:s9+$0x6DC0];
	[tilespmem:s9+$0x6D50] =	vst v3;
	v3 =	vmul.f32 v53, v48  }
0xe1: {  	v60 =	vld [tilespmem:s9+$0x6DD0];
	[tilespmem:s9+$0x6D60] =	vst v2;
	v2 =	vmul.f32 v54, v57  }
0xe2: {  	v61 =	vld [tilespmem:s9+$0x6DE0];
	[tilespmem:s9+$0x6D70] =	vst v3;
	v3 =	vmul.f32 v55, v57  }
0xe3: {  	v62 =	vld [tilespmem:s9+$0x6DF0];
	[tilespmem:s9+$0x6D80] =	vst v2;
	v2 =	vmul.f32 v56, v57  }
0xe4: {  	v63 =	vld [tilespmem:s9+$0x6E00];
	[tilespmem:s9+$0x6D90] =	vst v3;
	v3 =	vmul.f32 v58, v57  }
0xe5: {  	v12 =	vld [tilespmem:s9+$0x6E10];
	[tilespmem:s9+$0x6DA0] =	vst v2;
	v2 =	vmul.f32 v59, v57  }
0xe6: {  	v13 =	vld [tilespmem:s9+$0x6E20];
	[tilespmem:s9+$0x6DB0] =	vst v3;
	v3 =	vmul.f32 v60, v57  }
0xe7: {  	v14 =	vbroadcast v1, $0xA;
	v15 =	vld [tilespmem:s9+$0x6E30];
	[tilespmem:s9+$0x6DC0] =	vst v2;
	v2 =	vmul.f32 v61, v57  }
0xe8: {  	v16 =	vld [tilespmem:s9+$0x6E40];
	[tilespmem:s9+$0x6DD0] =	vst v3;
	v3 =	vmul.f32 v62, v57  }
0xe9: {  	v17 =	vld [tilespmem:s9+$0x6E50];
	[tilespmem:s9+$0x6DE0] =	vst v2;
	v2 =	vmul.f32 v63, v14  }
0xea: {  	v18 =	vld [tilespmem:s9+$0x6E60];
	[tilespmem:s9+$0x6DF0] =	vst v3;
	v3 =	vmul.f32 v12, v14  }
0xeb: {  	v19 =	vld [tilespmem:s9+$0x6E70];
	[tilespmem:s9+$0x6E00] =	vst v2;
	v2 =	vmul.f32 v13, v14  }
0xec: {  	v20 =	vld [tilespmem:s9+$0x6E80];
	[tilespmem:s9+$0x6E10] =	vst v3;
	v3 =	vmul.f32 v15, v14  }
0xed: {  	v21 =	vld [tilespmem:s9+$0x6E90];
	[tilespmem:s9+$0x6E20] =	vst v2;
	v2 =	vmul.f32 v16, v14  }
0xee: {  	v22 =	vld [tilespmem:s9+$0x6EA0];
	[tilespmem:s9+$0x6E30] =	vst v3;
	v3 =	vmul.f32 v17, v14  }
0xef: {  	v23 =	vbroadcast v1, $0xB;
	v24 =	vld [tilespmem:s9+$0x6EB0];
	[tilespmem:s9+$0x6E40] =	vst v2;
	v2 =	vmul.f32 v18, v14  }
0xf0: {  	v25 =	vld [tilespmem:s9+$0x6EC0];
	[tilespmem:s9+$0x6E50] =	vst v3;
	v3 =	vmul.f32 v19, v14  }
0xf1: {  	v26 =	vld [tilespmem:s9+$0x6ED0];
	[tilespmem:s9+$0x6E60] =	vst v2;
	v2 =	vmul.f32 v20, v23  }
0xf2: {  	v27 =	vld [tilespmem:s9+$0x6EE0];
	[tilespmem:s9+$0x6E70] =	vst v3;
	v3 =	vmul.f32 v21, v23  }
0xf3: {  	v28 =	vld [tilespmem:s9+$0x6EF0];
	[tilespmem:s9+$0x6E80] =	vst v2;
	v2 =	vmul.f32 v22, v23  }
0xf4: {  	v29 =	vld [tilespmem:s9+$0x6F00];
	[tilespmem:s9+$0x6E90] =	vst v3;
	v3 =	vmul.f32 v24, v23  }
0xf5: {  	v30 =	vld [tilespmem:s9+$0x6F10];
	[tilespmem:s9+$0x6EA0] =	vst v2;
	v2 =	vmul.f32 v25, v23  }
0xf6: {  	v31 =	vld [tilespmem:s9+$0x6F20];
	[tilespmem:s9+$0x6EB0] =	vst v3;
	v3 =	vmul.f32 v26, v23  }
0xf7: {  	v32 =	vbroadcast v1, $0xC;
	v33 =	vld [tilespmem:s9+$0x6F30];
	[tilespmem:s9+$0x6EC0] =	vst v2;
	v2 =	vmul.f32 v27, v23  }
0xf8: {  	v34 =	vld [tilespmem:s9+$0x6F40];
	[tilespmem:s9+$0x6ED0] =	vst v3;
	v3 =	vmul.f32 v28, v23  }
0xf9: {  	v35 =	vld [tilespmem:s9+$0x6F50];
	[tilespmem:s9+$0x6EE0] =	vst v2;
	v2 =	vmul.f32 v29, v32  }
0xfa: {  	v36 =	vld [tilespmem:s9+$0x6F60];
	[tilespmem:s9+$0x6EF0] =	vst v3;
	v3 =	vmul.f32 v30, v32  }
0xfb: {  	v37 =	vld [tilespmem:s9+$0x6F70];
	[tilespmem:s9+$0x6F00] =	vst v2;
	v2 =	vmul.f32 v31, v32  }
0xfc: {  	v38 =	vld [tilespmem:s9+$0x6F80];
	[tilespmem:s9+$0x6F10] =	vst v3;
	v3 =	vmul.f32 v33, v32  }
0xfd: {  	v39 =	vld [tilespmem:s9+$0x6F90];
	[tilespmem:s9+$0x6F20] =	vst v2;
	v2 =	vmul.f32 v34, v32  }
0xfe: {  	v40 =	vld [tilespmem:s9+$0x6FA0];
	[tilespmem:s9+$0x6F30] =	vst v3;
	v3 =	vmul.f32 v35, v32  }
0xff: {  	v41 =	vbroadcast v1, $0xD;
	v42 =	vld [tilespmem:s9+$0x6FB0];
	[tilespmem:s9+$0x6F40] =	vst v2;
	v2 =	vmul.f32 v36, v32  }
0x100: {  	v43 =	vld [tilespmem:s9+$0x6FC0];
	[tilespmem:s9+$0x6F50] =	vst v3;
	v3 =	vmul.f32 v37, v32  }
0x101: {  	v44 =	vld [tilespmem:s9+$0x6FD0];
	[tilespmem:s9+$0x6F60] =	vst v2;
	v2 =	vmul.f32 v38, v41  }
0x102: {  	v45 =	vld [tilespmem:s9+$0x6FE0];
	[tilespmem:s9+$0x6F70] =	vst v3;
	v3 =	vmul.f32 v39, v41  }
0x103: {  	v46 =	vld [tilespmem:s9+$0x6FF0];
	[tilespmem:s9+$0x6F80] =	vst v2;
	v2 =	vmul.f32 v40, v41  }
0x104: {  	v47 =	vld [tilespmem:s9+$0x7000];
	[tilespmem:s9+$0x6F90] =	vst v3;
	v3 =	vmul.f32 v42, v41  }
0x105: {  	v48 =	vld [tilespmem:s9+$0x7010];
	[tilespmem:s9+$0x6FA0] =	vst v2;
	v2 =	vmul.f32 v43, v41  }
0x106: {  	v49 =	vld [tilespmem:s9+$0x7020];
	[tilespmem:s9+$0x6FB0] =	vst v3;
	v3 =	vmul.f32 v44, v41  }
0x107: {  	v50 =	vbroadcast v1, $0xE;
	v51 =	vld [tilespmem:s9+$0x7030];
	[tilespmem:s9+$0x6FC0] =	vst v2;
	v2 =	vmul.f32 v45, v41  }
0x108: {  	v52 =	vld [tilespmem:s9+$0x7040];
	[tilespmem:s9+$0x6FD0] =	vst v3;
	v3 =	vmul.f32 v46, v41  }
0x109: {  	v53 =	vld [tilespmem:s9+$0x7050];
	[tilespmem:s9+$0x6FE0] =	vst v2;
	v2 =	vmul.f32 v47, v50  }
0x10a: {  	v54 =	vld [tilespmem:s9+$0x7060];
	[tilespmem:s9+$0x6FF0] =	vst v3;
	v3 =	vmul.f32 v48, v50  }
0x10b: {  	v55 =	vld [tilespmem:s9+$0x7070];
	[tilespmem:s9+$0x7000] =	vst v2;
	v2 =	vmul.f32 v49, v50  }
0x10c: {  	v56 =	vld [tilespmem:s9+$0x7080];
	[tilespmem:s9+$0x7010] =	vst v3;
	v3 =	vmul.f32 v51, v50  }
0x10d: {  	v57 =	vld [tilespmem:s9+$0x7090];
	[tilespmem:s9+$0x7020] =	vst v2;
	v2 =	vmul.f32 v52, v50  }
0x10e: {  	v58 =	vld [tilespmem:s9+$0x70A0];
	[tilespmem:s9+$0x7030] =	vst v3;
	v3 =	vmul.f32 v53, v50  }
0x10f: {  	v1 =	vbroadcast v1, $0xF;
	v59 =	vld [tilespmem:s9+$0x70B0];
	[tilespmem:s9+$0x7040] =	vst v2;
	v2 =	vmul.f32 v54, v50  }
0x110: {  	v60 =	vld [tilespmem:s9+$0x70C0];
	[tilespmem:s9+$0x7050] =	vst v3;
	v3 =	vmul.f32 v55, v50  }
0x111: {  	v61 =	vld [tilespmem:s9+$0x70D0];
	[tilespmem:s9+$0x7060] =	vst v2;
	v2 =	vmul.f32 v56, v1  }
0x112: {  	v62 =	vld [tilespmem:s9+$0x70E0];
	[tilespmem:s9+$0x7070] =	vst v3;
	v3 =	vmul.f32 v57, v1  }
0x113: {  	v63 =	vld [tilespmem:s9+$0x70F0];
	[tilespmem:s9+$0x7080] =	vst v2;
	v2 =	vmul.f32 v58, v1  }
0x114: {  	[tilespmem:s9+$0x7090] =	vst v3;
	v3 =	vmul.f32 v59, v1  }
0x115: {  	p1 =	sne.s32 s8, $0x4;
	[tilespmem:s9+$0x70A0] =	vst v2;
	v2 =	vmul.f32 v60, v1  }
.Ltmp1:
0x116: {  	[tilespmem:s9+$0x70B0] =	vst v3;
	v3 =	vmul.f32 v61, v1;
	(pc) =	sbr.rel @p1 .LBB2_5-.Ltmp1, $4  }
0x117: {  	[tilespmem:s9+$0x70C0] =	vst v2;
	v2 =	vmul.f32 v62, v1  }
0x118: {  	[tilespmem:s9+$0x70D0] =	vst v3;
	v1 =	vmul.f32 v63, v1  }
0x119: {  	[tilespmem:s9+$0x70E0] =	vst v2  }
0x11a: {  	s8 =	sadd.s32 $0x1, s8;
	[tilespmem:s9+$0x70F0] =	vst v1  }
0x11b: {  	s4 =	sadd.s32 $0x1, s4  }
0x11c: {  	p1 =	sne.s32 s4, $0x7D  }
.Ltmp2:
0x11d: {  	_ = 	snop;
	(pc) =	sbr.rel @p1 .LBB2_4-.Ltmp2, $4  }
0x11e: {  	[spmem:s3] =	stream.indirect.scatter.add.f32 [tilespmem:s0], [sflag:$0x2], $0x80, s7, s31, $0xb8;
	[tilespmem:$0x1C980] =	vst v63  }
0x11f: {  	_ =	swait.ge [sflag:s28], $0x2800  }
0x120: {  	[sflag:s28] =	ssyncset.done $0x0  }
0x121: {  	[sflag:s28] =	ssyncadd.s32 $0xFFFFD800  }
0x122: {  	[bflag:$0x0] =	sbarrier.arrive $0xFFFF;
	s2 =	sshrl.u32 @p0 s15, $0x3;
	s4 =	simm.s32 @p0 $0x1FC2  }
0x123: {  	[hbm:s24], [sflag:s4] =	dma.local @p0 [spmem:s2], $0x2080  }
0x124: {  	s2 =	simm.s32 @p0 $0x2  }
0x125: {  	s29 =	sadd.s32 $0x1, s29;
	s4 =	stileid.u32;
	_ =	swait.ge @p0 [sflag:s2], $0x2080  }
0x126: {  	p1 =	sne.s32 s29, s25;
	s4 =	sshll.u32 @!p0 s4, $0x6;
	[sflag:s2] =	ssyncset.done @p0 $0x0  }
0x127: {  	[sflag:s2] =	ssyncadd.s32 @p0 $0xFFFFDF80;
	s2 =	sor.u32 @!p0 $0x1C02, s4;
	s4 =	sshrl.u32 @!p0 s6, $0x3  }
0x128: {  	[hbm:s21], [sflag:s2] =	dma.local @!p0 [spmem:s4], $0x2780  }
.Ltmp3:
0x129: {  	_ = 	snop;
	(pc) =	sbr.rel @p1 .LBB2_1-.Ltmp3, $4  }
0x12a: {  	s2 =	simm.s32 @!p0 $0x2  }
0x12b: {  	_ =	swait.ge @!p0 [sflag:s2], $0x2780  }
0x12c: {  	[sflag:s2] =	ssyncset.done @!p0 $0x0  }
0x12d: {  	[sflag:s2] =	ssyncadd.s32 @!p0 $0xFFFFD880  }
0x12e: {  	_ =	sfence.sel $0x180000  }
0x12f: {  	[bflag:$0x0] =	sbarrier.arrive $0xFFFF  }
0x130: {  	_ =	strace $0x9000004D  }
0x131: {  	s0 =	stileid.u32;
	[bflag:$0x2] =	sbarrier.arrive $0xFFFF  }
0x132: {  	p0 =	sne.s32 s0, $0x0;
	s0 =	rddreg [dreg:$0x4]  }
0x133: {  	s0 =	sadd.s32 @!p0 $0x100000, s0  }
0x134: {  	[sflag:s0] =	ssyncadd.tile.s32 @!p0 $0x1;
	_ =	shalt  }
.Lfunc_end2:
_tile_overlayer_lowered:
.L_overlay_start_2:
0x135: {  	(tag) =	ssettag $0x2  }
0x136: {  	s0 =	rddreg [dreg:$0x0];
	s2 =	stileid.u32  }
0x137: {  	s1 =	rddreg [dreg:$0x1];
	p0 =	sne.s32 s2, $0x0  }
0x138: {  	s3 =	rddreg [dreg:$0x2];
	[bflag:$0x3] =	sbarrier.arrive $0xFFFF;
	s2 =	simm.s32 @!p0 $0x1C02  }
0x139: {  	[timem:s3], [sflag:s2] =	dma.local @!p0 [hbm:s0], s1  }
0x13a: {  	s0 =	simm.s32 @!p0 $0x2  }
0x13b: {  	_ =	swait.ge @!p0 [sflag:s0], s1  }
0x13c: {  	s1 =	ssub.s32 @!p0 $0x0, s1;
	[sflag:s0] =	ssyncset.done @!p0 $0x0  }
0x13d: {  	[sflag:s0] =	ssyncadd.s32 @!p0 s1  }
0x13e: {  	[bflag:$0x3] =	sbarrier.arrive $0xFFFF  }
0x13f: {  	_ =	shalt  }

// kernel: kernel.17.cloned.1.call-start
scs
__scs_entry_jumppad:
0x0: {  	(pc) =	sbr.rel $0x88, $3  }
0x1: {  	(tag) =	ssettag $0x0;
	lr =	simm.s32 $0x1  }
0x2: {  	[smem:$0x3F94] =	sst lr;
	_ =	strace $0xD0000000  }
0x3: {  	_ = 	snop  }
0x4: {  	_ = 	snop  }
0x5: {  	_ = 	snop  }
0x6: {  	_ = 	snop  }
0x7: {  	_ = 	snop  }
__scs_overlays_trampoline_lowered:
0x8: {  	[smem:$0x3FA3] =	sst s0  }
0x9: {  	[smem:$0x3FA4] =	sst s1  }
0xa: {  	[smem:$0x3FA5] =	sst s2  }
0xb: {  	[smem:$0x3FA6] =	sst s3  }
0xc: {  	[smem:$0x3FA7] =	sst s4  }
0xd: {  	[smem:$0x3FA8] =	sst s5  }
0xe: {  	[smem:$0x3FA9] =	sst s6  }
0xf: {  	[smem:$0x3FAA] =	sst s7  }
0x10: {  	[smem:$0x3FAB] =	sst s8  }
0x11: {  	[smem:$0x3FAC] =	sst s9;
	s0 =	simm.s32 @!p0 $0x0  }
0x12: {  	s1 =	sld [smem:$0x3F92];
	s0 =	simm.s32 @p0 $0x1  }
0x13: {  	[smem:$0x3FAD] =	sst s0;
	s0 =	simm.s32 @!p1 $0x0  }
0x14: {  	s2 =	sld [smem:$0x3F91];
	s0 =	simm.s32 @p1 $0x1  }
0x15: {  	[smem:$0x3FAE] =	sst s0;
	s0 =	simm.s32 @!p2 $0x0  }
0x16: {  	s3 =	sld [smem:$0x3FDB];
	s0 =	simm.s32 @p2 $0x1  }
0x17: {  	s4 =	simm.s32 $0x1BF5;
	[smem:$0x3FB0] =	sst s0  }
0x18: {  	s0 =	sld [smem:$0x3F93];
	_ =	swait.ge [sflag:s4], $0x0  }
0x19: {  	s7 =	sld [smem:$0x3F94]  }
0x1a: {  	s8 =	sadd.s32 $0xFFFFE003, lr  }
0x1b: {  	s9 =	sadd.s32 $0xFFFFFEF7, lr;
	s5 =	simm.s32 $0xFFFFFFFF;
	p2 =	slt.u32 s8, $0xFFFFF086  }
0x1c: {  	p1 =	slt.u32 s9, $0xF7A;
	s5 =	simm.s32 @!p2 $0x0  }
0x1d: {  	s5 =	simm.s32 @p1 $0x1;
	p0 =	seq.s32 s7, s2  }
0x1e: {  	s7 =	smul.u32 @!p0 $0xF7A, s2;
	p2 =	seq.s32 @!p0 s5, $0x0  }
0x1f: {  	s9 =	smul.u32 $0xF7A, s1;
	s8 =	simm.s32 @!p0 $0x1BF5;
	p2 =	por !p2, p0  }
0x20: {  	[sflag:s8] =	ssyncset.s32 @!p0 $0xFFFFF086;
	s6 =	sadd.s32 @!p0 s3, s7;
	s7 =	simm.s32 @!p0 $0x108  }
0x21: {  	s3 =	sadd.s32 s3, s9;
	s6 =	sadd.s32 @!p0 $0x88, s6;
	s7 =	simm.s32 @p2 $0x1082  }
0x22: {  	[simem:s7], [sflag:s8] =	dma.local @!p0 [hbm:s6], $0xF7A  }
0x23: {  	s9 =	sor.u32 $0xD0000000, s2;
	s6 =	simm.s32 $0x108;
	_ =	swait.ge @!p0 [sflag:s8], $0x0  }
0x24: {  	s3 =	sadd.s32 $0x88, s3;
	s6 =	simm.s32 @!p1 $0x1082;
	[sflag:s4] =	ssyncset.s32 $0xFFFFF086  }
0x25: {  	[simem:s6], [sflag:s4] =	dma.local [hbm:s3], $0xF7A  }
0x26: {  	[smem:$0x3F94] =	sst s1;
	(tag) =	ssettag s2;
	_ =	strace s9  }
0x27: {  	s1 =	sld [smem:$0x3FA4]  }
0x28: {  	s2 =	sld [smem:$0x3FA5]  }
0x29: {  	s4 =	sld [smem:$0x3FA7]  }
0x2a: {  	p0 =	seq.s32 s5, $0x0;
	s5 =	sld [smem:$0x3FA8]  }
0x2b: {  	s6 =	sld [smem:$0x3FA9]  }
0x2c: {  	s7 =	sld [smem:$0x3FAA]  }
0x2d: {  	s3 =	simm.s32 $0x108;
	s8 =	sld [smem:$0x3FAB]  }
0x2e: {  	s3 =	simm.s32 @!p0 $0x1082;
	s9 =	sld [smem:$0x3FAC]  }
0x2f: {  	lr =	sadd.s32 s0, s3;
	s0 =	sld [smem:$0x3FA3]  }
0x30: {  	s3 =	sld [smem:$0x3FA6]  }
0x31: {  	[smem:$0x3FAF] =	sst s10  }
0x32: {  	s10 =	sld [smem:$0x3FAD];
	_ =	sdelay $0x3  }
0x33: {  	p0 =	seq.s32 s10, $0x1;
	s10 =	sld [smem:$0x3FAF];
	_ =	sdelay $0x3  }
0x34: {  	[smem:$0x3FAF] =	sst s10  }
0x35: {  	s10 =	sld [smem:$0x3FAE];
	_ =	sdelay $0x3  }
0x36: {  	p1 =	seq.s32 s10, $0x1;
	s10 =	sld [smem:$0x3FAF];
	_ =	sdelay $0x3  }
0x37: {  	[smem:$0x3FAF] =	sst s10  }
0x38: {  	s10 =	sld [smem:$0x3FB0]  }
0x39: {  	_ = 	snop;
	(pc) =	sbr.ind lr, $3  }
0x3a: {  	_ = 	snop  }
0x3b: {  	_ = 	snop  }
0x3c: {  	p2 =	seq.s32 s10, $0x1;
	s10 =	sld [smem:$0x3FAF]  }
0x3d: {  	_ =	shalt  }
0x3e: {  	_ =	shalt  }
0x3f: {  	_ =	shalt  }
0x40: {  	_ =	shalt  }
0x41: {  	_ =	shalt  }
0x42: {  	_ =	shalt  }
0x43: {  	_ =	shalt  }
0x44: {  	_ =	shalt  }
0x45: {  	_ =	shalt  }
0x46: {  	_ =	shalt  }
0x47: {  	_ =	shalt  }
0x48: {  	_ =	shalt  }
0x49: {  	_ =	shalt  }
0x4a: {  	_ =	shalt  }
0x4b: {  	_ =	shalt  }
0x4c: {  	_ =	shalt  }
0x4d: {  	_ =	shalt  }
0x4e: {  	_ =	shalt  }
0x4f: {  	_ =	shalt  }
0x50: {  	_ =	shalt  }
0x51: {  	_ =	shalt  }
0x52: {  	_ =	shalt  }
0x53: {  	_ =	shalt  }
0x54: {  	_ =	shalt  }
0x55: {  	_ =	shalt  }
0x56: {  	_ =	shalt  }
0x57: {  	_ =	shalt  }
0x58: {  	_ =	shalt  }
0x59: {  	_ =	shalt  }
0x5a: {  	_ =	shalt  }
0x5b: {  	_ =	shalt  }
0x5c: {  	_ =	shalt  }
0x5d: {  	_ =	shalt  }
0x5e: {  	_ =	shalt  }
0x5f: {  	_ =	shalt  }
0x60: {  	_ =	shalt  }
0x61: {  	_ =	shalt  }
0x62: {  	_ =	shalt  }
0x63: {  	_ =	shalt  }
0x64: {  	_ =	shalt  }
0x65: {  	_ =	shalt  }
0x66: {  	_ =	shalt  }
0x67: {  	_ =	shalt  }
0x68: {  	_ =	shalt  }
0x69: {  	_ =	shalt  }
0x6a: {  	_ =	shalt  }
0x6b: {  	_ =	shalt  }
0x6c: {  	_ =	shalt  }
0x6d: {  	_ =	shalt  }
0x6e: {  	_ =	shalt  }
0x6f: {  	_ =	shalt  }
0x70: {  	_ =	shalt  }
0x71: {  	_ =	shalt  }
0x72: {  	_ =	shalt  }
0x73: {  	_ =	shalt  }
0x74: {  	_ =	shalt  }
0x75: {  	_ =	shalt  }
0x76: {  	_ =	shalt  }
0x77: {  	_ =	shalt  }
0x78: {  	_ =	shalt  }
0x79: {  	_ =	shalt  }
0x7a: {  	_ =	shalt  }
0x7b: {  	_ =	shalt  }
0x7c: {  	_ =	shalt  }
0x7d: {  	_ =	shalt  }
0x7e: {  	_ =	shalt  }
0x7f: {  	_ =	shalt  }
0x80: {  	_ =	shalt  }
0x81: {  	_ =	shalt  }
0x82: {  	_ =	shalt  }
0x83: {  	_ =	shalt  }
0x84: {  	_ =	shalt  }
0x85: {  	_ =	shalt  }
0x86: {  	_ =	shalt  }
0x87: {  	_ =	shalt  }
.Lfunc_end0:
.L_simem_size_0:
called_computation.2_lowered:
.L_overlay_start_0:
0x88: {  	s2 =	sld [smem:$0x3FD9]  }
0x89: {  	s3 =	sld [smem:$0x3FFE];
	_ =	sdelay $0x1  }
0x8a: {  	s1 =	srdreg.scid  }
0x8b: {  	s0 =	sand.u32 $0x1, s1  }
0x8c: {  	s15 =	sshll.u32 s0, $0xA;
	s2 =	sadd.s32 s3, s2  }
0x8d: {  	s2 =	sadd.s32 s2, s15  }
0x8e: {  	[smem:$0x3FBB] =	sst s2  }
0x8f: {  	_ = 	snop  }
0x90: {  	s16 =	sld [smem:$0x3FD0];
	_ =	sdelay $0x2  }
0x91: {  	s5 =	simm.s32 $0xB;
	s4 =	simm.s32 $0x10;
	s2 =	sld [smem:$0x3FBF]  }
0x92: {  	[smem:s4], [sflag:s5] =	dma.local [hbm:s16], $0x1  }
0x93: {  	_ =	swait.eq [sflag:s5], $0x1  }
0x94: {  	[sflag:s5] =	ssyncset.done $0x0  }
0x95: {  	s17 =	sld [smem:$0x14];
	[sflag:s5] =	ssyncadd.s32 $0xFFFFFFFF  }
0x96: {  	s18 =	sld [smem:$0x16];
	(tm) =	ssettm $0x1  }
0x97: {  	s19 =	sld [smem:$0x3FFB];
	_ =	sdelay $0x3  }
0x98: {  	_ =	strace s19  }
0x99: {  	s3 =	sld [smem:$0x3FFC];
	_ =	sdelay $0x3  }
0x9a: {  	_ =	strace s3  }
0x9b: {  	s3 =	sld [smem:$0x3FFD];
	_ =	sdelay $0x3  }
0x9c: {  	_ =	strace s3  }
0x9d: {  	_ =	strace $0x8FFFFFFF  }
0x9e: {  	s20 =	sld [smem:$0x3FDB];
	_ =	sdelay $0x1  }
0x9f: {  	s6 =	simm.s32 $_scs_section_size  }
0xa0: {  	s7 =	simm.s32 $_size__tile_overlayer_lowered;
	s8 =	simm.s32 $_tile_overlayer_lowered  }
0xa1: {  	s9 =	simm.s32 $0x1BFF;
	s21 =	sshll.u32 s8, $0x1;
	s6 =	sadd.s32 s6, s20  }
0xa2: {  	s22 =	simm.s32 $0x0;
	s7 =	sshll.u32 s7, $0x1;
	s8 =	sadd.s32 s21, s6  }
0xa3: {  	[timem:s22], [sflag:s9] =	dma.local [hbm:s8], s7  }
0xa4: {  	_ =	swait.ge [sflag:s9], s7  }
0xa5: {  	s7 =	ssub.s32 $0x0, s7;
	[sflag:s9] =	ssyncset.done $0x0  }
0xa6: {  	[sflag:s9] =	ssyncadd.s32 s7;
	_ =	sdelay $0x1  }
0xa7: {  	s23 =	simm.s32 $0x1B8B  }
0xa8: {  	_ =	swait.ge [sflag:s23], $0x1  }
0xa9: {  	[sflag:s23] =	ssyncset.done $0x0  }
0xaa: {  	[sflag:s23] =	ssyncadd.s32 $0xFFFFFFFF  }
0xab: {  	s7 =	sld [smem:$0x0]  }
0xac: {  	s8 =	sand.u32 $0xFFFFFFFE, s1  }
0xad: {  	p0 =	sne.s32 s1, s8  }
0xae: {  	s8 =	sshll.u32 @p0 s8, $0xE  }
0xaf: {  	s8 =	sadd.s32 @p0 $0x11B8D, s8;
	s9 =	sshll.u32 @p0 s7, $0x11  }
0xb0: {  	s8 =	sor.u32 @p0 s9, s8  }
0xb1: {  	[sflag:s8] =	ssyncadd.remote.s32 @p0 $0x1;
	_ =	sdelay $0x1  }
0xb2: {  	s8 =	simm.s32 @p0 $0x1B8D  }
0xb3: {  	_ =	swait.eq @p0 [sflag:s8], $0x1  }
0xb4: {  	[sflag:s8] =	ssyncadd.s32 @p0 $0xFFFFFFFF  }
0xb5: {  	s9 =	sshll.u32 @!p0 s1, $0xE  }
0xb6: {  	s9 =	sor.u32 @!p0 $0x4000, s9;
	s8 =	simm.s32 @!p0 $0x1B8D  }
0xb7: {  	s7 =	sshll.u32 @!p0 s7, $0x11;
	s9 =	sadd.s32 @!p0 $0x11B8D, s9;
	_ =	swait.eq @!p0 [sflag:s8], $0x1  }
0xb8: {  	s7 =	sor.u32 @!p0 s7, s9;
	[sflag:s8] =	ssyncadd.s32 @!p0 $0xFFFFFFFF  }
0xb9: {  	s25 =	simm.s32 $0x1B8E;
	s24 =	sld [smem:$0x3FFE];
	[sflag:s7] =	ssyncadd.remote.s32 @!p0 $0x1  }
0xba: {  	s26 =	simm.s32 $execute0_lowered;
	[smem:$0x3FD2] =	sst s25  }
0xbb: {  	s8 =	sshll.u32 s26, $0x1;
	_ =	strace $0x80000049;
	[dreg:$0x1] =	wrdreg $0xFFFFFFFF  }
0xbc: {  	s28 =	simm.s32 $_size_execute0_lowered;
	s6 =	sadd.s32 s6, s8;
	[dreg:$0x0] =	wrdreg $0x0  }
0xbd: {  	s8 =	sshll.u32 s28, $0x1;
	[dreg:$0x2] =	wrdreg s6  }
0xbe: {  	[dreg:$0x3] =	wrdreg s8  }
0xbf: {  	[dreg:$0x4] =	wrdreg $0xC0  }
0xc0: {  	_ =	task [dreg:s22], $0x5FFFF  }
0xc1: {  	[dreg:$0x1] =	wrdreg $0xFFFFFFFF  }
0xc2: {  	[dreg:$0x0] =	wrdreg $0x60  }
0xc3: {  	[dreg:$0x2] =	wrdreg s24  }
0xc4: {  	[dreg:$0x3] =	wrdreg s2  }
0xc5: {  	[dreg:$0x4] =	wrdreg s18  }
0xc6: {  	[dreg:$0x5] =	wrdreg s17  }
0xc7: {  	[dreg:$0x6] =	wrdreg $0xA  }
0xc8: {  	_ =	task.clear_ibuf [dreg:s22], $0x7FFFF;
	_ =	strace $0x90000049  }
0xc9: {  	s29 =	simm.s32 $0xA;
	_ =	strace $0x8000004B  }
0xca: {  	_ =	swait.ge [sflag:s29], $0x1  }
0xcb: {  	[sflag:s29] =	ssyncadd.s32 $0xFFFFFFFF  }
0xcc: {  	_ =	strace $0x9000004B  }
0xcd: {  	_ =	sfence  }
0xce: {  	s30 =	sld [smem:$0x0];
	_ =	sdelay $0x2  }
0xcf: {  	s31 =	sshll.u32 s1, $0xD;
	s1 =	sshrl.u32 s1, $0x2  }
0xd0: {  	s4 =	sand.u32 $0x4000, s31;
	s1 =	sadd.s32 s1, s30  }
0xd1: {  	s0 =	sor.u32 s4, s0;
	s1 =	sshll.u32 s1, $0x11  }
0xd2: {  	s0 =	sor.u32 s1, s0  }
0xd3: {  	s0 =	sadd.s32 $0x8F2B, s0  }
0xd4: {  	[sflag:s0] =	ssyncadd.remote.s32 $0x1  }
0xd5: {  	_ =	sfence.sel $0xFFFF  }
0xd6: {  	[dreg:$0x0] =	wrdreg $0xFFFFFFFF;
	(pc) =	sbr.abs _section_cstart, $3  }
0xd7: {  	[dreg:$0x1] =	wrdreg $0xFFFFFFFF  }
0xd8: {  	_ =	task.clear_ibuf [dreg:s22], $0x2FFFF;
	_ =	strace $0x9FFFFFFF  }
0xd9: {  	(tm) =	ssettm $0x7FFFFFFF  }
tec
execute0_lowered:
.L_overlay_start_1:
0x0: {  	(tag) =	ssettag $0x1  }
0x1: {  	s4 =	rddreg [dreg:$0x0]  }
0x2: {  	s1 =	rddreg [dreg:$0x1]  }
0x3: {  	s5 =	rddreg [dreg:$0x2]  }
0x4: {  	s2 =	srdreg.scid;
	s0 =	stileid.u32  }
0x5: {  	s6 =	rddreg [dreg:$0x3];
	s3 =	simm.s32 $0x0;
	s10 =	simm.s32 $0x100  }
0x6: {  	s11 =	simm.s32 $0x1;
	s12 =	simm.s32 $0x4100;
	s13 =	simm.s32 $0x0  }
0x7: {  	s7 =	sand.u32 $0x1, s2;
	s8 =	sshll.u32 s0, $0x1;
	s2 =	rddreg [dreg:$0x4]  }
0x8: {  	[smem:$0x7FF] =	sst s3;
	s8 =	sor.u32 s7, s8;
	s7 =	ssub.s32 $0x2, s7  }
0x9: {  	_ =	strace $0x8000004A;
	s9 =	sshll.u32 s8, $0x5;
	s31 =	sshrl.u32 s7, $0x1  }
0xa: {  	s8 =	sshll.u32 s8, $0xB;
	s4 =	sadd.s32 s9, s4;
	s7 =	ssub.s32 s7, s31  }
0xb: {  	s5 =	sadd.s32 s5, s8;
	s6 =	sadd.s32 s6, s8;
	s8 =	simm.s32 $0x2  }
0xc: {  	s9 =	simm.s32 $0x80;
	s4 =	sadd.s32 $0x58A00, s4;
	s7 =	smax.u32 s7, $0x1  }
.LBB2_1:
0xd: {  	[tilespmem:s3], [sflag:$0x2] =	stream.linear.gather [hbm4b:s4+s3], $0x100, $0x38;
	[tilespmem:$0x8100] =	vst v63  }
0xe: {  	_ =	swait.ge [sflag:s8], $0x100  }
0xf: {  	[sflag:s8] =	ssyncset.done $0x0  }
0x10: {  	[sflag:s8] =	ssyncadd.s32 $0xFFFFFF00  }
0x11: {  	[tilespmem:s10], [sflag:$0x1] =	stream.indirect.gather [hbm4b:s1+s9], $0x80, s3, s9, $0xb8;
	[tilespmem:$0x8100] =	vst v63  }
0x12: {  	_ =	swait.ge [sflag:s11], $0x4000  }
0x13: {  	[sflag:s11] =	ssyncset.done $0x0  }
0x14: {  	[sflag:s11] =	ssyncadd.s32 $0xFFFFC000  }
0x15: {  	[tilespmem:s12], [sflag:$0x1] =	stream.indirect.gather [hbm4b:s1+s9], $0x80, s9, s9, $0xb8;
	[tilespmem:$0x8100] =	vst v63  }
0x16: {  	_ =	swait.ge [sflag:s11], $0x4000  }
0x17: {  	[sflag:s11] =	ssyncset.done $0x0  }
0x18: {  	s14 =	simm.s32 $0x0;
	[sflag:s11] =	ssyncadd.s32 $0xFFFFC000  }
0x19: {  	v7 =	vld [tilespmem:s14+$0x100]  }
0x1a: {  	v11 =	vld [tilespmem:s14+$0x110]  }
0x1b: {  	v5 =	vld [tilespmem:s14+$0x120]  }
0x1c: {  	v4 =	vld [tilespmem:s14+$0x130]  }
0x1d: {  	v3 =	vld [tilespmem:s14+$0x140]  }
0x1e: {  	v2 =	vld [tilespmem:s14+$0x150]  }
0x1f: {  	v1 =	vld [tilespmem:s14+$0x160]  }
0x20: {  	v0 =	vld [tilespmem:s14+$0x170]  }
0x21: {  	v12 =	vld [tilespmem:s14+$0x4100]  }
0x22: {  	v13 =	vld [tilespmem:s14+$0x4110]  }
0x23: {  	v10 =	vld [tilespmem:s14+$0x4120]  }
0x24: {  	v9 =	vld [tilespmem:s14+$0x4130]  }
0x25: {  	v8 =	vld [tilespmem:s14+$0x4140]  }
0x26: {  	v6 =	vld [tilespmem:s14+$0x4150];
	v12 =	vmul.f32 v7, v12  }
0x27: {  	s15 =	simm.s32 $0x200;
	v11 =	vmul.f32 v11, v13;
	v7 =	vld [tilespmem:s14+$0x4160]  }
.LBB2_2:
0x28: {  	s16 =	sshra.s32 s15, $0x2;
	p0 =	sne.s32 s15, $0xFE00;
	[tilespmem:s14+$0x4100] =	vst v12;
	v5 =	vmul.f32 v5, v10;
	v10 =	vld [tilespmem:s14+$0x4170]  }
0x29: {  	v12 =	vld [tilespmem:s16+$0x100];
	[tilespmem:s14+$0x4110] =	vst v11;
	v4 =	vmul.f32 v4, v9  }
0x2a: {  	v11 =	vld [tilespmem:s16+$0x110];
	[tilespmem:s14+$0x4120] =	vst v5;
	v3 =	vmul.f32 v3, v8  }
0x2b: {  	v5 =	vld [tilespmem:s16+$0x120];
	[tilespmem:s14+$0x4130] =	vst v4;
	v2 =	vmul.f32 v2, v6  }
0x2c: {  	v4 =	vld [tilespmem:s16+$0x130];
	[tilespmem:s14+$0x4140] =	vst v3;
	v1 =	vmul.f32 v1, v7  }
0x2d: {  	v3 =	vld [tilespmem:s16+$0x140];
	[tilespmem:s14+$0x4150] =	vst v2;
	v0 =	vmul.f32 v0, v10  }
0x2e: {  	v2 =	vld [tilespmem:s16+$0x150];
	[tilespmem:s14+$0x4160] =	vst v1  }
0x2f: {  	v1 =	vld [tilespmem:s16+$0x160];
	[tilespmem:s14+$0x4170] =	vst v0;
	s14 =	smov.u32 s16  }
0x30: {  	v0 =	vld [tilespmem:s14+$0x170]  }
0x31: {  	v6 =	vld [tilespmem:s14+$0x4100]  }
0x32: {  	v7 =	vld [tilespmem:s14+$0x4110]  }
.Ltmp0:
0x33: {  	v10 =	vld [tilespmem:s14+$0x4120];
	(pc) =	sbr.rel @p0 .LBB2_2-.Ltmp0, $4  }
0x34: {  	v9 =	vld [tilespmem:s14+$0x4130]  }
0x35: {  	v8 =	vld [tilespmem:s14+$0x4140]  }
0x36: {  	v12 =	vmul.f32 v12, v6;
	v6 =	vld [tilespmem:s14+$0x4150]  }
0x37: {  	s15 =	sadd.s32 $0x200, s15;
	v11 =	vmul.f32 v11, v7;
	v7 =	vld [tilespmem:s14+$0x4160]  }
0x38: {  	[tilespmem:s14+$0x4100] =	vst v12;
	v5 =	vmul.f32 v5, v10;
	v63 =	vld [tilespmem:s14+$0x4170]  }
0x39: {  	[tilespmem:s14+$0x4110] =	vst v11;
	v4 =	vmul.f32 v4, v9  }
0x3a: {  	[tilespmem:s14+$0x4120] =	vst v5;
	v3 =	vmul.f32 v3, v8  }
0x3b: {  	[tilespmem:s14+$0x4130] =	vst v4;
	v2 =	vmul.f32 v2, v6  }
0x3c: {  	[tilespmem:s14+$0x4140] =	vst v3;
	v1 =	vmul.f32 v1, v7  }
0x3d: {  	[tilespmem:s14+$0x4150] =	vst v2;
	v0 =	vmul.f32 v0, v63  }
0x3e: {  	[tilespmem:s14+$0x4160] =	vst v1  }
0x3f: {  	[tilespmem:s14+$0x4170] =	vst v0  }
0x40: {  	[hbm4b:s5+s3] =	stream.linear.scatter [tilespmem:s10], [sflag:$0x2], $0x4000, $0x38;
	[tilespmem:$0x8100] =	vst v63  }
0x41: {  	s13 =	sadd.s32 $0x1, s13;
	_ =	swait.ge [sflag:s8], $0x4000  }
0x42: {  	p0 =	sne.s32 s13, s7;
	[sflag:s8] =	ssyncset.done $0x0  }
.Ltmp1:
0x43: {  	[sflag:s8] =	ssyncadd.s32 $0xFFFFC000;
	(pc) =	sbr.rel @p0 .LBB2_1-.Ltmp1, $4  }
0x44: {  	[hbm4b:s6+s3] =	stream.linear.scatter [tilespmem:s12], [sflag:$0x2], $0x4000, $0x38;
	[tilespmem:$0x8100] =	vst v63  }
0x45: {  	_ =	swait.ge [sflag:s8], $0x4000  }
0x46: {  	[sflag:s8] =	ssyncset.done $0x0  }
0x47: {  	[sflag:s8] =	ssyncadd.s32 $0xFFFFC000  }
0x48: {  	_ =	sfence.sel $0x180000  }
0x49: {  	[bflag:$0x0] =	sbarrier.arrive $0xFFFF  }
0x4a: {  	p0 =	sne.s32 s0, $0x0;
	_ =	strace $0x9000004A  }
0x4b: {  	s0 =	sadd.s32 @!p0 $0x100000, s2;
	[bflag:$0x2] =	sbarrier.arrive $0xFFFF  }
0x4c: {  	[sflag:s0] =	ssyncadd.tile.s32 @!p0 $0x1;
	_ =	shalt  }
.Lfunc_end2:
_tile_overlayer_lowered:
.L_overlay_start_2:
0x4d: {  	(tag) =	ssettag $0x2  }
0x4e: {  	s0 =	rddreg [dreg:$0x0];
	s2 =	stileid.u32  }
0x4f: {  	s1 =	rddreg [dreg:$0x1];
	p0 =	sne.s32 s2, $0x0  }
0x50: {  	s3 =	rddreg [dreg:$0x2];
	[bflag:$0x3] =	sbarrier.arrive $0xFFFF;
	s2 =	simm.s32 @!p0 $0x1C02  }
0x51: {  	[timem:s3], [sflag:s2] =	dma.local @!p0 [hbm:s0], s1  }
0x52: {  	s0 =	simm.s32 @!p0 $0x2  }
0x53: {  	_ =	swait.ge @!p0 [sflag:s0], s1  }
0x54: {  	s1 =	ssub.s32 @!p0 $0x0, s1;
	[sflag:s0] =	ssyncset.done @!p0 $0x0  }
0x55: {  	[sflag:s0] =	ssyncadd.s32 @!p0 s1  }
0x56: {  	[bflag:$0x3] =	sbarrier.arrive $0xFFFF  }
0x57: {  	_ =	shalt  }

// kernel: kernel.20.cloned.1.call-start
scs
__scs_entry_jumppad:
0x0: {  	(pc) =	sbr.rel $0x88, $3  }
0x1: {  	(tag) =	ssettag $0x0;
	lr =	simm.s32 $0x1  }
0x2: {  	[smem:$0x3F94] =	sst lr;
	_ =	strace $0xD0000000  }
0x3: {  	_ = 	snop  }
0x4: {  	_ = 	snop  }
0x5: {  	_ = 	snop  }
0x6: {  	_ = 	snop  }
0x7: {  	_ = 	snop  }
__scs_overlays_trampoline_lowered:
0x8: {  	[smem:$0x3FA3] =	sst s0  }
0x9: {  	[smem:$0x3FA4] =	sst s1  }
0xa: {  	[smem:$0x3FA5] =	sst s2  }
0xb: {  	[smem:$0x3FA6] =	sst s3  }
0xc: {  	[smem:$0x3FA7] =	sst s4  }
0xd: {  	[smem:$0x3FA8] =	sst s5  }
0xe: {  	[smem:$0x3FA9] =	sst s6  }
0xf: {  	[smem:$0x3FAA] =	sst s7  }
0x10: {  	[smem:$0x3FAB] =	sst s8  }
0x11: {  	[smem:$0x3FAC] =	sst s9;
	s0 =	simm.s32 @!p0 $0x0  }
0x12: {  	s1 =	sld [smem:$0x3F92];
	s0 =	simm.s32 @p0 $0x1  }
0x13: {  	[smem:$0x3FAD] =	sst s0;
	s0 =	simm.s32 @!p1 $0x0  }
0x14: {  	s2 =	sld [smem:$0x3F91];
	s0 =	simm.s32 @p1 $0x1  }
0x15: {  	[smem:$0x3FAE] =	sst s0;
	s0 =	simm.s32 @!p2 $0x0  }
0x16: {  	s3 =	sld [smem:$0x3FDB];
	s0 =	simm.s32 @p2 $0x1  }
0x17: {  	s4 =	simm.s32 $0x1BF5;
	[smem:$0x3FB0] =	sst s0  }
0x18: {  	s0 =	sld [smem:$0x3F93];
	_ =	swait.ge [sflag:s4], $0x0  }
0x19: {  	s7 =	sld [smem:$0x3F94]  }
0x1a: {  	s8 =	sadd.s32 $0xFFFFE003, lr  }
0x1b: {  	s9 =	sadd.s32 $0xFFFFFEF7, lr;
	s5 =	simm.s32 $0xFFFFFFFF;
	p2 =	slt.u32 s8, $0xFFFFF086  }
0x1c: {  	p1 =	slt.u32 s9, $0xF7A;
	s5 =	simm.s32 @!p2 $0x0  }
0x1d: {  	s5 =	simm.s32 @p1 $0x1;
	p0 =	seq.s32 s7, s2  }
0x1e: {  	s7 =	smul.u32 @!p0 $0xF7A, s2;
	p2 =	seq.s32 @!p0 s5, $0x0  }
0x1f: {  	s9 =	smul.u32 $0xF7A, s1;
	s8 =	simm.s32 @!p0 $0x1BF5;
	p2 =	por !p2, p0  }
0x20: {  	[sflag:s8] =	ssyncset.s32 @!p0 $0xFFFFF086;
	s6 =	sadd.s32 @!p0 s3, s7;
	s7 =	simm.s32 @!p0 $0x108  }
0x21: {  	s3 =	sadd.s32 s3, s9;
	s6 =	sadd.s32 @!p0 $0x88, s6;
	s7 =	simm.s32 @p2 $0x1082  }
0x22: {  	[simem:s7], [sflag:s8] =	dma.local @!p0 [hbm:s6], $0xF7A  }
0x23: {  	s9 =	sor.u32 $0xD0000000, s2;
	s6 =	simm.s32 $0x108;
	_ =	swait.ge @!p0 [sflag:s8], $0x0  }
0x24: {  	s3 =	sadd.s32 $0x88, s3;
	s6 =	simm.s32 @!p1 $0x1082;
	[sflag:s4] =	ssyncset.s32 $0xFFFFF086  }
0x25: {  	[simem:s6], [sflag:s4] =	dma.local [hbm:s3], $0xF7A  }
0x26: {  	[smem:$0x3F94] =	sst s1;
	(tag) =	ssettag s2;
	_ =	strace s9  }
0x27: {  	s1 =	sld [smem:$0x3FA4]  }
0x28: {  	s2 =	sld [smem:$0x3FA5]  }
0x29: {  	s4 =	sld [smem:$0x3FA7]  }
0x2a: {  	p0 =	seq.s32 s5, $0x0;
	s5 =	sld [smem:$0x3FA8]  }
0x2b: {  	s6 =	sld [smem:$0x3FA9]  }
0x2c: {  	s7 =	sld [smem:$0x3FAA]  }
0x2d: {  	s3 =	simm.s32 $0x108;
	s8 =	sld [smem:$0x3FAB]  }
0x2e: {  	s3 =	simm.s32 @!p0 $0x1082;
	s9 =	sld [smem:$0x3FAC]  }
0x2f: {  	lr =	sadd.s32 s0, s3;
	s0 =	sld [smem:$0x3FA3]  }
0x30: {  	s3 =	sld [smem:$0x3FA6]  }
0x31: {  	[smem:$0x3FAF] =	sst s10  }
0x32: {  	s10 =	sld [smem:$0x3FAD];
	_ =	sdelay $0x3  }
0x33: {  	p0 =	seq.s32 s10, $0x1;
	s10 =	sld [smem:$0x3FAF];
	_ =	sdelay $0x3  }
0x34: {  	[smem:$0x3FAF] =	sst s10  }
0x35: {  	s10 =	sld [smem:$0x3FAE];
	_ =	sdelay $0x3  }
0x36: {  	p1 =	seq.s32 s10, $0x1;
	s10 =	sld [smem:$0x3FAF];
	_ =	sdelay $0x3  }
0x37: {  	[smem:$0x3FAF] =	sst s10  }
0x38: {  	s10 =	sld [smem:$0x3FB0]  }
0x39: {  	_ = 	snop;
	(pc) =	sbr.ind lr, $3  }
0x3a: {  	_ = 	snop  }
0x3b: {  	_ = 	snop  }
0x3c: {  	p2 =	seq.s32 s10, $0x1;
	s10 =	sld [smem:$0x3FAF]  }
0x3d: {  	_ =	shalt  }
0x3e: {  	_ =	shalt  }
0x3f: {  	_ =	shalt  }
0x40: {  	_ =	shalt  }
0x41: {  	_ =	shalt  }
0x42: {  	_ =	shalt  }
0x43: {  	_ =	shalt  }
0x44: {  	_ =	shalt  }
0x45: {  	_ =	shalt  }
0x46: {  	_ =	shalt  }
0x47: {  	_ =	shalt  }
0x48: {  	_ =	shalt  }
0x49: {  	_ =	shalt  }
0x4a: {  	_ =	shalt  }
0x4b: {  	_ =	shalt  }
0x4c: {  	_ =	shalt  }
0x4d: {  	_ =	shalt  }
0x4e: {  	_ =	shalt  }
0x4f: {  	_ =	shalt  }
0x50: {  	_ =	shalt  }
0x51: {  	_ =	shalt  }
0x52: {  	_ =	shalt  }
0x53: {  	_ =	shalt  }
0x54: {  	_ =	shalt  }
0x55: {  	_ =	shalt  }
0x56: {  	_ =	shalt  }
0x57: {  	_ =	shalt  }
0x58: {  	_ =	shalt  }
0x59: {  	_ =	shalt  }
0x5a: {  	_ =	shalt  }
0x5b: {  	_ =	shalt  }
0x5c: {  	_ =	shalt  }
0x5d: {  	_ =	shalt  }
0x5e: {  	_ =	shalt  }
0x5f: {  	_ =	shalt  }
0x60: {  	_ =	shalt  }
0x61: {  	_ =	shalt  }
0x62: {  	_ =	shalt  }
0x63: {  	_ =	shalt  }
0x64: {  	_ =	shalt  }
0x65: {  	_ =	shalt  }
0x66: {  	_ =	shalt  }
0x67: {  	_ =	shalt  }
0x68: {  	_ =	shalt  }
0x69: {  	_ =	shalt  }
0x6a: {  	_ =	shalt  }
0x6b: {  	_ =	shalt  }
0x6c: {  	_ =	shalt  }
0x6d: {  	_ =	shalt  }
0x6e: {  	_ =	shalt  }
0x6f: {  	_ =	shalt  }
0x70: {  	_ =	shalt  }
0x71: {  	_ =	shalt  }
0x72: {  	_ =	shalt  }
0x73: {  	_ =	shalt  }
0x74: {  	_ =	shalt  }
0x75: {  	_ =	shalt  }
0x76: {  	_ =	shalt  }
0x77: {  	_ =	shalt  }
0x78: {  	_ =	shalt  }
0x79: {  	_ =	shalt  }
0x7a: {  	_ =	shalt  }
0x7b: {  	_ =	shalt  }
0x7c: {  	_ =	shalt  }
0x7d: {  	_ =	shalt  }
0x7e: {  	_ =	shalt  }
0x7f: {  	_ =	shalt  }
0x80: {  	_ =	shalt  }
0x81: {  	_ =	shalt  }
0x82: {  	_ =	shalt  }
0x83: {  	_ =	shalt  }
0x84: {  	_ =	shalt  }
0x85: {  	_ =	shalt  }
0x86: {  	_ =	shalt  }
0x87: {  	_ =	shalt  }
.Lfunc_end0:
.L_simem_size_0:
called_computation.3_lowered:
.L_overlay_start_0:
0x88: {  	s2 =	sld [smem:$0x3FD9]  }
0x89: {  	s3 =	sld [smem:$0x3FFE];
	_ =	sdelay $0x1  }
0x8a: {  	s1 =	srdreg.scid  }
0x8b: {  	s0 =	sand.u32 $0x1, s1  }
0x8c: {  	s15 =	sshll.u32 s0, $0xA;
	s2 =	sadd.s32 s3, s2  }
0x8d: {  	s2 =	sadd.s32 s2, s15  }
0x8e: {  	[smem:$0x3FBB] =	sst s2  }
0x8f: {  	_ = 	snop  }
0x90: {  	s2 =	sld [smem:$0x3FD0];
	_ =	sdelay $0x2  }
0x91: {  	s4 =	simm.s32 $0xB;
	s16 =	simm.s32 $0x10  }
0x92: {  	[smem:s16], [sflag:s4] =	dma.local [hbm:s2], $0x1  }
0x93: {  	_ =	swait.eq [sflag:s4], $0x1  }
0x94: {  	[sflag:s4] =	ssyncset.done $0x0  }
0x95: {  	s17 =	sld [smem:$0x11];
	[sflag:s4] =	ssyncadd.s32 $0xFFFFFFFF  }
0x96: {  	s18 =	sld [smem:$0x16];
	(tm) =	ssettm $0x1  }
0x97: {  	s19 =	sld [smem:$0x3FFB];
	_ =	sdelay $0x3  }
0x98: {  	_ =	strace s19  }
0x99: {  	s2 =	sld [smem:$0x3FFC];
	_ =	sdelay $0x3  }
0x9a: {  	_ =	strace s2  }
0x9b: {  	s2 =	sld [smem:$0x3FFD];
	_ =	sdelay $0x3  }
0x9c: {  	_ =	strace s2  }
0x9d: {  	_ =	strace $0x8FFFFFFF  }
0x9e: {  	s20 =	sld [smem:$0x3FDB];
	_ =	sdelay $0x1  }
0x9f: {  	s5 =	simm.s32 $_scs_section_size  }
0xa0: {  	s6 =	simm.s32 $_size__tile_overlayer_lowered;
	s7 =	simm.s32 $_tile_overlayer_lowered  }
0xa1: {  	s8 =	simm.s32 $0x1BFF;
	s21 =	sshll.u32 s7, $0x1;
	s5 =	sadd.s32 s5, s20  }
0xa2: {  	s22 =	simm.s32 $0x0;
	s6 =	sshll.u32 s6, $0x1;
	s7 =	sadd.s32 s21, s5  }
0xa3: {  	[timem:s22], [sflag:s8] =	dma.local [hbm:s7], s6  }
0xa4: {  	_ =	swait.ge [sflag:s8], s6  }
0xa5: {  	s6 =	ssub.s32 $0x0, s6;
	[sflag:s8] =	ssyncset.done $0x0  }
0xa6: {  	[sflag:s8] =	ssyncadd.s32 s6;
	_ =	sdelay $0x1  }
0xa7: {  	s23 =	simm.s32 $0x1B8B  }
0xa8: {  	_ =	swait.ge [sflag:s23], $0x1  }
0xa9: {  	[sflag:s23] =	ssyncset.done $0x0  }
0xaa: {  	[sflag:s23] =	ssyncadd.s32 $0xFFFFFFFF  }
0xab: {  	s6 =	sld [smem:$0x0]  }
0xac: {  	s7 =	sand.u32 $0xFFFFFFFE, s1  }
0xad: {  	p0 =	sne.s32 s1, s7  }
0xae: {  	s7 =	sshll.u32 @p0 s7, $0xE  }
0xaf: {  	s7 =	sadd.s32 @p0 $0x11B8D, s7;
	s8 =	sshll.u32 @p0 s6, $0x11  }
0xb0: {  	s7 =	sor.u32 @p0 s8, s7  }
0xb1: {  	[sflag:s7] =	ssyncadd.remote.s32 @p0 $0x1;
	_ =	sdelay $0x1  }
0xb2: {  	s7 =	simm.s32 @p0 $0x1B8D  }
0xb3: {  	_ =	swait.eq @p0 [sflag:s7], $0x1  }
0xb4: {  	[sflag:s7] =	ssyncadd.s32 @p0 $0xFFFFFFFF  }
0xb5: {  	s8 =	sshll.u32 @!p0 s1, $0xE  }
0xb6: {  	s8 =	sor.u32 @!p0 $0x4000, s8;
	s7 =	simm.s32 @!p0 $0x1B8D  }
0xb7: {  	s6 =	sshll.u32 @!p0 s6, $0x11;
	s8 =	sadd.s32 @!p0 $0x11B8D, s8;
	_ =	swait.eq @!p0 [sflag:s7], $0x1  }
0xb8: {  	s6 =	sor.u32 @!p0 s6, s8;
	[sflag:s7] =	ssyncadd.s32 @!p0 $0xFFFFFFFF  }
0xb9: {  	s25 =	simm.s32 $0x1B8E;
	s24 =	sld [smem:$0x3FFE];
	[sflag:s6] =	ssyncadd.remote.s32 @!p0 $0x1  }
0xba: {  	s26 =	simm.s32 $execute0_lowered;
	[smem:$0x3FD2] =	sst s25  }
0xbb: {  	s7 =	sshll.u32 s26, $0x1;
	_ =	strace $0x8000004F;
	[dreg:$0x1] =	wrdreg $0xFFFFFFFF  }
0xbc: {  	s28 =	simm.s32 $_size_execute0_lowered;
	s5 =	sadd.s32 s5, s7;
	[dreg:$0x0] =	wrdreg $0x0  }
0xbd: {  	s7 =	sshll.u32 s28, $0x1;
	[dreg:$0x2] =	wrdreg s5  }
0xbe: {  	[dreg:$0x3] =	wrdreg s7  }
0xbf: {  	[dreg:$0x4] =	wrdreg $0xC0  }
0xc0: {  	_ =	task [dreg:s22], $0x5FFFF  }
0xc1: {  	[dreg:$0x1] =	wrdreg $0xFFFFFFFF  }
0xc2: {  	[dreg:$0x0] =	wrdreg $0x60  }
0xc3: {  	[dreg:$0x2] =	wrdreg s17  }
0xc4: {  	[dreg:$0x3] =	wrdreg s18  }
0xc5: {  	[dreg:$0x4] =	wrdreg s24  }
0xc6: {  	[dreg:$0x5] =	wrdreg $0x76000  }
0xc7: {  	[dreg:$0x6] =	wrdreg $0xA  }
0xc8: {  	_ =	task.clear_ibuf [dreg:s22], $0x7FFFF;
	_ =	strace $0x9000004F  }
0xc9: {  	s29 =	simm.s32 $0xA;
	_ =	strace $0x80000051  }
0xca: {  	_ =	swait.ge [sflag:s29], $0x1  }
0xcb: {  	[sflag:s29] =	ssyncadd.s32 $0xFFFFFFFF  }
0xcc: {  	_ =	strace $0x90000051  }
0xcd: {  	_ =	sfence  }
0xce: {  	s30 =	sld [smem:$0x0];
	_ =	sdelay $0x2  }
0xcf: {  	s31 =	sshll.u32 s1, $0xD;
	s1 =	sshrl.u32 s1, $0x2  }
0xd0: {  	s4 =	sand.u32 $0x4000, s31;
	s1 =	sadd.s32 s1, s30  }
0xd1: {  	s0 =	sor.u32 s4, s0;
	s1 =	sshll.u32 s1, $0x11  }
0xd2: {  	s0 =	sor.u32 s1, s0  }
0xd3: {  	s0 =	sadd.s32 $0x8F2B, s0  }
0xd4: {  	[sflag:s0] =	ssyncadd.remote.s32 $0x1  }
0xd5: {  	_ =	sfence.sel $0xFFFF  }
0xd6: {  	[dreg:$0x0] =	wrdreg $0xFFFFFFFF;
	(pc) =	sbr.abs _section_cstart, $3  }
0xd7: {  	[dreg:$0x1] =	wrdreg $0xFFFFFFFF  }
0xd8: {  	_ =	task.clear_ibuf [dreg:s22], $0x2FFFF;
	_ =	strace $0x9FFFFFFF  }
0xd9: {  	(tm) =	ssettm $0x7FFFFFFF  }
tec
execute0_lowered:
.L_overlay_start_1:
0x0: {  	(tag) =	ssettag $0x1  }
0x1: {  	s12 =	rddreg [dreg:$0x0]  }
0x2: {  	s17 =	rddreg [dreg:$0x1]  }
0x3: {  	s4 =	rddreg [dreg:$0x2]  }
0x4: {  	s2 =	rddreg [dreg:$0x3]  }
0x5: {  	s1 =	stileid.u32;
	s3 =	simm.s32 $0x0;
	s5 =	srdreg.scid  }
0x6: {  	s25 =	simm.s32 $0x200;
	s26 =	simm.s32 $0x80;
	s28 =	simm.s32 $0x0  }
0x7: {  	s6 =	smul.u32 $0x4F000, s1;
	[smem:$0x7FF] =	sst s3;
	s18 =	sand.u32 $0x1, s5  }
0x8: {  	s21 =	sadd.s32 $0x70800, s4;
	s13 =	sshll.u32 s1, $0x6;
	s11 =	sadd.s32 $0x128400, s2  }
0x9: {  	s14 =	sadd.s32 $0x12EC00, s2;
	s20 =	sshll.u32 s1, $0xC;
	s22 =	smul.u32 $0x13C00, s1  }
0xa: {  	s15 =	sadd.s32 $0x132000, s2;
	s16 =	sadd.s32 $0x135400, s2;
	p0 =	seq.s32 s1, $0xF  }
0xb: {  	_ =	strace $0x80000050;
	s5 =	ssub.s32 $0x2, s18;
	s12 =	sadd.s32 s12, s13  }
0xc: {  	s13 =	sadd.s32 $0x12B800, s2;
	s19 =	smul.u32 $0x138800, s18;
	s17 =	sadd.s32 s17, s20  }
0xd: {  	s18 =	sshll.u32 s18, $0x8;
	s6 =	sshrl.u32 s6, $0x2;
	s7 =	sshrl.u32 s5, $0x1  }
0xe: {  	s20 =	sor.u32 $0x80, s18;
	s4 =	sadd.s32 s6, s2;
	s23 =	ssub.s32 s5, s7  }
0xf: {  	s30 =	sadd.s32 s22, s19;
	s31 =	sshrl.u32 s19, $0x3;
	s19 =	sadd.s32 $0x800, s17  }
0x10: {  	s5 =	sadd.s32 $0x3400, s4;
	s6 =	sadd.s32 $0x6800, s4;
	s7 =	sadd.s32 $0x9C00, s4  }
0x11: {  	s8 =	sadd.s32 $0xD000, s4;
	s9 =	sadd.s32 $0x10400, s4;
	s10 =	sadd.s32 $0x13800, s4  }
0x12: {  	s24 =	sshrl.u32 s30, $0x3;
	s22 =	sadd.s32 s21, s31;
	s23 =	smax.u32 s23, $0x1  }
0x13: {  	v0 =	vimm.f32 $0.0e+00;
	s21 =	sadd.s32 s21, s24;
	s22 =	sadd.s32 $0x25080, s22;
	s24 =	simm.s32 $0x1  }
.LBB2_1:
0x14: {  	[tilespmem:s3], [sflag:$0x1] =	stream.linear.gather [hbm4b:s12+s3], $0x200, $0x38;
	[tilespmem:$0x1AE80] =	vst v63  }
0x15: {  	_ =	swait.ge [sflag:s24], $0x200  }
0x16: {  	[sflag:s24] =	ssyncset.done $0x0  }
0x17: {  	s29 =	simm.s32 $0x0;
	s30 =	simm.s32 $0x200;
	[sflag:s24] =	ssyncadd.s32 $0xFFFFFE00  }
.LBB2_2:
0x18: {  	p1 =	sne.s32 s30, $0xCE00;
	[tilespmem:s29+$0x4270] =	vst v0  }
0x19: {  	[tilespmem:s29+$0x4200] =	vst v0  }
0x1a: {  	[tilespmem:s29+$0x4210] =	vst v0  }
.Ltmp0:
0x1b: {  	[tilespmem:s29+$0x4220] =	vst v0;
	(pc) =	sbr.rel @p1 .LBB2_2-.Ltmp0, $4  }
0x1c: {  	[tilespmem:s29+$0x4230] =	vst v0  }
0x1d: {  	[tilespmem:s29+$0x4240] =	vst v0  }
0x1e: {  	[tilespmem:s29+$0x4250] =	vst v0  }
0x1f: {  	[tilespmem:s29+$0x4260] =	vst v0;
	s29 =	sshra.s32 s30, $0x2;
	s30 =	sadd.s32 $0x200, s30  }
0x20: {  	[tilespmem:s29+$0x4270] =	vst v0  }
0x21: {  	[tilespmem:s29+$0x4200] =	vst v0  }
0x22: {  	[tilespmem:s29+$0x4210] =	vst v0  }
0x23: {  	[tilespmem:s29+$0x4220] =	vst v0  }
0x24: {  	[tilespmem:s29+$0x4230] =	vst v0  }
0x25: {  	[tilespmem:s29+$0x4240] =	vst v0  }
0x26: {  	[tilespmem:s29+$0x4250] =	vst v0  }
0x27: {  	[tilespmem:s29+$0x4260] =	vst v0;
	s30 =	simm.s32 @p0 $0x4200;
	s29 =	simm.s32 @p0 $0x1  }
0x28: {  	[spmem:s11] =	stream.linear.scatter @p0 [tilespmem:s30], [sflag:$0x1], $0x3400, $0x38;
	[tilespmem:$0x1AE80] =	vst v63  }
0x29: {  	_ =	swait.ge @p0 [sflag:s29], $0x3400  }
0x2a: {  	[sflag:s29] =	ssyncset.done @p0 $0x0  }
0x2b: {  	[sflag:s29] =	ssyncadd.s32 @p0 $0xFFFFCC00  }
0x2c: {  	[spmem:s13] =	stream.linear.scatter @p0 [tilespmem:s30], [sflag:$0x1], $0x3400, $0x38;
	[tilespmem:$0x1AE80] =	vst v63  }
0x2d: {  	_ =	swait.ge @p0 [sflag:s29], $0x3400  }
0x2e: {  	[sflag:s29] =	ssyncset.done @p0 $0x0  }
0x2f: {  	[sflag:s29] =	ssyncadd.s32 @p0 $0xFFFFCC00  }
0x30: {  	[spmem:s14] =	stream.linear.scatter @p0 [tilespmem:s30], [sflag:$0x1], $0x3400, $0x38;
	[tilespmem:$0x1AE80] =	vst v63  }
0x31: {  	_ =	swait.ge @p0 [sflag:s29], $0x3400  }
0x32: {  	[sflag:s29] =	ssyncset.done @p0 $0x0  }
0x33: {  	[sflag:s29] =	ssyncadd.s32 @p0 $0xFFFFCC00  }
0x34: {  	[spmem:s15] =	stream.linear.scatter @p0 [tilespmem:s30], [sflag:$0x1], $0x3400, $0x38;
	[tilespmem:$0x1AE80] =	vst v63  }
0x35: {  	_ =	swait.ge @p0 [sflag:s29], $0x3400  }
0x36: {  	[sflag:s29] =	ssyncset.done @p0 $0x0  }
0x37: {  	[sflag:s29] =	ssyncadd.s32 @p0 $0xFFFFCC00  }
0x38: {  	[spmem:s16] =	stream.linear.scatter @p0 [tilespmem:s30], [sflag:$0x1], $0x3400, $0x38;
	[tilespmem:$0x1AE80] =	vst v63  }
0x39: {  	_ =	swait.ge @p0 [sflag:s29], $0x3400  }
0x3a: {  	[sflag:s29] =	ssyncset.done @p0 $0x0  }
0x3b: {  	s31 =	simm.s32 @!p0 $0x1;
	s30 =	simm.s32 @!p0 $0x4200;
	[sflag:s29] =	ssyncadd.s32 @p0 $0xFFFFCC00  }
0x3c: {  	[spmem:s4] =	stream.linear.scatter @!p0 [tilespmem:s30], [sflag:$0x1], $0x3400, $0x38;
	[tilespmem:$0x1AE80] =	vst v63  }
0x3d: {  	_ =	swait.ge @!p0 [sflag:s31], $0x3400  }
0x3e: {  	[sflag:s31] =	ssyncset.done @!p0 $0x0  }
0x3f: {  	[sflag:s31] =	ssyncadd.s32 @!p0 $0xFFFFCC00  }
0x40: {  	[spmem:s5] =	stream.linear.scatter @!p0 [tilespmem:s30], [sflag:$0x1], $0x3400, $0x38;
	[tilespmem:$0x1AE80] =	vst v63  }
0x41: {  	_ =	swait.ge @!p0 [sflag:s31], $0x3400  }
0x42: {  	[sflag:s31] =	ssyncset.done @!p0 $0x0  }
0x43: {  	[sflag:s31] =	ssyncadd.s32 @!p0 $0xFFFFCC00  }
0x44: {  	[spmem:s6] =	stream.linear.scatter @!p0 [tilespmem:s30], [sflag:$0x1], $0x3400, $0x38;
	[tilespmem:$0x1AE80] =	vst v63  }
0x45: {  	_ =	swait.ge @!p0 [sflag:s31], $0x3400  }
0x46: {  	[sflag:s31] =	ssyncset.done @!p0 $0x0  }
0x47: {  	[sflag:s31] =	ssyncadd.s32 @!p0 $0xFFFFCC00  }
0x48: {  	[spmem:s7] =	stream.linear.scatter @!p0 [tilespmem:s30], [sflag:$0x1], $0x3400, $0x38;
	[tilespmem:$0x1AE80] =	vst v63  }
0x49: {  	_ =	swait.ge @!p0 [sflag:s31], $0x3400  }
0x4a: {  	[sflag:s31] =	ssyncset.done @!p0 $0x0  }
0x4b: {  	[sflag:s31] =	ssyncadd.s32 @!p0 $0xFFFFCC00  }
0x4c: {  	[spmem:s8] =	stream.linear.scatter @!p0 [tilespmem:s30], [sflag:$0x1], $0x3400, $0x38;
	[tilespmem:$0x1AE80] =	vst v63  }
0x4d: {  	_ =	swait.ge @!p0 [sflag:s31], $0x3400  }
0x4e: {  	[sflag:s31] =	ssyncset.done @!p0 $0x0  }
0x4f: {  	[sflag:s31] =	ssyncadd.s32 @!p0 $0xFFFFCC00  }
0x50: {  	[spmem:s9] =	stream.linear.scatter @!p0 [tilespmem:s30], [sflag:$0x1], $0x3400, $0x38;
	[tilespmem:$0x1AE80] =	vst v63  }
0x51: {  	_ =	swait.ge @!p0 [sflag:s31], $0x3400  }
0x52: {  	[sflag:s31] =	ssyncset.done @!p0 $0x0  }
0x53: {  	[sflag:s31] =	ssyncadd.s32 @!p0 $0xFFFFCC00  }
0x54: {  	[spmem:s10] =	stream.linear.scatter @!p0 [tilespmem:s30], [sflag:$0x1], $0x400, $0x38;
	[tilespmem:$0x1AE80] =	vst v63  }
0x55: {  	_ =	swait.ge @!p0 [sflag:s31], $0x400  }
0x56: {  	[sflag:s31] =	ssyncset.done @!p0 $0x0  }
0x57: {  	[sflag:s31] =	ssyncadd.s32 @!p0 $0xFFFFFC00  }
0x58: {  	[bflag:$0x0] =	sbarrier.arrive $0xFFFF  }
0x59: {  	[tilespmem:s25], [sflag:$0x1] =	stream.linear.gather [hbm4b:s17+s3], $0x4000, $0x38;
	[tilespmem:$0x1AE80] =	vst v63  }
0x5a: {  	_ =	swait.ge [sflag:s24], $0x4000  }
0x5b: {  	[sflag:s24] =	ssyncset.done $0x0  }
0x5c: {  	[sflag:s24] =	ssyncadd.s32 $0xFFFFC000  }
0x5d: {  	[spmem:s2] =	stream.indirect.scatter.add.f32 [tilespmem:s25], [sflag:$0x1], $0x80, s18, s26, $0xb8;
	[tilespmem:$0x1AE80] =	vst v63  }
0x5e: {  	_ =	swait.ge [sflag:s24], $0x4000  }
0x5f: {  	[sflag:s24] =	ssyncset.done $0x0  }
0x60: {  	[sflag:s24] =	ssyncadd.s32 $0xFFFFC000  }
0x61: {  	[tilespmem:s25], [sflag:$0x1] =	stream.linear.gather [hbm4b:s19+s3], $0x4000, $0x38;
	[tilespmem:$0x1AE80] =	vst v63  }
0x62: {  	_ =	swait.ge [sflag:s24], $0x4000  }
0x63: {  	[sflag:s24] =	ssyncset.done $0x0  }
0x64: {  	[sflag:s24] =	ssyncadd.s32 $0xFFFFC000  }
0x65: {  	[spmem:s2] =	stream.indirect.scatter.add.f32 [tilespmem:s25], [sflag:$0x1], $0x80, s20, s26, $0xb8;
	[tilespmem:$0x1AE80] =	vst v63  }
0x66: {  	_ =	swait.ge [sflag:s24], $0x4000  }
0x67: {  	[sflag:s24] =	ssyncset.done $0x0  }
0x68: {  	[sflag:s24] =	ssyncadd.s32 $0xFFFFC000  }
0x69: {  	s0 =	simm.s32 @p0 $0x1FC1;
	s30 =	sshrl.u32 @p0 s11, $0x3;
	[bflag:$0x0] =	sbarrier.arrive $0xFFFF  }
0x6a: {  	[hbm:s22], [sflag:s0] =	dma.local @p0 [spmem:s30], $0x2080  }
0x6b: {  	s28 =	sadd.s32 $0x1, s28;
	s0 =	sshll.u32 @!p0 s1, $0x6;
	_ =	swait.ge @p0 [sflag:s29], $0x2080  }
0x6c: {  	p1 =	sne.s32 s28, s23;
	s0 =	sor.u32 @!p0 $0x1C01, s0;
	[sflag:s29] =	ssyncset.done @p0 $0x0  }
.Ltmp1:
0x6d: {  	[sflag:s29] =	ssyncadd.s32 @p0 $0xFFFFDF80;
	s29 =	sshrl.u32 @!p0 s4, $0x3;
	(pc) =	sbr.rel @p1 .LBB2_1-.Ltmp1, $4  }
0x6e: {  	[hbm:s21], [sflag:s0] =	dma.local @!p0 [spmem:s29], $0x2780  }
0x6f: {  	_ =	swait.ge @!p0 [sflag:s31], $0x2780  }
0x70: {  	[sflag:s31] =	ssyncset.done @!p0 $0x0  }
0x71: {  	[sflag:s31] =	ssyncadd.s32 @!p0 $0xFFFFD880  }
0x72: {  	_ =	sfence.sel $0x180000  }
0x73: {  	[bflag:$0x0] =	sbarrier.arrive $0xFFFF  }
0x74: {  	_ =	strace $0x90000050  }
0x75: {  	[bflag:$0x2] =	sbarrier.arrive $0xFFFF  }
0x76: {  	p0 =	sne.s32 s1, $0x0;
	s0 =	rddreg [dreg:$0x4]  }
0x77: {  	s0 =	sadd.s32 @!p0 $0x100000, s0  }
0x78: {  	[sflag:s0] =	ssyncadd.tile.s32 @!p0 $0x1;
	_ =	shalt  }
.Lfunc_end2:
_tile_overlayer_lowered:
.L_overlay_start_2:
0x79: {  	(tag) =	ssettag $0x2  }
0x7a: {  	s0 =	rddreg [dreg:$0x0];
	s2 =	stileid.u32  }
0x7b: {  	s1 =	rddreg [dreg:$0x1];
	p0 =	sne.s32 s2, $0x0  }
0x7c: {  	s3 =	rddreg [dreg:$0x2];
	[bflag:$0x3] =	sbarrier.arrive $0xFFFF;
	s2 =	simm.s32 @!p0 $0x1C01  }
0x7d: {  	[timem:s3], [sflag:s2] =	dma.local @!p0 [hbm:s0], s1  }
0x7e: {  	s0 =	simm.s32 @!p0 $0x1  }
0x7f: {  	_ =	swait.ge @!p0 [sflag:s0], s1  }
0x80: {  	s1 =	ssub.s32 @!p0 $0x0, s1;
	[sflag:s0] =	ssyncset.done @!p0 $0x0  }
0x81: {  	[sflag:s0] =	ssyncadd.s32 @!p0 s1  }
0x82: {  	[bflag:$0x3] =	sbarrier.arrive $0xFFFF  }
0x83: {  	_ =	shalt  }

</sc_bundles>
